<compile_context>
chip_gen: v7x
topology: tpu7x:2x2x1
jax: 0.10.2.dev20260603
libtpu: 0.0.44.dev20260713+nightly
codegen_flags: <defaults>
</compile_context>

<pallas_src>
import dataclasses
import functools

import jax
import jax.numpy as jnp
from jax.experimental import pallas as pl
from jax.experimental.pallas import tpu as pltpu
from jax.experimental.pallas import tpu_sc as plsc

_FILL = -1000000000.0


def _fill_body(out_ref, buf_ref, sem, *, bb):
    B = out_ref.shape[0]
    buf_ref[...] = jnp.full(buf_ref.shape, _FILL, dtype=buf_ref.dtype)
    copies = [
        pltpu.make_async_copy(buf_ref, out_ref.at[pl.ds(j * bb, bb)], sem)
        for j in range(B // bb)
    ]
    for c in copies:
        c.start()
    for c in copies:
        c.wait()


def _tc_fill(B, N, N_, dtype):
    bb = 2
    return pl.pallas_call(
        functools.partial(_fill_body, bb=bb),
        grid=(1,),
        in_specs=[],
        out_specs=pl.BlockSpec(memory_space=pltpu.MemorySpace.HBM),
        out_shape=jax.ShapeDtypeStruct((B, N, N_), dtype),
        scratch_shapes=[
            pltpu.MemorySpace.VMEM((bb, N, N_), jnp.float32),
            pltpu.SemaphoreType.DMA,
        ],
    )()


def _newton_sqrt(x):
    i = jax.lax.bitcast_convert_type(x, jnp.int32)
    magic = jnp.full(x.shape, 0x5F3759DF, jnp.int32)
    y = jax.lax.bitcast_convert_type(
        magic - jax.lax.shift_right_arithmetic(i, jnp.full(x.shape, 1, jnp.int32)),
        jnp.float32,
    )
    c15 = jnp.full(x.shape, 1.5, jnp.float32)
    ch = jnp.full(x.shape, 0.5, jnp.float32)
    for _ in range(4):
        y = y * (c15 - ch * x * y * y)
    return x * y


def _sc_sim_body(lhs_hbm, rhs_hbm, sim_hbm, lhs_vm, rhs_vm, sim_vm, sem,
                 *, N, dim, tail_start):
    core = jax.lax.axis_index("core")
    sub = jax.lax.axis_index("subcore")
    b = core * 16 + sub
    c_l = pltpu.make_async_copy(lhs_hbm.at[b], lhs_vm, sem)
    c_r = pltpu.make_async_copy(rhs_hbm.at[b, pl.ds(tail_start, N)], rhs_vm,
                                sem)
    c_l.start()
    c_r.start()
    c_l.wait()
    c_r.wait()

    lanes = jax.lax.iota(jnp.int32, 16)
    s_lo = jnp.zeros((16,), jnp.float32)
    s_hi = jnp.zeros((16,), jnp.float32)
    for i in range(N):
        acc = jnp.zeros((16,), jnp.float32)
        for c in range(dim // 16):
            d = lhs_vm[i, pl.ds(c * 16, 16)] - rhs_vm[i, pl.ds(c * 16, 16)]
            acc = acc + d * d
        sv = jnp.broadcast_to(jnp.sum(acc), (16,))
        mask = lanes == jnp.full((16,), i % 16, jnp.int32)
        if i < 16:
            s_lo = jnp.where(mask, sv, s_lo)
        else:
            s_hi = jnp.where(mask, sv, s_hi)

    sim_vm[pl.ds(0, 16)] = _newton_sqrt(s_lo)
    sim_vm[pl.ds(16, 16)] = _newton_sqrt(s_hi)
    pltpu.async_copy(sim_vm, sim_hbm.at[b], sem).wait()


def _sc_sim(lhs, rhs):
    B, N, dim = lhs.shape
    N_ = rhs.shape[1]
    mesh = plsc.VectorSubcoreMesh(core_axis_name="core",
                                  subcore_axis_name="subcore",
                                  num_cores=2, num_subcores=16)
    body = functools.partial(
        _sc_sim_body, N=N, dim=dim, tail_start=N_ - N
    )
    cp = pltpu.CompilerParams()
    if "needs_layout_passes" in pltpu.CompilerParams.__dataclass_fields__:
        cp = dataclasses.replace(cp, needs_layout_passes=False)
    kern = pl.kernel(
        body,
        out_type=jax.ShapeDtypeStruct((B, N), jnp.float32),
        mesh=mesh,
        compiler_params=cp,
        scratch_types=[
            pltpu.MemorySpace.VMEM((N, dim), jnp.float32),
            pltpu.MemorySpace.VMEM((N, dim), jnp.float32),
            pltpu.MemorySpace.VMEM((N,), jnp.float32),
            pltpu.SemaphoreType.DMA,
        ],
    )
    return kern(lhs, rhs)


def _merge_body(filled_ref, sim_ref, out_ref, tail_vm, sem, *, tail):
    del filled_ref
    B, N, N_ = out_ref.shape
    row = jax.lax.broadcasted_iota(jnp.int32, (B, N, tail), 1)
    col = jax.lax.broadcasted_iota(jnp.int32, (B, N, tail), 2)
    mask = col == row + (tail - N)
    tail_vm[...] = jnp.where(mask, sim_ref[...][:, :, None],
                             jnp.float32(_FILL))
    copy = pltpu.make_async_copy(
        tail_vm, out_ref.at[:, :, pl.ds(N_ - tail, tail)], sem
    )
    copy.start()
    copy.wait()


def _tc_merge(filled, sim, tail=128):
    B, N, N_ = filled.shape
    return pl.pallas_call(
        functools.partial(_merge_body, tail=tail),
        grid=(1,),
        in_specs=[
            pl.BlockSpec(memory_space=pltpu.MemorySpace.HBM),
            pl.BlockSpec((B, N), lambda i: (0, 0)),
        ],
        out_specs=pl.BlockSpec(memory_space=pltpu.MemorySpace.HBM),
        out_shape=jax.ShapeDtypeStruct((B, N, N_), filled.dtype),
        input_output_aliases={0: 0},
        scratch_shapes=[
            pltpu.MemorySpace.VMEM((B, N, tail), jnp.float32),
            pltpu.SemaphoreType.DMA,
        ],
    )(filled, sim)


def kernel(lhs, rhs):
    B, N, dim = lhs.shape
    N_ = rhs.shape[1]
    sim = _sc_sim(lhs, rhs)
    filled = _tc_fill(B, N, N_, lhs.dtype)
    return _tc_merge(filled, sim)

# --- scband reference (transcript-rebuilt; emitter-appended) ---
"""Pipeline reference for scband-local-l2-similarity-37383395344619 (READ-ONLY COPY).

The authoritative reference and input builder live on the scoring server;
editing this copy changes nothing except your own understanding.
"""

import jax, jax.numpy as jnp
import numpy as np


def setup_inputs(seed: int = 0) -> dict:
    key = jax.random.key(seed)
    k1, k2 = jax.random.split(key)
    lhs = jax.random.normal(k1, (32, 32, 128), dtype=jnp.float32)
    rhs = jax.random.normal(k2, (32, 8192, 128), dtype=jnp.float32)
    return {"lhs": lhs, "rhs": rhs}


def reference(lhs, rhs):
    B, N, dim = lhs.shape
    N_ = rhs.shape[1]
    diff = lhs - rhs[:, -N:]
    similarity = jnp.sqrt(jnp.sum(diff * diff, axis=-1))  # L2 norm over last dim -> [B, N]
    ret = jnp.full((B, N, N_), -1000000000.0, dtype=lhs.dtype)
    idx = jnp.arange(N)
    # equivalent of ret[:, :, -N:].diagonal(dim1=1, dim2=2)[:] = similarity
    ret = ret.at[:, idx, (N_ - N) + idx].set(similarity)
    return ret

if __name__ == "__main__":
    import jax
    _d = setup_inputs()
    print(jax.jit(kernel)(*tuple(_d.values())))

</pallas_src>

<mosaic_0001>
#map = affine_map<(d0, d1) -> (0, 0, 0)>
#map1 = affine_map<(d0, d1) -> (0, 0)>
module attributes {stable_mosaic.version = 14 : i64} {
  func.func @_sc_sim_body(%arg0: i32, %arg1: i32, %arg2: memref<32x32x128xf32, #tpu.memory_space<hbm>>, %arg3: memref<32x8192x128xf32, #tpu.memory_space<hbm>>, %arg4: memref<32x32xf32, #tpu.memory_space<hbm>>, %arg5: memref<32x128xf32, #tpu.memory_space<vmem>>, %arg6: memref<32x128xf32, #tpu.memory_space<vmem>>, %arg7: memref<32xf32, #tpu.memory_space<vmem>>, %arg8: memref<!tpu.dma_semaphore, #tpu.memory_space<semaphore_mem>>) attributes {dimension_semantics = [#tpu.dimension_semantics<core_parallel>, #tpu.dimension_semantics<subcore_parallel>], iteration_bounds = array<i64: 2, 16>, scalar_prefetch = 0 : i64, scratch_operands = 4 : i64, tpu.core_type = #tpu.core_type<sc_vector_subcore>, window_params = [{transform_indices = #map}, {transform_indices = #map}, {transform_indices = #map1}]} {
    %mul3A = arith.constant 16 : i32
    %mul3A_0 = arith.muli %arg0, %mul3A : i32
    %add3A = arith.addi %mul3A_0, %arg1 : i32
    %dma_start3A = arith.constant 0 : i32
    %dma_start3A_1 = arith.constant 0 : i32
    %dma_start3A_2 = tpu.memref_slice %arg2[%add3A, %dma_start3A, %dma_start3A_1] : memref<32x32x128xf32, #tpu.memory_space<hbm>> -> memref<1x32x128xf32, #tpu.memory_space<hbm>>
    %dma_start3A_3 = tpu.memref_squeeze %dma_start3A_2 : memref<1x32x128xf32, #tpu.memory_space<hbm>> -> memref<32x128xf32, #tpu.memory_space<hbm>>
    %dma_start3A_4 = arith.constant 0 : i32
    %dma_start3A_5 = arith.constant 0 : i32
    %dma_start3A_6 = tpu.memref_slice %arg2[%add3A, %dma_start3A_4, %dma_start3A_5] : memref<32x32x128xf32, #tpu.memory_space<hbm>> -> memref<1x32x128xf32, #tpu.memory_space<hbm>>
    %dma_start3A_7 = tpu.memref_squeeze %dma_start3A_6 : memref<1x32x128xf32, #tpu.memory_space<hbm>> -> memref<32x128xf32, #tpu.memory_space<hbm>>
    tpu.enqueue_dma source(%dma_start3A_7 : memref<32x128xf32, #tpu.memory_space<hbm>>) target(%arg5 : memref<32x128xf32, #tpu.memory_space<vmem>>) target_semaphore(%arg8 : memref<!tpu.dma_semaphore, #tpu.memory_space<semaphore_mem>>)
    %dma_start3A_8 = arith.constant 8160 : i32
    %dma_start3A_9 = arith.constant 0 : i32
    %dma_start3A_10 = tpu.memref_slice %arg3[%add3A, %dma_start3A_8, %dma_start3A_9] : memref<32x8192x128xf32, #tpu.memory_space<hbm>> -> memref<1x32x128xf32, #tpu.memory_space<hbm>>
    %dma_start3A_11 = tpu.memref_squeeze %dma_start3A_10 : memref<1x32x128xf32, #tpu.memory_space<hbm>> -> memref<32x128xf32, #tpu.memory_space<hbm>>
    %dma_start3A_12 = arith.constant 8160 : i32
    %dma_start3A_13 = arith.constant 0 : i32
    %dma_start3A_14 = tpu.memref_slice %arg3[%add3A, %dma_start3A_12, %dma_start3A_13] : memref<32x8192x128xf32, #tpu.memory_space<hbm>> -> memref<1x32x128xf32, #tpu.memory_space<hbm>>
    %dma_start3A_15 = tpu.memref_squeeze %dma_start3A_14 : memref<1x32x128xf32, #tpu.memory_space<hbm>> -> memref<32x128xf32, #tpu.memory_space<hbm>>
    tpu.enqueue_dma source(%dma_start3A_15 : memref<32x128xf32, #tpu.memory_space<hbm>>) target(%arg6 : memref<32x128xf32, #tpu.memory_space<vmem>>) target_semaphore(%arg8 : memref<!tpu.dma_semaphore, #tpu.memory_space<semaphore_mem>>)
    %dma_wait3A = arith.constant 0 : i32
    %dma_wait3A_16 = arith.constant 0 : i32
    %dma_wait3A_17 = tpu.memref_slice %arg2[%add3A, %dma_wait3A, %dma_wait3A_16] : memref<32x32x128xf32, #tpu.memory_space<hbm>> -> memref<1x32x128xf32, #tpu.memory_space<hbm>>
    %dma_wait3A_18 = tpu.memref_squeeze %dma_wait3A_17 : memref<1x32x128xf32, #tpu.memory_space<hbm>> -> memref<32x128xf32, #tpu.memory_space<hbm>>
    %dma_wait3A_19 = arith.constant 0 : i32
    %dma_wait3A_20 = arith.constant 0 : i32
    %dma_wait3A_21 = tpu.memref_slice %arg2[%add3A, %dma_wait3A_19, %dma_wait3A_20] : memref<32x32x128xf32, #tpu.memory_space<hbm>> -> memref<1x32x128xf32, #tpu.memory_space<hbm>>
    %dma_wait3A_22 = tpu.memref_squeeze %dma_wait3A_21 : memref<1x32x128xf32, #tpu.memory_space<hbm>> -> memref<32x128xf32, #tpu.memory_space<hbm>>
    tpu.wait_dma2 semaphore(%arg8 : memref<!tpu.dma_semaphore, #tpu.memory_space<semaphore_mem>>) src(%dma_wait3A_22 : memref<32x128xf32, #tpu.memory_space<hbm>>) dst(%arg5 : memref<32x128xf32, #tpu.memory_space<vmem>>)
    %dma_wait3A_23 = arith.constant 8160 : i32
    %dma_wait3A_24 = arith.constant 0 : i32
    %dma_wait3A_25 = tpu.memref_slice %arg3[%add3A, %dma_wait3A_23, %dma_wait3A_24] : memref<32x8192x128xf32, #tpu.memory_space<hbm>> -> memref<1x32x128xf32, #tpu.memory_space<hbm>>
    %dma_wait3A_26 = tpu.memref_squeeze %dma_wait3A_25 : memref<1x32x128xf32, #tpu.memory_space<hbm>> -> memref<32x128xf32, #tpu.memory_space<hbm>>
    %dma_wait3A_27 = arith.constant 8160 : i32
    %dma_wait3A_28 = arith.constant 0 : i32
    %dma_wait3A_29 = tpu.memref_slice %arg3[%add3A, %dma_wait3A_27, %dma_wait3A_28] : memref<32x8192x128xf32, #tpu.memory_space<hbm>> -> memref<1x32x128xf32, #tpu.memory_space<hbm>>
    %dma_wait3A_30 = tpu.memref_squeeze %dma_wait3A_29 : memref<1x32x128xf32, #tpu.memory_space<hbm>> -> memref<32x128xf32, #tpu.memory_space<hbm>>
    tpu.wait_dma2 semaphore(%arg8 : memref<!tpu.dma_semaphore, #tpu.memory_space<semaphore_mem>>) src(%dma_wait3A_30 : memref<32x128xf32, #tpu.memory_space<hbm>>) dst(%arg6 : memref<32x128xf32, #tpu.memory_space<vmem>>)
    %iota3A = tpu.iota {dimensions = array<i32: 0>} : vector<16xi32>
    %broadcast_in_dim3A = arith.constant 0.000000e+00 : f32
    %broadcast_in_dim3A_31 = vector.broadcast %broadcast_in_dim3A : f32 to vector<16xf32>
    %broadcast_in_dim3A_32 = arith.constant 0.000000e+00 : f32
    %broadcast_in_dim3A_33 = vector.broadcast %broadcast_in_dim3A_32 : f32 to vector<16xf32>
    %broadcast_in_dim3A_34 = arith.constant 0.000000e+00 : f32
    %broadcast_in_dim3A_35 = vector.broadcast %broadcast_in_dim3A_34 : f32 to vector<16xf32>
    %get3A = arith.constant 0 : i32
    %get3A_36 = arith.index_cast %get3A : i32 to index
    %get3A_37 = arith.constant 0 : index
    %get3A_38 = tpu.vector_load %arg5[%get3A_36, %get3A_37] {strides = array<i32>} : memref<32x128xf32, #tpu.memory_space<vmem>>, vector<16xf32>,
    %get3A_39 = arith.constant 0 : i32
    %get3A_40 = arith.index_cast %get3A_39 : i32 to index
    %get3A_41 = arith.constant 0 : index
    %get3A_42 = tpu.vector_load %arg6[%get3A_40, %get3A_41] {strides = array<i32>} : memref<32x128xf32, #tpu.memory_space<vmem>>, vector<16xf32>,
    %sub3A = arith.subf %get3A_38, %get3A_42 : vector<16xf32>
    %mul3A_43 = arith.mulf %sub3A, %sub3A : vector<16xf32>
    %add3A_44 = arith.addf %broadcast_in_dim3A_35, %mul3A_43 : vector<16xf32>
    %get3A_45 = arith.constant 0 : i32
    %get3A_46 = arith.index_cast %get3A_45 : i32 to index
    %get3A_47 = arith.constant 16 : index
    %get3A_48 = tpu.vector_load %arg5[%get3A_46, %get3A_47] {strides = array<i32>} : memref<32x128xf32, #tpu.memory_space<vmem>>, vector<16xf32>,
    %get3A_49 = arith.constant 0 : i32
    %get3A_50 = arith.index_cast %get3A_49 : i32 to index
    %get3A_51 = arith.constant 16 : index
    %get3A_52 = tpu.vector_load %arg6[%get3A_50, %get3A_51] {strides = array<i32>} : memref<32x128xf32, #tpu.memory_space<vmem>>, vector<16xf32>,
    %sub3A_53 = arith.subf %get3A_48, %get3A_52 : vector<16xf32>
    %mul3A_54 = arith.mulf %sub3A_53, %sub3A_53 : vector<16xf32>
    %add3A_55 = arith.addf %add3A_44, %mul3A_54 : vector<16xf32>
    %get3A_56 = arith.constant 0 : i32
    %get3A_57 = arith.index_cast %get3A_56 : i32 to index
    %get3A_58 = arith.constant 32 : index
    %get3A_59 = tpu.vector_load %arg5[%get3A_57, %get3A_58] {strides = array<i32>} : memref<32x128xf32, #tpu.memory_space<vmem>>, vector<16xf32>,
    %get3A_60 = arith.constant 0 : i32
    %get3A_61 = arith.index_cast %get3A_60 : i32 to index
    %get3A_62 = arith.constant 32 : index
    %get3A_63 = tpu.vector_load %arg6[%get3A_61, %get3A_62] {strides = array<i32>} : memref<32x128xf32, #tpu.memory_space<vmem>>, vector<16xf32>,
    %sub3A_64 = arith.subf %get3A_59, %get3A_63 : vector<16xf32>
    %mul3A_65 = arith.mulf %sub3A_64, %sub3A_64 : vector<16xf32>
    %add3A_66 = arith.addf %add3A_55, %mul3A_65 : vector<16xf32>
    %get3A_67 = arith.constant 0 : i32
    %get3A_68 = arith.index_cast %get3A_67 : i32 to index
    %get3A_69 = arith.constant 48 : index
    %get3A_70 = tpu.vector_load %arg5[%get3A_68, %get3A_69] {strides = array<i32>} : memref<32x128xf32, #tpu.memory_space<vmem>>, vector<16xf32>,
    %get3A_71 = arith.constant 0 : i32
    %get3A_72 = arith.index_cast %get3A_71 : i32 to index
    %get3A_73 = arith.constant 48 : index
    %get3A_74 = tpu.vector_load %arg6[%get3A_72, %get3A_73] {strides = array<i32>} : memref<32x128xf32, #tpu.memory_space<vmem>>, vector<16xf32>,
    %sub3A_75 = arith.subf %get3A_70, %get3A_74 : vector<16xf32>
    %mul3A_76 = arith.mulf %sub3A_75, %sub3A_75 : vector<16xf32>
    %add3A_77 = arith.addf %add3A_66, %mul3A_76 : vector<16xf32>
    %get3A_78 = arith.constant 0 : i32
    %get3A_79 = arith.index_cast %get3A_78 : i32 to index
    %get3A_80 = arith.constant 64 : index
    %get3A_81 = tpu.vector_load %arg5[%get3A_79, %get3A_80] {strides = array<i32>} : memref<32x128xf32, #tpu.memory_space<vmem>>, vector<16xf32>,
    %get3A_82 = arith.constant 0 : i32
    %get3A_83 = arith.index_cast %get3A_82 : i32 to index
    %get3A_84 = arith.constant 64 : index
    %get3A_85 = tpu.vector_load %arg6[%get3A_83, %get3A_84] {strides = array<i32>} : memref<32x128xf32, #tpu.memory_space<vmem>>, vector<16xf32>,
    %sub3A_86 = arith.subf %get3A_81, %get3A_85 : vector<16xf32>
    %mul3A_87 = arith.mulf %sub3A_86, %sub3A_86 : vector<16xf32>
    %add3A_88 = arith.addf %add3A_77, %mul3A_87 : vector<16xf32>
    %get3A_89 = arith.constant 0 : i32
    %get3A_90 = arith.index_cast %get3A_89 : i32 to index
    %get3A_91 = arith.constant 80 : index
    %get3A_92 = tpu.vector_load %arg5[%get3A_90, %get3A_91] {strides = array<i32>} : memref<32x128xf32, #tpu.memory_space<vmem>>, vector<16xf32>,
    %get3A_93 = arith.constant 0 : i32
    %get3A_94 = arith.index_cast %get3A_93 : i32 to index
    %get3A_95 = arith.constant 80 : index
    %get3A_96 = tpu.vector_load %arg6[%get3A_94, %get3A_95] {strides = array<i32>} : memref<32x128xf32, #tpu.memory_space<vmem>>, vector<16xf32>,
    %sub3A_97 = arith.subf %get3A_92, %get3A_96 : vector<16xf32>
    %mul3A_98 = arith.mulf %sub3A_97, %sub3A_97 : vector<16xf32>
    %add3A_99 = arith.addf %add3A_88, %mul3A_98 : vector<16xf32>
    %get3A_100 = arith.constant 0 : i32
    %get3A_101 = arith.index_cast %get3A_100 : i32 to index
    %get3A_102 = arith.constant 96 : index
    %get3A_103 = tpu.vector_load %arg5[%get3A_101, %get3A_102] {strides = array<i32>} : memref<32x128xf32, #tpu.memory_space<vmem>>, vector<16xf32>,
    %get3A_104 = arith.constant 0 : i32
    %get3A_105 = arith.index_cast %get3A_104 : i32 to index
    %get3A_106 = arith.constant 96 : index
    %get3A_107 = tpu.vector_load %arg6[%get3A_105, %get3A_106] {strides = array<i32>} : memref<32x128xf32, #tpu.memory_space<vmem>>, vector<16xf32>,
    %sub3A_108 = arith.subf %get3A_103, %get3A_107 : vector<16xf32>
    %mul3A_109 = arith.mulf %sub3A_108, %sub3A_108 : vector<16xf32>
    %add3A_110 = arith.addf %add3A_99, %mul3A_109 : vector<16xf32>
    %get3A_111 = arith.constant 0 : i32
    %get3A_112 = arith.index_cast %get3A_111 : i32 to index
    %get3A_113 = arith.constant 112 : index
    %get3A_114 = tpu.vector_load %arg5[%get3A_112, %get3A_113] {strides = array<i32>} : memref<32x128xf32, #tpu.memory_space<vmem>>, vector<16xf32>,
    %get3A_115 = arith.constant 0 : i32
    %get3A_116 = arith.index_cast %get3A_115 : i32 to index
    %get3A_117 = arith.constant 112 : index
    %get3A_118 = tpu.vector_load %arg6[%get3A_116, %get3A_117] {strides = array<i32>} : memref<32x128xf32, #tpu.memory_space<vmem>>, vector<16xf32>,
    %sub3A_119 = arith.subf %get3A_114, %get3A_118 : vector<16xf32>
    %mul3A_120 = arith.mulf %sub3A_119, %sub3A_119 : vector<16xf32>
    %add3A_121 = arith.addf %add3A_110, %mul3A_120 : vector<16xf32>
    %reduce_sum3A = arith.constant true
    %reduce_sum3A_122 = vector.broadcast %reduce_sum3A : i1 to vector<16xi1>
    %reduce_sum3A_123 = tpu.scan <sum>, %add3A_121 masked %reduce_sum3A_122 : vector<16xf32>, vector<16xi1> -> vector<16xf32>
    %reduce_sum3A_124 = vector.extract %reduce_sum3A_123[15] : f32 from vector<16xf32>
    %broadcast_in_dim3A_125 = vector.broadcast %reduce_sum3A_124 : f32 to vector<16xf32>
    %broadcast_in_dim3A_126 = arith.constant 0 : i32
    %broadcast_in_dim3A_127 = vector.broadcast %broadcast_in_dim3A_126 : i32 to vector<16xi32>
    %eq3A = arith.cmpi eq, %iota3A, %broadcast_in_dim3A_127 : vector<16xi32>
    %select_n3A = arith.select %eq3A, %broadcast_in_dim3A_125, %broadcast_in_dim3A_31 : vector<16xi1>, vector<16xf32>
    %broadcast_in_dim3A_128 = arith.constant 0.000000e+00 : f32
    %broadcast_in_dim3A_129 = vector.broadcast %broadcast_in_dim3A_128 : f32 to vector<16xf32>
    %get3A_130 = arith.constant 1 : i32
    %get3A_131 = arith.index_cast %get3A_130 : i32 to index
    %get3A_132 = arith.constant 0 : index
    %get3A_133 = tpu.vector_load %arg5[%get3A_131, %get3A_132] {strides = array<i32>} : memref<32x128xf32, #tpu.memory_space<vmem>>, vector<16xf32>,
    %get3A_134 = arith.constant 1 : i32
    %get3A_135 = arith.index_cast %get3A_134 : i32 to index
    %get3A_136 = arith.constant 0 : index
    %get3A_137 = tpu.vector_load %arg6[%get3A_135, %get3A_136] {strides = array<i32>} : memref<32x128xf32, #tpu.memory_space<vmem>>, vector<16xf32>,
    %sub3A_138 = arith.subf %get3A_133, %get3A_137 : vector<16xf32>
    %mul3A_139 = arith.mulf %sub3A_138, %sub3A_138 : vector<16xf32>
    %add3A_140 = arith.addf %broadcast_in_dim3A_129, %mul3A_139 : vector<16xf32>
    %get3A_141 = arith.constant 1 : i32
    %get3A_142 = arith.index_cast %get3A_141 : i32 to index
    %get3A_143 = arith.constant 16 : index
    %get3A_144 = tpu.vector_load %arg5[%get3A_142, %get3A_143] {strides = array<i32>} : memref<32x128xf32, #tpu.memory_space<vmem>>, vector<16xf32>,
    %get3A_145 = arith.constant 1 : i32
    %get3A_146 = arith.index_cast %get3A_145 : i32 to index
    %get3A_147 = arith.constant 16 : index
    %get3A_148 = tpu.vector_load %arg6[%get3A_146, %get3A_147] {strides = array<i32>} : memref<32x128xf32, #tpu.memory_space<vmem>>, vector<16xf32>,
    %sub3A_149 = arith.subf %get3A_144, %get3A_148 : vector<16xf32>
    %mul3A_150 = arith.mulf %sub3A_149, %sub3A_149 : vector<16xf32>
    %add3A_151 = arith.addf %add3A_140, %mul3A_150 : vector<16xf32>
    %get3A_152 = arith.constant 1 : i32
    %get3A_153 = arith.index_cast %get3A_152 : i32 to index
    %get3A_154 = arith.constant 32 : index
    %get3A_155 = tpu.vector_load %arg5[%get3A_153, %get3A_154] {strides = array<i32>} : memref<32x128xf32, #tpu.memory_space<vmem>>, vector<16xf32>,
    %get3A_156 = arith.constant 1 : i32
    %get3A_157 = arith.index_cast %get3A_156 : i32 to index
    %get3A_158 = arith.constant 32 : index
    %get3A_159 = tpu.vector_load %arg6[%get3A_157, %get3A_158] {strides = array<i32>} : memref<32x128xf32, #tpu.memory_space<vmem>>, vector<16xf32>,
    %sub3A_160 = arith.subf %get3A_155, %get3A_159 : vector<16xf32>
    %mul3A_161 = arith.mulf %sub3A_160, %sub3A_160 : vector<16xf32>
    %add3A_162 = arith.addf %add3A_151, %mul3A_161 : vector<16xf32>
    %get3A_163 = arith.constant 1 : i32
    %get3A_164 = arith.index_cast %get3A_163 : i32 to index
    %get3A_165 = arith.constant 48 : index
    %get3A_166 = tpu.vector_load %arg5[%get3A_164, %get3A_165] {strides = array<i32>} : memref<32x128xf32, #tpu.memory_space<vmem>>, vector<16xf32>,
    %get3A_167 = arith.constant 1 : i32
    %get3A_168 = arith.index_cast %get3A_167 : i32 to index
    %get3A_169 = arith.constant 48 : index
    %get3A_170 = tpu.vector_load %arg6[%get3A_168, %get3A_169] {strides = array<i32>} : memref<32x128xf32, #tpu.memory_space<vmem>>, vector<16xf32>,
    %sub3A_171 = arith.subf %get3A_166, %get3A_170 : vector<16xf32>
    %mul3A_172 = arith.mulf %sub3A_171, %sub3A_171 : vector<16xf32>
    %add3A_173 = arith.addf %add3A_162, %mul3A_172 : vector<16xf32>
    %get3A_174 = arith.constant 1 : i32
    %get3A_175 = arith.index_cast %get3A_174 : i32 to index
    %get3A_176 = arith.constant 64 : index
    %get3A_177 = tpu.vector_load %arg5[%get3A_175, %get3A_176] {strides = array<i32>} : memref<32x128xf32, #tpu.memory_space<vmem>>, vector<16xf32>,
    %get3A_178 = arith.constant 1 : i32
    %get3A_179 = arith.index_cast %get3A_178 : i32 to index
    %get3A_180 = arith.constant 64 : index
    %get3A_181 = tpu.vector_load %arg6[%get3A_179, %get3A_180] {strides = array<i32>} : memref<32x128xf32, #tpu.memory_space<vmem>>, vector<16xf32>,
    %sub3A_182 = arith.subf %get3A_177, %get3A_181 : vector<16xf32>
    %mul3A_183 = arith.mulf %sub3A_182, %sub3A_182 : vector<16xf32>
    %add3A_184 = arith.addf %add3A_173, %mul3A_183 : vector<16xf32>
    %get3A_185 = arith.constant 1 : i32
    %get3A_186 = arith.index_cast %get3A_185 : i32 to index
    %get3A_187 = arith.constant 80 : index
    %get3A_188 = tpu.vector_load %arg5[%get3A_186, %get3A_187] {strides = array<i32>} : memref<32x128xf32, #tpu.memory_space<vmem>>, vector<16xf32>,
    %get3A_189 = arith.constant 1 : i32
    %get3A_190 = arith.index_cast %get3A_189 : i32 to index
    %get3A_191 = arith.constant 80 : index
    %get3A_192 = tpu.vector_load %arg6[%get3A_190, %get3A_191] {strides = array<i32>} : memref<32x128xf32, #tpu.memory_space<vmem>>, vector<16xf32>,
    %sub3A_193 = arith.subf %get3A_188, %get3A_192 : vector<16xf32>
    %mul3A_194 = arith.mulf %sub3A_193, %sub3A_193 : vector<16xf32>
    %add3A_195 = arith.addf %add3A_184, %mul3A_194 : vector<16xf32>
    %get3A_196 = arith.constant 1 : i32
    %get3A_197 = arith.index_cast %get3A_196 : i32 to index
    %get3A_198 = arith.constant 96 : index
    %get3A_199 = tpu.vector_load %arg5[%get3A_197, %get3A_198] {strides = array<i32>} : memref<32x128xf32, #tpu.memory_space<vmem>>, vector<16xf32>,
    %get3A_200 = arith.constant 1 : i32
    %get3A_201 = arith.index_cast %get3A_200 : i32 to index
    %get3A_202 = arith.constant 96 : index
    %get3A_203 = tpu.vector_load %arg6[%get3A_201, %get3A_202] {strides = array<i32>} : memref<32x128xf32, #tpu.memory_space<vmem>>, vector<16xf32>,
    %sub3A_204 = arith.subf %get3A_199, %get3A_203 : vector<16xf32>
    %mul3A_205 = arith.mulf %sub3A_204, %sub3A_204 : vector<16xf32>
    %add3A_206 = arith.addf %add3A_195, %mul3A_205 : vector<16xf32>
    %get3A_207 = arith.constant 1 : i32
    %get3A_208 = arith.index_cast %get3A_207 : i32 to index
    %get3A_209 = arith.constant 112 : index
    %get3A_210 = tpu.vector_load %arg5[%get3A_208, %get3A_209] {strides = array<i32>} : memref<32x128xf32, #tpu.memory_space<vmem>>, vector<16xf32>,
    %get3A_211 = arith.constant 1 : i32
    %get3A_212 = arith.index_cast %get3A_211 : i32 to index
    %get3A_213 = arith.constant 112 : index
    %get3A_214 = tpu.vector_load %arg6[%get3A_212, %get3A_213] {strides = array<i32>} : memref<32x128xf32, #tpu.memory_space<vmem>>, vector<16xf32>,
    %sub3A_215 = arith.subf %get3A_210, %get3A_214 : vector<16xf32>
    %mul3A_216 = arith.mulf %sub3A_215, %sub3A_215 : vector<16xf32>
    %add3A_217 = arith.addf %add3A_206, %mul3A_216 : vector<16xf32>
    %reduce_sum3A_218 = arith.constant true
    %reduce_sum3A_219 = vector.broadcast %reduce_sum3A_218 : i1 to vector<16xi1>
    %reduce_sum3A_220 = tpu.scan <sum>, %add3A_217 masked %reduce_sum3A_219 : vector<16xf32>, vector<16xi1> -> vector<16xf32>
    %reduce_sum3A_221 = vector.extract %reduce_sum3A_220[15] : f32 from vector<16xf32>
    %broadcast_in_dim3A_222 = vector.broadcast %reduce_sum3A_221 : f32 to vector<16xf32>
    %broadcast_in_dim3A_223 = arith.constant 1 : i32
    %broadcast_in_dim3A_224 = vector.broadcast %broadcast_in_dim3A_223 : i32 to vector<16xi32>
    %eq3A_225 = arith.cmpi eq, %iota3A, %broadcast_in_dim3A_224 : vector<16xi32>
    %select_n3A_226 = arith.select %eq3A_225, %broadcast_in_dim3A_222, %select_n3A : vector<16xi1>, vector<16xf32>
    %broadcast_in_dim3A_227 = arith.constant 0.000000e+00 : f32
    %broadcast_in_dim3A_228 = vector.broadcast %broadcast_in_dim3A_227 : f32 to vector<16xf32>
    %get3A_229 = arith.constant 2 : i32
    %get3A_230 = arith.index_cast %get3A_229 : i32 to index
    %get3A_231 = arith.constant 0 : index
    %get3A_232 = tpu.vector_load %arg5[%get3A_230, %get3A_231] {strides = array<i32>} : memref<32x128xf32, #tpu.memory_space<vmem>>, vector<16xf32>,
    %get3A_233 = arith.constant 2 : i32
    %get3A_234 = arith.index_cast %get3A_233 : i32 to index
    %get3A_235 = arith.constant 0 : index
    %get3A_236 = tpu.vector_load %arg6[%get3A_234, %get3A_235] {strides = array<i32>} : memref<32x128xf32, #tpu.memory_space<vmem>>, vector<16xf32>,
    %sub3A_237 = arith.subf %get3A_232, %get3A_236 : vector<16xf32>
    %mul3A_238 = arith.mulf %sub3A_237, %sub3A_237 : vector<16xf32>
    %add3A_239 = arith.addf %broadcast_in_dim3A_228, %mul3A_238 : vector<16xf32>
    %get3A_240 = arith.constant 2 : i32
    %get3A_241 = arith.index_cast %get3A_240 : i32 to index
    %get3A_242 = arith.constant 16 : index
    %get3A_243 = tpu.vector_load %arg5[%get3A_241, %get3A_242] {strides = array<i32>} : memref<32x128xf32, #tpu.memory_space<vmem>>, vector<16xf32>,
    %get3A_244 = arith.constant 2 : i32
    %get3A_245 = arith.index_cast %get3A_244 : i32 to index
    %get3A_246 = arith.constant 16 : index
    %get3A_247 = tpu.vector_load %arg6[%get3A_245, %get3A_246] {strides = array<i32>} : memref<32x128xf32, #tpu.memory_space<vmem>>, vector<16xf32>,
    %sub3A_248 = arith.subf %get3A_243, %get3A_247 : vector<16xf32>
    %mul3A_249 = arith.mulf %sub3A_248, %sub3A_248 : vector<16xf32>
    %add3A_250 = arith.addf %add3A_239, %mul3A_249 : vector<16xf32>
    %get3A_251 = arith.constant 2 : i32
    %get3A_252 = arith.index_cast %get3A_251 : i32 to index
    %get3A_253 = arith.constant 32 : index
    %get3A_254 = tpu.vector_load %arg5[%get3A_252, %get3A_253] {strides = array<i32>} : memref<32x128xf32, #tpu.memory_space<vmem>>, vector<16xf32>,
    %get3A_255 = arith.constant 2 : i32
    %get3A_256 = arith.index_cast %get3A_255 : i32 to index
    %get3A_257 = arith.constant 32 : index
    %get3A_258 = tpu.vector_load %arg6[%get3A_256, %get3A_257] {strides = array<i32>} : memref<32x128xf32, #tpu.memory_space<vmem>>, vector<16xf32>,
    %sub3A_259 = arith.subf %get3A_254, %get3A_258 : vector<16xf32>
    %mul3A_260 = arith.mulf %sub3A_259, %sub3A_259 : vector<16xf32>
    %add3A_261 = arith.addf %add3A_250, %mul3A_260 : vector<16xf32>
    %get3A_262 = arith.constant 2 : i32
    %get3A_263 = arith.index_cast %get3A_262 : i32 to index
    %get3A_264 = arith.constant 48 : index
    %get3A_265 = tpu.vector_load %arg5[%get3A_263, %get3A_264] {strides = array<i32>} : memref<32x128xf32, #tpu.memory_space<vmem>>, vector<16xf32>,
    %get3A_266 = arith.constant 2 : i32
    %get3A_267 = arith.index_cast %get3A_266 : i32 to index
    %get3A_268 = arith.constant 48 : index
    %get3A_269 = tpu.vector_load %arg6[%get3A_267, %get3A_268] {strides = array<i32>} : memref<32x128xf32, #tpu.memory_space<vmem>>, vector<16xf32>,
    %sub3A_270 = arith.subf %get3A_265, %get3A_269 : vector<16xf32>
    %mul3A_271 = arith.mulf %sub3A_270, %sub3A_270 : vector<16xf32>
    %add3A_272 = arith.addf %add3A_261, %mul3A_271 : vector<16xf32>
    %get3A_273 = arith.constant 2 : i32
    %get3A_274 = arith.index_cast %get3A_273 : i32 to index
    %get3A_275 = arith.constant 64 : index
    %get3A_276 = tpu.vector_load %arg5[%get3A_274, %get3A_275] {strides = array<i32>} : memref<32x128xf32, #tpu.memory_space<vmem>>, vector<16xf32>,
    %get3A_277 = arith.constant 2 : i32
    %get3A_278 = arith.index_cast %get3A_277 : i32 to index
    %get3A_279 = arith.constant 64 : index
    %get3A_280 = tpu.vector_load %arg6[%get3A_278, %get3A_279] {strides = array<i32>} : memref<32x128xf32, #tpu.memory_space<vmem>>, vector<16xf32>,
    %sub3A_281 = arith.subf %get3A_276, %get3A_280 : vector<16xf32>
    %mul3A_282 = arith.mulf %sub3A_281, %sub3A_281 : vector<16xf32>
    %add3A_283 = arith.addf %add3A_272, %mul3A_282 : vector<16xf32>
    %get3A_284 = arith.constant 2 : i32
    %get3A_285 = arith.index_cast %get3A_284 : i32 to index
    %get3A_286 = arith.constant 80 : index
    %get3A_287 = tpu.vector_load %arg5[%get3A_285, %get3A_286] {strides = array<i32>} : memref<32x128xf32, #tpu.memory_space<vmem>>, vector<16xf32>,
    %get3A_288 = arith.constant 2 : i32
    %get3A_289 = arith.index_cast %get3A_288 : i32 to index
    %get3A_290 = arith.constant 80 : index
    %get3A_291 = tpu.vector_load %arg6[%get3A_289, %get3A_290] {strides = array<i32>} : memref<32x128xf32, #tpu.memory_space<vmem>>, vector<16xf32>,
    %sub3A_292 = arith.subf %get3A_287, %get3A_291 : vector<16xf32>
    %mul3A_293 = arith.mulf %sub3A_292, %sub3A_292 : vector<16xf32>
    %add3A_294 = arith.addf %add3A_283, %mul3A_293 : vector<16xf32>
    %get3A_295 = arith.constant 2 : i32
    %get3A_296 = arith.index_cast %get3A_295 : i32 to index
    %get3A_297 = arith.constant 96 : index
    %get3A_298 = tpu.vector_load %arg5[%get3A_296, %get3A_297] {strides = array<i32>} : memref<32x128xf32, #tpu.memory_space<vmem>>, vector<16xf32>,
    %get3A_299 = arith.constant 2 : i32
    %get3A_300 = arith.index_cast %get3A_299 : i32 to index
    %get3A_301 = arith.constant 96 : index
    %get3A_302 = tpu.vector_load %arg6[%get3A_300, %get3A_301] {strides = array<i32>} : memref<32x128xf32, #tpu.memory_space<vmem>>, vector<16xf32>,
    %sub3A_303 = arith.subf %get3A_298, %get3A_302 : vector<16xf32>
    %mul3A_304 = arith.mulf %sub3A_303, %sub3A_303 : vector<16xf32>
    %add3A_305 = arith.addf %add3A_294, %mul3A_304 : vector<16xf32>
    %get3A_306 = arith.constant 2 : i32
    %get3A_307 = arith.index_cast %get3A_306 : i32 to index
    %get3A_308 = arith.constant 112 : index
    %get3A_309 = tpu.vector_load %arg5[%get3A_307, %get3A_308] {strides = array<i32>} : memref<32x128xf32, #tpu.memory_space<vmem>>, vector<16xf32>,
    %get3A_310 = arith.constant 2 : i32
    %get3A_311 = arith.index_cast %get3A_310 : i32 to index
    %get3A_312 = arith.constant 112 : index
    %get3A_313 = tpu.vector_load %arg6[%get3A_311, %get3A_312] {strides = array<i32>} : memref<32x128xf32, #tpu.memory_space<vmem>>, vector<16xf32>,
    %sub3A_314 = arith.subf %get3A_309, %get3A_313 : vector<16xf32>
    %mul3A_315 = arith.mulf %sub3A_314, %sub3A_314 : vector<16xf32>
    %add3A_316 = arith.addf %add3A_305, %mul3A_315 : vector<16xf32>
    %reduce_sum3A_317 = arith.constant true
    %reduce_sum3A_318 = vector.broadcast %reduce_sum3A_317 : i1 to vector<16xi1>
    %reduce_sum3A_319 = tpu.scan <sum>, %add3A_316 masked %reduce_sum3A_318 : vector<16xf32>, vector<16xi1> -> vector<16xf32>
    %reduce_sum3A_320 = vector.extract %reduce_sum3A_319[15] : f32 from vector<16xf32>
    %broadcast_in_dim3A_321 = vector.broadcast %reduce_sum3A_320 : f32 to vector<16xf32>
    %broadcast_in_dim3A_322 = arith.constant 2 : i32
    %broadcast_in_dim3A_323 = vector.broadcast %broadcast_in_dim3A_322 : i32 to vector<16xi32>
    %eq3A_324 = arith.cmpi eq, %iota3A, %broadcast_in_dim3A_323 : vector<16xi32>
    %select_n3A_325 = arith.select %eq3A_324, %broadcast_in_dim3A_321, %select_n3A_226 : vector<16xi1>, vector<16xf32>
    %broadcast_in_dim3A_326 = arith.constant 0.000000e+00 : f32
    %broadcast_in_dim3A_327 = vector.broadcast %broadcast_in_dim3A_326 : f32 to vector<16xf32>
    %get3A_328 = arith.constant 3 : i32
    %get3A_329 = arith.index_cast %get3A_328 : i32 to index
    %get3A_330 = arith.constant 0 : index
    %get3A_331 = tpu.vector_load %arg5[%get3A_329, %get3A_330] {strides = array<i32>} : memref<32x128xf32, #tpu.memory_space<vmem>>, vector<16xf32>,
    %get3A_332 = arith.constant 3 : i32
    %get3A_333 = arith.index_cast %get3A_332 : i32 to index
    %get3A_334 = arith.constant 0 : index
    %get3A_335 = tpu.vector_load %arg6[%get3A_333, %get3A_334] {strides = array<i32>} : memref<32x128xf32, #tpu.memory_space<vmem>>, vector<16xf32>,
    %sub3A_336 = arith.subf %get3A_331, %get3A_335 : vector<16xf32>
    %mul3A_337 = arith.mulf %sub3A_336, %sub3A_336 : vector<16xf32>
    %add3A_338 = arith.addf %broadcast_in_dim3A_327, %mul3A_337 : vector<16xf32>
    %get3A_339 = arith.constant 3 : i32
    %get3A_340 = arith.index_cast %get3A_339 : i32 to index
    %get3A_341 = arith.constant 16 : index
    %get3A_342 = tpu.vector_load %arg5[%get3A_340, %get3A_341] {strides = array<i32>} : memref<32x128xf32, #tpu.memory_space<vmem>>, vector<16xf32>,
    %get3A_343 = arith.constant 3 : i32
    %get3A_344 = arith.index_cast %get3A_343 : i32 to index
    %get3A_345 = arith.constant 16 : index
    %get3A_346 = tpu.vector_load %arg6[%get3A_344, %get3A_345] {strides = array<i32>} : memref<32x128xf32, #tpu.memory_space<vmem>>, vector<16xf32>,
    %sub3A_347 = arith.subf %get3A_342, %get3A_346 : vector<16xf32>
    %mul3A_348 = arith.mulf %sub3A_347, %sub3A_347 : vector<16xf32>
    %add3A_349 = arith.addf %add3A_338, %mul3A_348 : vector<16xf32>
    %get3A_350 = arith.constant 3 : i32
    %get3A_351 = arith.index_cast %get3A_350 : i32 to index
    %get3A_352 = arith.constant 32 : index
    %get3A_353 = tpu.vector_load %arg5[%get3A_351, %get3A_352] {strides = array<i32>} : memref<32x128xf32, #tpu.memory_space<vmem>>, vector<16xf32>,
    %get3A_354 = arith.constant 3 : i32
    %get3A_355 = arith.index_cast %get3A_354 : i32 to index
    %get3A_356 = arith.constant 32 : index
    %get3A_357 = tpu.vector_load %arg6[%get3A_355, %get3A_356] {strides = array<i32>} : memref<32x128xf32, #tpu.memory_space<vmem>>, vector<16xf32>,
    %sub3A_358 = arith.subf %get3A_353, %get3A_357 : vector<16xf32>
    %mul3A_359 = arith.mulf %sub3A_358, %sub3A_358 : vector<16xf32>
    %add3A_360 = arith.addf %add3A_349, %mul3A_359 : vector<16xf32>
    %get3A_361 = arith.constant 3 : i32
    %get3A_362 = arith.index_cast %get3A_361 : i32 to index
    %get3A_363 = arith.constant 48 : index
    %get3A_364 = tpu.vector_load %arg5[%get3A_362, %get3A_363] {strides = array<i32>} : memref<32x128xf32, #tpu.memory_space<vmem>>, vector<16xf32>,
    %get3A_365 = arith.constant 3 : i32
    %get3A_366 = arith.index_cast %get3A_365 : i32 to index
    %get3A_367 = arith.constant 48 : index
    %get3A_368 = tpu.vector_load %arg6[%get3A_366, %get3A_367] {strides = array<i32>} : memref<32x128xf32, #tpu.memory_space<vmem>>, vector<16xf32>,
    %sub3A_369 = arith.subf %get3A_364, %get3A_368 : vector<16xf32>
    %mul3A_370 = arith.mulf %sub3A_369, %sub3A_369 : vector<16xf32>
    %add3A_371 = arith.addf %add3A_360, %mul3A_370 : vector<16xf32>
    %get3A_372 = arith.constant 3 : i32
    %get3A_373 = arith.index_cast %get3A_372 : i32 to index
    %get3A_374 = arith.constant 64 : index
    %get3A_375 = tpu.vector_load %arg5[%get3A_373, %get3A_374] {strides = array<i32>} : memref<32x128xf32, #tpu.memory_space<vmem>>, vector<16xf32>,
    %get3A_376 = arith.constant 3 : i32
    %get3A_377 = arith.index_cast %get3A_376 : i32 to index
    %get3A_378 = arith.constant 64 : index
    %get3A_379 = tpu.vector_load %arg6[%get3A_377, %get3A_378] {strides = array<i32>} : memref<32x128xf32, #tpu.memory_space<vmem>>, vector<16xf32>,
    %sub3A_380 = arith.subf %get3A_375, %get3A_379 : vector<16xf32>
    %mul3A_381 = arith.mulf %sub3A_380, %sub3A_380 : vector<16xf32>
    %add3A_382 = arith.addf %add3A_371, %mul3A_381 : vector<16xf32>
    %get3A_383 = arith.constant 3 : i32
    %get3A_384 = arith.index_cast %get3A_383 : i32 to index
    %get3A_385 = arith.constant 80 : index
    %get3A_386 = tpu.vector_load %arg5[%get3A_384, %get3A_385] {strides = array<i32>} : memref<32x128xf32, #tpu.memory_space<vmem>>, vector<16xf32>,
    %get3A_387 = arith.constant 3 : i32
    %get3A_388 = arith.index_cast %get3A_387 : i32 to index
    %get3A_389 = arith.constant 80 : index
    %get3A_390 = tpu.vector_load %arg6[%get3A_388, %get3A_389] {strides = array<i32>} : memref<32x128xf32, #tpu.memory_space<vmem>>, vector<16xf32>,
    %sub3A_391 = arith.subf %get3A_386, %get3A_390 : vector<16xf32>
    %mul3A_392 = arith.mulf %sub3A_391, %sub3A_391 : vector<16xf32>
    %add3A_393 = arith.addf %add3A_382, %mul3A_392 : vector<16xf32>
    %get3A_394 = arith.constant 3 : i32
    %get3A_395 = arith.index_cast %get3A_394 : i32 to index
    %get3A_396 = arith.constant 96 : index
    %get3A_397 = tpu.vector_load %arg5[%get3A_395, %get3A_396] {strides = array<i32>} : memref<32x128xf32, #tpu.memory_space<vmem>>, vector<16xf32>,
    %get3A_398 = arith.constant 3 : i32
    %get3A_399 = arith.index_cast %get3A_398 : i32 to index
    %get3A_400 = arith.constant 96 : index
    %get3A_401 = tpu.vector_load %arg6[%get3A_399, %get3A_400] {strides = array<i32>} : memref<32x128xf32, #tpu.memory_space<vmem>>, vector<16xf32>,
    %sub3A_402 = arith.subf %get3A_397, %get3A_401 : vector<16xf32>
    %mul3A_403 = arith.mulf %sub3A_402, %sub3A_402 : vector<16xf32>
    %add3A_404 = arith.addf %add3A_393, %mul3A_403 : vector<16xf32>
    %get3A_405 = arith.constant 3 : i32
    %get3A_406 = arith.index_cast %get3A_405 : i32 to index
    %get3A_407 = arith.constant 112 : index
    %get3A_408 = tpu.vector_load %arg5[%get3A_406, %get3A_407] {strides = array<i32>} : memref<32x128xf32, #tpu.memory_space<vmem>>, vector<16xf32>,
    %get3A_409 = arith.constant 3 : i32
    %get3A_410 = arith.index_cast %get3A_409 : i32 to index
    %get3A_411 = arith.constant 112 : index
    %get3A_412 = tpu.vector_load %arg6[%get3A_410, %get3A_411] {strides = array<i32>} : memref<32x128xf32, #tpu.memory_space<vmem>>, vector<16xf32>,
    %sub3A_413 = arith.subf %get3A_408, %get3A_412 : vector<16xf32>
    %mul3A_414 = arith.mulf %sub3A_413, %sub3A_413 : vector<16xf32>
    %add3A_415 = arith.addf %add3A_404, %mul3A_414 : vector<16xf32>
    %reduce_sum3A_416 = arith.constant true
    %reduce_sum3A_417 = vector.broadcast %reduce_sum3A_416 : i1 to vector<16xi1>
    %reduce_sum3A_418 = tpu.scan <sum>, %add3A_415 masked %reduce_sum3A_417 : vector<16xf32>, vector<16xi1> -> vector<16xf32>
    %reduce_sum3A_419 = vector.extract %reduce_sum3A_418[15] : f32 from vector<16xf32>
    %broadcast_in_dim3A_420 = vector.broadcast %reduce_sum3A_419 : f32 to vector<16xf32>
    %broadcast_in_dim3A_421 = arith.constant 3 : i32
    %broadcast_in_dim3A_422 = vector.broadcast %broadcast_in_dim3A_421 : i32 to vector<16xi32>
    %eq3A_423 = arith.cmpi eq, %iota3A, %broadcast_in_dim3A_422 : vector<16xi32>
    %select_n3A_424 = arith.select %eq3A_423, %broadcast_in_dim3A_420, %select_n3A_325 : vector<16xi1>, vector<16xf32>
    %broadcast_in_dim3A_425 = arith.constant 0.000000e+00 : f32
    %broadcast_in_dim3A_426 = vector.broadcast %broadcast_in_dim3A_425 : f32 to vector<16xf32>
    %get3A_427 = arith.constant 4 : i32
    %get3A_428 = arith.index_cast %get3A_427 : i32 to index
    %get3A_429 = arith.constant 0 : index
    %get3A_430 = tpu.vector_load %arg5[%get3A_428, %get3A_429] {strides = array<i32>} : memref<32x128xf32, #tpu.memory_space<vmem>>, vector<16xf32>,
    %get3A_431 = arith.constant 4 : i32
    %get3A_432 = arith.index_cast %get3A_431 : i32 to index
    %get3A_433 = arith.constant 0 : index
    %get3A_434 = tpu.vector_load %arg6[%get3A_432, %get3A_433] {strides = array<i32>} : memref<32x128xf32, #tpu.memory_space<vmem>>, vector<16xf32>,
    %sub3A_435 = arith.subf %get3A_430, %get3A_434 : vector<16xf32>
    %mul3A_436 = arith.mulf %sub3A_435, %sub3A_435 : vector<16xf32>
    %add3A_437 = arith.addf %broadcast_in_dim3A_426, %mul3A_436 : vector<16xf32>
    %get3A_438 = arith.constant 4 : i32
    %get3A_439 = arith.index_cast %get3A_438 : i32 to index
    %get3A_440 = arith.constant 16 : index
    %get3A_441 = tpu.vector_load %arg5[%get3A_439, %get3A_440] {strides = array<i32>} : memref<32x128xf32, #tpu.memory_space<vmem>>, vector<16xf32>,
    %get3A_442 = arith.constant 4 : i32
    %get3A_443 = arith.index_cast %get3A_442 : i32 to index
    %get3A_444 = arith.constant 16 : index
    %get3A_445 = tpu.vector_load %arg6[%get3A_443, %get3A_444] {strides = array<i32>} : memref<32x128xf32, #tpu.memory_space<vmem>>, vector<16xf32>,
    %sub3A_446 = arith.subf %get3A_441, %get3A_445 : vector<16xf32>
    %mul3A_447 = arith.mulf %sub3A_446, %sub3A_446 : vector<16xf32>
    %add3A_448 = arith.addf %add3A_437, %mul3A_447 : vector<16xf32>
    %get3A_449 = arith.constant 4 : i32
    %get3A_450 = arith.index_cast %get3A_449 : i32 to index
    %get3A_451 = arith.constant 32 : index
    %get3A_452 = tpu.vector_load %arg5[%get3A_450, %get3A_451] {strides = array<i32>} : memref<32x128xf32, #tpu.memory_space<vmem>>, vector<16xf32>,
    %get3A_453 = arith.constant 4 : i32
    %get3A_454 = arith.index_cast %get3A_453 : i32 to index
    %get3A_455 = arith.constant 32 : index
    %get3A_456 = tpu.vector_load %arg6[%get3A_454, %get3A_455] {strides = array<i32>} : memref<32x128xf32, #tpu.memory_space<vmem>>, vector<16xf32>,
    %sub3A_457 = arith.subf %get3A_452, %get3A_456 : vector<16xf32>
    %mul3A_458 = arith.mulf %sub3A_457, %sub3A_457 : vector<16xf32>
    %add3A_459 = arith.addf %add3A_448, %mul3A_458 : vector<16xf32>
    %get3A_460 = arith.constant 4 : i32
    %get3A_461 = arith.index_cast %get3A_460 : i32 to index
    %get3A_462 = arith.constant 48 : index
    %get3A_463 = tpu.vector_load %arg5[%get3A_461, %get3A_462] {strides = array<i32>} : memref<32x128xf32, #tpu.memory_space<vmem>>, vector<16xf32>,
    %get3A_464 = arith.constant 4 : i32
    %get3A_465 = arith.index_cast %get3A_464 : i32 to index
    %get3A_466 = arith.constant 48 : index
    %get3A_467 = tpu.vector_load %arg6[%get3A_465, %get3A_466] {strides = array<i32>} : memref<32x128xf32, #tpu.memory_space<vmem>>, vector<16xf32>,
    %sub3A_468 = arith.subf %get3A_463, %get3A_467 : vector<16xf32>
    %mul3A_469 = arith.mulf %sub3A_468, %sub3A_468 : vector<16xf32>
    %add3A_470 = arith.addf %add3A_459, %mul3A_469 : vector<16xf32>
    %get3A_471 = arith.constant 4 : i32
    %get3A_472 = arith.index_cast %get3A_471 : i32 to index
    %get3A_473 = arith.constant 64 : index
    %get3A_474 = tpu.vector_load %arg5[%get3A_472, %get3A_473] {strides = array<i32>} : memref<32x128xf32, #tpu.memory_space<vmem>>, vector<16xf32>,
    %get3A_475 = arith.constant 4 : i32
    %get3A_476 = arith.index_cast %get3A_475 : i32 to index
    %get3A_477 = arith.constant 64 : index
    %get3A_478 = tpu.vector_load %arg6[%get3A_476, %get3A_477] {strides = array<i32>} : memref<32x128xf32, #tpu.memory_space<vmem>>, vector<16xf32>,
    %sub3A_479 = arith.subf %get3A_474, %get3A_478 : vector<16xf32>
    %mul3A_480 = arith.mulf %sub3A_479, %sub3A_479 : vector<16xf32>
    %add3A_481 = arith.addf %add3A_470, %mul3A_480 : vector<16xf32>
    %get3A_482 = arith.constant 4 : i32
    %get3A_483 = arith.index_cast %get3A_482 : i32 to index
    %get3A_484 = arith.constant 80 : index
    %get3A_485 = tpu.vector_load %arg5[%get3A_483, %get3A_484] {strides = array<i32>} : memref<32x128xf32, #tpu.memory_space<vmem>>, vector<16xf32>,
    %get3A_486 = arith.constant 4 : i32
    %get3A_487 = arith.index_cast %get3A_486 : i32 to index
    %get3A_488 = arith.constant 80 : index
    %get3A_489 = tpu.vector_load %arg6[%get3A_487, %get3A_488] {strides = array<i32>} : memref<32x128xf32, #tpu.memory_space<vmem>>, vector<16xf32>,
    %sub3A_490 = arith.subf %get3A_485, %get3A_489 : vector<16xf32>
    %mul3A_491 = arith.mulf %sub3A_490, %sub3A_490 : vector<16xf32>
    %add3A_492 = arith.addf %add3A_481, %mul3A_491 : vector<16xf32>
    %get3A_493 = arith.constant 4 : i32
    %get3A_494 = arith.index_cast %get3A_493 : i32 to index
    %get3A_495 = arith.constant 96 : index
    %get3A_496 = tpu.vector_load %arg5[%get3A_494, %get3A_495] {strides = array<i32>} : memref<32x128xf32, #tpu.memory_space<vmem>>, vector<16xf32>,
    %get3A_497 = arith.constant 4 : i32
    %get3A_498 = arith.index_cast %get3A_497 : i32 to index
    %get3A_499 = arith.constant 96 : index
    %get3A_500 = tpu.vector_load %arg6[%get3A_498, %get3A_499] {strides = array<i32>} : memref<32x128xf32, #tpu.memory_space<vmem>>, vector<16xf32>,
    %sub3A_501 = arith.subf %get3A_496, %get3A_500 : vector<16xf32>
    %mul3A_502 = arith.mulf %sub3A_501, %sub3A_501 : vector<16xf32>
    %add3A_503 = arith.addf %add3A_492, %mul3A_502 : vector<16xf32>
    %get3A_504 = arith.constant 4 : i32
    %get3A_505 = arith.index_cast %get3A_504 : i32 to index
    %get3A_506 = arith.constant 112 : index
    %get3A_507 = tpu.vector_load %arg5[%get3A_505, %get3A_506] {strides = array<i32>} : memref<32x128xf32, #tpu.memory_space<vmem>>, vector<16xf32>,
    %get3A_508 = arith.constant 4 : i32
    %get3A_509 = arith.index_cast %get3A_508 : i32 to index
    %get3A_510 = arith.constant 112 : index
    %get3A_511 = tpu.vector_load %arg6[%get3A_509, %get3A_510] {strides = array<i32>} : memref<32x128xf32, #tpu.memory_space<vmem>>, vector<16xf32>,
    %sub3A_512 = arith.subf %get3A_507, %get3A_511 : vector<16xf32>
    %mul3A_513 = arith.mulf %sub3A_512, %sub3A_512 : vector<16xf32>
    %add3A_514 = arith.addf %add3A_503, %mul3A_513 : vector<16xf32>
    %reduce_sum3A_515 = arith.constant true
    %reduce_sum3A_516 = vector.broadcast %reduce_sum3A_515 : i1 to vector<16xi1>
    %reduce_sum3A_517 = tpu.scan <sum>, %add3A_514 masked %reduce_sum3A_516 : vector<16xf32>, vector<16xi1> -> vector<16xf32>
    %reduce_sum3A_518 = vector.extract %reduce_sum3A_517[15] : f32 from vector<16xf32>
    %broadcast_in_dim3A_519 = vector.broadcast %reduce_sum3A_518 : f32 to vector<16xf32>
    %broadcast_in_dim3A_520 = arith.constant 4 : i32
    %broadcast_in_dim3A_521 = vector.broadcast %broadcast_in_dim3A_520 : i32 to vector<16xi32>
    %eq3A_522 = arith.cmpi eq, %iota3A, %broadcast_in_dim3A_521 : vector<16xi32>
    %select_n3A_523 = arith.select %eq3A_522, %broadcast_in_dim3A_519, %select_n3A_424 : vector<16xi1>, vector<16xf32>
    %broadcast_in_dim3A_524 = arith.constant 0.000000e+00 : f32
    %broadcast_in_dim3A_525 = vector.broadcast %broadcast_in_dim3A_524 : f32 to vector<16xf32>
    %get3A_526 = arith.constant 5 : i32
    %get3A_527 = arith.index_cast %get3A_526 : i32 to index
    %get3A_528 = arith.constant 0 : index
    %get3A_529 = tpu.vector_load %arg5[%get3A_527, %get3A_528] {strides = array<i32>} : memref<32x128xf32, #tpu.memory_space<vmem>>, vector<16xf32>,
    %get3A_530 = arith.constant 5 : i32
    %get3A_531 = arith.index_cast %get3A_530 : i32 to index
    %get3A_532 = arith.constant 0 : index
    %get3A_533 = tpu.vector_load %arg6[%get3A_531, %get3A_532] {strides = array<i32>} : memref<32x128xf32, #tpu.memory_space<vmem>>, vector<16xf32>,
    %sub3A_534 = arith.subf %get3A_529, %get3A_533 : vector<16xf32>
    %mul3A_535 = arith.mulf %sub3A_534, %sub3A_534 : vector<16xf32>
    %add3A_536 = arith.addf %broadcast_in_dim3A_525, %mul3A_535 : vector<16xf32>
    %get3A_537 = arith.constant 5 : i32
    %get3A_538 = arith.index_cast %get3A_537 : i32 to index
    %get3A_539 = arith.constant 16 : index
    %get3A_540 = tpu.vector_load %arg5[%get3A_538, %get3A_539] {strides = array<i32>} : memref<32x128xf32, #tpu.memory_space<vmem>>, vector<16xf32>,
    %get3A_541 = arith.constant 5 : i32
    %get3A_542 = arith.index_cast %get3A_541 : i32 to index
    %get3A_543 = arith.constant 16 : index
    %get3A_544 = tpu.vector_load %arg6[%get3A_542, %get3A_543] {strides = array<i32>} : memref<32x128xf32, #tpu.memory_space<vmem>>, vector<16xf32>,
    %sub3A_545 = arith.subf %get3A_540, %get3A_544 : vector<16xf32>
    %mul3A_546 = arith.mulf %sub3A_545, %sub3A_545 : vector<16xf32>
    %add3A_547 = arith.addf %add3A_536, %mul3A_546 : vector<16xf32>
    %get3A_548 = arith.constant 5 : i32
    %get3A_549 = arith.index_cast %get3A_548 : i32 to index
    %get3A_550 = arith.constant 32 : index
    %get3A_551 = tpu.vector_load %arg5[%get3A_549, %get3A_550] {strides = array<i32>} : memref<32x128xf32, #tpu.memory_space<vmem>>, vector<16xf32>,
    %get3A_552 = arith.constant 5 : i32
    %get3A_553 = arith.index_cast %get3A_552 : i32 to index
    %get3A_554 = arith.constant 32 : index
    %get3A_555 = tpu.vector_load %arg6[%get3A_553, %get3A_554] {strides = array<i32>} : memref<32x128xf32, #tpu.memory_space<vmem>>, vector<16xf32>,
    %sub3A_556 = arith.subf %get3A_551, %get3A_555 : vector<16xf32>
    %mul3A_557 = arith.mulf %sub3A_556, %sub3A_556 : vector<16xf32>
    %add3A_558 = arith.addf %add3A_547, %mul3A_557 : vector<16xf32>
    %get3A_559 = arith.constant 5 : i32
    %get3A_560 = arith.index_cast %get3A_559 : i32 to index
    %get3A_561 = arith.constant 48 : index
    %get3A_562 = tpu.vector_load %arg5[%get3A_560, %get3A_561] {strides = array<i32>} : memref<32x128xf32, #tpu.memory_space<vmem>>, vector<16xf32>,
    %get3A_563 = arith.constant 5 : i32
    %get3A_564 = arith.index_cast %get3A_563 : i32 to index
    %get3A_565 = arith.constant 48 : index
    %get3A_566 = tpu.vector_load %arg6[%get3A_564, %get3A_565] {strides = array<i32>} : memref<32x128xf32, #tpu.memory_space<vmem>>, vector<16xf32>,
    %sub3A_567 = arith.subf %get3A_562, %get3A_566 : vector<16xf32>
    %mul3A_568 = arith.mulf %sub3A_567, %sub3A_567 : vector<16xf32>
    %add3A_569 = arith.addf %add3A_558, %mul3A_568 : vector<16xf32>
    %get3A_570 = arith.constant 5 : i32
    %get3A_571 = arith.index_cast %get3A_570 : i32 to index
    %get3A_572 = arith.constant 64 : index
    %get3A_573 = tpu.vector_load %arg5[%get3A_571, %get3A_572] {strides = array<i32>} : memref<32x128xf32, #tpu.memory_space<vmem>>, vector<16xf32>,
    %get3A_574 = arith.constant 5 : i32
    %get3A_575 = arith.index_cast %get3A_574 : i32 to index
    %get3A_576 = arith.constant 64 : index
    %get3A_577 = tpu.vector_load %arg6[%get3A_575, %get3A_576] {strides = array<i32>} : memref<32x128xf32, #tpu.memory_space<vmem>>, vector<16xf32>,
    %sub3A_578 = arith.subf %get3A_573, %get3A_577 : vector<16xf32>
    %mul3A_579 = arith.mulf %sub3A_578, %sub3A_578 : vector<16xf32>
    %add3A_580 = arith.addf %add3A_569, %mul3A_579 : vector<16xf32>
    %get3A_581 = arith.constant 5 : i32
    %get3A_582 = arith.index_cast %get3A_581 : i32 to index
    %get3A_583 = arith.constant 80 : index
    %get3A_584 = tpu.vector_load %arg5[%get3A_582, %get3A_583] {strides = array<i32>} : memref<32x128xf32, #tpu.memory_space<vmem>>, vector<16xf32>,
    %get3A_585 = arith.constant 5 : i32
    %get3A_586 = arith.index_cast %get3A_585 : i32 to index
    %get3A_587 = arith.constant 80 : index
    %get3A_588 = tpu.vector_load %arg6[%get3A_586, %get3A_587] {strides = array<i32>} : memref<32x128xf32, #tpu.memory_space<vmem>>, vector<16xf32>,
    %sub3A_589 = arith.subf %get3A_584, %get3A_588 : vector<16xf32>
    %mul3A_590 = arith.mulf %sub3A_589, %sub3A_589 : vector<16xf32>
    %add3A_591 = arith.addf %add3A_580, %mul3A_590 : vector<16xf32>
    %get3A_592 = arith.constant 5 : i32
    %get3A_593 = arith.index_cast %get3A_592 : i32 to index
    %get3A_594 = arith.constant 96 : index
    %get3A_595 = tpu.vector_load %arg5[%get3A_593, %get3A_594] {strides = array<i32>} : memref<32x128xf32, #tpu.memory_space<vmem>>, vector<16xf32>,
    %get3A_596 = arith.constant 5 : i32
    %get3A_597 = arith.index_cast %get3A_596 : i32 to index
    %get3A_598 = arith.constant 96 : index
    %get3A_599 = tpu.vector_load %arg6[%get3A_597, %get3A_598] {strides = array<i32>} : memref<32x128xf32, #tpu.memory_space<vmem>>, vector<16xf32>,
    %sub3A_600 = arith.subf %get3A_595, %get3A_599 : vector<16xf32>
    %mul3A_601 = arith.mulf %sub3A_600, %sub3A_600 : vector<16xf32>
    %add3A_602 = arith.addf %add3A_591, %mul3A_601 : vector<16xf32>
    %get3A_603 = arith.constant 5 : i32
    %get3A_604 = arith.index_cast %get3A_603 : i32 to index
    %get3A_605 = arith.constant 112 : index
    %get3A_606 = tpu.vector_load %arg5[%get3A_604, %get3A_605] {strides = array<i32>} : memref<32x128xf32, #tpu.memory_space<vmem>>, vector<16xf32>,
    %get3A_607 = arith.constant 5 : i32
    %get3A_608 = arith.index_cast %get3A_607 : i32 to index
    %get3A_609 = arith.constant 112 : index
    %get3A_610 = tpu.vector_load %arg6[%get3A_608, %get3A_609] {strides = array<i32>} : memref<32x128xf32, #tpu.memory_space<vmem>>, vector<16xf32>,
    %sub3A_611 = arith.subf %get3A_606, %get3A_610 : vector<16xf32>
    %mul3A_612 = arith.mulf %sub3A_611, %sub3A_611 : vector<16xf32>
    %add3A_613 = arith.addf %add3A_602, %mul3A_612 : vector<16xf32>
    %reduce_sum3A_614 = arith.constant true
    %reduce_sum3A_615 = vector.broadcast %reduce_sum3A_614 : i1 to vector<16xi1>
    %reduce_sum3A_616 = tpu.scan <sum>, %add3A_613 masked %reduce_sum3A_615 : vector<16xf32>, vector<16xi1> -> vector<16xf32>
    %reduce_sum3A_617 = vector.extract %reduce_sum3A_616[15] : f32 from vector<16xf32>
    %broadcast_in_dim3A_618 = vector.broadcast %reduce_sum3A_617 : f32 to vector<16xf32>
    %broadcast_in_dim3A_619 = arith.constant 5 : i32
    %broadcast_in_dim3A_620 = vector.broadcast %broadcast_in_dim3A_619 : i32 to vector<16xi32>
    %eq3A_621 = arith.cmpi eq, %iota3A, %broadcast_in_dim3A_620 : vector<16xi32>
    %select_n3A_622 = arith.select %eq3A_621, %broadcast_in_dim3A_618, %select_n3A_523 : vector<16xi1>, vector<16xf32>
    %broadcast_in_dim3A_623 = arith.constant 0.000000e+00 : f32
    %broadcast_in_dim3A_624 = vector.broadcast %broadcast_in_dim3A_623 : f32 to vector<16xf32>
    %get3A_625 = arith.constant 6 : i32
    %get3A_626 = arith.index_cast %get3A_625 : i32 to index
    %get3A_627 = arith.constant 0 : index
    %get3A_628 = tpu.vector_load %arg5[%get3A_626, %get3A_627] {strides = array<i32>} : memref<32x128xf32, #tpu.memory_space<vmem>>, vector<16xf32>,
    %get3A_629 = arith.constant 6 : i32
    %get3A_630 = arith.index_cast %get3A_629 : i32 to index
    %get3A_631 = arith.constant 0 : index
    %get3A_632 = tpu.vector_load %arg6[%get3A_630, %get3A_631] {strides = array<i32>} : memref<32x128xf32, #tpu.memory_space<vmem>>, vector<16xf32>,
    %sub3A_633 = arith.subf %get3A_628, %get3A_632 : vector<16xf32>
    %mul3A_634 = arith.mulf %sub3A_633, %sub3A_633 : vector<16xf32>
    %add3A_635 = arith.addf %broadcast_in_dim3A_624, %mul3A_634 : vector<16xf32>
    %get3A_636 = arith.constant 6 : i32
    %get3A_637 = arith.index_cast %get3A_636 : i32 to index
    %get3A_638 = arith.constant 16 : index
    %get3A_639 = tpu.vector_load %arg5[%get3A_637, %get3A_638] {strides = array<i32>} : memref<32x128xf32, #tpu.memory_space<vmem>>, vector<16xf32>,
    %get3A_640 = arith.constant 6 : i32
    %get3A_641 = arith.index_cast %get3A_640 : i32 to index
    %get3A_642 = arith.constant 16 : index
    %get3A_643 = tpu.vector_load %arg6[%get3A_641, %get3A_642] {strides = array<i32>} : memref<32x128xf32, #tpu.memory_space<vmem>>, vector<16xf32>,
    %sub3A_644 = arith.subf %get3A_639, %get3A_643 : vector<16xf32>
    %mul3A_645 = arith.mulf %sub3A_644, %sub3A_644 : vector<16xf32>
    %add3A_646 = arith.addf %add3A_635, %mul3A_645 : vector<16xf32>
    %get3A_647 = arith.constant 6 : i32
    %get3A_648 = arith.index_cast %get3A_647 : i32 to index
    %get3A_649 = arith.constant 32 : index
    %get3A_650 = tpu.vector_load %arg5[%get3A_648, %get3A_649] {strides = array<i32>} : memref<32x128xf32, #tpu.memory_space<vmem>>, vector<16xf32>,
    %get3A_651 = arith.constant 6 : i32
    %get3A_652 = arith.index_cast %get3A_651 : i32 to index
    %get3A_653 = arith.constant 32 : index
    %get3A_654 = tpu.vector_load %arg6[%get3A_652, %get3A_653] {strides = array<i32>} : memref<32x128xf32, #tpu.memory_space<vmem>>, vector<16xf32>,
    %sub3A_655 = arith.subf %get3A_650, %get3A_654 : vector<16xf32>
    %mul3A_656 = arith.mulf %sub3A_655, %sub3A_655 : vector<16xf32>
    %add3A_657 = arith.addf %add3A_646, %mul3A_656 : vector<16xf32>
    %get3A_658 = arith.constant 6 : i32
    %get3A_659 = arith.index_cast %get3A_658 : i32 to index
    %get3A_660 = arith.constant 48 : index
    %get3A_661 = tpu.vector_load %arg5[%get3A_659, %get3A_660] {strides = array<i32>} : memref<32x128xf32, #tpu.memory_space<vmem>>, vector<16xf32>,
    %get3A_662 = arith.constant 6 : i32
    %get3A_663 = arith.index_cast %get3A_662 : i32 to index
    %get3A_664 = arith.constant 48 : index
    %get3A_665 = tpu.vector_load %arg6[%get3A_663, %get3A_664] {strides = array<i32>} : memref<32x128xf32, #tpu.memory_space<vmem>>, vector<16xf32>,
    %sub3A_666 = arith.subf %get3A_661, %get3A_665 : vector<16xf32>
    %mul3A_667 = arith.mulf %sub3A_666, %sub3A_666 : vector<16xf32>
    %add3A_668 = arith.addf %add3A_657, %mul3A_667 : vector<16xf32>
    %get3A_669 = arith.constant 6 : i32
    %get3A_670 = arith.index_cast %get3A_669 : i32 to index
    %get3A_671 = arith.constant 64 : index
    %get3A_672 = tpu.vector_load %arg5[%get3A_670, %get3A_671] {strides = array<i32>} : memref<32x128xf32, #tpu.memory_space<vmem>>, vector<16xf32>,
    %get3A_673 = arith.constant 6 : i32
    %get3A_674 = arith.index_cast %get3A_673 : i32 to index
    %get3A_675 = arith.constant 64 : index
    %get3A_676 = tpu.vector_load %arg6[%get3A_674, %get3A_675] {strides = array<i32>} : memref<32x128xf32, #tpu.memory_space<vmem>>, vector<16xf32>,
    %sub3A_677 = arith.subf %get3A_672, %get3A_676 : vector<16xf32>
    %mul3A_678 = arith.mulf %sub3A_677, %sub3A_677 : vector<16xf32>
    %add3A_679 = arith.addf %add3A_668, %mul3A_678 : vector<16xf32>
    %get3A_680 = arith.constant 6 : i32
    %get3A_681 = arith.index_cast %get3A_680 : i32 to index
    %get3A_682 = arith.constant 80 : index
    %get3A_683 = tpu.vector_load %arg5[%get3A_681, %get3A_682] {strides = array<i32>} : memref<32x128xf32, #tpu.memory_space<vmem>>, vector<16xf32>,
    %get3A_684 = arith.constant 6 : i32
    %get3A_685 = arith.index_cast %get3A_684 : i32 to index
    %get3A_686 = arith.constant 80 : index
    %get3A_687 = tpu.vector_load %arg6[%get3A_685, %get3A_686] {strides = array<i32>} : memref<32x128xf32, #tpu.memory_space<vmem>>, vector<16xf32>,
    %sub3A_688 = arith.subf %get3A_683, %get3A_687 : vector<16xf32>
    %mul3A_689 = arith.mulf %sub3A_688, %sub3A_688 : vector<16xf32>
    %add3A_690 = arith.addf %add3A_679, %mul3A_689 : vector<16xf32>
    %get3A_691 = arith.constant 6 : i32
    %get3A_692 = arith.index_cast %get3A_691 : i32 to index
    %get3A_693 = arith.constant 96 : index
    %get3A_694 = tpu.vector_load %arg5[%get3A_692, %get3A_693] {strides = array<i32>} : memref<32x128xf32, #tpu.memory_space<vmem>>, vector<16xf32>,
    %get3A_695 = arith.constant 6 : i32
    %get3A_696 = arith.index_cast %get3A_695 : i32 to index
    %get3A_697 = arith.constant 96 : index
    %get3A_698 = tpu.vector_load %arg6[%get3A_696, %get3A_697] {strides = array<i32>} : memref<32x128xf32, #tpu.memory_space<vmem>>, vector<16xf32>,
    %sub3A_699 = arith.subf %get3A_694, %get3A_698 : vector<16xf32>
    %mul3A_700 = arith.mulf %sub3A_699, %sub3A_699 : vector<16xf32>
    %add3A_701 = arith.addf %add3A_690, %mul3A_700 : vector<16xf32>
    %get3A_702 = arith.constant 6 : i32
    %get3A_703 = arith.index_cast %get3A_702 : i32 to index
    %get3A_704 = arith.constant 112 : index
    %get3A_705 = tpu.vector_load %arg5[%get3A_703, %get3A_704] {strides = array<i32>} : memref<32x128xf32, #tpu.memory_space<vmem>>, vector<16xf32>,
    %get3A_706 = arith.constant 6 : i32
    %get3A_707 = arith.index_cast %get3A_706 : i32 to index
    %get3A_708 = arith.constant 112 : index
    %get3A_709 = tpu.vector_load %arg6[%get3A_707, %get3A_708] {strides = array<i32>} : memref<32x128xf32, #tpu.memory_space<vmem>>, vector<16xf32>,
    %sub3A_710 = arith.subf %get3A_705, %get3A_709 : vector<16xf32>
    %mul3A_711 = arith.mulf %sub3A_710, %sub3A_710 : vector<16xf32>
    %add3A_712 = arith.addf %add3A_701, %mul3A_711 : vector<16xf32>
    %reduce_sum3A_713 = arith.constant true
    %reduce_sum3A_714 = vector.broadcast %reduce_sum3A_713 : i1 to vector<16xi1>
    %reduce_sum3A_715 = tpu.scan <sum>, %add3A_712 masked %reduce_sum3A_714 : vector<16xf32>, vector<16xi1> -> vector<16xf32>
    %reduce_sum3A_716 = vector.extract %reduce_sum3A_715[15] : f32 from vector<16xf32>
    %broadcast_in_dim3A_717 = vector.broadcast %reduce_sum3A_716 : f32 to vector<16xf32>
    %broadcast_in_dim3A_718 = arith.constant 6 : i32
    %broadcast_in_dim3A_719 = vector.broadcast %broadcast_in_dim3A_718 : i32 to vector<16xi32>
    %eq3A_720 = arith.cmpi eq, %iota3A, %broadcast_in_dim3A_719 : vector<16xi32>
    %select_n3A_721 = arith.select %eq3A_720, %broadcast_in_dim3A_717, %select_n3A_622 : vector<16xi1>, vector<16xf32>
    %broadcast_in_dim3A_722 = arith.constant 0.000000e+00 : f32
    %broadcast_in_dim3A_723 = vector.broadcast %broadcast_in_dim3A_722 : f32 to vector<16xf32>
    %get3A_724 = arith.constant 7 : i32
    %get3A_725 = arith.index_cast %get3A_724 : i32 to index
    %get3A_726 = arith.constant 0 : index
    %get3A_727 = tpu.vector_load %arg5[%get3A_725, %get3A_726] {strides = array<i32>} : memref<32x128xf32, #tpu.memory_space<vmem>>, vector<16xf32>,
    %get3A_728 = arith.constant 7 : i32
    %get3A_729 = arith.index_cast %get3A_728 : i32 to index
    %get3A_730 = arith.constant 0 : index
    %get3A_731 = tpu.vector_load %arg6[%get3A_729, %get3A_730] {strides = array<i32>} : memref<32x128xf32, #tpu.memory_space<vmem>>, vector<16xf32>,
    %sub3A_732 = arith.subf %get3A_727, %get3A_731 : vector<16xf32>
    %mul3A_733 = arith.mulf %sub3A_732, %sub3A_732 : vector<16xf32>
    %add3A_734 = arith.addf %broadcast_in_dim3A_723, %mul3A_733 : vector<16xf32>
    %get3A_735 = arith.constant 7 : i32
    %get3A_736 = arith.index_cast %get3A_735 : i32 to index
    %get3A_737 = arith.constant 16 : index
    %get3A_738 = tpu.vector_load %arg5[%get3A_736, %get3A_737] {strides = array<i32>} : memref<32x128xf32, #tpu.memory_space<vmem>>, vector<16xf32>,
    %get3A_739 = arith.constant 7 : i32
    %get3A_740 = arith.index_cast %get3A_739 : i32 to index
    %get3A_741 = arith.constant 16 : index
    %get3A_742 = tpu.vector_load %arg6[%get3A_740, %get3A_741] {strides = array<i32>} : memref<32x128xf32, #tpu.memory_space<vmem>>, vector<16xf32>,
    %sub3A_743 = arith.subf %get3A_738, %get3A_742 : vector<16xf32>
    %mul3A_744 = arith.mulf %sub3A_743, %sub3A_743 : vector<16xf32>
    %add3A_745 = arith.addf %add3A_734, %mul3A_744 : vector<16xf32>
    %get3A_746 = arith.constant 7 : i32
    %get3A_747 = arith.index_cast %get3A_746 : i32 to index
    %get3A_748 = arith.constant 32 : index
    %get3A_749 = tpu.vector_load %arg5[%get3A_747, %get3A_748] {strides = array<i32>} : memref<32x128xf32, #tpu.memory_space<vmem>>, vector<16xf32>,
    %get3A_750 = arith.constant 7 : i32
    %get3A_751 = arith.index_cast %get3A_750 : i32 to index
    %get3A_752 = arith.constant 32 : index
    %get3A_753 = tpu.vector_load %arg6[%get3A_751, %get3A_752] {strides = array<i32>} : memref<32x128xf32, #tpu.memory_space<vmem>>, vector<16xf32>,
    %sub3A_754 = arith.subf %get3A_749, %get3A_753 : vector<16xf32>
    %mul3A_755 = arith.mulf %sub3A_754, %sub3A_754 : vector<16xf32>
    %add3A_756 = arith.addf %add3A_745, %mul3A_755 : vector<16xf32>
    %get3A_757 = arith.constant 7 : i32
    %get3A_758 = arith.index_cast %get3A_757 : i32 to index
    %get3A_759 = arith.constant 48 : index
    %get3A_760 = tpu.vector_load %arg5[%get3A_758, %get3A_759] {strides = array<i32>} : memref<32x128xf32, #tpu.memory_space<vmem>>, vector<16xf32>,
    %get3A_761 = arith.constant 7 : i32
    %get3A_762 = arith.index_cast %get3A_761 : i32 to index
    %get3A_763 = arith.constant 48 : index
    %get3A_764 = tpu.vector_load %arg6[%get3A_762, %get3A_763] {strides = array<i32>} : memref<32x128xf32, #tpu.memory_space<vmem>>, vector<16xf32>,
    %sub3A_765 = arith.subf %get3A_760, %get3A_764 : vector<16xf32>
    %mul3A_766 = arith.mulf %sub3A_765, %sub3A_765 : vector<16xf32>
    %add3A_767 = arith.addf %add3A_756, %mul3A_766 : vector<16xf32>
    %get3A_768 = arith.constant 7 : i32
    %get3A_769 = arith.index_cast %get3A_768 : i32 to index
    %get3A_770 = arith.constant 64 : index
    %get3A_771 = tpu.vector_load %arg5[%get3A_769, %get3A_770] {strides = array<i32>} : memref<32x128xf32, #tpu.memory_space<vmem>>, vector<16xf32>,
    %get3A_772 = arith.constant 7 : i32
    %get3A_773 = arith.index_cast %get3A_772 : i32 to index
    %get3A_774 = arith.constant 64 : index
    %get3A_775 = tpu.vector_load %arg6[%get3A_773, %get3A_774] {strides = array<i32>} : memref<32x128xf32, #tpu.memory_space<vmem>>, vector<16xf32>,
    %sub3A_776 = arith.subf %get3A_771, %get3A_775 : vector<16xf32>
    %mul3A_777 = arith.mulf %sub3A_776, %sub3A_776 : vector<16xf32>
    %add3A_778 = arith.addf %add3A_767, %mul3A_777 : vector<16xf32>
    %get3A_779 = arith.constant 7 : i32
    %get3A_780 = arith.index_cast %get3A_779 : i32 to index
    %get3A_781 = arith.constant 80 : index
    %get3A_782 = tpu.vector_load %arg5[%get3A_780, %get3A_781] {strides = array<i32>} : memref<32x128xf32, #tpu.memory_space<vmem>>, vector<16xf32>,
    %get3A_783 = arith.constant 7 : i32
    %get3A_784 = arith.index_cast %get3A_783 : i32 to index
    %get3A_785 = arith.constant 80 : index
    %get3A_786 = tpu.vector_load %arg6[%get3A_784, %get3A_785] {strides = array<i32>} : memref<32x128xf32, #tpu.memory_space<vmem>>, vector<16xf32>,
    %sub3A_787 = arith.subf %get3A_782, %get3A_786 : vector<16xf32>
    %mul3A_788 = arith.mulf %sub3A_787, %sub3A_787 : vector<16xf32>
    %add3A_789 = arith.addf %add3A_778, %mul3A_788 : vector<16xf32>
    %get3A_790 = arith.constant 7 : i32
    %get3A_791 = arith.index_cast %get3A_790 : i32 to index
    %get3A_792 = arith.constant 96 : index
    %get3A_793 = tpu.vector_load %arg5[%get3A_791, %get3A_792] {strides = array<i32>} : memref<32x128xf32, #tpu.memory_space<vmem>>, vector<16xf32>,
    %get3A_794 = arith.constant 7 : i32
    %get3A_795 = arith.index_cast %get3A_794 : i32 to index
    %get3A_796 = arith.constant 96 : index
    %get3A_797 = tpu.vector_load %arg6[%get3A_795, %get3A_796] {strides = array<i32>} : memref<32x128xf32, #tpu.memory_space<vmem>>, vector<16xf32>,
    %sub3A_798 = arith.subf %get3A_793, %get3A_797 : vector<16xf32>
    %mul3A_799 = arith.mulf %sub3A_798, %sub3A_798 : vector<16xf32>
    %add3A_800 = arith.addf %add3A_789, %mul3A_799 : vector<16xf32>
    %get3A_801 = arith.constant 7 : i32
    %get3A_802 = arith.index_cast %get3A_801 : i32 to index
    %get3A_803 = arith.constant 112 : index
    %get3A_804 = tpu.vector_load %arg5[%get3A_802, %get3A_803] {strides = array<i32>} : memref<32x128xf32, #tpu.memory_space<vmem>>, vector<16xf32>,
    %get3A_805 = arith.constant 7 : i32
    %get3A_806 = arith.index_cast %get3A_805 : i32 to index
    %get3A_807 = arith.constant 112 : index
    %get3A_808 = tpu.vector_load %arg6[%get3A_806, %get3A_807] {strides = array<i32>} : memref<32x128xf32, #tpu.memory_space<vmem>>, vector<16xf32>,
    %sub3A_809 = arith.subf %get3A_804, %get3A_808 : vector<16xf32>
    %mul3A_810 = arith.mulf %sub3A_809, %sub3A_809 : vector<16xf32>
    %add3A_811 = arith.addf %add3A_800, %mul3A_810 : vector<16xf32>
    %reduce_sum3A_812 = arith.constant true
    %reduce_sum3A_813 = vector.broadcast %reduce_sum3A_812 : i1 to vector<16xi1>
    %reduce_sum3A_814 = tpu.scan <sum>, %add3A_811 masked %reduce_sum3A_813 : vector<16xf32>, vector<16xi1> -> vector<16xf32>
    %reduce_sum3A_815 = vector.extract %reduce_sum3A_814[15] : f32 from vector<16xf32>
    %broadcast_in_dim3A_816 = vector.broadcast %reduce_sum3A_815 : f32 to vector<16xf32>
    %broadcast_in_dim3A_817 = arith.constant 7 : i32
    %broadcast_in_dim3A_818 = vector.broadcast %broadcast_in_dim3A_817 : i32 to vector<16xi32>
    %eq3A_819 = arith.cmpi eq, %iota3A, %broadcast_in_dim3A_818 : vector<16xi32>
    %select_n3A_820 = arith.select %eq3A_819, %broadcast_in_dim3A_816, %select_n3A_721 : vector<16xi1>, vector<16xf32>
    %broadcast_in_dim3A_821 = arith.constant 0.000000e+00 : f32
    %broadcast_in_dim3A_822 = vector.broadcast %broadcast_in_dim3A_821 : f32 to vector<16xf32>
    %get3A_823 = arith.constant 8 : i32
    %get3A_824 = arith.index_cast %get3A_823 : i32 to index
    %get3A_825 = arith.constant 0 : index
    %get3A_826 = tpu.vector_load %arg5[%get3A_824, %get3A_825] {strides = array<i32>} : memref<32x128xf32, #tpu.memory_space<vmem>>, vector<16xf32>,
    %get3A_827 = arith.constant 8 : i32
    %get3A_828 = arith.index_cast %get3A_827 : i32 to index
    %get3A_829 = arith.constant 0 : index
    %get3A_830 = tpu.vector_load %arg6[%get3A_828, %get3A_829] {strides = array<i32>} : memref<32x128xf32, #tpu.memory_space<vmem>>, vector<16xf32>,
    %sub3A_831 = arith.subf %get3A_826, %get3A_830 : vector<16xf32>
    %mul3A_832 = arith.mulf %sub3A_831, %sub3A_831 : vector<16xf32>
    %add3A_833 = arith.addf %broadcast_in_dim3A_822, %mul3A_832 : vector<16xf32>
    %get3A_834 = arith.constant 8 : i32
    %get3A_835 = arith.index_cast %get3A_834 : i32 to index
    %get3A_836 = arith.constant 16 : index
    %get3A_837 = tpu.vector_load %arg5[%get3A_835, %get3A_836] {strides = array<i32>} : memref<32x128xf32, #tpu.memory_space<vmem>>, vector<16xf32>,
    %get3A_838 = arith.constant 8 : i32
    %get3A_839 = arith.index_cast %get3A_838 : i32 to index
    %get3A_840 = arith.constant 16 : index
    %get3A_841 = tpu.vector_load %arg6[%get3A_839, %get3A_840] {strides = array<i32>} : memref<32x128xf32, #tpu.memory_space<vmem>>, vector<16xf32>,
    %sub3A_842 = arith.subf %get3A_837, %get3A_841 : vector<16xf32>
    %mul3A_843 = arith.mulf %sub3A_842, %sub3A_842 : vector<16xf32>
    %add3A_844 = arith.addf %add3A_833, %mul3A_843 : vector<16xf32>
    %get3A_845 = arith.constant 8 : i32
    %get3A_846 = arith.index_cast %get3A_845 : i32 to index
    %get3A_847 = arith.constant 32 : index
    %get3A_848 = tpu.vector_load %arg5[%get3A_846, %get3A_847] {strides = array<i32>} : memref<32x128xf32, #tpu.memory_space<vmem>>, vector<16xf32>,
    %get3A_849 = arith.constant 8 : i32
    %get3A_850 = arith.index_cast %get3A_849 : i32 to index
    %get3A_851 = arith.constant 32 : index
    %get3A_852 = tpu.vector_load %arg6[%get3A_850, %get3A_851] {strides = array<i32>} : memref<32x128xf32, #tpu.memory_space<vmem>>, vector<16xf32>,
    %sub3A_853 = arith.subf %get3A_848, %get3A_852 : vector<16xf32>
    %mul3A_854 = arith.mulf %sub3A_853, %sub3A_853 : vector<16xf32>
    %add3A_855 = arith.addf %add3A_844, %mul3A_854 : vector<16xf32>
    %get3A_856 = arith.constant 8 : i32
    %get3A_857 = arith.index_cast %get3A_856 : i32 to index
    %get3A_858 = arith.constant 48 : index
    %get3A_859 = tpu.vector_load %arg5[%get3A_857, %get3A_858] {strides = array<i32>} : memref<32x128xf32, #tpu.memory_space<vmem>>, vector<16xf32>,
    %get3A_860 = arith.constant 8 : i32
    %get3A_861 = arith.index_cast %get3A_860 : i32 to index
    %get3A_862 = arith.constant 48 : index
    %get3A_863 = tpu.vector_load %arg6[%get3A_861, %get3A_862] {strides = array<i32>} : memref<32x128xf32, #tpu.memory_space<vmem>>, vector<16xf32>,
    %sub3A_864 = arith.subf %get3A_859, %get3A_863 : vector<16xf32>
    %mul3A_865 = arith.mulf %sub3A_864, %sub3A_864 : vector<16xf32>
    %add3A_866 = arith.addf %add3A_855, %mul3A_865 : vector<16xf32>
    %get3A_867 = arith.constant 8 : i32
    %get3A_868 = arith.index_cast %get3A_867 : i32 to index
    %get3A_869 = arith.constant 64 : index
    %get3A_870 = tpu.vector_load %arg5[%get3A_868, %get3A_869] {strides = array<i32>} : memref<32x128xf32, #tpu.memory_space<vmem>>, vector<16xf32>,
    %get3A_871 = arith.constant 8 : i32
    %get3A_872 = arith.index_cast %get3A_871 : i32 to index
    %get3A_873 = arith.constant 64 : index
    %get3A_874 = tpu.vector_load %arg6[%get3A_872, %get3A_873] {strides = array<i32>} : memref<32x128xf32, #tpu.memory_space<vmem>>, vector<16xf32>,
    %sub3A_875 = arith.subf %get3A_870, %get3A_874 : vector<16xf32>
    %mul3A_876 = arith.mulf %sub3A_875, %sub3A_875 : vector<16xf32>
    %add3A_877 = arith.addf %add3A_866, %mul3A_876 : vector<16xf32>
    %get3A_878 = arith.constant 8 : i32
    %get3A_879 = arith.index_cast %get3A_878 : i32 to index
    %get3A_880 = arith.constant 80 : index
    %get3A_881 = tpu.vector_load %arg5[%get3A_879, %get3A_880] {strides = array<i32>} : memref<32x128xf32, #tpu.memory_space<vmem>>, vector<16xf32>,
    %get3A_882 = arith.constant 8 : i32
    %get3A_883 = arith.index_cast %get3A_882 : i32 to index
    %get3A_884 = arith.constant 80 : index
    %get3A_885 = tpu.vector_load %arg6[%get3A_883, %get3A_884] {strides = array<i32>} : memref<32x128xf32, #tpu.memory_space<vmem>>, vector<16xf32>,
    %sub3A_886 = arith.subf %get3A_881, %get3A_885 : vector<16xf32>
    %mul3A_887 = arith.mulf %sub3A_886, %sub3A_886 : vector<16xf32>
    %add3A_888 = arith.addf %add3A_877, %mul3A_887 : vector<16xf32>
    %get3A_889 = arith.constant 8 : i32
    %get3A_890 = arith.index_cast %get3A_889 : i32 to index
    %get3A_891 = arith.constant 96 : index
    %get3A_892 = tpu.vector_load %arg5[%get3A_890, %get3A_891] {strides = array<i32>} : memref<32x128xf32, #tpu.memory_space<vmem>>, vector<16xf32>,
    %get3A_893 = arith.constant 8 : i32
    %get3A_894 = arith.index_cast %get3A_893 : i32 to index
    %get3A_895 = arith.constant 96 : index
    %get3A_896 = tpu.vector_load %arg6[%get3A_894, %get3A_895] {strides = array<i32>} : memref<32x128xf32, #tpu.memory_space<vmem>>, vector<16xf32>,
    %sub3A_897 = arith.subf %get3A_892, %get3A_896 : vector<16xf32>
    %mul3A_898 = arith.mulf %sub3A_897, %sub3A_897 : vector<16xf32>
    %add3A_899 = arith.addf %add3A_888, %mul3A_898 : vector<16xf32>
    %get3A_900 = arith.constant 8 : i32
    %get3A_901 = arith.index_cast %get3A_900 : i32 to index
    %get3A_902 = arith.constant 112 : index
    %get3A_903 = tpu.vector_load %arg5[%get3A_901, %get3A_902] {strides = array<i32>} : memref<32x128xf32, #tpu.memory_space<vmem>>, vector<16xf32>,
    %get3A_904 = arith.constant 8 : i32
    %get3A_905 = arith.index_cast %get3A_904 : i32 to index
    %get3A_906 = arith.constant 112 : index
    %get3A_907 = tpu.vector_load %arg6[%get3A_905, %get3A_906] {strides = array<i32>} : memref<32x128xf32, #tpu.memory_space<vmem>>, vector<16xf32>,
    %sub3A_908 = arith.subf %get3A_903, %get3A_907 : vector<16xf32>
    %mul3A_909 = arith.mulf %sub3A_908, %sub3A_908 : vector<16xf32>
    %add3A_910 = arith.addf %add3A_899, %mul3A_909 : vector<16xf32>
    %reduce_sum3A_911 = arith.constant true
    %reduce_sum3A_912 = vector.broadcast %reduce_sum3A_911 : i1 to vector<16xi1>
    %reduce_sum3A_913 = tpu.scan <sum>, %add3A_910 masked %reduce_sum3A_912 : vector<16xf32>, vector<16xi1> -> vector<16xf32>
    %reduce_sum3A_914 = vector.extract %reduce_sum3A_913[15] : f32 from vector<16xf32>
    %broadcast_in_dim3A_915 = vector.broadcast %reduce_sum3A_914 : f32 to vector<16xf32>
    %broadcast_in_dim3A_916 = arith.constant 8 : i32
    %broadcast_in_dim3A_917 = vector.broadcast %broadcast_in_dim3A_916 : i32 to vector<16xi32>
    %eq3A_918 = arith.cmpi eq, %iota3A, %broadcast_in_dim3A_917 : vector<16xi32>
    %select_n3A_919 = arith.select %eq3A_918, %broadcast_in_dim3A_915, %select_n3A_820 : vector<16xi1>, vector<16xf32>
    %broadcast_in_dim3A_920 = arith.constant 0.000000e+00 : f32
    %broadcast_in_dim3A_921 = vector.broadcast %broadcast_in_dim3A_920 : f32 to vector<16xf32>
    %get3A_922 = arith.constant 9 : i32
    %get3A_923 = arith.index_cast %get3A_922 : i32 to index
    %get3A_924 = arith.constant 0 : index
    %get3A_925 = tpu.vector_load %arg5[%get3A_923, %get3A_924] {strides = array<i32>} : memref<32x128xf32, #tpu.memory_space<vmem>>, vector<16xf32>,
    %get3A_926 = arith.constant 9 : i32
    %get3A_927 = arith.index_cast %get3A_926 : i32 to index
    %get3A_928 = arith.constant 0 : index
    %get3A_929 = tpu.vector_load %arg6[%get3A_927, %get3A_928] {strides = array<i32>} : memref<32x128xf32, #tpu.memory_space<vmem>>, vector<16xf32>,
    %sub3A_930 = arith.subf %get3A_925, %get3A_929 : vector<16xf32>
    %mul3A_931 = arith.mulf %sub3A_930, %sub3A_930 : vector<16xf32>
    %add3A_932 = arith.addf %broadcast_in_dim3A_921, %mul3A_931 : vector<16xf32>
    %get3A_933 = arith.constant 9 : i32
    %get3A_934 = arith.index_cast %get3A_933 : i32 to index
    %get3A_935 = arith.constant 16 : index
    %get3A_936 = tpu.vector_load %arg5[%get3A_934, %get3A_935] {strides = array<i32>} : memref<32x128xf32, #tpu.memory_space<vmem>>, vector<16xf32>,
    %get3A_937 = arith.constant 9 : i32
    %get3A_938 = arith.index_cast %get3A_937 : i32 to index
    %get3A_939 = arith.constant 16 : index
    %get3A_940 = tpu.vector_load %arg6[%get3A_938, %get3A_939] {strides = array<i32>} : memref<32x128xf32, #tpu.memory_space<vmem>>, vector<16xf32>,
    %sub3A_941 = arith.subf %get3A_936, %get3A_940 : vector<16xf32>
    %mul3A_942 = arith.mulf %sub3A_941, %sub3A_941 : vector<16xf32>
    %add3A_943 = arith.addf %add3A_932, %mul3A_942 : vector<16xf32>
    %get3A_944 = arith.constant 9 : i32
    %get3A_945 = arith.index_cast %get3A_944 : i32 to index
    %get3A_946 = arith.constant 32 : index
    %get3A_947 = tpu.vector_load %arg5[%get3A_945, %get3A_946] {strides = array<i32>} : memref<32x128xf32, #tpu.memory_space<vmem>>, vector<16xf32>,
    %get3A_948 = arith.constant 9 : i32
    %get3A_949 = arith.index_cast %get3A_948 : i32 to index
    %get3A_950 = arith.constant 32 : index
    %get3A_951 = tpu.vector_load %arg6[%get3A_949, %get3A_950] {strides = array<i32>} : memref<32x128xf32, #tpu.memory_space<vmem>>, vector<16xf32>,
    %sub3A_952 = arith.subf %get3A_947, %get3A_951 : vector<16xf32>
    %mul3A_953 = arith.mulf %sub3A_952, %sub3A_952 : vector<16xf32>
    %add3A_954 = arith.addf %add3A_943, %mul3A_953 : vector<16xf32>
    %get3A_955 = arith.constant 9 : i32
    %get3A_956 = arith.index_cast %get3A_955 : i32 to index
    %get3A_957 = arith.constant 48 : index
    %get3A_958 = tpu.vector_load %arg5[%get3A_956, %get3A_957] {strides = array<i32>} : memref<32x128xf32, #tpu.memory_space<vmem>>, vector<16xf32>,
    %get3A_959 = arith.constant 9 : i32
    %get3A_960 = arith.index_cast %get3A_959 : i32 to index
    %get3A_961 = arith.constant 48 : index
    %get3A_962 = tpu.vector_load %arg6[%get3A_960, %get3A_961] {strides = array<i32>} : memref<32x128xf32, #tpu.memory_space<vmem>>, vector<16xf32>,
    %sub3A_963 = arith.subf %get3A_958, %get3A_962 : vector<16xf32>
    %mul3A_964 = arith.mulf %sub3A_963, %sub3A_963 : vector<16xf32>
    %add3A_965 = arith.addf %add3A_954, %mul3A_964 : vector<16xf32>
    %get3A_966 = arith.constant 9 : i32
    %get3A_967 = arith.index_cast %get3A_966 : i32 to index
    %get3A_968 = arith.constant 64 : index
    %get3A_969 = tpu.vector_load %arg5[%get3A_967, %get3A_968] {strides = array<i32>} : memref<32x128xf32, #tpu.memory_space<vmem>>, vector<16xf32>,
    %get3A_970 = arith.constant 9 : i32
    %get3A_971 = arith.index_cast %get3A_970 : i32 to index
    %get3A_972 = arith.constant 64 : index
    %get3A_973 = tpu.vector_load %arg6[%get3A_971, %get3A_972] {strides = array<i32>} : memref<32x128xf32, #tpu.memory_space<vmem>>, vector<16xf32>,
    %sub3A_974 = arith.subf %get3A_969, %get3A_973 : vector<16xf32>
    %mul3A_975 = arith.mulf %sub3A_974, %sub3A_974 : vector<16xf32>
    %add3A_976 = arith.addf %add3A_965, %mul3A_975 : vector<16xf32>
    %get3A_977 = arith.constant 9 : i32
    %get3A_978 = arith.index_cast %get3A_977 : i32 to index
    %get3A_979 = arith.constant 80 : index
    %get3A_980 = tpu.vector_load %arg5[%get3A_978, %get3A_979] {strides = array<i32>} : memref<32x128xf32, #tpu.memory_space<vmem>>, vector<16xf32>,
    %get3A_981 = arith.constant 9 : i32
    %get3A_982 = arith.index_cast %get3A_981 : i32 to index
    %get3A_983 = arith.constant 80 : index
    %get3A_984 = tpu.vector_load %arg6[%get3A_982, %get3A_983] {strides = array<i32>} : memref<32x128xf32, #tpu.memory_space<vmem>>, vector<16xf32>,
    %sub3A_985 = arith.subf %get3A_980, %get3A_984 : vector<16xf32>
    %mul3A_986 = arith.mulf %sub3A_985, %sub3A_985 : vector<16xf32>
    %add3A_987 = arith.addf %add3A_976, %mul3A_986 : vector<16xf32>
    %get3A_988 = arith.constant 9 : i32
    %get3A_989 = arith.index_cast %get3A_988 : i32 to index
    %get3A_990 = arith.constant 96 : index
    %get3A_991 = tpu.vector_load %arg5[%get3A_989, %get3A_990] {strides = array<i32>} : memref<32x128xf32, #tpu.memory_space<vmem>>, vector<16xf32>,
    %get3A_992 = arith.constant 9 : i32
    %get3A_993 = arith.index_cast %get3A_992 : i32 to index
    %get3A_994 = arith.constant 96 : index
    %get3A_995 = tpu.vector_load %arg6[%get3A_993, %get3A_994] {strides = array<i32>} : memref<32x128xf32, #tpu.memory_space<vmem>>, vector<16xf32>,
    %sub3A_996 = arith.subf %get3A_991, %get3A_995 : vector<16xf32>
    %mul3A_997 = arith.mulf %sub3A_996, %sub3A_996 : vector<16xf32>
    %add3A_998 = arith.addf %add3A_987, %mul3A_997 : vector<16xf32>
    %get3A_999 = arith.constant 9 : i32
    %get3A_1000 = arith.index_cast %get3A_999 : i32 to index
    %get3A_1001 = arith.constant 112 : index
    %get3A_1002 = tpu.vector_load %arg5[%get3A_1000, %get3A_1001] {strides = array<i32>} : memref<32x128xf32, #tpu.memory_space<vmem>>, vector<16xf32>,
    %get3A_1003 = arith.constant 9 : i32
    %get3A_1004 = arith.index_cast %get3A_1003 : i32 to index
    %get3A_1005 = arith.constant 112 : index
    %get3A_1006 = tpu.vector_load %arg6[%get3A_1004, %get3A_1005] {strides = array<i32>} : memref<32x128xf32, #tpu.memory_space<vmem>>, vector<16xf32>,
    %sub3A_1007 = arith.subf %get3A_1002, %get3A_1006 : vector<16xf32>
    %mul3A_1008 = arith.mulf %sub3A_1007, %sub3A_1007 : vector<16xf32>
    %add3A_1009 = arith.addf %add3A_998, %mul3A_1008 : vector<16xf32>
    %reduce_sum3A_1010 = arith.constant true
    %reduce_sum3A_1011 = vector.broadcast %reduce_sum3A_1010 : i1 to vector<16xi1>
    %reduce_sum3A_1012 = tpu.scan <sum>, %add3A_1009 masked %reduce_sum3A_1011 : vector<16xf32>, vector<16xi1> -> vector<16xf32>
    %reduce_sum3A_1013 = vector.extract %reduce_sum3A_1012[15] : f32 from vector<16xf32>
    %broadcast_in_dim3A_1014 = vector.broadcast %reduce_sum3A_1013 : f32 to vector<16xf32>
    %broadcast_in_dim3A_1015 = arith.constant 9 : i32
    %broadcast_in_dim3A_1016 = vector.broadcast %broadcast_in_dim3A_1015 : i32 to vector<16xi32>
    %eq3A_1017 = arith.cmpi eq, %iota3A, %broadcast_in_dim3A_1016 : vector<16xi32>
    %select_n3A_1018 = arith.select %eq3A_1017, %broadcast_in_dim3A_1014, %select_n3A_919 : vector<16xi1>, vector<16xf32>
    %broadcast_in_dim3A_1019 = arith.constant 0.000000e+00 : f32
    %broadcast_in_dim3A_1020 = vector.broadcast %broadcast_in_dim3A_1019 : f32 to vector<16xf32>
    %get3A_1021 = arith.constant 10 : i32
    %get3A_1022 = arith.index_cast %get3A_1021 : i32 to index
    %get3A_1023 = arith.constant 0 : index
    %get3A_1024 = tpu.vector_load %arg5[%get3A_1022, %get3A_1023] {strides = array<i32>} : memref<32x128xf32, #tpu.memory_space<vmem>>, vector<16xf32>,
    %get3A_1025 = arith.constant 10 : i32
    %get3A_1026 = arith.index_cast %get3A_1025 : i32 to index
    %get3A_1027 = arith.constant 0 : index
    %get3A_1028 = tpu.vector_load %arg6[%get3A_1026, %get3A_1027] {strides = array<i32>} : memref<32x128xf32, #tpu.memory_space<vmem>>, vector<16xf32>,
    %sub3A_1029 = arith.subf %get3A_1024, %get3A_1028 : vector<16xf32>
    %mul3A_1030 = arith.mulf %sub3A_1029, %sub3A_1029 : vector<16xf32>
    %add3A_1031 = arith.addf %broadcast_in_dim3A_1020, %mul3A_1030 : vector<16xf32>
    %get3A_1032 = arith.constant 10 : i32
    %get3A_1033 = arith.index_cast %get3A_1032 : i32 to index
    %get3A_1034 = arith.constant 16 : index
    %get3A_1035 = tpu.vector_load %arg5[%get3A_1033, %get3A_1034] {strides = array<i32>} : memref<32x128xf32, #tpu.memory_space<vmem>>, vector<16xf32>,
    %get3A_1036 = arith.constant 10 : i32
    %get3A_1037 = arith.index_cast %get3A_1036 : i32 to index
    %get3A_1038 = arith.constant 16 : index
    %get3A_1039 = tpu.vector_load %arg6[%get3A_1037, %get3A_1038] {strides = array<i32>} : memref<32x128xf32, #tpu.memory_space<vmem>>, vector<16xf32>,
    %sub3A_1040 = arith.subf %get3A_1035, %get3A_1039 : vector<16xf32>
    %mul3A_1041 = arith.mulf %sub3A_1040, %sub3A_1040 : vector<16xf32>
    %add3A_1042 = arith.addf %add3A_1031, %mul3A_1041 : vector<16xf32>
    %get3A_1043 = arith.constant 10 : i32
    %get3A_1044 = arith.index_cast %get3A_1043 : i32 to index
    %get3A_1045 = arith.constant 32 : index
    %get3A_1046 = tpu.vector_load %arg5[%get3A_1044, %get3A_1045] {strides = array<i32>} : memref<32x128xf32, #tpu.memory_space<vmem>>, vector<16xf32>,
    %get3A_1047 = arith.constant 10 : i32
    %get3A_1048 = arith.index_cast %get3A_1047 : i32 to index
    %get3A_1049 = arith.constant 32 : index
    %get3A_1050 = tpu.vector_load %arg6[%get3A_1048, %get3A_1049] {strides = array<i32>} : memref<32x128xf32, #tpu.memory_space<vmem>>, vector<16xf32>,
    %sub3A_1051 = arith.subf %get3A_1046, %get3A_1050 : vector<16xf32>
    %mul3A_1052 = arith.mulf %sub3A_1051, %sub3A_1051 : vector<16xf32>
    %add3A_1053 = arith.addf %add3A_1042, %mul3A_1052 : vector<16xf32>
    %get3A_1054 = arith.constant 10 : i32
    %get3A_1055 = arith.index_cast %get3A_1054 : i32 to index
    %get3A_1056 = arith.constant 48 : index
    %get3A_1057 = tpu.vector_load %arg5[%get3A_1055, %get3A_1056] {strides = array<i32>} : memref<32x128xf32, #tpu.memory_space<vmem>>, vector<16xf32>,
    %get3A_1058 = arith.constant 10 : i32
    %get3A_1059 = arith.index_cast %get3A_1058 : i32 to index
    %get3A_1060 = arith.constant 48 : index
    %get3A_1061 = tpu.vector_load %arg6[%get3A_1059, %get3A_1060] {strides = array<i32>} : memref<32x128xf32, #tpu.memory_space<vmem>>, vector<16xf32>,
    %sub3A_1062 = arith.subf %get3A_1057, %get3A_1061 : vector<16xf32>
    %mul3A_1063 = arith.mulf %sub3A_1062, %sub3A_1062 : vector<16xf32>
    %add3A_1064 = arith.addf %add3A_1053, %mul3A_1063 : vector<16xf32>
    %get3A_1065 = arith.constant 10 : i32
    %get3A_1066 = arith.index_cast %get3A_1065 : i32 to index
    %get3A_1067 = arith.constant 64 : index
    %get3A_1068 = tpu.vector_load %arg5[%get3A_1066, %get3A_1067] {strides = array<i32>} : memref<32x128xf32, #tpu.memory_space<vmem>>, vector<16xf32>,
    %get3A_1069 = arith.constant 10 : i32
    %get3A_1070 = arith.index_cast %get3A_1069 : i32 to index
    %get3A_1071 = arith.constant 64 : index
    %get3A_1072 = tpu.vector_load %arg6[%get3A_1070, %get3A_1071] {strides = array<i32>} : memref<32x128xf32, #tpu.memory_space<vmem>>, vector<16xf32>,
    %sub3A_1073 = arith.subf %get3A_1068, %get3A_1072 : vector<16xf32>
    %mul3A_1074 = arith.mulf %sub3A_1073, %sub3A_1073 : vector<16xf32>
    %add3A_1075 = arith.addf %add3A_1064, %mul3A_1074 : vector<16xf32>
    %get3A_1076 = arith.constant 10 : i32
    %get3A_1077 = arith.index_cast %get3A_1076 : i32 to index
    %get3A_1078 = arith.constant 80 : index
    %get3A_1079 = tpu.vector_load %arg5[%get3A_1077, %get3A_1078] {strides = array<i32>} : memref<32x128xf32, #tpu.memory_space<vmem>>, vector<16xf32>,
    %get3A_1080 = arith.constant 10 : i32
    %get3A_1081 = arith.index_cast %get3A_1080 : i32 to index
    %get3A_1082 = arith.constant 80 : index
    %get3A_1083 = tpu.vector_load %arg6[%get3A_1081, %get3A_1082] {strides = array<i32>} : memref<32x128xf32, #tpu.memory_space<vmem>>, vector<16xf32>,
    %sub3A_1084 = arith.subf %get3A_1079, %get3A_1083 : vector<16xf32>
    %mul3A_1085 = arith.mulf %sub3A_1084, %sub3A_1084 : vector<16xf32>
    %add3A_1086 = arith.addf %add3A_1075, %mul3A_1085 : vector<16xf32>
    %get3A_1087 = arith.constant 10 : i32
    %get3A_1088 = arith.index_cast %get3A_1087 : i32 to index
    %get3A_1089 = arith.constant 96 : index
    %get3A_1090 = tpu.vector_load %arg5[%get3A_1088, %get3A_1089] {strides = array<i32>} : memref<32x128xf32, #tpu.memory_space<vmem>>, vector<16xf32>,
    %get3A_1091 = arith.constant 10 : i32
    %get3A_1092 = arith.index_cast %get3A_1091 : i32 to index
    %get3A_1093 = arith.constant 96 : index
    %get3A_1094 = tpu.vector_load %arg6[%get3A_1092, %get3A_1093] {strides = array<i32>} : memref<32x128xf32, #tpu.memory_space<vmem>>, vector<16xf32>,
    %sub3A_1095 = arith.subf %get3A_1090, %get3A_1094 : vector<16xf32>
    %mul3A_1096 = arith.mulf %sub3A_1095, %sub3A_1095 : vector<16xf32>
    %add3A_1097 = arith.addf %add3A_1086, %mul3A_1096 : vector<16xf32>
    %get3A_1098 = arith.constant 10 : i32
    %get3A_1099 = arith.index_cast %get3A_1098 : i32 to index
    %get3A_1100 = arith.constant 112 : index
    %get3A_1101 = tpu.vector_load %arg5[%get3A_1099, %get3A_1100] {strides = array<i32>} : memref<32x128xf32, #tpu.memory_space<vmem>>, vector<16xf32>,
    %get3A_1102 = arith.constant 10 : i32
    %get3A_1103 = arith.index_cast %get3A_1102 : i32 to index
    %get3A_1104 = arith.constant 112 : index
    %get3A_1105 = tpu.vector_load %arg6[%get3A_1103, %get3A_1104] {strides = array<i32>} : memref<32x128xf32, #tpu.memory_space<vmem>>, vector<16xf32>,
    %sub3A_1106 = arith.subf %get3A_1101, %get3A_1105 : vector<16xf32>
    %mul3A_1107 = arith.mulf %sub3A_1106, %sub3A_1106 : vector<16xf32>
    %add3A_1108 = arith.addf %add3A_1097, %mul3A_1107 : vector<16xf32>
    %reduce_sum3A_1109 = arith.constant true
    %reduce_sum3A_1110 = vector.broadcast %reduce_sum3A_1109 : i1 to vector<16xi1>
    %reduce_sum3A_1111 = tpu.scan <sum>, %add3A_1108 masked %reduce_sum3A_1110 : vector<16xf32>, vector<16xi1> -> vector<16xf32>
    %reduce_sum3A_1112 = vector.extract %reduce_sum3A_1111[15] : f32 from vector<16xf32>
    %broadcast_in_dim3A_1113 = vector.broadcast %reduce_sum3A_1112 : f32 to vector<16xf32>
    %broadcast_in_dim3A_1114 = arith.constant 10 : i32
    %broadcast_in_dim3A_1115 = vector.broadcast %broadcast_in_dim3A_1114 : i32 to vector<16xi32>
    %eq3A_1116 = arith.cmpi eq, %iota3A, %broadcast_in_dim3A_1115 : vector<16xi32>
    %select_n3A_1117 = arith.select %eq3A_1116, %broadcast_in_dim3A_1113, %select_n3A_1018 : vector<16xi1>, vector<16xf32>
    %broadcast_in_dim3A_1118 = arith.constant 0.000000e+00 : f32
    %broadcast_in_dim3A_1119 = vector.broadcast %broadcast_in_dim3A_1118 : f32 to vector<16xf32>
    %get3A_1120 = arith.constant 11 : i32
    %get3A_1121 = arith.index_cast %get3A_1120 : i32 to index
    %get3A_1122 = arith.constant 0 : index
    %get3A_1123 = tpu.vector_load %arg5[%get3A_1121, %get3A_1122] {strides = array<i32>} : memref<32x128xf32, #tpu.memory_space<vmem>>, vector<16xf32>,
    %get3A_1124 = arith.constant 11 : i32
    %get3A_1125 = arith.index_cast %get3A_1124 : i32 to index
    %get3A_1126 = arith.constant 0 : index
    %get3A_1127 = tpu.vector_load %arg6[%get3A_1125, %get3A_1126] {strides = array<i32>} : memref<32x128xf32, #tpu.memory_space<vmem>>, vector<16xf32>,
    %sub3A_1128 = arith.subf %get3A_1123, %get3A_1127 : vector<16xf32>
    %mul3A_1129 = arith.mulf %sub3A_1128, %sub3A_1128 : vector<16xf32>
    %add3A_1130 = arith.addf %broadcast_in_dim3A_1119, %mul3A_1129 : vector<16xf32>
    %get3A_1131 = arith.constant 11 : i32
    %get3A_1132 = arith.index_cast %get3A_1131 : i32 to index
    %get3A_1133 = arith.constant 16 : index
    %get3A_1134 = tpu.vector_load %arg5[%get3A_1132, %get3A_1133] {strides = array<i32>} : memref<32x128xf32, #tpu.memory_space<vmem>>, vector<16xf32>,
    %get3A_1135 = arith.constant 11 : i32
    %get3A_1136 = arith.index_cast %get3A_1135 : i32 to index
    %get3A_1137 = arith.constant 16 : index
    %get3A_1138 = tpu.vector_load %arg6[%get3A_1136, %get3A_1137] {strides = array<i32>} : memref<32x128xf32, #tpu.memory_space<vmem>>, vector<16xf32>,
    %sub3A_1139 = arith.subf %get3A_1134, %get3A_1138 : vector<16xf32>
    %mul3A_1140 = arith.mulf %sub3A_1139, %sub3A_1139 : vector<16xf32>
    %add3A_1141 = arith.addf %add3A_1130, %mul3A_1140 : vector<16xf32>
    %get3A_1142 = arith.constant 11 : i32
    %get3A_1143 = arith.index_cast %get3A_1142 : i32 to index
    %get3A_1144 = arith.constant 32 : index
    %get3A_1145 = tpu.vector_load %arg5[%get3A_1143, %get3A_1144] {strides = array<i32>} : memref<32x128xf32, #tpu.memory_space<vmem>>, vector<16xf32>,
    %get3A_1146 = arith.constant 11 : i32
    %get3A_1147 = arith.index_cast %get3A_1146 : i32 to index
    %get3A_1148 = arith.constant 32 : index
    %get3A_1149 = tpu.vector_load %arg6[%get3A_1147, %get3A_1148] {strides = array<i32>} : memref<32x128xf32, #tpu.memory_space<vmem>>, vector<16xf32>,
    %sub3A_1150 = arith.subf %get3A_1145, %get3A_1149 : vector<16xf32>
    %mul3A_1151 = arith.mulf %sub3A_1150, %sub3A_1150 : vector<16xf32>
    %add3A_1152 = arith.addf %add3A_1141, %mul3A_1151 : vector<16xf32>
    %get3A_1153 = arith.constant 11 : i32
    %get3A_1154 = arith.index_cast %get3A_1153 : i32 to index
    %get3A_1155 = arith.constant 48 : index
    %get3A_1156 = tpu.vector_load %arg5[%get3A_1154, %get3A_1155] {strides = array<i32>} : memref<32x128xf32, #tpu.memory_space<vmem>>, vector<16xf32>,
    %get3A_1157 = arith.constant 11 : i32
    %get3A_1158 = arith.index_cast %get3A_1157 : i32 to index
    %get3A_1159 = arith.constant 48 : index
    %get3A_1160 = tpu.vector_load %arg6[%get3A_1158, %get3A_1159] {strides = array<i32>} : memref<32x128xf32, #tpu.memory_space<vmem>>, vector<16xf32>,
    %sub3A_1161 = arith.subf %get3A_1156, %get3A_1160 : vector<16xf32>
    %mul3A_1162 = arith.mulf %sub3A_1161, %sub3A_1161 : vector<16xf32>
    %add3A_1163 = arith.addf %add3A_1152, %mul3A_1162 : vector<16xf32>
    %get3A_1164 = arith.constant 11 : i32
    %get3A_1165 = arith.index_cast %get3A_1164 : i32 to index
    %get3A_1166 = arith.constant 64 : index
    %get3A_1167 = tpu.vector_load %arg5[%get3A_1165, %get3A_1166] {strides = array<i32>} : memref<32x128xf32, #tpu.memory_space<vmem>>, vector<16xf32>,
    %get3A_1168 = arith.constant 11 : i32
    %get3A_1169 = arith.index_cast %get3A_1168 : i32 to index
    %get3A_1170 = arith.constant 64 : index
    %get3A_1171 = tpu.vector_load %arg6[%get3A_1169, %get3A_1170] {strides = array<i32>} : memref<32x128xf32, #tpu.memory_space<vmem>>, vector<16xf32>,
    %sub3A_1172 = arith.subf %get3A_1167, %get3A_1171 : vector<16xf32>
    %mul3A_1173 = arith.mulf %sub3A_1172, %sub3A_1172 : vector<16xf32>
    %add3A_1174 = arith.addf %add3A_1163, %mul3A_1173 : vector<16xf32>
    %get3A_1175 = arith.constant 11 : i32
    %get3A_1176 = arith.index_cast %get3A_1175 : i32 to index
    %get3A_1177 = arith.constant 80 : index
    %get3A_1178 = tpu.vector_load %arg5[%get3A_1176, %get3A_1177] {strides = array<i32>} : memref<32x128xf32, #tpu.memory_space<vmem>>, vector<16xf32>,
    %get3A_1179 = arith.constant 11 : i32
    %get3A_1180 = arith.index_cast %get3A_1179 : i32 to index
    %get3A_1181 = arith.constant 80 : index
    %get3A_1182 = tpu.vector_load %arg6[%get3A_1180, %get3A_1181] {strides = array<i32>} : memref<32x128xf32, #tpu.memory_space<vmem>>, vector<16xf32>,
    %sub3A_1183 = arith.subf %get3A_1178, %get3A_1182 : vector<16xf32>
    %mul3A_1184 = arith.mulf %sub3A_1183, %sub3A_1183 : vector<16xf32>
    %add3A_1185 = arith.addf %add3A_1174, %mul3A_1184 : vector<16xf32>
    %get3A_1186 = arith.constant 11 : i32
    %get3A_1187 = arith.index_cast %get3A_1186 : i32 to index
    %get3A_1188 = arith.constant 96 : index
    %get3A_1189 = tpu.vector_load %arg5[%get3A_1187, %get3A_1188] {strides = array<i32>} : memref<32x128xf32, #tpu.memory_space<vmem>>, vector<16xf32>,
    %get3A_1190 = arith.constant 11 : i32
    %get3A_1191 = arith.index_cast %get3A_1190 : i32 to index
    %get3A_1192 = arith.constant 96 : index
    %get3A_1193 = tpu.vector_load %arg6[%get3A_1191, %get3A_1192] {strides = array<i32>} : memref<32x128xf32, #tpu.memory_space<vmem>>, vector<16xf32>,
    %sub3A_1194 = arith.subf %get3A_1189, %get3A_1193 : vector<16xf32>
    %mul3A_1195 = arith.mulf %sub3A_1194, %sub3A_1194 : vector<16xf32>
    %add3A_1196 = arith.addf %add3A_1185, %mul3A_1195 : vector<16xf32>
    %get3A_1197 = arith.constant 11 : i32
    %get3A_1198 = arith.index_cast %get3A_1197 : i32 to index
    %get3A_1199 = arith.constant 112 : index
    %get3A_1200 = tpu.vector_load %arg5[%get3A_1198, %get3A_1199] {strides = array<i32>} : memref<32x128xf32, #tpu.memory_space<vmem>>, vector<16xf32>,
    %get3A_1201 = arith.constant 11 : i32
    %get3A_1202 = arith.index_cast %get3A_1201 : i32 to index
    %get3A_1203 = arith.constant 112 : index
    %get3A_1204 = tpu.vector_load %arg6[%get3A_1202, %get3A_1203] {strides = array<i32>} : memref<32x128xf32, #tpu.memory_space<vmem>>, vector<16xf32>,
    %sub3A_1205 = arith.subf %get3A_1200, %get3A_1204 : vector<16xf32>
    %mul3A_1206 = arith.mulf %sub3A_1205, %sub3A_1205 : vector<16xf32>
    %add3A_1207 = arith.addf %add3A_1196, %mul3A_1206 : vector<16xf32>
    %reduce_sum3A_1208 = arith.constant true
    %reduce_sum3A_1209 = vector.broadcast %reduce_sum3A_1208 : i1 to vector<16xi1>
    %reduce_sum3A_1210 = tpu.scan <sum>, %add3A_1207 masked %reduce_sum3A_1209 : vector<16xf32>, vector<16xi1> -> vector<16xf32>
    %reduce_sum3A_1211 = vector.extract %reduce_sum3A_1210[15] : f32 from vector<16xf32>
    %broadcast_in_dim3A_1212 = vector.broadcast %reduce_sum3A_1211 : f32 to vector<16xf32>
    %broadcast_in_dim3A_1213 = arith.constant 11 : i32
    %broadcast_in_dim3A_1214 = vector.broadcast %broadcast_in_dim3A_1213 : i32 to vector<16xi32>
    %eq3A_1215 = arith.cmpi eq, %iota3A, %broadcast_in_dim3A_1214 : vector<16xi32>
    %select_n3A_1216 = arith.select %eq3A_1215, %broadcast_in_dim3A_1212, %select_n3A_1117 : vector<16xi1>, vector<16xf32>
    %broadcast_in_dim3A_1217 = arith.constant 0.000000e+00 : f32
    %broadcast_in_dim3A_1218 = vector.broadcast %broadcast_in_dim3A_1217 : f32 to vector<16xf32>
    %get3A_1219 = arith.constant 12 : i32
    %get3A_1220 = arith.index_cast %get3A_1219 : i32 to index
    %get3A_1221 = arith.constant 0 : index
    %get3A_1222 = tpu.vector_load %arg5[%get3A_1220, %get3A_1221] {strides = array<i32>} : memref<32x128xf32, #tpu.memory_space<vmem>>, vector<16xf32>,
    %get3A_1223 = arith.constant 12 : i32
    %get3A_1224 = arith.index_cast %get3A_1223 : i32 to index
    %get3A_1225 = arith.constant 0 : index
    %get3A_1226 = tpu.vector_load %arg6[%get3A_1224, %get3A_1225] {strides = array<i32>} : memref<32x128xf32, #tpu.memory_space<vmem>>, vector<16xf32>,
    %sub3A_1227 = arith.subf %get3A_1222, %get3A_1226 : vector<16xf32>
    %mul3A_1228 = arith.mulf %sub3A_1227, %sub3A_1227 : vector<16xf32>
    %add3A_1229 = arith.addf %broadcast_in_dim3A_1218, %mul3A_1228 : vector<16xf32>
    %get3A_1230 = arith.constant 12 : i32
    %get3A_1231 = arith.index_cast %get3A_1230 : i32 to index
    %get3A_1232 = arith.constant 16 : index
    %get3A_1233 = tpu.vector_load %arg5[%get3A_1231, %get3A_1232] {strides = array<i32>} : memref<32x128xf32, #tpu.memory_space<vmem>>, vector<16xf32>,
    %get3A_1234 = arith.constant 12 : i32
    %get3A_1235 = arith.index_cast %get3A_1234 : i32 to index
    %get3A_1236 = arith.constant 16 : index
    %get3A_1237 = tpu.vector_load %arg6[%get3A_1235, %get3A_1236] {strides = array<i32>} : memref<32x128xf32, #tpu.memory_space<vmem>>, vector<16xf32>,
    %sub3A_1238 = arith.subf %get3A_1233, %get3A_1237 : vector<16xf32>
    %mul3A_1239 = arith.mulf %sub3A_1238, %sub3A_1238 : vector<16xf32>
    %add3A_1240 = arith.addf %add3A_1229, %mul3A_1239 : vector<16xf32>
    %get3A_1241 = arith.constant 12 : i32
    %get3A_1242 = arith.index_cast %get3A_1241 : i32 to index
    %get3A_1243 = arith.constant 32 : index
    %get3A_1244 = tpu.vector_load %arg5[%get3A_1242, %get3A_1243] {strides = array<i32>} : memref<32x128xf32, #tpu.memory_space<vmem>>, vector<16xf32>,
    %get3A_1245 = arith.constant 12 : i32
    %get3A_1246 = arith.index_cast %get3A_1245 : i32 to index
    %get3A_1247 = arith.constant 32 : index
    %get3A_1248 = tpu.vector_load %arg6[%get3A_1246, %get3A_1247] {strides = array<i32>} : memref<32x128xf32, #tpu.memory_space<vmem>>, vector<16xf32>,
    %sub3A_1249 = arith.subf %get3A_1244, %get3A_1248 : vector<16xf32>
    %mul3A_1250 = arith.mulf %sub3A_1249, %sub3A_1249 : vector<16xf32>
    %add3A_1251 = arith.addf %add3A_1240, %mul3A_1250 : vector<16xf32>
    %get3A_1252 = arith.constant 12 : i32
    %get3A_1253 = arith.index_cast %get3A_1252 : i32 to index
    %get3A_1254 = arith.constant 48 : index
    %get3A_1255 = tpu.vector_load %arg5[%get3A_1253, %get3A_1254] {strides = array<i32>} : memref<32x128xf32, #tpu.memory_space<vmem>>, vector<16xf32>,
    %get3A_1256 = arith.constant 12 : i32
    %get3A_1257 = arith.index_cast %get3A_1256 : i32 to index
    %get3A_1258 = arith.constant 48 : index
    %get3A_1259 = tpu.vector_load %arg6[%get3A_1257, %get3A_1258] {strides = array<i32>} : memref<32x128xf32, #tpu.memory_space<vmem>>, vector<16xf32>,
    %sub3A_1260 = arith.subf %get3A_1255, %get3A_1259 : vector<16xf32>
    %mul3A_1261 = arith.mulf %sub3A_1260, %sub3A_1260 : vector<16xf32>
    %add3A_1262 = arith.addf %add3A_1251, %mul3A_1261 : vector<16xf32>
    %get3A_1263 = arith.constant 12 : i32
    %get3A_1264 = arith.index_cast %get3A_1263 : i32 to index
    %get3A_1265 = arith.constant 64 : index
    %get3A_1266 = tpu.vector_load %arg5[%get3A_1264, %get3A_1265] {strides = array<i32>} : memref<32x128xf32, #tpu.memory_space<vmem>>, vector<16xf32>,
    %get3A_1267 = arith.constant 12 : i32
    %get3A_1268 = arith.index_cast %get3A_1267 : i32 to index
    %get3A_1269 = arith.constant 64 : index
    %get3A_1270 = tpu.vector_load %arg6[%get3A_1268, %get3A_1269] {strides = array<i32>} : memref<32x128xf32, #tpu.memory_space<vmem>>, vector<16xf32>,
    %sub3A_1271 = arith.subf %get3A_1266, %get3A_1270 : vector<16xf32>
    %mul3A_1272 = arith.mulf %sub3A_1271, %sub3A_1271 : vector<16xf32>
    %add3A_1273 = arith.addf %add3A_1262, %mul3A_1272 : vector<16xf32>
    %get3A_1274 = arith.constant 12 : i32
    %get3A_1275 = arith.index_cast %get3A_1274 : i32 to index
    %get3A_1276 = arith.constant 80 : index
    %get3A_1277 = tpu.vector_load %arg5[%get3A_1275, %get3A_1276] {strides = array<i32>} : memref<32x128xf32, #tpu.memory_space<vmem>>, vector<16xf32>,
    %get3A_1278 = arith.constant 12 : i32
    %get3A_1279 = arith.index_cast %get3A_1278 : i32 to index
    %get3A_1280 = arith.constant 80 : index
    %get3A_1281 = tpu.vector_load %arg6[%get3A_1279, %get3A_1280] {strides = array<i32>} : memref<32x128xf32, #tpu.memory_space<vmem>>, vector<16xf32>,
    %sub3A_1282 = arith.subf %get3A_1277, %get3A_1281 : vector<16xf32>
    %mul3A_1283 = arith.mulf %sub3A_1282, %sub3A_1282 : vector<16xf32>
    %add3A_1284 = arith.addf %add3A_1273, %mul3A_1283 : vector<16xf32>
    %get3A_1285 = arith.constant 12 : i32
    %get3A_1286 = arith.index_cast %get3A_1285 : i32 to index
    %get3A_1287 = arith.constant 96 : index
    %get3A_1288 = tpu.vector_load %arg5[%get3A_1286, %get3A_1287] {strides = array<i32>} : memref<32x128xf32, #tpu.memory_space<vmem>>, vector<16xf32>,
    %get3A_1289 = arith.constant 12 : i32
    %get3A_1290 = arith.index_cast %get3A_1289 : i32 to index
    %get3A_1291 = arith.constant 96 : index
    %get3A_1292 = tpu.vector_load %arg6[%get3A_1290, %get3A_1291] {strides = array<i32>} : memref<32x128xf32, #tpu.memory_space<vmem>>, vector<16xf32>,
    %sub3A_1293 = arith.subf %get3A_1288, %get3A_1292 : vector<16xf32>
    %mul3A_1294 = arith.mulf %sub3A_1293, %sub3A_1293 : vector<16xf32>
    %add3A_1295 = arith.addf %add3A_1284, %mul3A_1294 : vector<16xf32>
    %get3A_1296 = arith.constant 12 : i32
    %get3A_1297 = arith.index_cast %get3A_1296 : i32 to index
    %get3A_1298 = arith.constant 112 : index
    %get3A_1299 = tpu.vector_load %arg5[%get3A_1297, %get3A_1298] {strides = array<i32>} : memref<32x128xf32, #tpu.memory_space<vmem>>, vector<16xf32>,
    %get3A_1300 = arith.constant 12 : i32
    %get3A_1301 = arith.index_cast %get3A_1300 : i32 to index
    %get3A_1302 = arith.constant 112 : index
    %get3A_1303 = tpu.vector_load %arg6[%get3A_1301, %get3A_1302] {strides = array<i32>} : memref<32x128xf32, #tpu.memory_space<vmem>>, vector<16xf32>,
    %sub3A_1304 = arith.subf %get3A_1299, %get3A_1303 : vector<16xf32>
    %mul3A_1305 = arith.mulf %sub3A_1304, %sub3A_1304 : vector<16xf32>
    %add3A_1306 = arith.addf %add3A_1295, %mul3A_1305 : vector<16xf32>
    %reduce_sum3A_1307 = arith.constant true
    %reduce_sum3A_1308 = vector.broadcast %reduce_sum3A_1307 : i1 to vector<16xi1>
    %reduce_sum3A_1309 = tpu.scan <sum>, %add3A_1306 masked %reduce_sum3A_1308 : vector<16xf32>, vector<16xi1> -> vector<16xf32>
    %reduce_sum3A_1310 = vector.extract %reduce_sum3A_1309[15] : f32 from vector<16xf32>
    %broadcast_in_dim3A_1311 = vector.broadcast %reduce_sum3A_1310 : f32 to vector<16xf32>
    %broadcast_in_dim3A_1312 = arith.constant 12 : i32
    %broadcast_in_dim3A_1313 = vector.broadcast %broadcast_in_dim3A_1312 : i32 to vector<16xi32>
    %eq3A_1314 = arith.cmpi eq, %iota3A, %broadcast_in_dim3A_1313 : vector<16xi32>
    %select_n3A_1315 = arith.select %eq3A_1314, %broadcast_in_dim3A_1311, %select_n3A_1216 : vector<16xi1>, vector<16xf32>
    %broadcast_in_dim3A_1316 = arith.constant 0.000000e+00 : f32
    %broadcast_in_dim3A_1317 = vector.broadcast %broadcast_in_dim3A_1316 : f32 to vector<16xf32>
    %get3A_1318 = arith.constant 13 : i32
    %get3A_1319 = arith.index_cast %get3A_1318 : i32 to index
    %get3A_1320 = arith.constant 0 : index
    %get3A_1321 = tpu.vector_load %arg5[%get3A_1319, %get3A_1320] {strides = array<i32>} : memref<32x128xf32, #tpu.memory_space<vmem>>, vector<16xf32>,
    %get3A_1322 = arith.constant 13 : i32
    %get3A_1323 = arith.index_cast %get3A_1322 : i32 to index
    %get3A_1324 = arith.constant 0 : index
    %get3A_1325 = tpu.vector_load %arg6[%get3A_1323, %get3A_1324] {strides = array<i32>} : memref<32x128xf32, #tpu.memory_space<vmem>>, vector<16xf32>,
    %sub3A_1326 = arith.subf %get3A_1321, %get3A_1325 : vector<16xf32>
    %mul3A_1327 = arith.mulf %sub3A_1326, %sub3A_1326 : vector<16xf32>
    %add3A_1328 = arith.addf %broadcast_in_dim3A_1317, %mul3A_1327 : vector<16xf32>
    %get3A_1329 = arith.constant 13 : i32
    %get3A_1330 = arith.index_cast %get3A_1329 : i32 to index
    %get3A_1331 = arith.constant 16 : index
    %get3A_1332 = tpu.vector_load %arg5[%get3A_1330, %get3A_1331] {strides = array<i32>} : memref<32x128xf32, #tpu.memory_space<vmem>>, vector<16xf32>,
    %get3A_1333 = arith.constant 13 : i32
    %get3A_1334 = arith.index_cast %get3A_1333 : i32 to index
    %get3A_1335 = arith.constant 16 : index
    %get3A_1336 = tpu.vector_load %arg6[%get3A_1334, %get3A_1335] {strides = array<i32>} : memref<32x128xf32, #tpu.memory_space<vmem>>, vector<16xf32>,
    %sub3A_1337 = arith.subf %get3A_1332, %get3A_1336 : vector<16xf32>
    %mul3A_1338 = arith.mulf %sub3A_1337, %sub3A_1337 : vector<16xf32>
    %add3A_1339 = arith.addf %add3A_1328, %mul3A_1338 : vector<16xf32>
    %get3A_1340 = arith.constant 13 : i32
    %get3A_1341 = arith.index_cast %get3A_1340 : i32 to index
    %get3A_1342 = arith.constant 32 : index
    %get3A_1343 = tpu.vector_load %arg5[%get3A_1341, %get3A_1342] {strides = array<i32>} : memref<32x128xf32, #tpu.memory_space<vmem>>, vector<16xf32>,
    %get3A_1344 = arith.constant 13 : i32
    %get3A_1345 = arith.index_cast %get3A_1344 : i32 to index
    %get3A_1346 = arith.constant 32 : index
    %get3A_1347 = tpu.vector_load %arg6[%get3A_1345, %get3A_1346] {strides = array<i32>} : memref<32x128xf32, #tpu.memory_space<vmem>>, vector<16xf32>,
    %sub3A_1348 = arith.subf %get3A_1343, %get3A_1347 : vector<16xf32>
    %mul3A_1349 = arith.mulf %sub3A_1348, %sub3A_1348 : vector<16xf32>
    %add3A_1350 = arith.addf %add3A_1339, %mul3A_1349 : vector<16xf32>
    %get3A_1351 = arith.constant 13 : i32
    %get3A_1352 = arith.index_cast %get3A_1351 : i32 to index
    %get3A_1353 = arith.constant 48 : index
    %get3A_1354 = tpu.vector_load %arg5[%get3A_1352, %get3A_1353] {strides = array<i32>} : memref<32x128xf32, #tpu.memory_space<vmem>>, vector<16xf32>,
    %get3A_1355 = arith.constant 13 : i32
    %get3A_1356 = arith.index_cast %get3A_1355 : i32 to index
    %get3A_1357 = arith.constant 48 : index
    %get3A_1358 = tpu.vector_load %arg6[%get3A_1356, %get3A_1357] {strides = array<i32>} : memref<32x128xf32, #tpu.memory_space<vmem>>, vector<16xf32>,
    %sub3A_1359 = arith.subf %get3A_1354, %get3A_1358 : vector<16xf32>
    %mul3A_1360 = arith.mulf %sub3A_1359, %sub3A_1359 : vector<16xf32>
    %add3A_1361 = arith.addf %add3A_1350, %mul3A_1360 : vector<16xf32>
    %get3A_1362 = arith.constant 13 : i32
    %get3A_1363 = arith.index_cast %get3A_1362 : i32 to index
    %get3A_1364 = arith.constant 64 : index
    %get3A_1365 = tpu.vector_load %arg5[%get3A_1363, %get3A_1364] {strides = array<i32>} : memref<32x128xf32, #tpu.memory_space<vmem>>, vector<16xf32>,
    %get3A_1366 = arith.constant 13 : i32
    %get3A_1367 = arith.index_cast %get3A_1366 : i32 to index
    %get3A_1368 = arith.constant 64 : index
    %get3A_1369 = tpu.vector_load %arg6[%get3A_1367, %get3A_1368] {strides = array<i32>} : memref<32x128xf32, #tpu.memory_space<vmem>>, vector<16xf32>,
    %sub3A_1370 = arith.subf %get3A_1365, %get3A_1369 : vector<16xf32>
    %mul3A_1371 = arith.mulf %sub3A_1370, %sub3A_1370 : vector<16xf32>
    %add3A_1372 = arith.addf %add3A_1361, %mul3A_1371 : vector<16xf32>
    %get3A_1373 = arith.constant 13 : i32
    %get3A_1374 = arith.index_cast %get3A_1373 : i32 to index
    %get3A_1375 = arith.constant 80 : index
    %get3A_1376 = tpu.vector_load %arg5[%get3A_1374, %get3A_1375] {strides = array<i32>} : memref<32x128xf32, #tpu.memory_space<vmem>>, vector<16xf32>,
    %get3A_1377 = arith.constant 13 : i32
    %get3A_1378 = arith.index_cast %get3A_1377 : i32 to index
    %get3A_1379 = arith.constant 80 : index
    %get3A_1380 = tpu.vector_load %arg6[%get3A_1378, %get3A_1379] {strides = array<i32>} : memref<32x128xf32, #tpu.memory_space<vmem>>, vector<16xf32>,
    %sub3A_1381 = arith.subf %get3A_1376, %get3A_1380 : vector<16xf32>
    %mul3A_1382 = arith.mulf %sub3A_1381, %sub3A_1381 : vector<16xf32>
    %add3A_1383 = arith.addf %add3A_1372, %mul3A_1382 : vector<16xf32>
    %get3A_1384 = arith.constant 13 : i32
    %get3A_1385 = arith.index_cast %get3A_1384 : i32 to index
    %get3A_1386 = arith.constant 96 : index
    %get3A_1387 = tpu.vector_load %arg5[%get3A_1385, %get3A_1386] {strides = array<i32>} : memref<32x128xf32, #tpu.memory_space<vmem>>, vector<16xf32>,
    %get3A_1388 = arith.constant 13 : i32
    %get3A_1389 = arith.index_cast %get3A_1388 : i32 to index
    %get3A_1390 = arith.constant 96 : index
    %get3A_1391 = tpu.vector_load %arg6[%get3A_1389, %get3A_1390] {strides = array<i32>} : memref<32x128xf32, #tpu.memory_space<vmem>>, vector<16xf32>,
    %sub3A_1392 = arith.subf %get3A_1387, %get3A_1391 : vector<16xf32>
    %mul3A_1393 = arith.mulf %sub3A_1392, %sub3A_1392 : vector<16xf32>
    %add3A_1394 = arith.addf %add3A_1383, %mul3A_1393 : vector<16xf32>
    %get3A_1395 = arith.constant 13 : i32
    %get3A_1396 = arith.index_cast %get3A_1395 : i32 to index
    %get3A_1397 = arith.constant 112 : index
    %get3A_1398 = tpu.vector_load %arg5[%get3A_1396, %get3A_1397] {strides = array<i32>} : memref<32x128xf32, #tpu.memory_space<vmem>>, vector<16xf32>,
    %get3A_1399 = arith.constant 13 : i32
    %get3A_1400 = arith.index_cast %get3A_1399 : i32 to index
    %get3A_1401 = arith.constant 112 : index
    %get3A_1402 = tpu.vector_load %arg6[%get3A_1400, %get3A_1401] {strides = array<i32>} : memref<32x128xf32, #tpu.memory_space<vmem>>, vector<16xf32>,
    %sub3A_1403 = arith.subf %get3A_1398, %get3A_1402 : vector<16xf32>
    %mul3A_1404 = arith.mulf %sub3A_1403, %sub3A_1403 : vector<16xf32>
    %add3A_1405 = arith.addf %add3A_1394, %mul3A_1404 : vector<16xf32>
    %reduce_sum3A_1406 = arith.constant true
    %reduce_sum3A_1407 = vector.broadcast %reduce_sum3A_1406 : i1 to vector<16xi1>
    %reduce_sum3A_1408 = tpu.scan <sum>, %add3A_1405 masked %reduce_sum3A_1407 : vector<16xf32>, vector<16xi1> -> vector<16xf32>
    %reduce_sum3A_1409 = vector.extract %reduce_sum3A_1408[15] : f32 from vector<16xf32>
    %broadcast_in_dim3A_1410 = vector.broadcast %reduce_sum3A_1409 : f32 to vector<16xf32>
    %broadcast_in_dim3A_1411 = arith.constant 13 : i32
    %broadcast_in_dim3A_1412 = vector.broadcast %broadcast_in_dim3A_1411 : i32 to vector<16xi32>
    %eq3A_1413 = arith.cmpi eq, %iota3A, %broadcast_in_dim3A_1412 : vector<16xi32>
    %select_n3A_1414 = arith.select %eq3A_1413, %broadcast_in_dim3A_1410, %select_n3A_1315 : vector<16xi1>, vector<16xf32>
    %broadcast_in_dim3A_1415 = arith.constant 0.000000e+00 : f32
    %broadcast_in_dim3A_1416 = vector.broadcast %broadcast_in_dim3A_1415 : f32 to vector<16xf32>
    %get3A_1417 = arith.constant 14 : i32
    %get3A_1418 = arith.index_cast %get3A_1417 : i32 to index
    %get3A_1419 = arith.constant 0 : index
    %get3A_1420 = tpu.vector_load %arg5[%get3A_1418, %get3A_1419] {strides = array<i32>} : memref<32x128xf32, #tpu.memory_space<vmem>>, vector<16xf32>,
    %get3A_1421 = arith.constant 14 : i32
    %get3A_1422 = arith.index_cast %get3A_1421 : i32 to index
    %get3A_1423 = arith.constant 0 : index
    %get3A_1424 = tpu.vector_load %arg6[%get3A_1422, %get3A_1423] {strides = array<i32>} : memref<32x128xf32, #tpu.memory_space<vmem>>, vector<16xf32>,
    %sub3A_1425 = arith.subf %get3A_1420, %get3A_1424 : vector<16xf32>
    %mul3A_1426 = arith.mulf %sub3A_1425, %sub3A_1425 : vector<16xf32>
    %add3A_1427 = arith.addf %broadcast_in_dim3A_1416, %mul3A_1426 : vector<16xf32>
    %get3A_1428 = arith.constant 14 : i32
    %get3A_1429 = arith.index_cast %get3A_1428 : i32 to index
    %get3A_1430 = arith.constant 16 : index
    %get3A_1431 = tpu.vector_load %arg5[%get3A_1429, %get3A_1430] {strides = array<i32>} : memref<32x128xf32, #tpu.memory_space<vmem>>, vector<16xf32>,
    %get3A_1432 = arith.constant 14 : i32
    %get3A_1433 = arith.index_cast %get3A_1432 : i32 to index
    %get3A_1434 = arith.constant 16 : index
    %get3A_1435 = tpu.vector_load %arg6[%get3A_1433, %get3A_1434] {strides = array<i32>} : memref<32x128xf32, #tpu.memory_space<vmem>>, vector<16xf32>,
    %sub3A_1436 = arith.subf %get3A_1431, %get3A_1435 : vector<16xf32>
    %mul3A_1437 = arith.mulf %sub3A_1436, %sub3A_1436 : vector<16xf32>
    %add3A_1438 = arith.addf %add3A_1427, %mul3A_1437 : vector<16xf32>
    %get3A_1439 = arith.constant 14 : i32
    %get3A_1440 = arith.index_cast %get3A_1439 : i32 to index
    %get3A_1441 = arith.constant 32 : index
    %get3A_1442 = tpu.vector_load %arg5[%get3A_1440, %get3A_1441] {strides = array<i32>} : memref<32x128xf32, #tpu.memory_space<vmem>>, vector<16xf32>,
    %get3A_1443 = arith.constant 14 : i32
    %get3A_1444 = arith.index_cast %get3A_1443 : i32 to index
    %get3A_1445 = arith.constant 32 : index
    %get3A_1446 = tpu.vector_load %arg6[%get3A_1444, %get3A_1445] {strides = array<i32>} : memref<32x128xf32, #tpu.memory_space<vmem>>, vector<16xf32>,
    %sub3A_1447 = arith.subf %get3A_1442, %get3A_1446 : vector<16xf32>
    %mul3A_1448 = arith.mulf %sub3A_1447, %sub3A_1447 : vector<16xf32>
    %add3A_1449 = arith.addf %add3A_1438, %mul3A_1448 : vector<16xf32>
    %get3A_1450 = arith.constant 14 : i32
    %get3A_1451 = arith.index_cast %get3A_1450 : i32 to index
    %get3A_1452 = arith.constant 48 : index
    %get3A_1453 = tpu.vector_load %arg5[%get3A_1451, %get3A_1452] {strides = array<i32>} : memref<32x128xf32, #tpu.memory_space<vmem>>, vector<16xf32>,
    %get3A_1454 = arith.constant 14 : i32
    %get3A_1455 = arith.index_cast %get3A_1454 : i32 to index
    %get3A_1456 = arith.constant 48 : index
    %get3A_1457 = tpu.vector_load %arg6[%get3A_1455, %get3A_1456] {strides = array<i32>} : memref<32x128xf32, #tpu.memory_space<vmem>>, vector<16xf32>,
    %sub3A_1458 = arith.subf %get3A_1453, %get3A_1457 : vector<16xf32>
    %mul3A_1459 = arith.mulf %sub3A_1458, %sub3A_1458 : vector<16xf32>
    %add3A_1460 = arith.addf %add3A_1449, %mul3A_1459 : vector<16xf32>
    %get3A_1461 = arith.constant 14 : i32
    %get3A_1462 = arith.index_cast %get3A_1461 : i32 to index
    %get3A_1463 = arith.constant 64 : index
    %get3A_1464 = tpu.vector_load %arg5[%get3A_1462, %get3A_1463] {strides = array<i32>} : memref<32x128xf32, #tpu.memory_space<vmem>>, vector<16xf32>,
    %get3A_1465 = arith.constant 14 : i32
    %get3A_1466 = arith.index_cast %get3A_1465 : i32 to index
    %get3A_1467 = arith.constant 64 : index
    %get3A_1468 = tpu.vector_load %arg6[%get3A_1466, %get3A_1467] {strides = array<i32>} : memref<32x128xf32, #tpu.memory_space<vmem>>, vector<16xf32>,
    %sub3A_1469 = arith.subf %get3A_1464, %get3A_1468 : vector<16xf32>
    %mul3A_1470 = arith.mulf %sub3A_1469, %sub3A_1469 : vector<16xf32>
    %add3A_1471 = arith.addf %add3A_1460, %mul3A_1470 : vector<16xf32>
    %get3A_1472 = arith.constant 14 : i32
    %get3A_1473 = arith.index_cast %get3A_1472 : i32 to index
    %get3A_1474 = arith.constant 80 : index
    %get3A_1475 = tpu.vector_load %arg5[%get3A_1473, %get3A_1474] {strides = array<i32>} : memref<32x128xf32, #tpu.memory_space<vmem>>, vector<16xf32>,
    %get3A_1476 = arith.constant 14 : i32
    %get3A_1477 = arith.index_cast %get3A_1476 : i32 to index
    %get3A_1478 = arith.constant 80 : index
    %get3A_1479 = tpu.vector_load %arg6[%get3A_1477, %get3A_1478] {strides = array<i32>} : memref<32x128xf32, #tpu.memory_space<vmem>>, vector<16xf32>,
    %sub3A_1480 = arith.subf %get3A_1475, %get3A_1479 : vector<16xf32>
    %mul3A_1481 = arith.mulf %sub3A_1480, %sub3A_1480 : vector<16xf32>
    %add3A_1482 = arith.addf %add3A_1471, %mul3A_1481 : vector<16xf32>
    %get3A_1483 = arith.constant 14 : i32
    %get3A_1484 = arith.index_cast %get3A_1483 : i32 to index
    %get3A_1485 = arith.constant 96 : index
    %get3A_1486 = tpu.vector_load %arg5[%get3A_1484, %get3A_1485] {strides = array<i32>} : memref<32x128xf32, #tpu.memory_space<vmem>>, vector<16xf32>,
    %get3A_1487 = arith.constant 14 : i32
    %get3A_1488 = arith.index_cast %get3A_1487 : i32 to index
    %get3A_1489 = arith.constant 96 : index
    %get3A_1490 = tpu.vector_load %arg6[%get3A_1488, %get3A_1489] {strides = array<i32>} : memref<32x128xf32, #tpu.memory_space<vmem>>, vector<16xf32>,
    %sub3A_1491 = arith.subf %get3A_1486, %get3A_1490 : vector<16xf32>
    %mul3A_1492 = arith.mulf %sub3A_1491, %sub3A_1491 : vector<16xf32>
    %add3A_1493 = arith.addf %add3A_1482, %mul3A_1492 : vector<16xf32>
    %get3A_1494 = arith.constant 14 : i32
    %get3A_1495 = arith.index_cast %get3A_1494 : i32 to index
    %get3A_1496 = arith.constant 112 : index
    %get3A_1497 = tpu.vector_load %arg5[%get3A_1495, %get3A_1496] {strides = array<i32>} : memref<32x128xf32, #tpu.memory_space<vmem>>, vector<16xf32>,
    %get3A_1498 = arith.constant 14 : i32
    %get3A_1499 = arith.index_cast %get3A_1498 : i32 to index
    %get3A_1500 = arith.constant 112 : index
    %get3A_1501 = tpu.vector_load %arg6[%get3A_1499, %get3A_1500] {strides = array<i32>} : memref<32x128xf32, #tpu.memory_space<vmem>>, vector<16xf32>,
    %sub3A_1502 = arith.subf %get3A_1497, %get3A_1501 : vector<16xf32>
    %mul3A_1503 = arith.mulf %sub3A_1502, %sub3A_1502 : vector<16xf32>
    %add3A_1504 = arith.addf %add3A_1493, %mul3A_1503 : vector<16xf32>
    %reduce_sum3A_1505 = arith.constant true
    %reduce_sum3A_1506 = vector.broadcast %reduce_sum3A_1505 : i1 to vector<16xi1>
    %reduce_sum3A_1507 = tpu.scan <sum>, %add3A_1504 masked %reduce_sum3A_1506 : vector<16xf32>, vector<16xi1> -> vector<16xf32>
    %reduce_sum3A_1508 = vector.extract %reduce_sum3A_1507[15] : f32 from vector<16xf32>
    %broadcast_in_dim3A_1509 = vector.broadcast %reduce_sum3A_1508 : f32 to vector<16xf32>
    %broadcast_in_dim3A_1510 = arith.constant 14 : i32
    %broadcast_in_dim3A_1511 = vector.broadcast %broadcast_in_dim3A_1510 : i32 to vector<16xi32>
    %eq3A_1512 = arith.cmpi eq, %iota3A, %broadcast_in_dim3A_1511 : vector<16xi32>
    %select_n3A_1513 = arith.select %eq3A_1512, %broadcast_in_dim3A_1509, %select_n3A_1414 : vector<16xi1>, vector<16xf32>
    %broadcast_in_dim3A_1514 = arith.constant 0.000000e+00 : f32
    %broadcast_in_dim3A_1515 = vector.broadcast %broadcast_in_dim3A_1514 : f32 to vector<16xf32>
    %get3A_1516 = arith.constant 15 : i32
    %get3A_1517 = arith.index_cast %get3A_1516 : i32 to index
    %get3A_1518 = arith.constant 0 : index
    %get3A_1519 = tpu.vector_load %arg5[%get3A_1517, %get3A_1518] {strides = array<i32>} : memref<32x128xf32, #tpu.memory_space<vmem>>, vector<16xf32>,
    %get3A_1520 = arith.constant 15 : i32
    %get3A_1521 = arith.index_cast %get3A_1520 : i32 to index
    %get3A_1522 = arith.constant 0 : index
    %get3A_1523 = tpu.vector_load %arg6[%get3A_1521, %get3A_1522] {strides = array<i32>} : memref<32x128xf32, #tpu.memory_space<vmem>>, vector<16xf32>,
    %sub3A_1524 = arith.subf %get3A_1519, %get3A_1523 : vector<16xf32>
    %mul3A_1525 = arith.mulf %sub3A_1524, %sub3A_1524 : vector<16xf32>
    %add3A_1526 = arith.addf %broadcast_in_dim3A_1515, %mul3A_1525 : vector<16xf32>
    %get3A_1527 = arith.constant 15 : i32
    %get3A_1528 = arith.index_cast %get3A_1527 : i32 to index
    %get3A_1529 = arith.constant 16 : index
    %get3A_1530 = tpu.vector_load %arg5[%get3A_1528, %get3A_1529] {strides = array<i32>} : memref<32x128xf32, #tpu.memory_space<vmem>>, vector<16xf32>,
    %get3A_1531 = arith.constant 15 : i32
    %get3A_1532 = arith.index_cast %get3A_1531 : i32 to index
    %get3A_1533 = arith.constant 16 : index
    %get3A_1534 = tpu.vector_load %arg6[%get3A_1532, %get3A_1533] {strides = array<i32>} : memref<32x128xf32, #tpu.memory_space<vmem>>, vector<16xf32>,
    %sub3A_1535 = arith.subf %get3A_1530, %get3A_1534 : vector<16xf32>
    %mul3A_1536 = arith.mulf %sub3A_1535, %sub3A_1535 : vector<16xf32>
    %add3A_1537 = arith.addf %add3A_1526, %mul3A_1536 : vector<16xf32>
    %get3A_1538 = arith.constant 15 : i32
    %get3A_1539 = arith.index_cast %get3A_1538 : i32 to index
    %get3A_1540 = arith.constant 32 : index
    %get3A_1541 = tpu.vector_load %arg5[%get3A_1539, %get3A_1540] {strides = array<i32>} : memref<32x128xf32, #tpu.memory_space<vmem>>, vector<16xf32>,
    %get3A_1542 = arith.constant 15 : i32
    %get3A_1543 = arith.index_cast %get3A_1542 : i32 to index
    %get3A_1544 = arith.constant 32 : index
    %get3A_1545 = tpu.vector_load %arg6[%get3A_1543, %get3A_1544] {strides = array<i32>} : memref<32x128xf32, #tpu.memory_space<vmem>>, vector<16xf32>,
    %sub3A_1546 = arith.subf %get3A_1541, %get3A_1545 : vector<16xf32>
    %mul3A_1547 = arith.mulf %sub3A_1546, %sub3A_1546 : vector<16xf32>
    %add3A_1548 = arith.addf %add3A_1537, %mul3A_1547 : vector<16xf32>
    %get3A_1549 = arith.constant 15 : i32
    %get3A_1550 = arith.index_cast %get3A_1549 : i32 to index
    %get3A_1551 = arith.constant 48 : index
    %get3A_1552 = tpu.vector_load %arg5[%get3A_1550, %get3A_1551] {strides = array<i32>} : memref<32x128xf32, #tpu.memory_space<vmem>>, vector<16xf32>,
    %get3A_1553 = arith.constant 15 : i32
    %get3A_1554 = arith.index_cast %get3A_1553 : i32 to index
    %get3A_1555 = arith.constant 48 : index
    %get3A_1556 = tpu.vector_load %arg6[%get3A_1554, %get3A_1555] {strides = array<i32>} : memref<32x128xf32, #tpu.memory_space<vmem>>, vector<16xf32>,
    %sub3A_1557 = arith.subf %get3A_1552, %get3A_1556 : vector<16xf32>
    %mul3A_1558 = arith.mulf %sub3A_1557, %sub3A_1557 : vector<16xf32>
    %add3A_1559 = arith.addf %add3A_1548, %mul3A_1558 : vector<16xf32>
    %get3A_1560 = arith.constant 15 : i32
    %get3A_1561 = arith.index_cast %get3A_1560 : i32 to index
    %get3A_1562 = arith.constant 64 : index
    %get3A_1563 = tpu.vector_load %arg5[%get3A_1561, %get3A_1562] {strides = array<i32>} : memref<32x128xf32, #tpu.memory_space<vmem>>, vector<16xf32>,
    %get3A_1564 = arith.constant 15 : i32
    %get3A_1565 = arith.index_cast %get3A_1564 : i32 to index
    %get3A_1566 = arith.constant 64 : index
    %get3A_1567 = tpu.vector_load %arg6[%get3A_1565, %get3A_1566] {strides = array<i32>} : memref<32x128xf32, #tpu.memory_space<vmem>>, vector<16xf32>,
    %sub3A_1568 = arith.subf %get3A_1563, %get3A_1567 : vector<16xf32>
    %mul3A_1569 = arith.mulf %sub3A_1568, %sub3A_1568 : vector<16xf32>
    %add3A_1570 = arith.addf %add3A_1559, %mul3A_1569 : vector<16xf32>
    %get3A_1571 = arith.constant 15 : i32
    %get3A_1572 = arith.index_cast %get3A_1571 : i32 to index
    %get3A_1573 = arith.constant 80 : index
    %get3A_1574 = tpu.vector_load %arg5[%get3A_1572, %get3A_1573] {strides = array<i32>} : memref<32x128xf32, #tpu.memory_space<vmem>>, vector<16xf32>,
    %get3A_1575 = arith.constant 15 : i32
    %get3A_1576 = arith.index_cast %get3A_1575 : i32 to index
    %get3A_1577 = arith.constant 80 : index
    %get3A_1578 = tpu.vector_load %arg6[%get3A_1576, %get3A_1577] {strides = array<i32>} : memref<32x128xf32, #tpu.memory_space<vmem>>, vector<16xf32>,
    %sub3A_1579 = arith.subf %get3A_1574, %get3A_1578 : vector<16xf32>
    %mul3A_1580 = arith.mulf %sub3A_1579, %sub3A_1579 : vector<16xf32>
    %add3A_1581 = arith.addf %add3A_1570, %mul3A_1580 : vector<16xf32>
    %get3A_1582 = arith.constant 15 : i32
    %get3A_1583 = arith.index_cast %get3A_1582 : i32 to index
    %get3A_1584 = arith.constant 96 : index
    %get3A_1585 = tpu.vector_load %arg5[%get3A_1583, %get3A_1584] {strides = array<i32>} : memref<32x128xf32, #tpu.memory_space<vmem>>, vector<16xf32>,
    %get3A_1586 = arith.constant 15 : i32
    %get3A_1587 = arith.index_cast %get3A_1586 : i32 to index
    %get3A_1588 = arith.constant 96 : index
    %get3A_1589 = tpu.vector_load %arg6[%get3A_1587, %get3A_1588] {strides = array<i32>} : memref<32x128xf32, #tpu.memory_space<vmem>>, vector<16xf32>,
    %sub3A_1590 = arith.subf %get3A_1585, %get3A_1589 : vector<16xf32>
    %mul3A_1591 = arith.mulf %sub3A_1590, %sub3A_1590 : vector<16xf32>
    %add3A_1592 = arith.addf %add3A_1581, %mul3A_1591 : vector<16xf32>
    %get3A_1593 = arith.constant 15 : i32
    %get3A_1594 = arith.index_cast %get3A_1593 : i32 to index
    %get3A_1595 = arith.constant 112 : index
    %get3A_1596 = tpu.vector_load %arg5[%get3A_1594, %get3A_1595] {strides = array<i32>} : memref<32x128xf32, #tpu.memory_space<vmem>>, vector<16xf32>,
    %get3A_1597 = arith.constant 15 : i32
    %get3A_1598 = arith.index_cast %get3A_1597 : i32 to index
    %get3A_1599 = arith.constant 112 : index
    %get3A_1600 = tpu.vector_load %arg6[%get3A_1598, %get3A_1599] {strides = array<i32>} : memref<32x128xf32, #tpu.memory_space<vmem>>, vector<16xf32>,
    %sub3A_1601 = arith.subf %get3A_1596, %get3A_1600 : vector<16xf32>
    %mul3A_1602 = arith.mulf %sub3A_1601, %sub3A_1601 : vector<16xf32>
    %add3A_1603 = arith.addf %add3A_1592, %mul3A_1602 : vector<16xf32>
    %reduce_sum3A_1604 = arith.constant true
    %reduce_sum3A_1605 = vector.broadcast %reduce_sum3A_1604 : i1 to vector<16xi1>
    %reduce_sum3A_1606 = tpu.scan <sum>, %add3A_1603 masked %reduce_sum3A_1605 : vector<16xf32>, vector<16xi1> -> vector<16xf32>
    %reduce_sum3A_1607 = vector.extract %reduce_sum3A_1606[15] : f32 from vector<16xf32>
    %broadcast_in_dim3A_1608 = vector.broadcast %reduce_sum3A_1607 : f32 to vector<16xf32>
    %broadcast_in_dim3A_1609 = arith.constant 15 : i32
    %broadcast_in_dim3A_1610 = vector.broadcast %broadcast_in_dim3A_1609 : i32 to vector<16xi32>
    %eq3A_1611 = arith.cmpi eq, %iota3A, %broadcast_in_dim3A_1610 : vector<16xi32>
    %select_n3A_1612 = arith.select %eq3A_1611, %broadcast_in_dim3A_1608, %select_n3A_1513 : vector<16xi1>, vector<16xf32>
    %broadcast_in_dim3A_1613 = arith.constant 0.000000e+00 : f32
    %broadcast_in_dim3A_1614 = vector.broadcast %broadcast_in_dim3A_1613 : f32 to vector<16xf32>
    %get3A_1615 = arith.constant 16 : i32
    %get3A_1616 = arith.index_cast %get3A_1615 : i32 to index
    %get3A_1617 = arith.constant 0 : index
    %get3A_1618 = tpu.vector_load %arg5[%get3A_1616, %get3A_1617] {strides = array<i32>} : memref<32x128xf32, #tpu.memory_space<vmem>>, vector<16xf32>,
    %get3A_1619 = arith.constant 16 : i32
    %get3A_1620 = arith.index_cast %get3A_1619 : i32 to index
    %get3A_1621 = arith.constant 0 : index
    %get3A_1622 = tpu.vector_load %arg6[%get3A_1620, %get3A_1621] {strides = array<i32>} : memref<32x128xf32, #tpu.memory_space<vmem>>, vector<16xf32>,
    %sub3A_1623 = arith.subf %get3A_1618, %get3A_1622 : vector<16xf32>
    %mul3A_1624 = arith.mulf %sub3A_1623, %sub3A_1623 : vector<16xf32>
    %add3A_1625 = arith.addf %broadcast_in_dim3A_1614, %mul3A_1624 : vector<16xf32>
    %get3A_1626 = arith.constant 16 : i32
    %get3A_1627 = arith.index_cast %get3A_1626 : i32 to index
    %get3A_1628 = arith.constant 16 : index
    %get3A_1629 = tpu.vector_load %arg5[%get3A_1627, %get3A_1628] {strides = array<i32>} : memref<32x128xf32, #tpu.memory_space<vmem>>, vector<16xf32>,
    %get3A_1630 = arith.constant 16 : i32
    %get3A_1631 = arith.index_cast %get3A_1630 : i32 to index
    %get3A_1632 = arith.constant 16 : index
    %get3A_1633 = tpu.vector_load %arg6[%get3A_1631, %get3A_1632] {strides = array<i32>} : memref<32x128xf32, #tpu.memory_space<vmem>>, vector<16xf32>,
    %sub3A_1634 = arith.subf %get3A_1629, %get3A_1633 : vector<16xf32>
    %mul3A_1635 = arith.mulf %sub3A_1634, %sub3A_1634 : vector<16xf32>
    %add3A_1636 = arith.addf %add3A_1625, %mul3A_1635 : vector<16xf32>
    %get3A_1637 = arith.constant 16 : i32
    %get3A_1638 = arith.index_cast %get3A_1637 : i32 to index
    %get3A_1639 = arith.constant 32 : index
    %get3A_1640 = tpu.vector_load %arg5[%get3A_1638, %get3A_1639] {strides = array<i32>} : memref<32x128xf32, #tpu.memory_space<vmem>>, vector<16xf32>,
    %get3A_1641 = arith.constant 16 : i32
    %get3A_1642 = arith.index_cast %get3A_1641 : i32 to index
    %get3A_1643 = arith.constant 32 : index
    %get3A_1644 = tpu.vector_load %arg6[%get3A_1642, %get3A_1643] {strides = array<i32>} : memref<32x128xf32, #tpu.memory_space<vmem>>, vector<16xf32>,
    %sub3A_1645 = arith.subf %get3A_1640, %get3A_1644 : vector<16xf32>
    %mul3A_1646 = arith.mulf %sub3A_1645, %sub3A_1645 : vector<16xf32>
    %add3A_1647 = arith.addf %add3A_1636, %mul3A_1646 : vector<16xf32>
    %get3A_1648 = arith.constant 16 : i32
    %get3A_1649 = arith.index_cast %get3A_1648 : i32 to index
    %get3A_1650 = arith.constant 48 : index
    %get3A_1651 = tpu.vector_load %arg5[%get3A_1649, %get3A_1650] {strides = array<i32>} : memref<32x128xf32, #tpu.memory_space<vmem>>, vector<16xf32>,
    %get3A_1652 = arith.constant 16 : i32
    %get3A_1653 = arith.index_cast %get3A_1652 : i32 to index
    %get3A_1654 = arith.constant 48 : index
    %get3A_1655 = tpu.vector_load %arg6[%get3A_1653, %get3A_1654] {strides = array<i32>} : memref<32x128xf32, #tpu.memory_space<vmem>>, vector<16xf32>,
    %sub3A_1656 = arith.subf %get3A_1651, %get3A_1655 : vector<16xf32>
    %mul3A_1657 = arith.mulf %sub3A_1656, %sub3A_1656 : vector<16xf32>
    %add3A_1658 = arith.addf %add3A_1647, %mul3A_1657 : vector<16xf32>
    %get3A_1659 = arith.constant 16 : i32
    %get3A_1660 = arith.index_cast %get3A_1659 : i32 to index
    %get3A_1661 = arith.constant 64 : index
    %get3A_1662 = tpu.vector_load %arg5[%get3A_1660, %get3A_1661] {strides = array<i32>} : memref<32x128xf32, #tpu.memory_space<vmem>>, vector<16xf32>,
    %get3A_1663 = arith.constant 16 : i32
    %get3A_1664 = arith.index_cast %get3A_1663 : i32 to index
    %get3A_1665 = arith.constant 64 : index
    %get3A_1666 = tpu.vector_load %arg6[%get3A_1664, %get3A_1665] {strides = array<i32>} : memref<32x128xf32, #tpu.memory_space<vmem>>, vector<16xf32>,
    %sub3A_1667 = arith.subf %get3A_1662, %get3A_1666 : vector<16xf32>
    %mul3A_1668 = arith.mulf %sub3A_1667, %sub3A_1667 : vector<16xf32>
    %add3A_1669 = arith.addf %add3A_1658, %mul3A_1668 : vector<16xf32>
    %get3A_1670 = arith.constant 16 : i32
    %get3A_1671 = arith.index_cast %get3A_1670 : i32 to index
    %get3A_1672 = arith.constant 80 : index
    %get3A_1673 = tpu.vector_load %arg5[%get3A_1671, %get3A_1672] {strides = array<i32>} : memref<32x128xf32, #tpu.memory_space<vmem>>, vector<16xf32>,
    %get3A_1674 = arith.constant 16 : i32
    %get3A_1675 = arith.index_cast %get3A_1674 : i32 to index
    %get3A_1676 = arith.constant 80 : index
    %get3A_1677 = tpu.vector_load %arg6[%get3A_1675, %get3A_1676] {strides = array<i32>} : memref<32x128xf32, #tpu.memory_space<vmem>>, vector<16xf32>,
    %sub3A_1678 = arith.subf %get3A_1673, %get3A_1677 : vector<16xf32>
    %mul3A_1679 = arith.mulf %sub3A_1678, %sub3A_1678 : vector<16xf32>
    %add3A_1680 = arith.addf %add3A_1669, %mul3A_1679 : vector<16xf32>
    %get3A_1681 = arith.constant 16 : i32
    %get3A_1682 = arith.index_cast %get3A_1681 : i32 to index
    %get3A_1683 = arith.constant 96 : index
    %get3A_1684 = tpu.vector_load %arg5[%get3A_1682, %get3A_1683] {strides = array<i32>} : memref<32x128xf32, #tpu.memory_space<vmem>>, vector<16xf32>,
    %get3A_1685 = arith.constant 16 : i32
    %get3A_1686 = arith.index_cast %get3A_1685 : i32 to index
    %get3A_1687 = arith.constant 96 : index
    %get3A_1688 = tpu.vector_load %arg6[%get3A_1686, %get3A_1687] {strides = array<i32>} : memref<32x128xf32, #tpu.memory_space<vmem>>, vector<16xf32>,
    %sub3A_1689 = arith.subf %get3A_1684, %get3A_1688 : vector<16xf32>
    %mul3A_1690 = arith.mulf %sub3A_1689, %sub3A_1689 : vector<16xf32>
    %add3A_1691 = arith.addf %add3A_1680, %mul3A_1690 : vector<16xf32>
    %get3A_1692 = arith.constant 16 : i32
    %get3A_1693 = arith.index_cast %get3A_1692 : i32 to index
    %get3A_1694 = arith.constant 112 : index
    %get3A_1695 = tpu.vector_load %arg5[%get3A_1693, %get3A_1694] {strides = array<i32>} : memref<32x128xf32, #tpu.memory_space<vmem>>, vector<16xf32>,
    %get3A_1696 = arith.constant 16 : i32
    %get3A_1697 = arith.index_cast %get3A_1696 : i32 to index
    %get3A_1698 = arith.constant 112 : index
    %get3A_1699 = tpu.vector_load %arg6[%get3A_1697, %get3A_1698] {strides = array<i32>} : memref<32x128xf32, #tpu.memory_space<vmem>>, vector<16xf32>,
    %sub3A_1700 = arith.subf %get3A_1695, %get3A_1699 : vector<16xf32>
    %mul3A_1701 = arith.mulf %sub3A_1700, %sub3A_1700 : vector<16xf32>
    %add3A_1702 = arith.addf %add3A_1691, %mul3A_1701 : vector<16xf32>
    %reduce_sum3A_1703 = arith.constant true
    %reduce_sum3A_1704 = vector.broadcast %reduce_sum3A_1703 : i1 to vector<16xi1>
    %reduce_sum3A_1705 = tpu.scan <sum>, %add3A_1702 masked %reduce_sum3A_1704 : vector<16xf32>, vector<16xi1> -> vector<16xf32>
    %reduce_sum3A_1706 = vector.extract %reduce_sum3A_1705[15] : f32 from vector<16xf32>
    %broadcast_in_dim3A_1707 = vector.broadcast %reduce_sum3A_1706 : f32 to vector<16xf32>
    %broadcast_in_dim3A_1708 = arith.constant 0 : i32
    %broadcast_in_dim3A_1709 = vector.broadcast %broadcast_in_dim3A_1708 : i32 to vector<16xi32>
    %eq3A_1710 = arith.cmpi eq, %iota3A, %broadcast_in_dim3A_1709 : vector<16xi32>
    %select_n3A_1711 = arith.select %eq3A_1710, %broadcast_in_dim3A_1707, %broadcast_in_dim3A_33 : vector<16xi1>, vector<16xf32>
    %broadcast_in_dim3A_1712 = arith.constant 0.000000e+00 : f32
    %broadcast_in_dim3A_1713 = vector.broadcast %broadcast_in_dim3A_1712 : f32 to vector<16xf32>
    %get3A_1714 = arith.constant 17 : i32
    %get3A_1715 = arith.index_cast %get3A_1714 : i32 to index
    %get3A_1716 = arith.constant 0 : index
    %get3A_1717 = tpu.vector_load %arg5[%get3A_1715, %get3A_1716] {strides = array<i32>} : memref<32x128xf32, #tpu.memory_space<vmem>>, vector<16xf32>,
    %get3A_1718 = arith.constant 17 : i32
    %get3A_1719 = arith.index_cast %get3A_1718 : i32 to index
    %get3A_1720 = arith.constant 0 : index
    %get3A_1721 = tpu.vector_load %arg6[%get3A_1719, %get3A_1720] {strides = array<i32>} : memref<32x128xf32, #tpu.memory_space<vmem>>, vector<16xf32>,
    %sub3A_1722 = arith.subf %get3A_1717, %get3A_1721 : vector<16xf32>
    %mul3A_1723 = arith.mulf %sub3A_1722, %sub3A_1722 : vector<16xf32>
    %add3A_1724 = arith.addf %broadcast_in_dim3A_1713, %mul3A_1723 : vector<16xf32>
    %get3A_1725 = arith.constant 17 : i32
    %get3A_1726 = arith.index_cast %get3A_1725 : i32 to index
    %get3A_1727 = arith.constant 16 : index
    %get3A_1728 = tpu.vector_load %arg5[%get3A_1726, %get3A_1727] {strides = array<i32>} : memref<32x128xf32, #tpu.memory_space<vmem>>, vector<16xf32>,
    %get3A_1729 = arith.constant 17 : i32
    %get3A_1730 = arith.index_cast %get3A_1729 : i32 to index
    %get3A_1731 = arith.constant 16 : index
    %get3A_1732 = tpu.vector_load %arg6[%get3A_1730, %get3A_1731] {strides = array<i32>} : memref<32x128xf32, #tpu.memory_space<vmem>>, vector<16xf32>,
    %sub3A_1733 = arith.subf %get3A_1728, %get3A_1732 : vector<16xf32>
    %mul3A_1734 = arith.mulf %sub3A_1733, %sub3A_1733 : vector<16xf32>
    %add3A_1735 = arith.addf %add3A_1724, %mul3A_1734 : vector<16xf32>
    %get3A_1736 = arith.constant 17 : i32
    %get3A_1737 = arith.index_cast %get3A_1736 : i32 to index
    %get3A_1738 = arith.constant 32 : index
    %get3A_1739 = tpu.vector_load %arg5[%get3A_1737, %get3A_1738] {strides = array<i32>} : memref<32x128xf32, #tpu.memory_space<vmem>>, vector<16xf32>,
    %get3A_1740 = arith.constant 17 : i32
    %get3A_1741 = arith.index_cast %get3A_1740 : i32 to index
    %get3A_1742 = arith.constant 32 : index
    %get3A_1743 = tpu.vector_load %arg6[%get3A_1741, %get3A_1742] {strides = array<i32>} : memref<32x128xf32, #tpu.memory_space<vmem>>, vector<16xf32>,
    %sub3A_1744 = arith.subf %get3A_1739, %get3A_1743 : vector<16xf32>
    %mul3A_1745 = arith.mulf %sub3A_1744, %sub3A_1744 : vector<16xf32>
    %add3A_1746 = arith.addf %add3A_1735, %mul3A_1745 : vector<16xf32>
    %get3A_1747 = arith.constant 17 : i32
    %get3A_1748 = arith.index_cast %get3A_1747 : i32 to index
    %get3A_1749 = arith.constant 48 : index
    %get3A_1750 = tpu.vector_load %arg5[%get3A_1748, %get3A_1749] {strides = array<i32>} : memref<32x128xf32, #tpu.memory_space<vmem>>, vector<16xf32>,
    %get3A_1751 = arith.constant 17 : i32
    %get3A_1752 = arith.index_cast %get3A_1751 : i32 to index
    %get3A_1753 = arith.constant 48 : index
    %get3A_1754 = tpu.vector_load %arg6[%get3A_1752, %get3A_1753] {strides = array<i32>} : memref<32x128xf32, #tpu.memory_space<vmem>>, vector<16xf32>,
    %sub3A_1755 = arith.subf %get3A_1750, %get3A_1754 : vector<16xf32>
    %mul3A_1756 = arith.mulf %sub3A_1755, %sub3A_1755 : vector<16xf32>
    %add3A_1757 = arith.addf %add3A_1746, %mul3A_1756 : vector<16xf32>
    %get3A_1758 = arith.constant 17 : i32
    %get3A_1759 = arith.index_cast %get3A_1758 : i32 to index
    %get3A_1760 = arith.constant 64 : index
    %get3A_1761 = tpu.vector_load %arg5[%get3A_1759, %get3A_1760] {strides = array<i32>} : memref<32x128xf32, #tpu.memory_space<vmem>>, vector<16xf32>,
    %get3A_1762 = arith.constant 17 : i32
    %get3A_1763 = arith.index_cast %get3A_1762 : i32 to index
    %get3A_1764 = arith.constant 64 : index
    %get3A_1765 = tpu.vector_load %arg6[%get3A_1763, %get3A_1764] {strides = array<i32>} : memref<32x128xf32, #tpu.memory_space<vmem>>, vector<16xf32>,
    %sub3A_1766 = arith.subf %get3A_1761, %get3A_1765 : vector<16xf32>
    %mul3A_1767 = arith.mulf %sub3A_1766, %sub3A_1766 : vector<16xf32>
    %add3A_1768 = arith.addf %add3A_1757, %mul3A_1767 : vector<16xf32>
    %get3A_1769 = arith.constant 17 : i32
    %get3A_1770 = arith.index_cast %get3A_1769 : i32 to index
    %get3A_1771 = arith.constant 80 : index
    %get3A_1772 = tpu.vector_load %arg5[%get3A_1770, %get3A_1771] {strides = array<i32>} : memref<32x128xf32, #tpu.memory_space<vmem>>, vector<16xf32>,
    %get3A_1773 = arith.constant 17 : i32
    %get3A_1774 = arith.index_cast %get3A_1773 : i32 to index
    %get3A_1775 = arith.constant 80 : index
    %get3A_1776 = tpu.vector_load %arg6[%get3A_1774, %get3A_1775] {strides = array<i32>} : memref<32x128xf32, #tpu.memory_space<vmem>>, vector<16xf32>,
    %sub3A_1777 = arith.subf %get3A_1772, %get3A_1776 : vector<16xf32>
    %mul3A_1778 = arith.mulf %sub3A_1777, %sub3A_1777 : vector<16xf32>
    %add3A_1779 = arith.addf %add3A_1768, %mul3A_1778 : vector<16xf32>
    %get3A_1780 = arith.constant 17 : i32
    %get3A_1781 = arith.index_cast %get3A_1780 : i32 to index
    %get3A_1782 = arith.constant 96 : index
    %get3A_1783 = tpu.vector_load %arg5[%get3A_1781, %get3A_1782] {strides = array<i32>} : memref<32x128xf32, #tpu.memory_space<vmem>>, vector<16xf32>,
    %get3A_1784 = arith.constant 17 : i32
    %get3A_1785 = arith.index_cast %get3A_1784 : i32 to index
    %get3A_1786 = arith.constant 96 : index
    %get3A_1787 = tpu.vector_load %arg6[%get3A_1785, %get3A_1786] {strides = array<i32>} : memref<32x128xf32, #tpu.memory_space<vmem>>, vector<16xf32>,
    %sub3A_1788 = arith.subf %get3A_1783, %get3A_1787 : vector<16xf32>
    %mul3A_1789 = arith.mulf %sub3A_1788, %sub3A_1788 : vector<16xf32>
    %add3A_1790 = arith.addf %add3A_1779, %mul3A_1789 : vector<16xf32>
    %get3A_1791 = arith.constant 17 : i32
    %get3A_1792 = arith.index_cast %get3A_1791 : i32 to index
    %get3A_1793 = arith.constant 112 : index
    %get3A_1794 = tpu.vector_load %arg5[%get3A_1792, %get3A_1793] {strides = array<i32>} : memref<32x128xf32, #tpu.memory_space<vmem>>, vector<16xf32>,
    %get3A_1795 = arith.constant 17 : i32
    %get3A_1796 = arith.index_cast %get3A_1795 : i32 to index
    %get3A_1797 = arith.constant 112 : index
    %get3A_1798 = tpu.vector_load %arg6[%get3A_1796, %get3A_1797] {strides = array<i32>} : memref<32x128xf32, #tpu.memory_space<vmem>>, vector<16xf32>,
    %sub3A_1799 = arith.subf %get3A_1794, %get3A_1798 : vector<16xf32>
    %mul3A_1800 = arith.mulf %sub3A_1799, %sub3A_1799 : vector<16xf32>
    %add3A_1801 = arith.addf %add3A_1790, %mul3A_1800 : vector<16xf32>
    %reduce_sum3A_1802 = arith.constant true
    %reduce_sum3A_1803 = vector.broadcast %reduce_sum3A_1802 : i1 to vector<16xi1>
    %reduce_sum3A_1804 = tpu.scan <sum>, %add3A_1801 masked %reduce_sum3A_1803 : vector<16xf32>, vector<16xi1> -> vector<16xf32>
    %reduce_sum3A_1805 = vector.extract %reduce_sum3A_1804[15] : f32 from vector<16xf32>
    %broadcast_in_dim3A_1806 = vector.broadcast %reduce_sum3A_1805 : f32 to vector<16xf32>
    %broadcast_in_dim3A_1807 = arith.constant 1 : i32
    %broadcast_in_dim3A_1808 = vector.broadcast %broadcast_in_dim3A_1807 : i32 to vector<16xi32>
    %eq3A_1809 = arith.cmpi eq, %iota3A, %broadcast_in_dim3A_1808 : vector<16xi32>
    %select_n3A_1810 = arith.select %eq3A_1809, %broadcast_in_dim3A_1806, %select_n3A_1711 : vector<16xi1>, vector<16xf32>
    %broadcast_in_dim3A_1811 = arith.constant 0.000000e+00 : f32
    %broadcast_in_dim3A_1812 = vector.broadcast %broadcast_in_dim3A_1811 : f32 to vector<16xf32>
    %get3A_1813 = arith.constant 18 : i32
    %get3A_1814 = arith.index_cast %get3A_1813 : i32 to index
    %get3A_1815 = arith.constant 0 : index
    %get3A_1816 = tpu.vector_load %arg5[%get3A_1814, %get3A_1815] {strides = array<i32>} : memref<32x128xf32, #tpu.memory_space<vmem>>, vector<16xf32>,
    %get3A_1817 = arith.constant 18 : i32
    %get3A_1818 = arith.index_cast %get3A_1817 : i32 to index
    %get3A_1819 = arith.constant 0 : index
    %get3A_1820 = tpu.vector_load %arg6[%get3A_1818, %get3A_1819] {strides = array<i32>} : memref<32x128xf32, #tpu.memory_space<vmem>>, vector<16xf32>,
    %sub3A_1821 = arith.subf %get3A_1816, %get3A_1820 : vector<16xf32>
    %mul3A_1822 = arith.mulf %sub3A_1821, %sub3A_1821 : vector<16xf32>
    %add3A_1823 = arith.addf %broadcast_in_dim3A_1812, %mul3A_1822 : vector<16xf32>
    %get3A_1824 = arith.constant 18 : i32
    %get3A_1825 = arith.index_cast %get3A_1824 : i32 to index
    %get3A_1826 = arith.constant 16 : index
    %get3A_1827 = tpu.vector_load %arg5[%get3A_1825, %get3A_1826] {strides = array<i32>} : memref<32x128xf32, #tpu.memory_space<vmem>>, vector<16xf32>,
    %get3A_1828 = arith.constant 18 : i32
    %get3A_1829 = arith.index_cast %get3A_1828 : i32 to index
    %get3A_1830 = arith.constant 16 : index
    %get3A_1831 = tpu.vector_load %arg6[%get3A_1829, %get3A_1830] {strides = array<i32>} : memref<32x128xf32, #tpu.memory_space<vmem>>, vector<16xf32>,
    %sub3A_1832 = arith.subf %get3A_1827, %get3A_1831 : vector<16xf32>
    %mul3A_1833 = arith.mulf %sub3A_1832, %sub3A_1832 : vector<16xf32>
    %add3A_1834 = arith.addf %add3A_1823, %mul3A_1833 : vector<16xf32>
    %get3A_1835 = arith.constant 18 : i32
    %get3A_1836 = arith.index_cast %get3A_1835 : i32 to index
    %get3A_1837 = arith.constant 32 : index
    %get3A_1838 = tpu.vector_load %arg5[%get3A_1836, %get3A_1837] {strides = array<i32>} : memref<32x128xf32, #tpu.memory_space<vmem>>, vector<16xf32>,
    %get3A_1839 = arith.constant 18 : i32
    %get3A_1840 = arith.index_cast %get3A_1839 : i32 to index
    %get3A_1841 = arith.constant 32 : index
    %get3A_1842 = tpu.vector_load %arg6[%get3A_1840, %get3A_1841] {strides = array<i32>} : memref<32x128xf32, #tpu.memory_space<vmem>>, vector<16xf32>,
    %sub3A_1843 = arith.subf %get3A_1838, %get3A_1842 : vector<16xf32>
    %mul3A_1844 = arith.mulf %sub3A_1843, %sub3A_1843 : vector<16xf32>
    %add3A_1845 = arith.addf %add3A_1834, %mul3A_1844 : vector<16xf32>
    %get3A_1846 = arith.constant 18 : i32
    %get3A_1847 = arith.index_cast %get3A_1846 : i32 to index
    %get3A_1848 = arith.constant 48 : index
    %get3A_1849 = tpu.vector_load %arg5[%get3A_1847, %get3A_1848] {strides = array<i32>} : memref<32x128xf32, #tpu.memory_space<vmem>>, vector<16xf32>,
    %get3A_1850 = arith.constant 18 : i32
    %get3A_1851 = arith.index_cast %get3A_1850 : i32 to index
    %get3A_1852 = arith.constant 48 : index
    %get3A_1853 = tpu.vector_load %arg6[%get3A_1851, %get3A_1852] {strides = array<i32>} : memref<32x128xf32, #tpu.memory_space<vmem>>, vector<16xf32>,
    %sub3A_1854 = arith.subf %get3A_1849, %get3A_1853 : vector<16xf32>
    %mul3A_1855 = arith.mulf %sub3A_1854, %sub3A_1854 : vector<16xf32>
    %add3A_1856 = arith.addf %add3A_1845, %mul3A_1855 : vector<16xf32>
    %get3A_1857 = arith.constant 18 : i32
    %get3A_1858 = arith.index_cast %get3A_1857 : i32 to index
    %get3A_1859 = arith.constant 64 : index
    %get3A_1860 = tpu.vector_load %arg5[%get3A_1858, %get3A_1859] {strides = array<i32>} : memref<32x128xf32, #tpu.memory_space<vmem>>, vector<16xf32>,
    %get3A_1861 = arith.constant 18 : i32
    %get3A_1862 = arith.index_cast %get3A_1861 : i32 to index
    %get3A_1863 = arith.constant 64 : index
    %get3A_1864 = tpu.vector_load %arg6[%get3A_1862, %get3A_1863] {strides = array<i32>} : memref<32x128xf32, #tpu.memory_space<vmem>>, vector<16xf32>,
    %sub3A_1865 = arith.subf %get3A_1860, %get3A_1864 : vector<16xf32>
    %mul3A_1866 = arith.mulf %sub3A_1865, %sub3A_1865 : vector<16xf32>
    %add3A_1867 = arith.addf %add3A_1856, %mul3A_1866 : vector<16xf32>
    %get3A_1868 = arith.constant 18 : i32
    %get3A_1869 = arith.index_cast %get3A_1868 : i32 to index
    %get3A_1870 = arith.constant 80 : index
    %get3A_1871 = tpu.vector_load %arg5[%get3A_1869, %get3A_1870] {strides = array<i32>} : memref<32x128xf32, #tpu.memory_space<vmem>>, vector<16xf32>,
    %get3A_1872 = arith.constant 18 : i32
    %get3A_1873 = arith.index_cast %get3A_1872 : i32 to index
    %get3A_1874 = arith.constant 80 : index
    %get3A_1875 = tpu.vector_load %arg6[%get3A_1873, %get3A_1874] {strides = array<i32>} : memref<32x128xf32, #tpu.memory_space<vmem>>, vector<16xf32>,
    %sub3A_1876 = arith.subf %get3A_1871, %get3A_1875 : vector<16xf32>
    %mul3A_1877 = arith.mulf %sub3A_1876, %sub3A_1876 : vector<16xf32>
    %add3A_1878 = arith.addf %add3A_1867, %mul3A_1877 : vector<16xf32>
    %get3A_1879 = arith.constant 18 : i32
    %get3A_1880 = arith.index_cast %get3A_1879 : i32 to index
    %get3A_1881 = arith.constant 96 : index
    %get3A_1882 = tpu.vector_load %arg5[%get3A_1880, %get3A_1881] {strides = array<i32>} : memref<32x128xf32, #tpu.memory_space<vmem>>, vector<16xf32>,
    %get3A_1883 = arith.constant 18 : i32
    %get3A_1884 = arith.index_cast %get3A_1883 : i32 to index
    %get3A_1885 = arith.constant 96 : index
    %get3A_1886 = tpu.vector_load %arg6[%get3A_1884, %get3A_1885] {strides = array<i32>} : memref<32x128xf32, #tpu.memory_space<vmem>>, vector<16xf32>,
    %sub3A_1887 = arith.subf %get3A_1882, %get3A_1886 : vector<16xf32>
    %mul3A_1888 = arith.mulf %sub3A_1887, %sub3A_1887 : vector<16xf32>
    %add3A_1889 = arith.addf %add3A_1878, %mul3A_1888 : vector<16xf32>
    %get3A_1890 = arith.constant 18 : i32
    %get3A_1891 = arith.index_cast %get3A_1890 : i32 to index
    %get3A_1892 = arith.constant 112 : index
    %get3A_1893 = tpu.vector_load %arg5[%get3A_1891, %get3A_1892] {strides = array<i32>} : memref<32x128xf32, #tpu.memory_space<vmem>>, vector<16xf32>,
    %get3A_1894 = arith.constant 18 : i32
    %get3A_1895 = arith.index_cast %get3A_1894 : i32 to index
    %get3A_1896 = arith.constant 112 : index
    %get3A_1897 = tpu.vector_load %arg6[%get3A_1895, %get3A_1896] {strides = array<i32>} : memref<32x128xf32, #tpu.memory_space<vmem>>, vector<16xf32>,
    %sub3A_1898 = arith.subf %get3A_1893, %get3A_1897 : vector<16xf32>
    %mul3A_1899 = arith.mulf %sub3A_1898, %sub3A_1898 : vector<16xf32>
    %add3A_1900 = arith.addf %add3A_1889, %mul3A_1899 : vector<16xf32>
    %reduce_sum3A_1901 = arith.constant true
    %reduce_sum3A_1902 = vector.broadcast %reduce_sum3A_1901 : i1 to vector<16xi1>
    %reduce_sum3A_1903 = tpu.scan <sum>, %add3A_1900 masked %reduce_sum3A_1902 : vector<16xf32>, vector<16xi1> -> vector<16xf32>
    %reduce_sum3A_1904 = vector.extract %reduce_sum3A_1903[15] : f32 from vector<16xf32>
    %broadcast_in_dim3A_1905 = vector.broadcast %reduce_sum3A_1904 : f32 to vector<16xf32>
    %broadcast_in_dim3A_1906 = arith.constant 2 : i32
    %broadcast_in_dim3A_1907 = vector.broadcast %broadcast_in_dim3A_1906 : i32 to vector<16xi32>
    %eq3A_1908 = arith.cmpi eq, %iota3A, %broadcast_in_dim3A_1907 : vector<16xi32>
    %select_n3A_1909 = arith.select %eq3A_1908, %broadcast_in_dim3A_1905, %select_n3A_1810 : vector<16xi1>, vector<16xf32>
    %broadcast_in_dim3A_1910 = arith.constant 0.000000e+00 : f32
    %broadcast_in_dim3A_1911 = vector.broadcast %broadcast_in_dim3A_1910 : f32 to vector<16xf32>
    %get3A_1912 = arith.constant 19 : i32
    %get3A_1913 = arith.index_cast %get3A_1912 : i32 to index
    %get3A_1914 = arith.constant 0 : index
    %get3A_1915 = tpu.vector_load %arg5[%get3A_1913, %get3A_1914] {strides = array<i32>} : memref<32x128xf32, #tpu.memory_space<vmem>>, vector<16xf32>,
    %get3A_1916 = arith.constant 19 : i32
    %get3A_1917 = arith.index_cast %get3A_1916 : i32 to index
    %get3A_1918 = arith.constant 0 : index
    %get3A_1919 = tpu.vector_load %arg6[%get3A_1917, %get3A_1918] {strides = array<i32>} : memref<32x128xf32, #tpu.memory_space<vmem>>, vector<16xf32>,
    %sub3A_1920 = arith.subf %get3A_1915, %get3A_1919 : vector<16xf32>
    %mul3A_1921 = arith.mulf %sub3A_1920, %sub3A_1920 : vector<16xf32>
    %add3A_1922 = arith.addf %broadcast_in_dim3A_1911, %mul3A_1921 : vector<16xf32>
    %get3A_1923 = arith.constant 19 : i32
    %get3A_1924 = arith.index_cast %get3A_1923 : i32 to index
    %get3A_1925 = arith.constant 16 : index
    %get3A_1926 = tpu.vector_load %arg5[%get3A_1924, %get3A_1925] {strides = array<i32>} : memref<32x128xf32, #tpu.memory_space<vmem>>, vector<16xf32>,
    %get3A_1927 = arith.constant 19 : i32
    %get3A_1928 = arith.index_cast %get3A_1927 : i32 to index
    %get3A_1929 = arith.constant 16 : index
    %get3A_1930 = tpu.vector_load %arg6[%get3A_1928, %get3A_1929] {strides = array<i32>} : memref<32x128xf32, #tpu.memory_space<vmem>>, vector<16xf32>,
    %sub3A_1931 = arith.subf %get3A_1926, %get3A_1930 : vector<16xf32>
    %mul3A_1932 = arith.mulf %sub3A_1931, %sub3A_1931 : vector<16xf32>
    %add3A_1933 = arith.addf %add3A_1922, %mul3A_1932 : vector<16xf32>
    %get3A_1934 = arith.constant 19 : i32
    %get3A_1935 = arith.index_cast %get3A_1934 : i32 to index
    %get3A_1936 = arith.constant 32 : index
    %get3A_1937 = tpu.vector_load %arg5[%get3A_1935, %get3A_1936] {strides = array<i32>} : memref<32x128xf32, #tpu.memory_space<vmem>>, vector<16xf32>,
    %get3A_1938 = arith.constant 19 : i32
    %get3A_1939 = arith.index_cast %get3A_1938 : i32 to index
    %get3A_1940 = arith.constant 32 : index
    %get3A_1941 = tpu.vector_load %arg6[%get3A_1939, %get3A_1940] {strides = array<i32>} : memref<32x128xf32, #tpu.memory_space<vmem>>, vector<16xf32>,
    %sub3A_1942 = arith.subf %get3A_1937, %get3A_1941 : vector<16xf32>
    %mul3A_1943 = arith.mulf %sub3A_1942, %sub3A_1942 : vector<16xf32>
    %add3A_1944 = arith.addf %add3A_1933, %mul3A_1943 : vector<16xf32>
    %get3A_1945 = arith.constant 19 : i32
    %get3A_1946 = arith.index_cast %get3A_1945 : i32 to index
    %get3A_1947 = arith.constant 48 : index
    %get3A_1948 = tpu.vector_load %arg5[%get3A_1946, %get3A_1947] {strides = array<i32>} : memref<32x128xf32, #tpu.memory_space<vmem>>, vector<16xf32>,
    %get3A_1949 = arith.constant 19 : i32
    %get3A_1950 = arith.index_cast %get3A_1949 : i32 to index
    %get3A_1951 = arith.constant 48 : index
    %get3A_1952 = tpu.vector_load %arg6[%get3A_1950, %get3A_1951] {strides = array<i32>} : memref<32x128xf32, #tpu.memory_space<vmem>>, vector<16xf32>,
    %sub3A_1953 = arith.subf %get3A_1948, %get3A_1952 : vector<16xf32>
    %mul3A_1954 = arith.mulf %sub3A_1953, %sub3A_1953 : vector<16xf32>
    %add3A_1955 = arith.addf %add3A_1944, %mul3A_1954 : vector<16xf32>
    %get3A_1956 = arith.constant 19 : i32
    %get3A_1957 = arith.index_cast %get3A_1956 : i32 to index
    %get3A_1958 = arith.constant 64 : index
    %get3A_1959 = tpu.vector_load %arg5[%get3A_1957, %get3A_1958] {strides = array<i32>} : memref<32x128xf32, #tpu.memory_space<vmem>>, vector<16xf32>,
    %get3A_1960 = arith.constant 19 : i32
    %get3A_1961 = arith.index_cast %get3A_1960 : i32 to index
    %get3A_1962 = arith.constant 64 : index
    %get3A_1963 = tpu.vector_load %arg6[%get3A_1961, %get3A_1962] {strides = array<i32>} : memref<32x128xf32, #tpu.memory_space<vmem>>, vector<16xf32>,
    %sub3A_1964 = arith.subf %get3A_1959, %get3A_1963 : vector<16xf32>
    %mul3A_1965 = arith.mulf %sub3A_1964, %sub3A_1964 : vector<16xf32>
    %add3A_1966 = arith.addf %add3A_1955, %mul3A_1965 : vector<16xf32>
    %get3A_1967 = arith.constant 19 : i32
    %get3A_1968 = arith.index_cast %get3A_1967 : i32 to index
    %get3A_1969 = arith.constant 80 : index
    %get3A_1970 = tpu.vector_load %arg5[%get3A_1968, %get3A_1969] {strides = array<i32>} : memref<32x128xf32, #tpu.memory_space<vmem>>, vector<16xf32>,
    %get3A_1971 = arith.constant 19 : i32
    %get3A_1972 = arith.index_cast %get3A_1971 : i32 to index
    %get3A_1973 = arith.constant 80 : index
    %get3A_1974 = tpu.vector_load %arg6[%get3A_1972, %get3A_1973] {strides = array<i32>} : memref<32x128xf32, #tpu.memory_space<vmem>>, vector<16xf32>,
    %sub3A_1975 = arith.subf %get3A_1970, %get3A_1974 : vector<16xf32>
    %mul3A_1976 = arith.mulf %sub3A_1975, %sub3A_1975 : vector<16xf32>
    %add3A_1977 = arith.addf %add3A_1966, %mul3A_1976 : vector<16xf32>
    %get3A_1978 = arith.constant 19 : i32
    %get3A_1979 = arith.index_cast %get3A_1978 : i32 to index
    %get3A_1980 = arith.constant 96 : index
    %get3A_1981 = tpu.vector_load %arg5[%get3A_1979, %get3A_1980] {strides = array<i32>} : memref<32x128xf32, #tpu.memory_space<vmem>>, vector<16xf32>,
    %get3A_1982 = arith.constant 19 : i32
    %get3A_1983 = arith.index_cast %get3A_1982 : i32 to index
    %get3A_1984 = arith.constant 96 : index
    %get3A_1985 = tpu.vector_load %arg6[%get3A_1983, %get3A_1984] {strides = array<i32>} : memref<32x128xf32, #tpu.memory_space<vmem>>, vector<16xf32>,
    %sub3A_1986 = arith.subf %get3A_1981, %get3A_1985 : vector<16xf32>
    %mul3A_1987 = arith.mulf %sub3A_1986, %sub3A_1986 : vector<16xf32>
    %add3A_1988 = arith.addf %add3A_1977, %mul3A_1987 : vector<16xf32>
    %get3A_1989 = arith.constant 19 : i32
    %get3A_1990 = arith.index_cast %get3A_1989 : i32 to index
    %get3A_1991 = arith.constant 112 : index
    %get3A_1992 = tpu.vector_load %arg5[%get3A_1990, %get3A_1991] {strides = array<i32>} : memref<32x128xf32, #tpu.memory_space<vmem>>, vector<16xf32>,
    %get3A_1993 = arith.constant 19 : i32
    %get3A_1994 = arith.index_cast %get3A_1993 : i32 to index
    %get3A_1995 = arith.constant 112 : index
    %get3A_1996 = tpu.vector_load %arg6[%get3A_1994, %get3A_1995] {strides = array<i32>} : memref<32x128xf32, #tpu.memory_space<vmem>>, vector<16xf32>,
    %sub3A_1997 = arith.subf %get3A_1992, %get3A_1996 : vector<16xf32>
    %mul3A_1998 = arith.mulf %sub3A_1997, %sub3A_1997 : vector<16xf32>
    %add3A_1999 = arith.addf %add3A_1988, %mul3A_1998 : vector<16xf32>
    %reduce_sum3A_2000 = arith.constant true
    %reduce_sum3A_2001 = vector.broadcast %reduce_sum3A_2000 : i1 to vector<16xi1>
    %reduce_sum3A_2002 = tpu.scan <sum>, %add3A_1999 masked %reduce_sum3A_2001 : vector<16xf32>, vector<16xi1> -> vector<16xf32>
    %reduce_sum3A_2003 = vector.extract %reduce_sum3A_2002[15] : f32 from vector<16xf32>
    %broadcast_in_dim3A_2004 = vector.broadcast %reduce_sum3A_2003 : f32 to vector<16xf32>
    %broadcast_in_dim3A_2005 = arith.constant 3 : i32
    %broadcast_in_dim3A_2006 = vector.broadcast %broadcast_in_dim3A_2005 : i32 to vector<16xi32>
    %eq3A_2007 = arith.cmpi eq, %iota3A, %broadcast_in_dim3A_2006 : vector<16xi32>
    %select_n3A_2008 = arith.select %eq3A_2007, %broadcast_in_dim3A_2004, %select_n3A_1909 : vector<16xi1>, vector<16xf32>
    %broadcast_in_dim3A_2009 = arith.constant 0.000000e+00 : f32
    %broadcast_in_dim3A_2010 = vector.broadcast %broadcast_in_dim3A_2009 : f32 to vector<16xf32>
    %get3A_2011 = arith.constant 20 : i32
    %get3A_2012 = arith.index_cast %get3A_2011 : i32 to index
    %get3A_2013 = arith.constant 0 : index
    %get3A_2014 = tpu.vector_load %arg5[%get3A_2012, %get3A_2013] {strides = array<i32>} : memref<32x128xf32, #tpu.memory_space<vmem>>, vector<16xf32>,
    %get3A_2015 = arith.constant 20 : i32
    %get3A_2016 = arith.index_cast %get3A_2015 : i32 to index
    %get3A_2017 = arith.constant 0 : index
    %get3A_2018 = tpu.vector_load %arg6[%get3A_2016, %get3A_2017] {strides = array<i32>} : memref<32x128xf32, #tpu.memory_space<vmem>>, vector<16xf32>,
    %sub3A_2019 = arith.subf %get3A_2014, %get3A_2018 : vector<16xf32>
    %mul3A_2020 = arith.mulf %sub3A_2019, %sub3A_2019 : vector<16xf32>
    %add3A_2021 = arith.addf %broadcast_in_dim3A_2010, %mul3A_2020 : vector<16xf32>
    %get3A_2022 = arith.constant 20 : i32
    %get3A_2023 = arith.index_cast %get3A_2022 : i32 to index
    %get3A_2024 = arith.constant 16 : index
    %get3A_2025 = tpu.vector_load %arg5[%get3A_2023, %get3A_2024] {strides = array<i32>} : memref<32x128xf32, #tpu.memory_space<vmem>>, vector<16xf32>,
    %get3A_2026 = arith.constant 20 : i32
    %get3A_2027 = arith.index_cast %get3A_2026 : i32 to index
    %get3A_2028 = arith.constant 16 : index
    %get3A_2029 = tpu.vector_load %arg6[%get3A_2027, %get3A_2028] {strides = array<i32>} : memref<32x128xf32, #tpu.memory_space<vmem>>, vector<16xf32>,
    %sub3A_2030 = arith.subf %get3A_2025, %get3A_2029 : vector<16xf32>
    %mul3A_2031 = arith.mulf %sub3A_2030, %sub3A_2030 : vector<16xf32>
    %add3A_2032 = arith.addf %add3A_2021, %mul3A_2031 : vector<16xf32>
    %get3A_2033 = arith.constant 20 : i32
    %get3A_2034 = arith.index_cast %get3A_2033 : i32 to index
    %get3A_2035 = arith.constant 32 : index
    %get3A_2036 = tpu.vector_load %arg5[%get3A_2034, %get3A_2035] {strides = array<i32>} : memref<32x128xf32, #tpu.memory_space<vmem>>, vector<16xf32>,
    %get3A_2037 = arith.constant 20 : i32
    %get3A_2038 = arith.index_cast %get3A_2037 : i32 to index
    %get3A_2039 = arith.constant 32 : index
    %get3A_2040 = tpu.vector_load %arg6[%get3A_2038, %get3A_2039] {strides = array<i32>} : memref<32x128xf32, #tpu.memory_space<vmem>>, vector<16xf32>,
    %sub3A_2041 = arith.subf %get3A_2036, %get3A_2040 : vector<16xf32>
    %mul3A_2042 = arith.mulf %sub3A_2041, %sub3A_2041 : vector<16xf32>
    %add3A_2043 = arith.addf %add3A_2032, %mul3A_2042 : vector<16xf32>
    %get3A_2044 = arith.constant 20 : i32
    %get3A_2045 = arith.index_cast %get3A_2044 : i32 to index
    %get3A_2046 = arith.constant 48 : index
    %get3A_2047 = tpu.vector_load %arg5[%get3A_2045, %get3A_2046] {strides = array<i32>} : memref<32x128xf32, #tpu.memory_space<vmem>>, vector<16xf32>,
    %get3A_2048 = arith.constant 20 : i32
    %get3A_2049 = arith.index_cast %get3A_2048 : i32 to index
    %get3A_2050 = arith.constant 48 : index
    %get3A_2051 = tpu.vector_load %arg6[%get3A_2049, %get3A_2050] {strides = array<i32>} : memref<32x128xf32, #tpu.memory_space<vmem>>, vector<16xf32>,
    %sub3A_2052 = arith.subf %get3A_2047, %get3A_2051 : vector<16xf32>
    %mul3A_2053 = arith.mulf %sub3A_2052, %sub3A_2052 : vector<16xf32>
    %add3A_2054 = arith.addf %add3A_2043, %mul3A_2053 : vector<16xf32>
    %get3A_2055 = arith.constant 20 : i32
    %get3A_2056 = arith.index_cast %get3A_2055 : i32 to index
    %get3A_2057 = arith.constant 64 : index
    %get3A_2058 = tpu.vector_load %arg5[%get3A_2056, %get3A_2057] {strides = array<i32>} : memref<32x128xf32, #tpu.memory_space<vmem>>, vector<16xf32>,
    %get3A_2059 = arith.constant 20 : i32
    %get3A_2060 = arith.index_cast %get3A_2059 : i32 to index
    %get3A_2061 = arith.constant 64 : index
    %get3A_2062 = tpu.vector_load %arg6[%get3A_2060, %get3A_2061] {strides = array<i32>} : memref<32x128xf32, #tpu.memory_space<vmem>>, vector<16xf32>,
    %sub3A_2063 = arith.subf %get3A_2058, %get3A_2062 : vector<16xf32>
    %mul3A_2064 = arith.mulf %sub3A_2063, %sub3A_2063 : vector<16xf32>
    %add3A_2065 = arith.addf %add3A_2054, %mul3A_2064 : vector<16xf32>
    %get3A_2066 = arith.constant 20 : i32
    %get3A_2067 = arith.index_cast %get3A_2066 : i32 to index
    %get3A_2068 = arith.constant 80 : index
    %get3A_2069 = tpu.vector_load %arg5[%get3A_2067, %get3A_2068] {strides = array<i32>} : memref<32x128xf32, #tpu.memory_space<vmem>>, vector<16xf32>,
    %get3A_2070 = arith.constant 20 : i32
    %get3A_2071 = arith.index_cast %get3A_2070 : i32 to index
    %get3A_2072 = arith.constant 80 : index
    %get3A_2073 = tpu.vector_load %arg6[%get3A_2071, %get3A_2072] {strides = array<i32>} : memref<32x128xf32, #tpu.memory_space<vmem>>, vector<16xf32>,
    %sub3A_2074 = arith.subf %get3A_2069, %get3A_2073 : vector<16xf32>
    %mul3A_2075 = arith.mulf %sub3A_2074, %sub3A_2074 : vector<16xf32>
    %add3A_2076 = arith.addf %add3A_2065, %mul3A_2075 : vector<16xf32>
    %get3A_2077 = arith.constant 20 : i32
    %get3A_2078 = arith.index_cast %get3A_2077 : i32 to index
    %get3A_2079 = arith.constant 96 : index
    %get3A_2080 = tpu.vector_load %arg5[%get3A_2078, %get3A_2079] {strides = array<i32>} : memref<32x128xf32, #tpu.memory_space<vmem>>, vector<16xf32>,
    %get3A_2081 = arith.constant 20 : i32
    %get3A_2082 = arith.index_cast %get3A_2081 : i32 to index
    %get3A_2083 = arith.constant 96 : index
    %get3A_2084 = tpu.vector_load %arg6[%get3A_2082, %get3A_2083] {strides = array<i32>} : memref<32x128xf32, #tpu.memory_space<vmem>>, vector<16xf32>,
    %sub3A_2085 = arith.subf %get3A_2080, %get3A_2084 : vector<16xf32>
    %mul3A_2086 = arith.mulf %sub3A_2085, %sub3A_2085 : vector<16xf32>
    %add3A_2087 = arith.addf %add3A_2076, %mul3A_2086 : vector<16xf32>
    %get3A_2088 = arith.constant 20 : i32
    %get3A_2089 = arith.index_cast %get3A_2088 : i32 to index
    %get3A_2090 = arith.constant 112 : index
    %get3A_2091 = tpu.vector_load %arg5[%get3A_2089, %get3A_2090] {strides = array<i32>} : memref<32x128xf32, #tpu.memory_space<vmem>>, vector<16xf32>,
    %get3A_2092 = arith.constant 20 : i32
    %get3A_2093 = arith.index_cast %get3A_2092 : i32 to index
    %get3A_2094 = arith.constant 112 : index
    %get3A_2095 = tpu.vector_load %arg6[%get3A_2093, %get3A_2094] {strides = array<i32>} : memref<32x128xf32, #tpu.memory_space<vmem>>, vector<16xf32>,
    %sub3A_2096 = arith.subf %get3A_2091, %get3A_2095 : vector<16xf32>
    %mul3A_2097 = arith.mulf %sub3A_2096, %sub3A_2096 : vector<16xf32>
    %add3A_2098 = arith.addf %add3A_2087, %mul3A_2097 : vector<16xf32>
    %reduce_sum3A_2099 = arith.constant true
    %reduce_sum3A_2100 = vector.broadcast %reduce_sum3A_2099 : i1 to vector<16xi1>
    %reduce_sum3A_2101 = tpu.scan <sum>, %add3A_2098 masked %reduce_sum3A_2100 : vector<16xf32>, vector<16xi1> -> vector<16xf32>
    %reduce_sum3A_2102 = vector.extract %reduce_sum3A_2101[15] : f32 from vector<16xf32>
    %broadcast_in_dim3A_2103 = vector.broadcast %reduce_sum3A_2102 : f32 to vector<16xf32>
    %broadcast_in_dim3A_2104 = arith.constant 4 : i32
    %broadcast_in_dim3A_2105 = vector.broadcast %broadcast_in_dim3A_2104 : i32 to vector<16xi32>
    %eq3A_2106 = arith.cmpi eq, %iota3A, %broadcast_in_dim3A_2105 : vector<16xi32>
    %select_n3A_2107 = arith.select %eq3A_2106, %broadcast_in_dim3A_2103, %select_n3A_2008 : vector<16xi1>, vector<16xf32>
    %broadcast_in_dim3A_2108 = arith.constant 0.000000e+00 : f32
    %broadcast_in_dim3A_2109 = vector.broadcast %broadcast_in_dim3A_2108 : f32 to vector<16xf32>
    %get3A_2110 = arith.constant 21 : i32
    %get3A_2111 = arith.index_cast %get3A_2110 : i32 to index
    %get3A_2112 = arith.constant 0 : index
    %get3A_2113 = tpu.vector_load %arg5[%get3A_2111, %get3A_2112] {strides = array<i32>} : memref<32x128xf32, #tpu.memory_space<vmem>>, vector<16xf32>,
    %get3A_2114 = arith.constant 21 : i32
    %get3A_2115 = arith.index_cast %get3A_2114 : i32 to index
    %get3A_2116 = arith.constant 0 : index
    %get3A_2117 = tpu.vector_load %arg6[%get3A_2115, %get3A_2116] {strides = array<i32>} : memref<32x128xf32, #tpu.memory_space<vmem>>, vector<16xf32>,
    %sub3A_2118 = arith.subf %get3A_2113, %get3A_2117 : vector<16xf32>
    %mul3A_2119 = arith.mulf %sub3A_2118, %sub3A_2118 : vector<16xf32>
    %add3A_2120 = arith.addf %broadcast_in_dim3A_2109, %mul3A_2119 : vector<16xf32>
    %get3A_2121 = arith.constant 21 : i32
    %get3A_2122 = arith.index_cast %get3A_2121 : i32 to index
    %get3A_2123 = arith.constant 16 : index
    %get3A_2124 = tpu.vector_load %arg5[%get3A_2122, %get3A_2123] {strides = array<i32>} : memref<32x128xf32, #tpu.memory_space<vmem>>, vector<16xf32>,
    %get3A_2125 = arith.constant 21 : i32
    %get3A_2126 = arith.index_cast %get3A_2125 : i32 to index
    %get3A_2127 = arith.constant 16 : index
    %get3A_2128 = tpu.vector_load %arg6[%get3A_2126, %get3A_2127] {strides = array<i32>} : memref<32x128xf32, #tpu.memory_space<vmem>>, vector<16xf32>,
    %sub3A_2129 = arith.subf %get3A_2124, %get3A_2128 : vector<16xf32>
    %mul3A_2130 = arith.mulf %sub3A_2129, %sub3A_2129 : vector<16xf32>
    %add3A_2131 = arith.addf %add3A_2120, %mul3A_2130 : vector<16xf32>
    %get3A_2132 = arith.constant 21 : i32
    %get3A_2133 = arith.index_cast %get3A_2132 : i32 to index
    %get3A_2134 = arith.constant 32 : index
    %get3A_2135 = tpu.vector_load %arg5[%get3A_2133, %get3A_2134] {strides = array<i32>} : memref<32x128xf32, #tpu.memory_space<vmem>>, vector<16xf32>,
    %get3A_2136 = arith.constant 21 : i32
    %get3A_2137 = arith.index_cast %get3A_2136 : i32 to index
    %get3A_2138 = arith.constant 32 : index
    %get3A_2139 = tpu.vector_load %arg6[%get3A_2137, %get3A_2138] {strides = array<i32>} : memref<32x128xf32, #tpu.memory_space<vmem>>, vector<16xf32>,
    %sub3A_2140 = arith.subf %get3A_2135, %get3A_2139 : vector<16xf32>
    %mul3A_2141 = arith.mulf %sub3A_2140, %sub3A_2140 : vector<16xf32>
    %add3A_2142 = arith.addf %add3A_2131, %mul3A_2141 : vector<16xf32>
    %get3A_2143 = arith.constant 21 : i32
    %get3A_2144 = arith.index_cast %get3A_2143 : i32 to index
    %get3A_2145 = arith.constant 48 : index
    %get3A_2146 = tpu.vector_load %arg5[%get3A_2144, %get3A_2145] {strides = array<i32>} : memref<32x128xf32, #tpu.memory_space<vmem>>, vector<16xf32>,
    %get3A_2147 = arith.constant 21 : i32
    %get3A_2148 = arith.index_cast %get3A_2147 : i32 to index
    %get3A_2149 = arith.constant 48 : index
    %get3A_2150 = tpu.vector_load %arg6[%get3A_2148, %get3A_2149] {strides = array<i32>} : memref<32x128xf32, #tpu.memory_space<vmem>>, vector<16xf32>,
    %sub3A_2151 = arith.subf %get3A_2146, %get3A_2150 : vector<16xf32>
    %mul3A_2152 = arith.mulf %sub3A_2151, %sub3A_2151 : vector<16xf32>
    %add3A_2153 = arith.addf %add3A_2142, %mul3A_2152 : vector<16xf32>
    %get3A_2154 = arith.constant 21 : i32
    %get3A_2155 = arith.index_cast %get3A_2154 : i32 to index
    %get3A_2156 = arith.constant 64 : index
    %get3A_2157 = tpu.vector_load %arg5[%get3A_2155, %get3A_2156] {strides = array<i32>} : memref<32x128xf32, #tpu.memory_space<vmem>>, vector<16xf32>,
    %get3A_2158 = arith.constant 21 : i32
    %get3A_2159 = arith.index_cast %get3A_2158 : i32 to index
    %get3A_2160 = arith.constant 64 : index
    %get3A_2161 = tpu.vector_load %arg6[%get3A_2159, %get3A_2160] {strides = array<i32>} : memref<32x128xf32, #tpu.memory_space<vmem>>, vector<16xf32>,
    %sub3A_2162 = arith.subf %get3A_2157, %get3A_2161 : vector<16xf32>
    %mul3A_2163 = arith.mulf %sub3A_2162, %sub3A_2162 : vector<16xf32>
    %add3A_2164 = arith.addf %add3A_2153, %mul3A_2163 : vector<16xf32>
    %get3A_2165 = arith.constant 21 : i32
    %get3A_2166 = arith.index_cast %get3A_2165 : i32 to index
    %get3A_2167 = arith.constant 80 : index
    %get3A_2168 = tpu.vector_load %arg5[%get3A_2166, %get3A_2167] {strides = array<i32>} : memref<32x128xf32, #tpu.memory_space<vmem>>, vector<16xf32>,
    %get3A_2169 = arith.constant 21 : i32
    %get3A_2170 = arith.index_cast %get3A_2169 : i32 to index
    %get3A_2171 = arith.constant 80 : index
    %get3A_2172 = tpu.vector_load %arg6[%get3A_2170, %get3A_2171] {strides = array<i32>} : memref<32x128xf32, #tpu.memory_space<vmem>>, vector<16xf32>,
    %sub3A_2173 = arith.subf %get3A_2168, %get3A_2172 : vector<16xf32>
    %mul3A_2174 = arith.mulf %sub3A_2173, %sub3A_2173 : vector<16xf32>
    %add3A_2175 = arith.addf %add3A_2164, %mul3A_2174 : vector<16xf32>
    %get3A_2176 = arith.constant 21 : i32
    %get3A_2177 = arith.index_cast %get3A_2176 : i32 to index
    %get3A_2178 = arith.constant 96 : index
    %get3A_2179 = tpu.vector_load %arg5[%get3A_2177, %get3A_2178] {strides = array<i32>} : memref<32x128xf32, #tpu.memory_space<vmem>>, vector<16xf32>,
    %get3A_2180 = arith.constant 21 : i32
    %get3A_2181 = arith.index_cast %get3A_2180 : i32 to index
    %get3A_2182 = arith.constant 96 : index
    %get3A_2183 = tpu.vector_load %arg6[%get3A_2181, %get3A_2182] {strides = array<i32>} : memref<32x128xf32, #tpu.memory_space<vmem>>, vector<16xf32>,
    %sub3A_2184 = arith.subf %get3A_2179, %get3A_2183 : vector<16xf32>
    %mul3A_2185 = arith.mulf %sub3A_2184, %sub3A_2184 : vector<16xf32>
    %add3A_2186 = arith.addf %add3A_2175, %mul3A_2185 : vector<16xf32>
    %get3A_2187 = arith.constant 21 : i32
    %get3A_2188 = arith.index_cast %get3A_2187 : i32 to index
    %get3A_2189 = arith.constant 112 : index
    %get3A_2190 = tpu.vector_load %arg5[%get3A_2188, %get3A_2189] {strides = array<i32>} : memref<32x128xf32, #tpu.memory_space<vmem>>, vector<16xf32>,
    %get3A_2191 = arith.constant 21 : i32
    %get3A_2192 = arith.index_cast %get3A_2191 : i32 to index
    %get3A_2193 = arith.constant 112 : index
    %get3A_2194 = tpu.vector_load %arg6[%get3A_2192, %get3A_2193] {strides = array<i32>} : memref<32x128xf32, #tpu.memory_space<vmem>>, vector<16xf32>,
    %sub3A_2195 = arith.subf %get3A_2190, %get3A_2194 : vector<16xf32>
    %mul3A_2196 = arith.mulf %sub3A_2195, %sub3A_2195 : vector<16xf32>
    %add3A_2197 = arith.addf %add3A_2186, %mul3A_2196 : vector<16xf32>
    %reduce_sum3A_2198 = arith.constant true
    %reduce_sum3A_2199 = vector.broadcast %reduce_sum3A_2198 : i1 to vector<16xi1>
    %reduce_sum3A_2200 = tpu.scan <sum>, %add3A_2197 masked %reduce_sum3A_2199 : vector<16xf32>, vector<16xi1> -> vector<16xf32>
    %reduce_sum3A_2201 = vector.extract %reduce_sum3A_2200[15] : f32 from vector<16xf32>
    %broadcast_in_dim3A_2202 = vector.broadcast %reduce_sum3A_2201 : f32 to vector<16xf32>
    %broadcast_in_dim3A_2203 = arith.constant 5 : i32
    %broadcast_in_dim3A_2204 = vector.broadcast %broadcast_in_dim3A_2203 : i32 to vector<16xi32>
    %eq3A_2205 = arith.cmpi eq, %iota3A, %broadcast_in_dim3A_2204 : vector<16xi32>
    %select_n3A_2206 = arith.select %eq3A_2205, %broadcast_in_dim3A_2202, %select_n3A_2107 : vector<16xi1>, vector<16xf32>
    %broadcast_in_dim3A_2207 = arith.constant 0.000000e+00 : f32
    %broadcast_in_dim3A_2208 = vector.broadcast %broadcast_in_dim3A_2207 : f32 to vector<16xf32>
    %get3A_2209 = arith.constant 22 : i32
    %get3A_2210 = arith.index_cast %get3A_2209 : i32 to index
    %get3A_2211 = arith.constant 0 : index
    %get3A_2212 = tpu.vector_load %arg5[%get3A_2210, %get3A_2211] {strides = array<i32>} : memref<32x128xf32, #tpu.memory_space<vmem>>, vector<16xf32>,
    %get3A_2213 = arith.constant 22 : i32
    %get3A_2214 = arith.index_cast %get3A_2213 : i32 to index
    %get3A_2215 = arith.constant 0 : index
    %get3A_2216 = tpu.vector_load %arg6[%get3A_2214, %get3A_2215] {strides = array<i32>} : memref<32x128xf32, #tpu.memory_space<vmem>>, vector<16xf32>,
    %sub3A_2217 = arith.subf %get3A_2212, %get3A_2216 : vector<16xf32>
    %mul3A_2218 = arith.mulf %sub3A_2217, %sub3A_2217 : vector<16xf32>
    %add3A_2219 = arith.addf %broadcast_in_dim3A_2208, %mul3A_2218 : vector<16xf32>
    %get3A_2220 = arith.constant 22 : i32
    %get3A_2221 = arith.index_cast %get3A_2220 : i32 to index
    %get3A_2222 = arith.constant 16 : index
    %get3A_2223 = tpu.vector_load %arg5[%get3A_2221, %get3A_2222] {strides = array<i32>} : memref<32x128xf32, #tpu.memory_space<vmem>>, vector<16xf32>,
    %get3A_2224 = arith.constant 22 : i32
    %get3A_2225 = arith.index_cast %get3A_2224 : i32 to index
    %get3A_2226 = arith.constant 16 : index
    %get3A_2227 = tpu.vector_load %arg6[%get3A_2225, %get3A_2226] {strides = array<i32>} : memref<32x128xf32, #tpu.memory_space<vmem>>, vector<16xf32>,
    %sub3A_2228 = arith.subf %get3A_2223, %get3A_2227 : vector<16xf32>
    %mul3A_2229 = arith.mulf %sub3A_2228, %sub3A_2228 : vector<16xf32>
    %add3A_2230 = arith.addf %add3A_2219, %mul3A_2229 : vector<16xf32>
    %get3A_2231 = arith.constant 22 : i32
    %get3A_2232 = arith.index_cast %get3A_2231 : i32 to index
    %get3A_2233 = arith.constant 32 : index
    %get3A_2234 = tpu.vector_load %arg5[%get3A_2232, %get3A_2233] {strides = array<i32>} : memref<32x128xf32, #tpu.memory_space<vmem>>, vector<16xf32>,
    %get3A_2235 = arith.constant 22 : i32
    %get3A_2236 = arith.index_cast %get3A_2235 : i32 to index
    %get3A_2237 = arith.constant 32 : index
    %get3A_2238 = tpu.vector_load %arg6[%get3A_2236, %get3A_2237] {strides = array<i32>} : memref<32x128xf32, #tpu.memory_space<vmem>>, vector<16xf32>,
    %sub3A_2239 = arith.subf %get3A_2234, %get3A_2238 : vector<16xf32>
    %mul3A_2240 = arith.mulf %sub3A_2239, %sub3A_2239 : vector<16xf32>
    %add3A_2241 = arith.addf %add3A_2230, %mul3A_2240 : vector<16xf32>
    %get3A_2242 = arith.constant 22 : i32
    %get3A_2243 = arith.index_cast %get3A_2242 : i32 to index
    %get3A_2244 = arith.constant 48 : index
    %get3A_2245 = tpu.vector_load %arg5[%get3A_2243, %get3A_2244] {strides = array<i32>} : memref<32x128xf32, #tpu.memory_space<vmem>>, vector<16xf32>,
    %get3A_2246 = arith.constant 22 : i32
    %get3A_2247 = arith.index_cast %get3A_2246 : i32 to index
    %get3A_2248 = arith.constant 48 : index
    %get3A_2249 = tpu.vector_load %arg6[%get3A_2247, %get3A_2248] {strides = array<i32>} : memref<32x128xf32, #tpu.memory_space<vmem>>, vector<16xf32>,
    %sub3A_2250 = arith.subf %get3A_2245, %get3A_2249 : vector<16xf32>
    %mul3A_2251 = arith.mulf %sub3A_2250, %sub3A_2250 : vector<16xf32>
    %add3A_2252 = arith.addf %add3A_2241, %mul3A_2251 : vector<16xf32>
    %get3A_2253 = arith.constant 22 : i32
    %get3A_2254 = arith.index_cast %get3A_2253 : i32 to index
    %get3A_2255 = arith.constant 64 : index
    %get3A_2256 = tpu.vector_load %arg5[%get3A_2254, %get3A_2255] {strides = array<i32>} : memref<32x128xf32, #tpu.memory_space<vmem>>, vector<16xf32>,
    %get3A_2257 = arith.constant 22 : i32
    %get3A_2258 = arith.index_cast %get3A_2257 : i32 to index
    %get3A_2259 = arith.constant 64 : index
    %get3A_2260 = tpu.vector_load %arg6[%get3A_2258, %get3A_2259] {strides = array<i32>} : memref<32x128xf32, #tpu.memory_space<vmem>>, vector<16xf32>,
    %sub3A_2261 = arith.subf %get3A_2256, %get3A_2260 : vector<16xf32>
    %mul3A_2262 = arith.mulf %sub3A_2261, %sub3A_2261 : vector<16xf32>
    %add3A_2263 = arith.addf %add3A_2252, %mul3A_2262 : vector<16xf32>
    %get3A_2264 = arith.constant 22 : i32
    %get3A_2265 = arith.index_cast %get3A_2264 : i32 to index
    %get3A_2266 = arith.constant 80 : index
    %get3A_2267 = tpu.vector_load %arg5[%get3A_2265, %get3A_2266] {strides = array<i32>} : memref<32x128xf32, #tpu.memory_space<vmem>>, vector<16xf32>,
    %get3A_2268 = arith.constant 22 : i32
    %get3A_2269 = arith.index_cast %get3A_2268 : i32 to index
    %get3A_2270 = arith.constant 80 : index
    %get3A_2271 = tpu.vector_load %arg6[%get3A_2269, %get3A_2270] {strides = array<i32>} : memref<32x128xf32, #tpu.memory_space<vmem>>, vector<16xf32>,
    %sub3A_2272 = arith.subf %get3A_2267, %get3A_2271 : vector<16xf32>
    %mul3A_2273 = arith.mulf %sub3A_2272, %sub3A_2272 : vector<16xf32>
    %add3A_2274 = arith.addf %add3A_2263, %mul3A_2273 : vector<16xf32>
    %get3A_2275 = arith.constant 22 : i32
    %get3A_2276 = arith.index_cast %get3A_2275 : i32 to index
    %get3A_2277 = arith.constant 96 : index
    %get3A_2278 = tpu.vector_load %arg5[%get3A_2276, %get3A_2277] {strides = array<i32>} : memref<32x128xf32, #tpu.memory_space<vmem>>, vector<16xf32>,
    %get3A_2279 = arith.constant 22 : i32
    %get3A_2280 = arith.index_cast %get3A_2279 : i32 to index
    %get3A_2281 = arith.constant 96 : index
    %get3A_2282 = tpu.vector_load %arg6[%get3A_2280, %get3A_2281] {strides = array<i32>} : memref<32x128xf32, #tpu.memory_space<vmem>>, vector<16xf32>,
    %sub3A_2283 = arith.subf %get3A_2278, %get3A_2282 : vector<16xf32>
    %mul3A_2284 = arith.mulf %sub3A_2283, %sub3A_2283 : vector<16xf32>
    %add3A_2285 = arith.addf %add3A_2274, %mul3A_2284 : vector<16xf32>
    %get3A_2286 = arith.constant 22 : i32
    %get3A_2287 = arith.index_cast %get3A_2286 : i32 to index
    %get3A_2288 = arith.constant 112 : index
    %get3A_2289 = tpu.vector_load %arg5[%get3A_2287, %get3A_2288] {strides = array<i32>} : memref<32x128xf32, #tpu.memory_space<vmem>>, vector<16xf32>,
    %get3A_2290 = arith.constant 22 : i32
    %get3A_2291 = arith.index_cast %get3A_2290 : i32 to index
    %get3A_2292 = arith.constant 112 : index
    %get3A_2293 = tpu.vector_load %arg6[%get3A_2291, %get3A_2292] {strides = array<i32>} : memref<32x128xf32, #tpu.memory_space<vmem>>, vector<16xf32>,
    %sub3A_2294 = arith.subf %get3A_2289, %get3A_2293 : vector<16xf32>
    %mul3A_2295 = arith.mulf %sub3A_2294, %sub3A_2294 : vector<16xf32>
    %add3A_2296 = arith.addf %add3A_2285, %mul3A_2295 : vector<16xf32>
    %reduce_sum3A_2297 = arith.constant true
    %reduce_sum3A_2298 = vector.broadcast %reduce_sum3A_2297 : i1 to vector<16xi1>
    %reduce_sum3A_2299 = tpu.scan <sum>, %add3A_2296 masked %reduce_sum3A_2298 : vector<16xf32>, vector<16xi1> -> vector<16xf32>
    %reduce_sum3A_2300 = vector.extract %reduce_sum3A_2299[15] : f32 from vector<16xf32>
    %broadcast_in_dim3A_2301 = vector.broadcast %reduce_sum3A_2300 : f32 to vector<16xf32>
    %broadcast_in_dim3A_2302 = arith.constant 6 : i32
    %broadcast_in_dim3A_2303 = vector.broadcast %broadcast_in_dim3A_2302 : i32 to vector<16xi32>
    %eq3A_2304 = arith.cmpi eq, %iota3A, %broadcast_in_dim3A_2303 : vector<16xi32>
    %select_n3A_2305 = arith.select %eq3A_2304, %broadcast_in_dim3A_2301, %select_n3A_2206 : vector<16xi1>, vector<16xf32>
    %broadcast_in_dim3A_2306 = arith.constant 0.000000e+00 : f32
    %broadcast_in_dim3A_2307 = vector.broadcast %broadcast_in_dim3A_2306 : f32 to vector<16xf32>
    %get3A_2308 = arith.constant 23 : i32
    %get3A_2309 = arith.index_cast %get3A_2308 : i32 to index
    %get3A_2310 = arith.constant 0 : index
    %get3A_2311 = tpu.vector_load %arg5[%get3A_2309, %get3A_2310] {strides = array<i32>} : memref<32x128xf32, #tpu.memory_space<vmem>>, vector<16xf32>,
    %get3A_2312 = arith.constant 23 : i32
    %get3A_2313 = arith.index_cast %get3A_2312 : i32 to index
    %get3A_2314 = arith.constant 0 : index
    %get3A_2315 = tpu.vector_load %arg6[%get3A_2313, %get3A_2314] {strides = array<i32>} : memref<32x128xf32, #tpu.memory_space<vmem>>, vector<16xf32>,
    %sub3A_2316 = arith.subf %get3A_2311, %get3A_2315 : vector<16xf32>
    %mul3A_2317 = arith.mulf %sub3A_2316, %sub3A_2316 : vector<16xf32>
    %add3A_2318 = arith.addf %broadcast_in_dim3A_2307, %mul3A_2317 : vector<16xf32>
    %get3A_2319 = arith.constant 23 : i32
    %get3A_2320 = arith.index_cast %get3A_2319 : i32 to index
    %get3A_2321 = arith.constant 16 : index
    %get3A_2322 = tpu.vector_load %arg5[%get3A_2320, %get3A_2321] {strides = array<i32>} : memref<32x128xf32, #tpu.memory_space<vmem>>, vector<16xf32>,
    %get3A_2323 = arith.constant 23 : i32
    %get3A_2324 = arith.index_cast %get3A_2323 : i32 to index
    %get3A_2325 = arith.constant 16 : index
    %get3A_2326 = tpu.vector_load %arg6[%get3A_2324, %get3A_2325] {strides = array<i32>} : memref<32x128xf32, #tpu.memory_space<vmem>>, vector<16xf32>,
    %sub3A_2327 = arith.subf %get3A_2322, %get3A_2326 : vector<16xf32>
    %mul3A_2328 = arith.mulf %sub3A_2327, %sub3A_2327 : vector<16xf32>
    %add3A_2329 = arith.addf %add3A_2318, %mul3A_2328 : vector<16xf32>
    %get3A_2330 = arith.constant 23 : i32
    %get3A_2331 = arith.index_cast %get3A_2330 : i32 to index
    %get3A_2332 = arith.constant 32 : index
    %get3A_2333 = tpu.vector_load %arg5[%get3A_2331, %get3A_2332] {strides = array<i32>} : memref<32x128xf32, #tpu.memory_space<vmem>>, vector<16xf32>,
    %get3A_2334 = arith.constant 23 : i32
    %get3A_2335 = arith.index_cast %get3A_2334 : i32 to index
    %get3A_2336 = arith.constant 32 : index
    %get3A_2337 = tpu.vector_load %arg6[%get3A_2335, %get3A_2336] {strides = array<i32>} : memref<32x128xf32, #tpu.memory_space<vmem>>, vector<16xf32>,
    %sub3A_2338 = arith.subf %get3A_2333, %get3A_2337 : vector<16xf32>
    %mul3A_2339 = arith.mulf %sub3A_2338, %sub3A_2338 : vector<16xf32>
    %add3A_2340 = arith.addf %add3A_2329, %mul3A_2339 : vector<16xf32>
    %get3A_2341 = arith.constant 23 : i32
    %get3A_2342 = arith.index_cast %get3A_2341 : i32 to index
    %get3A_2343 = arith.constant 48 : index
    %get3A_2344 = tpu.vector_load %arg5[%get3A_2342, %get3A_2343] {strides = array<i32>} : memref<32x128xf32, #tpu.memory_space<vmem>>, vector<16xf32>,
    %get3A_2345 = arith.constant 23 : i32
    %get3A_2346 = arith.index_cast %get3A_2345 : i32 to index
    %get3A_2347 = arith.constant 48 : index
    %get3A_2348 = tpu.vector_load %arg6[%get3A_2346, %get3A_2347] {strides = array<i32>} : memref<32x128xf32, #tpu.memory_space<vmem>>, vector<16xf32>,
    %sub3A_2349 = arith.subf %get3A_2344, %get3A_2348 : vector<16xf32>
    %mul3A_2350 = arith.mulf %sub3A_2349, %sub3A_2349 : vector<16xf32>
    %add3A_2351 = arith.addf %add3A_2340, %mul3A_2350 : vector<16xf32>
    %get3A_2352 = arith.constant 23 : i32
    %get3A_2353 = arith.index_cast %get3A_2352 : i32 to index
    %get3A_2354 = arith.constant 64 : index
    %get3A_2355 = tpu.vector_load %arg5[%get3A_2353, %get3A_2354] {strides = array<i32>} : memref<32x128xf32, #tpu.memory_space<vmem>>, vector<16xf32>,
    %get3A_2356 = arith.constant 23 : i32
    %get3A_2357 = arith.index_cast %get3A_2356 : i32 to index
    %get3A_2358 = arith.constant 64 : index
    %get3A_2359 = tpu.vector_load %arg6[%get3A_2357, %get3A_2358] {strides = array<i32>} : memref<32x128xf32, #tpu.memory_space<vmem>>, vector<16xf32>,
    %sub3A_2360 = arith.subf %get3A_2355, %get3A_2359 : vector<16xf32>
    %mul3A_2361 = arith.mulf %sub3A_2360, %sub3A_2360 : vector<16xf32>
    %add3A_2362 = arith.addf %add3A_2351, %mul3A_2361 : vector<16xf32>
    %get3A_2363 = arith.constant 23 : i32
    %get3A_2364 = arith.index_cast %get3A_2363 : i32 to index
    %get3A_2365 = arith.constant 80 : index
    %get3A_2366 = tpu.vector_load %arg5[%get3A_2364, %get3A_2365] {strides = array<i32>} : memref<32x128xf32, #tpu.memory_space<vmem>>, vector<16xf32>,
    %get3A_2367 = arith.constant 23 : i32
    %get3A_2368 = arith.index_cast %get3A_2367 : i32 to index
    %get3A_2369 = arith.constant 80 : index
    %get3A_2370 = tpu.vector_load %arg6[%get3A_2368, %get3A_2369] {strides = array<i32>} : memref<32x128xf32, #tpu.memory_space<vmem>>, vector<16xf32>,
    %sub3A_2371 = arith.subf %get3A_2366, %get3A_2370 : vector<16xf32>
    %mul3A_2372 = arith.mulf %sub3A_2371, %sub3A_2371 : vector<16xf32>
    %add3A_2373 = arith.addf %add3A_2362, %mul3A_2372 : vector<16xf32>
    %get3A_2374 = arith.constant 23 : i32
    %get3A_2375 = arith.index_cast %get3A_2374 : i32 to index
    %get3A_2376 = arith.constant 96 : index
    %get3A_2377 = tpu.vector_load %arg5[%get3A_2375, %get3A_2376] {strides = array<i32>} : memref<32x128xf32, #tpu.memory_space<vmem>>, vector<16xf32>,
    %get3A_2378 = arith.constant 23 : i32
    %get3A_2379 = arith.index_cast %get3A_2378 : i32 to index
    %get3A_2380 = arith.constant 96 : index
    %get3A_2381 = tpu.vector_load %arg6[%get3A_2379, %get3A_2380] {strides = array<i32>} : memref<32x128xf32, #tpu.memory_space<vmem>>, vector<16xf32>,
    %sub3A_2382 = arith.subf %get3A_2377, %get3A_2381 : vector<16xf32>
    %mul3A_2383 = arith.mulf %sub3A_2382, %sub3A_2382 : vector<16xf32>
    %add3A_2384 = arith.addf %add3A_2373, %mul3A_2383 : vector<16xf32>
    %get3A_2385 = arith.constant 23 : i32
    %get3A_2386 = arith.index_cast %get3A_2385 : i32 to index
    %get3A_2387 = arith.constant 112 : index
    %get3A_2388 = tpu.vector_load %arg5[%get3A_2386, %get3A_2387] {strides = array<i32>} : memref<32x128xf32, #tpu.memory_space<vmem>>, vector<16xf32>,
    %get3A_2389 = arith.constant 23 : i32
    %get3A_2390 = arith.index_cast %get3A_2389 : i32 to index
    %get3A_2391 = arith.constant 112 : index
    %get3A_2392 = tpu.vector_load %arg6[%get3A_2390, %get3A_2391] {strides = array<i32>} : memref<32x128xf32, #tpu.memory_space<vmem>>, vector<16xf32>,
    %sub3A_2393 = arith.subf %get3A_2388, %get3A_2392 : vector<16xf32>
    %mul3A_2394 = arith.mulf %sub3A_2393, %sub3A_2393 : vector<16xf32>
    %add3A_2395 = arith.addf %add3A_2384, %mul3A_2394 : vector<16xf32>
    %reduce_sum3A_2396 = arith.constant true
    %reduce_sum3A_2397 = vector.broadcast %reduce_sum3A_2396 : i1 to vector<16xi1>
    %reduce_sum3A_2398 = tpu.scan <sum>, %add3A_2395 masked %reduce_sum3A_2397 : vector<16xf32>, vector<16xi1> -> vector<16xf32>
    %reduce_sum3A_2399 = vector.extract %reduce_sum3A_2398[15] : f32 from vector<16xf32>
    %broadcast_in_dim3A_2400 = vector.broadcast %reduce_sum3A_2399 : f32 to vector<16xf32>
    %broadcast_in_dim3A_2401 = arith.constant 7 : i32
    %broadcast_in_dim3A_2402 = vector.broadcast %broadcast_in_dim3A_2401 : i32 to vector<16xi32>
    %eq3A_2403 = arith.cmpi eq, %iota3A, %broadcast_in_dim3A_2402 : vector<16xi32>
    %select_n3A_2404 = arith.select %eq3A_2403, %broadcast_in_dim3A_2400, %select_n3A_2305 : vector<16xi1>, vector<16xf32>
    %broadcast_in_dim3A_2405 = arith.constant 0.000000e+00 : f32
    %broadcast_in_dim3A_2406 = vector.broadcast %broadcast_in_dim3A_2405 : f32 to vector<16xf32>
    %get3A_2407 = arith.constant 24 : i32
    %get3A_2408 = arith.index_cast %get3A_2407 : i32 to index
    %get3A_2409 = arith.constant 0 : index
    %get3A_2410 = tpu.vector_load %arg5[%get3A_2408, %get3A_2409] {strides = array<i32>} : memref<32x128xf32, #tpu.memory_space<vmem>>, vector<16xf32>,
    %get3A_2411 = arith.constant 24 : i32
    %get3A_2412 = arith.index_cast %get3A_2411 : i32 to index
    %get3A_2413 = arith.constant 0 : index
    %get3A_2414 = tpu.vector_load %arg6[%get3A_2412, %get3A_2413] {strides = array<i32>} : memref<32x128xf32, #tpu.memory_space<vmem>>, vector<16xf32>,
    %sub3A_2415 = arith.subf %get3A_2410, %get3A_2414 : vector<16xf32>
    %mul3A_2416 = arith.mulf %sub3A_2415, %sub3A_2415 : vector<16xf32>
    %add3A_2417 = arith.addf %broadcast_in_dim3A_2406, %mul3A_2416 : vector<16xf32>
    %get3A_2418 = arith.constant 24 : i32
    %get3A_2419 = arith.index_cast %get3A_2418 : i32 to index
    %get3A_2420 = arith.constant 16 : index
    %get3A_2421 = tpu.vector_load %arg5[%get3A_2419, %get3A_2420] {strides = array<i32>} : memref<32x128xf32, #tpu.memory_space<vmem>>, vector<16xf32>,
    %get3A_2422 = arith.constant 24 : i32
    %get3A_2423 = arith.index_cast %get3A_2422 : i32 to index
    %get3A_2424 = arith.constant 16 : index
    %get3A_2425 = tpu.vector_load %arg6[%get3A_2423, %get3A_2424] {strides = array<i32>} : memref<32x128xf32, #tpu.memory_space<vmem>>, vector<16xf32>,
    %sub3A_2426 = arith.subf %get3A_2421, %get3A_2425 : vector<16xf32>
    %mul3A_2427 = arith.mulf %sub3A_2426, %sub3A_2426 : vector<16xf32>
    %add3A_2428 = arith.addf %add3A_2417, %mul3A_2427 : vector<16xf32>
    %get3A_2429 = arith.constant 24 : i32
    %get3A_2430 = arith.index_cast %get3A_2429 : i32 to index
    %get3A_2431 = arith.constant 32 : index
    %get3A_2432 = tpu.vector_load %arg5[%get3A_2430, %get3A_2431] {strides = array<i32>} : memref<32x128xf32, #tpu.memory_space<vmem>>, vector<16xf32>,
    %get3A_2433 = arith.constant 24 : i32
    %get3A_2434 = arith.index_cast %get3A_2433 : i32 to index
    %get3A_2435 = arith.constant 32 : index
    %get3A_2436 = tpu.vector_load %arg6[%get3A_2434, %get3A_2435] {strides = array<i32>} : memref<32x128xf32, #tpu.memory_space<vmem>>, vector<16xf32>,
    %sub3A_2437 = arith.subf %get3A_2432, %get3A_2436 : vector<16xf32>
    %mul3A_2438 = arith.mulf %sub3A_2437, %sub3A_2437 : vector<16xf32>
    %add3A_2439 = arith.addf %add3A_2428, %mul3A_2438 : vector<16xf32>
    %get3A_2440 = arith.constant 24 : i32
    %get3A_2441 = arith.index_cast %get3A_2440 : i32 to index
    %get3A_2442 = arith.constant 48 : index
    %get3A_2443 = tpu.vector_load %arg5[%get3A_2441, %get3A_2442] {strides = array<i32>} : memref<32x128xf32, #tpu.memory_space<vmem>>, vector<16xf32>,
    %get3A_2444 = arith.constant 24 : i32
    %get3A_2445 = arith.index_cast %get3A_2444 : i32 to index
    %get3A_2446 = arith.constant 48 : index
    %get3A_2447 = tpu.vector_load %arg6[%get3A_2445, %get3A_2446] {strides = array<i32>} : memref<32x128xf32, #tpu.memory_space<vmem>>, vector<16xf32>,
    %sub3A_2448 = arith.subf %get3A_2443, %get3A_2447 : vector<16xf32>
    %mul3A_2449 = arith.mulf %sub3A_2448, %sub3A_2448 : vector<16xf32>
    %add3A_2450 = arith.addf %add3A_2439, %mul3A_2449 : vector<16xf32>
    %get3A_2451 = arith.constant 24 : i32
    %get3A_2452 = arith.index_cast %get3A_2451 : i32 to index
    %get3A_2453 = arith.constant 64 : index
    %get3A_2454 = tpu.vector_load %arg5[%get3A_2452, %get3A_2453] {strides = array<i32>} : memref<32x128xf32, #tpu.memory_space<vmem>>, vector<16xf32>,
    %get3A_2455 = arith.constant 24 : i32
    %get3A_2456 = arith.index_cast %get3A_2455 : i32 to index
    %get3A_2457 = arith.constant 64 : index
    %get3A_2458 = tpu.vector_load %arg6[%get3A_2456, %get3A_2457] {strides = array<i32>} : memref<32x128xf32, #tpu.memory_space<vmem>>, vector<16xf32>,
    %sub3A_2459 = arith.subf %get3A_2454, %get3A_2458 : vector<16xf32>
    %mul3A_2460 = arith.mulf %sub3A_2459, %sub3A_2459 : vector<16xf32>
    %add3A_2461 = arith.addf %add3A_2450, %mul3A_2460 : vector<16xf32>
    %get3A_2462 = arith.constant 24 : i32
    %get3A_2463 = arith.index_cast %get3A_2462 : i32 to index
    %get3A_2464 = arith.constant 80 : index
    %get3A_2465 = tpu.vector_load %arg5[%get3A_2463, %get3A_2464] {strides = array<i32>} : memref<32x128xf32, #tpu.memory_space<vmem>>, vector<16xf32>,
    %get3A_2466 = arith.constant 24 : i32
    %get3A_2467 = arith.index_cast %get3A_2466 : i32 to index
    %get3A_2468 = arith.constant 80 : index
    %get3A_2469 = tpu.vector_load %arg6[%get3A_2467, %get3A_2468] {strides = array<i32>} : memref<32x128xf32, #tpu.memory_space<vmem>>, vector<16xf32>,
    %sub3A_2470 = arith.subf %get3A_2465, %get3A_2469 : vector<16xf32>
    %mul3A_2471 = arith.mulf %sub3A_2470, %sub3A_2470 : vector<16xf32>
    %add3A_2472 = arith.addf %add3A_2461, %mul3A_2471 : vector<16xf32>
    %get3A_2473 = arith.constant 24 : i32
    %get3A_2474 = arith.index_cast %get3A_2473 : i32 to index
    %get3A_2475 = arith.constant 96 : index
    %get3A_2476 = tpu.vector_load %arg5[%get3A_2474, %get3A_2475] {strides = array<i32>} : memref<32x128xf32, #tpu.memory_space<vmem>>, vector<16xf32>,
    %get3A_2477 = arith.constant 24 : i32
    %get3A_2478 = arith.index_cast %get3A_2477 : i32 to index
    %get3A_2479 = arith.constant 96 : index
    %get3A_2480 = tpu.vector_load %arg6[%get3A_2478, %get3A_2479] {strides = array<i32>} : memref<32x128xf32, #tpu.memory_space<vmem>>, vector<16xf32>,
    %sub3A_2481 = arith.subf %get3A_2476, %get3A_2480 : vector<16xf32>
    %mul3A_2482 = arith.mulf %sub3A_2481, %sub3A_2481 : vector<16xf32>
    %add3A_2483 = arith.addf %add3A_2472, %mul3A_2482 : vector<16xf32>
    %get3A_2484 = arith.constant 24 : i32
    %get3A_2485 = arith.index_cast %get3A_2484 : i32 to index
    %get3A_2486 = arith.constant 112 : index
    %get3A_2487 = tpu.vector_load %arg5[%get3A_2485, %get3A_2486] {strides = array<i32>} : memref<32x128xf32, #tpu.memory_space<vmem>>, vector<16xf32>,
    %get3A_2488 = arith.constant 24 : i32
    %get3A_2489 = arith.index_cast %get3A_2488 : i32 to index
    %get3A_2490 = arith.constant 112 : index
    %get3A_2491 = tpu.vector_load %arg6[%get3A_2489, %get3A_2490] {strides = array<i32>} : memref<32x128xf32, #tpu.memory_space<vmem>>, vector<16xf32>,
    %sub3A_2492 = arith.subf %get3A_2487, %get3A_2491 : vector<16xf32>
    %mul3A_2493 = arith.mulf %sub3A_2492, %sub3A_2492 : vector<16xf32>
    %add3A_2494 = arith.addf %add3A_2483, %mul3A_2493 : vector<16xf32>
    %reduce_sum3A_2495 = arith.constant true
    %reduce_sum3A_2496 = vector.broadcast %reduce_sum3A_2495 : i1 to vector<16xi1>
    %reduce_sum3A_2497 = tpu.scan <sum>, %add3A_2494 masked %reduce_sum3A_2496 : vector<16xf32>, vector<16xi1> -> vector<16xf32>
    %reduce_sum3A_2498 = vector.extract %reduce_sum3A_2497[15] : f32 from vector<16xf32>
    %broadcast_in_dim3A_2499 = vector.broadcast %reduce_sum3A_2498 : f32 to vector<16xf32>
    %broadcast_in_dim3A_2500 = arith.constant 8 : i32
    %broadcast_in_dim3A_2501 = vector.broadcast %broadcast_in_dim3A_2500 : i32 to vector<16xi32>
    %eq3A_2502 = arith.cmpi eq, %iota3A, %broadcast_in_dim3A_2501 : vector<16xi32>
    %select_n3A_2503 = arith.select %eq3A_2502, %broadcast_in_dim3A_2499, %select_n3A_2404 : vector<16xi1>, vector<16xf32>
    %broadcast_in_dim3A_2504 = arith.constant 0.000000e+00 : f32
    %broadcast_in_dim3A_2505 = vector.broadcast %broadcast_in_dim3A_2504 : f32 to vector<16xf32>
    %get3A_2506 = arith.constant 25 : i32
    %get3A_2507 = arith.index_cast %get3A_2506 : i32 to index
    %get3A_2508 = arith.constant 0 : index
    %get3A_2509 = tpu.vector_load %arg5[%get3A_2507, %get3A_2508] {strides = array<i32>} : memref<32x128xf32, #tpu.memory_space<vmem>>, vector<16xf32>,
    %get3A_2510 = arith.constant 25 : i32
    %get3A_2511 = arith.index_cast %get3A_2510 : i32 to index
    %get3A_2512 = arith.constant 0 : index
    %get3A_2513 = tpu.vector_load %arg6[%get3A_2511, %get3A_2512] {strides = array<i32>} : memref<32x128xf32, #tpu.memory_space<vmem>>, vector<16xf32>,
    %sub3A_2514 = arith.subf %get3A_2509, %get3A_2513 : vector<16xf32>
    %mul3A_2515 = arith.mulf %sub3A_2514, %sub3A_2514 : vector<16xf32>
    %add3A_2516 = arith.addf %broadcast_in_dim3A_2505, %mul3A_2515 : vector<16xf32>
    %get3A_2517 = arith.constant 25 : i32
    %get3A_2518 = arith.index_cast %get3A_2517 : i32 to index
    %get3A_2519 = arith.constant 16 : index
    %get3A_2520 = tpu.vector_load %arg5[%get3A_2518, %get3A_2519] {strides = array<i32>} : memref<32x128xf32, #tpu.memory_space<vmem>>, vector<16xf32>,
    %get3A_2521 = arith.constant 25 : i32
    %get3A_2522 = arith.index_cast %get3A_2521 : i32 to index
    %get3A_2523 = arith.constant 16 : index
    %get3A_2524 = tpu.vector_load %arg6[%get3A_2522, %get3A_2523] {strides = array<i32>} : memref<32x128xf32, #tpu.memory_space<vmem>>, vector<16xf32>,
    %sub3A_2525 = arith.subf %get3A_2520, %get3A_2524 : vector<16xf32>
    %mul3A_2526 = arith.mulf %sub3A_2525, %sub3A_2525 : vector<16xf32>
    %add3A_2527 = arith.addf %add3A_2516, %mul3A_2526 : vector<16xf32>
    %get3A_2528 = arith.constant 25 : i32
    %get3A_2529 = arith.index_cast %get3A_2528 : i32 to index
    %get3A_2530 = arith.constant 32 : index
    %get3A_2531 = tpu.vector_load %arg5[%get3A_2529, %get3A_2530] {strides = array<i32>} : memref<32x128xf32, #tpu.memory_space<vmem>>, vector<16xf32>,
    %get3A_2532 = arith.constant 25 : i32
    %get3A_2533 = arith.index_cast %get3A_2532 : i32 to index
    %get3A_2534 = arith.constant 32 : index
    %get3A_2535 = tpu.vector_load %arg6[%get3A_2533, %get3A_2534] {strides = array<i32>} : memref<32x128xf32, #tpu.memory_space<vmem>>, vector<16xf32>,
    %sub3A_2536 = arith.subf %get3A_2531, %get3A_2535 : vector<16xf32>
    %mul3A_2537 = arith.mulf %sub3A_2536, %sub3A_2536 : vector<16xf32>
    %add3A_2538 = arith.addf %add3A_2527, %mul3A_2537 : vector<16xf32>
    %get3A_2539 = arith.constant 25 : i32
    %get3A_2540 = arith.index_cast %get3A_2539 : i32 to index
    %get3A_2541 = arith.constant 48 : index
    %get3A_2542 = tpu.vector_load %arg5[%get3A_2540, %get3A_2541] {strides = array<i32>} : memref<32x128xf32, #tpu.memory_space<vmem>>, vector<16xf32>,
    %get3A_2543 = arith.constant 25 : i32
    %get3A_2544 = arith.index_cast %get3A_2543 : i32 to index
    %get3A_2545 = arith.constant 48 : index
    %get3A_2546 = tpu.vector_load %arg6[%get3A_2544, %get3A_2545] {strides = array<i32>} : memref<32x128xf32, #tpu.memory_space<vmem>>, vector<16xf32>,
    %sub3A_2547 = arith.subf %get3A_2542, %get3A_2546 : vector<16xf32>
    %mul3A_2548 = arith.mulf %sub3A_2547, %sub3A_2547 : vector<16xf32>
    %add3A_2549 = arith.addf %add3A_2538, %mul3A_2548 : vector<16xf32>
    %get3A_2550 = arith.constant 25 : i32
    %get3A_2551 = arith.index_cast %get3A_2550 : i32 to index
    %get3A_2552 = arith.constant 64 : index
    %get3A_2553 = tpu.vector_load %arg5[%get3A_2551, %get3A_2552] {strides = array<i32>} : memref<32x128xf32, #tpu.memory_space<vmem>>, vector<16xf32>,
    %get3A_2554 = arith.constant 25 : i32
    %get3A_2555 = arith.index_cast %get3A_2554 : i32 to index
    %get3A_2556 = arith.constant 64 : index
    %get3A_2557 = tpu.vector_load %arg6[%get3A_2555, %get3A_2556] {strides = array<i32>} : memref<32x128xf32, #tpu.memory_space<vmem>>, vector<16xf32>,
    %sub3A_2558 = arith.subf %get3A_2553, %get3A_2557 : vector<16xf32>
    %mul3A_2559 = arith.mulf %sub3A_2558, %sub3A_2558 : vector<16xf32>
    %add3A_2560 = arith.addf %add3A_2549, %mul3A_2559 : vector<16xf32>
    %get3A_2561 = arith.constant 25 : i32
    %get3A_2562 = arith.index_cast %get3A_2561 : i32 to index
    %get3A_2563 = arith.constant 80 : index
    %get3A_2564 = tpu.vector_load %arg5[%get3A_2562, %get3A_2563] {strides = array<i32>} : memref<32x128xf32, #tpu.memory_space<vmem>>, vector<16xf32>,
    %get3A_2565 = arith.constant 25 : i32
    %get3A_2566 = arith.index_cast %get3A_2565 : i32 to index
    %get3A_2567 = arith.constant 80 : index
    %get3A_2568 = tpu.vector_load %arg6[%get3A_2566, %get3A_2567] {strides = array<i32>} : memref<32x128xf32, #tpu.memory_space<vmem>>, vector<16xf32>,
    %sub3A_2569 = arith.subf %get3A_2564, %get3A_2568 : vector<16xf32>
    %mul3A_2570 = arith.mulf %sub3A_2569, %sub3A_2569 : vector<16xf32>
    %add3A_2571 = arith.addf %add3A_2560, %mul3A_2570 : vector<16xf32>
    %get3A_2572 = arith.constant 25 : i32
    %get3A_2573 = arith.index_cast %get3A_2572 : i32 to index
    %get3A_2574 = arith.constant 96 : index
    %get3A_2575 = tpu.vector_load %arg5[%get3A_2573, %get3A_2574] {strides = array<i32>} : memref<32x128xf32, #tpu.memory_space<vmem>>, vector<16xf32>,
    %get3A_2576 = arith.constant 25 : i32
    %get3A_2577 = arith.index_cast %get3A_2576 : i32 to index
    %get3A_2578 = arith.constant 96 : index
    %get3A_2579 = tpu.vector_load %arg6[%get3A_2577, %get3A_2578] {strides = array<i32>} : memref<32x128xf32, #tpu.memory_space<vmem>>, vector<16xf32>,
    %sub3A_2580 = arith.subf %get3A_2575, %get3A_2579 : vector<16xf32>
    %mul3A_2581 = arith.mulf %sub3A_2580, %sub3A_2580 : vector<16xf32>
    %add3A_2582 = arith.addf %add3A_2571, %mul3A_2581 : vector<16xf32>
    %get3A_2583 = arith.constant 25 : i32
    %get3A_2584 = arith.index_cast %get3A_2583 : i32 to index
    %get3A_2585 = arith.constant 112 : index
    %get3A_2586 = tpu.vector_load %arg5[%get3A_2584, %get3A_2585] {strides = array<i32>} : memref<32x128xf32, #tpu.memory_space<vmem>>, vector<16xf32>,
    %get3A_2587 = arith.constant 25 : i32
    %get3A_2588 = arith.index_cast %get3A_2587 : i32 to index
    %get3A_2589 = arith.constant 112 : index
    %get3A_2590 = tpu.vector_load %arg6[%get3A_2588, %get3A_2589] {strides = array<i32>} : memref<32x128xf32, #tpu.memory_space<vmem>>, vector<16xf32>,
    %sub3A_2591 = arith.subf %get3A_2586, %get3A_2590 : vector<16xf32>
    %mul3A_2592 = arith.mulf %sub3A_2591, %sub3A_2591 : vector<16xf32>
    %add3A_2593 = arith.addf %add3A_2582, %mul3A_2592 : vector<16xf32>
    %reduce_sum3A_2594 = arith.constant true
    %reduce_sum3A_2595 = vector.broadcast %reduce_sum3A_2594 : i1 to vector<16xi1>
    %reduce_sum3A_2596 = tpu.scan <sum>, %add3A_2593 masked %reduce_sum3A_2595 : vector<16xf32>, vector<16xi1> -> vector<16xf32>
    %reduce_sum3A_2597 = vector.extract %reduce_sum3A_2596[15] : f32 from vector<16xf32>
    %broadcast_in_dim3A_2598 = vector.broadcast %reduce_sum3A_2597 : f32 to vector<16xf32>
    %broadcast_in_dim3A_2599 = arith.constant 9 : i32
    %broadcast_in_dim3A_2600 = vector.broadcast %broadcast_in_dim3A_2599 : i32 to vector<16xi32>
    %eq3A_2601 = arith.cmpi eq, %iota3A, %broadcast_in_dim3A_2600 : vector<16xi32>
    %select_n3A_2602 = arith.select %eq3A_2601, %broadcast_in_dim3A_2598, %select_n3A_2503 : vector<16xi1>, vector<16xf32>
    %broadcast_in_dim3A_2603 = arith.constant 0.000000e+00 : f32
    %broadcast_in_dim3A_2604 = vector.broadcast %broadcast_in_dim3A_2603 : f32 to vector<16xf32>
    %get3A_2605 = arith.constant 26 : i32
    %get3A_2606 = arith.index_cast %get3A_2605 : i32 to index
    %get3A_2607 = arith.constant 0 : index
    %get3A_2608 = tpu.vector_load %arg5[%get3A_2606, %get3A_2607] {strides = array<i32>} : memref<32x128xf32, #tpu.memory_space<vmem>>, vector<16xf32>,
    %get3A_2609 = arith.constant 26 : i32
    %get3A_2610 = arith.index_cast %get3A_2609 : i32 to index
    %get3A_2611 = arith.constant 0 : index
    %get3A_2612 = tpu.vector_load %arg6[%get3A_2610, %get3A_2611] {strides = array<i32>} : memref<32x128xf32, #tpu.memory_space<vmem>>, vector<16xf32>,
    %sub3A_2613 = arith.subf %get3A_2608, %get3A_2612 : vector<16xf32>
    %mul3A_2614 = arith.mulf %sub3A_2613, %sub3A_2613 : vector<16xf32>
    %add3A_2615 = arith.addf %broadcast_in_dim3A_2604, %mul3A_2614 : vector<16xf32>
    %get3A_2616 = arith.constant 26 : i32
    %get3A_2617 = arith.index_cast %get3A_2616 : i32 to index
    %get3A_2618 = arith.constant 16 : index
    %get3A_2619 = tpu.vector_load %arg5[%get3A_2617, %get3A_2618] {strides = array<i32>} : memref<32x128xf32, #tpu.memory_space<vmem>>, vector<16xf32>,
    %get3A_2620 = arith.constant 26 : i32
    %get3A_2621 = arith.index_cast %get3A_2620 : i32 to index
    %get3A_2622 = arith.constant 16 : index
    %get3A_2623 = tpu.vector_load %arg6[%get3A_2621, %get3A_2622] {strides = array<i32>} : memref<32x128xf32, #tpu.memory_space<vmem>>, vector<16xf32>,
    %sub3A_2624 = arith.subf %get3A_2619, %get3A_2623 : vector<16xf32>
    %mul3A_2625 = arith.mulf %sub3A_2624, %sub3A_2624 : vector<16xf32>
    %add3A_2626 = arith.addf %add3A_2615, %mul3A_2625 : vector<16xf32>
    %get3A_2627 = arith.constant 26 : i32
    %get3A_2628 = arith.index_cast %get3A_2627 : i32 to index
    %get3A_2629 = arith.constant 32 : index
    %get3A_2630 = tpu.vector_load %arg5[%get3A_2628, %get3A_2629] {strides = array<i32>} : memref<32x128xf32, #tpu.memory_space<vmem>>, vector<16xf32>,
    %get3A_2631 = arith.constant 26 : i32
    %get3A_2632 = arith.index_cast %get3A_2631 : i32 to index
    %get3A_2633 = arith.constant 32 : index
    %get3A_2634 = tpu.vector_load %arg6[%get3A_2632, %get3A_2633] {strides = array<i32>} : memref<32x128xf32, #tpu.memory_space<vmem>>, vector<16xf32>,
    %sub3A_2635 = arith.subf %get3A_2630, %get3A_2634 : vector<16xf32>
    %mul3A_2636 = arith.mulf %sub3A_2635, %sub3A_2635 : vector<16xf32>
    %add3A_2637 = arith.addf %add3A_2626, %mul3A_2636 : vector<16xf32>
    %get3A_2638 = arith.constant 26 : i32
    %get3A_2639 = arith.index_cast %get3A_2638 : i32 to index
    %get3A_2640 = arith.constant 48 : index
    %get3A_2641 = tpu.vector_load %arg5[%get3A_2639, %get3A_2640] {strides = array<i32>} : memref<32x128xf32, #tpu.memory_space<vmem>>, vector<16xf32>,
    %get3A_2642 = arith.constant 26 : i32
    %get3A_2643 = arith.index_cast %get3A_2642 : i32 to index
    %get3A_2644 = arith.constant 48 : index
    %get3A_2645 = tpu.vector_load %arg6[%get3A_2643, %get3A_2644] {strides = array<i32>} : memref<32x128xf32, #tpu.memory_space<vmem>>, vector<16xf32>,
    %sub3A_2646 = arith.subf %get3A_2641, %get3A_2645 : vector<16xf32>
    %mul3A_2647 = arith.mulf %sub3A_2646, %sub3A_2646 : vector<16xf32>
    %add3A_2648 = arith.addf %add3A_2637, %mul3A_2647 : vector<16xf32>
    %get3A_2649 = arith.constant 26 : i32
    %get3A_2650 = arith.index_cast %get3A_2649 : i32 to index
    %get3A_2651 = arith.constant 64 : index
    %get3A_2652 = tpu.vector_load %arg5[%get3A_2650, %get3A_2651] {strides = array<i32>} : memref<32x128xf32, #tpu.memory_space<vmem>>, vector<16xf32>,
    %get3A_2653 = arith.constant 26 : i32
    %get3A_2654 = arith.index_cast %get3A_2653 : i32 to index
    %get3A_2655 = arith.constant 64 : index
    %get3A_2656 = tpu.vector_load %arg6[%get3A_2654, %get3A_2655] {strides = array<i32>} : memref<32x128xf32, #tpu.memory_space<vmem>>, vector<16xf32>,
    %sub3A_2657 = arith.subf %get3A_2652, %get3A_2656 : vector<16xf32>
    %mul3A_2658 = arith.mulf %sub3A_2657, %sub3A_2657 : vector<16xf32>
    %add3A_2659 = arith.addf %add3A_2648, %mul3A_2658 : vector<16xf32>
    %get3A_2660 = arith.constant 26 : i32
    %get3A_2661 = arith.index_cast %get3A_2660 : i32 to index
    %get3A_2662 = arith.constant 80 : index
    %get3A_2663 = tpu.vector_load %arg5[%get3A_2661, %get3A_2662] {strides = array<i32>} : memref<32x128xf32, #tpu.memory_space<vmem>>, vector<16xf32>,
    %get3A_2664 = arith.constant 26 : i32
    %get3A_2665 = arith.index_cast %get3A_2664 : i32 to index
    %get3A_2666 = arith.constant 80 : index
    %get3A_2667 = tpu.vector_load %arg6[%get3A_2665, %get3A_2666] {strides = array<i32>} : memref<32x128xf32, #tpu.memory_space<vmem>>, vector<16xf32>,
    %sub3A_2668 = arith.subf %get3A_2663, %get3A_2667 : vector<16xf32>
    %mul3A_2669 = arith.mulf %sub3A_2668, %sub3A_2668 : vector<16xf32>
    %add3A_2670 = arith.addf %add3A_2659, %mul3A_2669 : vector<16xf32>
    %get3A_2671 = arith.constant 26 : i32
    %get3A_2672 = arith.index_cast %get3A_2671 : i32 to index
    %get3A_2673 = arith.constant 96 : index
    %get3A_2674 = tpu.vector_load %arg5[%get3A_2672, %get3A_2673] {strides = array<i32>} : memref<32x128xf32, #tpu.memory_space<vmem>>, vector<16xf32>,
    %get3A_2675 = arith.constant 26 : i32
    %get3A_2676 = arith.index_cast %get3A_2675 : i32 to index
    %get3A_2677 = arith.constant 96 : index
    %get3A_2678 = tpu.vector_load %arg6[%get3A_2676, %get3A_2677] {strides = array<i32>} : memref<32x128xf32, #tpu.memory_space<vmem>>, vector<16xf32>,
    %sub3A_2679 = arith.subf %get3A_2674, %get3A_2678 : vector<16xf32>
    %mul3A_2680 = arith.mulf %sub3A_2679, %sub3A_2679 : vector<16xf32>
    %add3A_2681 = arith.addf %add3A_2670, %mul3A_2680 : vector<16xf32>
    %get3A_2682 = arith.constant 26 : i32
    %get3A_2683 = arith.index_cast %get3A_2682 : i32 to index
    %get3A_2684 = arith.constant 112 : index
    %get3A_2685 = tpu.vector_load %arg5[%get3A_2683, %get3A_2684] {strides = array<i32>} : memref<32x128xf32, #tpu.memory_space<vmem>>, vector<16xf32>,
    %get3A_2686 = arith.constant 26 : i32
    %get3A_2687 = arith.index_cast %get3A_2686 : i32 to index
    %get3A_2688 = arith.constant 112 : index
    %get3A_2689 = tpu.vector_load %arg6[%get3A_2687, %get3A_2688] {strides = array<i32>} : memref<32x128xf32, #tpu.memory_space<vmem>>, vector<16xf32>,
    %sub3A_2690 = arith.subf %get3A_2685, %get3A_2689 : vector<16xf32>
    %mul3A_2691 = arith.mulf %sub3A_2690, %sub3A_2690 : vector<16xf32>
    %add3A_2692 = arith.addf %add3A_2681, %mul3A_2691 : vector<16xf32>
    %reduce_sum3A_2693 = arith.constant true
    %reduce_sum3A_2694 = vector.broadcast %reduce_sum3A_2693 : i1 to vector<16xi1>
    %reduce_sum3A_2695 = tpu.scan <sum>, %add3A_2692 masked %reduce_sum3A_2694 : vector<16xf32>, vector<16xi1> -> vector<16xf32>
    %reduce_sum3A_2696 = vector.extract %reduce_sum3A_2695[15] : f32 from vector<16xf32>
    %broadcast_in_dim3A_2697 = vector.broadcast %reduce_sum3A_2696 : f32 to vector<16xf32>
    %broadcast_in_dim3A_2698 = arith.constant 10 : i32
    %broadcast_in_dim3A_2699 = vector.broadcast %broadcast_in_dim3A_2698 : i32 to vector<16xi32>
    %eq3A_2700 = arith.cmpi eq, %iota3A, %broadcast_in_dim3A_2699 : vector<16xi32>
    %select_n3A_2701 = arith.select %eq3A_2700, %broadcast_in_dim3A_2697, %select_n3A_2602 : vector<16xi1>, vector<16xf32>
    %broadcast_in_dim3A_2702 = arith.constant 0.000000e+00 : f32
    %broadcast_in_dim3A_2703 = vector.broadcast %broadcast_in_dim3A_2702 : f32 to vector<16xf32>
    %get3A_2704 = arith.constant 27 : i32
    %get3A_2705 = arith.index_cast %get3A_2704 : i32 to index
    %get3A_2706 = arith.constant 0 : index
    %get3A_2707 = tpu.vector_load %arg5[%get3A_2705, %get3A_2706] {strides = array<i32>} : memref<32x128xf32, #tpu.memory_space<vmem>>, vector<16xf32>,
    %get3A_2708 = arith.constant 27 : i32
    %get3A_2709 = arith.index_cast %get3A_2708 : i32 to index
    %get3A_2710 = arith.constant 0 : index
    %get3A_2711 = tpu.vector_load %arg6[%get3A_2709, %get3A_2710] {strides = array<i32>} : memref<32x128xf32, #tpu.memory_space<vmem>>, vector<16xf32>,
    %sub3A_2712 = arith.subf %get3A_2707, %get3A_2711 : vector<16xf32>
    %mul3A_2713 = arith.mulf %sub3A_2712, %sub3A_2712 : vector<16xf32>
    %add3A_2714 = arith.addf %broadcast_in_dim3A_2703, %mul3A_2713 : vector<16xf32>
    %get3A_2715 = arith.constant 27 : i32
    %get3A_2716 = arith.index_cast %get3A_2715 : i32 to index
    %get3A_2717 = arith.constant 16 : index
    %get3A_2718 = tpu.vector_load %arg5[%get3A_2716, %get3A_2717] {strides = array<i32>} : memref<32x128xf32, #tpu.memory_space<vmem>>, vector<16xf32>,
    %get3A_2719 = arith.constant 27 : i32
    %get3A_2720 = arith.index_cast %get3A_2719 : i32 to index
    %get3A_2721 = arith.constant 16 : index
    %get3A_2722 = tpu.vector_load %arg6[%get3A_2720, %get3A_2721] {strides = array<i32>} : memref<32x128xf32, #tpu.memory_space<vmem>>, vector<16xf32>,
    %sub3A_2723 = arith.subf %get3A_2718, %get3A_2722 : vector<16xf32>
    %mul3A_2724 = arith.mulf %sub3A_2723, %sub3A_2723 : vector<16xf32>
    %add3A_2725 = arith.addf %add3A_2714, %mul3A_2724 : vector<16xf32>
    %get3A_2726 = arith.constant 27 : i32
    %get3A_2727 = arith.index_cast %get3A_2726 : i32 to index
    %get3A_2728 = arith.constant 32 : index
    %get3A_2729 = tpu.vector_load %arg5[%get3A_2727, %get3A_2728] {strides = array<i32>} : memref<32x128xf32, #tpu.memory_space<vmem>>, vector<16xf32>,
    %get3A_2730 = arith.constant 27 : i32
    %get3A_2731 = arith.index_cast %get3A_2730 : i32 to index
    %get3A_2732 = arith.constant 32 : index
    %get3A_2733 = tpu.vector_load %arg6[%get3A_2731, %get3A_2732] {strides = array<i32>} : memref<32x128xf32, #tpu.memory_space<vmem>>, vector<16xf32>,
    %sub3A_2734 = arith.subf %get3A_2729, %get3A_2733 : vector<16xf32>
    %mul3A_2735 = arith.mulf %sub3A_2734, %sub3A_2734 : vector<16xf32>
    %add3A_2736 = arith.addf %add3A_2725, %mul3A_2735 : vector<16xf32>
    %get3A_2737 = arith.constant 27 : i32
    %get3A_2738 = arith.index_cast %get3A_2737 : i32 to index
    %get3A_2739 = arith.constant 48 : index
    %get3A_2740 = tpu.vector_load %arg5[%get3A_2738, %get3A_2739] {strides = array<i32>} : memref<32x128xf32, #tpu.memory_space<vmem>>, vector<16xf32>,
    %get3A_2741 = arith.constant 27 : i32
    %get3A_2742 = arith.index_cast %get3A_2741 : i32 to index
    %get3A_2743 = arith.constant 48 : index
    %get3A_2744 = tpu.vector_load %arg6[%get3A_2742, %get3A_2743] {strides = array<i32>} : memref<32x128xf32, #tpu.memory_space<vmem>>, vector<16xf32>,
    %sub3A_2745 = arith.subf %get3A_2740, %get3A_2744 : vector<16xf32>
    %mul3A_2746 = arith.mulf %sub3A_2745, %sub3A_2745 : vector<16xf32>
    %add3A_2747 = arith.addf %add3A_2736, %mul3A_2746 : vector<16xf32>
    %get3A_2748 = arith.constant 27 : i32
    %get3A_2749 = arith.index_cast %get3A_2748 : i32 to index
    %get3A_2750 = arith.constant 64 : index
    %get3A_2751 = tpu.vector_load %arg5[%get3A_2749, %get3A_2750] {strides = array<i32>} : memref<32x128xf32, #tpu.memory_space<vmem>>, vector<16xf32>,
    %get3A_2752 = arith.constant 27 : i32
    %get3A_2753 = arith.index_cast %get3A_2752 : i32 to index
    %get3A_2754 = arith.constant 64 : index
    %get3A_2755 = tpu.vector_load %arg6[%get3A_2753, %get3A_2754] {strides = array<i32>} : memref<32x128xf32, #tpu.memory_space<vmem>>, vector<16xf32>,
    %sub3A_2756 = arith.subf %get3A_2751, %get3A_2755 : vector<16xf32>
    %mul3A_2757 = arith.mulf %sub3A_2756, %sub3A_2756 : vector<16xf32>
    %add3A_2758 = arith.addf %add3A_2747, %mul3A_2757 : vector<16xf32>
    %get3A_2759 = arith.constant 27 : i32
    %get3A_2760 = arith.index_cast %get3A_2759 : i32 to index
    %get3A_2761 = arith.constant 80 : index
    %get3A_2762 = tpu.vector_load %arg5[%get3A_2760, %get3A_2761] {strides = array<i32>} : memref<32x128xf32, #tpu.memory_space<vmem>>, vector<16xf32>,
    %get3A_2763 = arith.constant 27 : i32
    %get3A_2764 = arith.index_cast %get3A_2763 : i32 to index
    %get3A_2765 = arith.constant 80 : index
    %get3A_2766 = tpu.vector_load %arg6[%get3A_2764, %get3A_2765] {strides = array<i32>} : memref<32x128xf32, #tpu.memory_space<vmem>>, vector<16xf32>,
    %sub3A_2767 = arith.subf %get3A_2762, %get3A_2766 : vector<16xf32>
    %mul3A_2768 = arith.mulf %sub3A_2767, %sub3A_2767 : vector<16xf32>
    %add3A_2769 = arith.addf %add3A_2758, %mul3A_2768 : vector<16xf32>
    %get3A_2770 = arith.constant 27 : i32
    %get3A_2771 = arith.index_cast %get3A_2770 : i32 to index
    %get3A_2772 = arith.constant 96 : index
    %get3A_2773 = tpu.vector_load %arg5[%get3A_2771, %get3A_2772] {strides = array<i32>} : memref<32x128xf32, #tpu.memory_space<vmem>>, vector<16xf32>,
    %get3A_2774 = arith.constant 27 : i32
    %get3A_2775 = arith.index_cast %get3A_2774 : i32 to index
    %get3A_2776 = arith.constant 96 : index
    %get3A_2777 = tpu.vector_load %arg6[%get3A_2775, %get3A_2776] {strides = array<i32>} : memref<32x128xf32, #tpu.memory_space<vmem>>, vector<16xf32>,
    %sub3A_2778 = arith.subf %get3A_2773, %get3A_2777 : vector<16xf32>
    %mul3A_2779 = arith.mulf %sub3A_2778, %sub3A_2778 : vector<16xf32>
    %add3A_2780 = arith.addf %add3A_2769, %mul3A_2779 : vector<16xf32>
    %get3A_2781 = arith.constant 27 : i32
    %get3A_2782 = arith.index_cast %get3A_2781 : i32 to index
    %get3A_2783 = arith.constant 112 : index
    %get3A_2784 = tpu.vector_load %arg5[%get3A_2782, %get3A_2783] {strides = array<i32>} : memref<32x128xf32, #tpu.memory_space<vmem>>, vector<16xf32>,
    %get3A_2785 = arith.constant 27 : i32
    %get3A_2786 = arith.index_cast %get3A_2785 : i32 to index
    %get3A_2787 = arith.constant 112 : index
    %get3A_2788 = tpu.vector_load %arg6[%get3A_2786, %get3A_2787] {strides = array<i32>} : memref<32x128xf32, #tpu.memory_space<vmem>>, vector<16xf32>,
    %sub3A_2789 = arith.subf %get3A_2784, %get3A_2788 : vector<16xf32>
    %mul3A_2790 = arith.mulf %sub3A_2789, %sub3A_2789 : vector<16xf32>
    %add3A_2791 = arith.addf %add3A_2780, %mul3A_2790 : vector<16xf32>
    %reduce_sum3A_2792 = arith.constant true
    %reduce_sum3A_2793 = vector.broadcast %reduce_sum3A_2792 : i1 to vector<16xi1>
    %reduce_sum3A_2794 = tpu.scan <sum>, %add3A_2791 masked %reduce_sum3A_2793 : vector<16xf32>, vector<16xi1> -> vector<16xf32>
    %reduce_sum3A_2795 = vector.extract %reduce_sum3A_2794[15] : f32 from vector<16xf32>
    %broadcast_in_dim3A_2796 = vector.broadcast %reduce_sum3A_2795 : f32 to vector<16xf32>
    %broadcast_in_dim3A_2797 = arith.constant 11 : i32
    %broadcast_in_dim3A_2798 = vector.broadcast %broadcast_in_dim3A_2797 : i32 to vector<16xi32>
    %eq3A_2799 = arith.cmpi eq, %iota3A, %broadcast_in_dim3A_2798 : vector<16xi32>
    %select_n3A_2800 = arith.select %eq3A_2799, %broadcast_in_dim3A_2796, %select_n3A_2701 : vector<16xi1>, vector<16xf32>
    %broadcast_in_dim3A_2801 = arith.constant 0.000000e+00 : f32
    %broadcast_in_dim3A_2802 = vector.broadcast %broadcast_in_dim3A_2801 : f32 to vector<16xf32>
    %get3A_2803 = arith.constant 28 : i32
    %get3A_2804 = arith.index_cast %get3A_2803 : i32 to index
    %get3A_2805 = arith.constant 0 : index
    %get3A_2806 = tpu.vector_load %arg5[%get3A_2804, %get3A_2805] {strides = array<i32>} : memref<32x128xf32, #tpu.memory_space<vmem>>, vector<16xf32>,
    %get3A_2807 = arith.constant 28 : i32
    %get3A_2808 = arith.index_cast %get3A_2807 : i32 to index
    %get3A_2809 = arith.constant 0 : index
    %get3A_2810 = tpu.vector_load %arg6[%get3A_2808, %get3A_2809] {strides = array<i32>} : memref<32x128xf32, #tpu.memory_space<vmem>>, vector<16xf32>,
    %sub3A_2811 = arith.subf %get3A_2806, %get3A_2810 : vector<16xf32>
    %mul3A_2812 = arith.mulf %sub3A_2811, %sub3A_2811 : vector<16xf32>
    %add3A_2813 = arith.addf %broadcast_in_dim3A_2802, %mul3A_2812 : vector<16xf32>
    %get3A_2814 = arith.constant 28 : i32
    %get3A_2815 = arith.index_cast %get3A_2814 : i32 to index
    %get3A_2816 = arith.constant 16 : index
    %get3A_2817 = tpu.vector_load %arg5[%get3A_2815, %get3A_2816] {strides = array<i32>} : memref<32x128xf32, #tpu.memory_space<vmem>>, vector<16xf32>,
    %get3A_2818 = arith.constant 28 : i32
    %get3A_2819 = arith.index_cast %get3A_2818 : i32 to index
    %get3A_2820 = arith.constant 16 : index
    %get3A_2821 = tpu.vector_load %arg6[%get3A_2819, %get3A_2820] {strides = array<i32>} : memref<32x128xf32, #tpu.memory_space<vmem>>, vector<16xf32>,
    %sub3A_2822 = arith.subf %get3A_2817, %get3A_2821 : vector<16xf32>
    %mul3A_2823 = arith.mulf %sub3A_2822, %sub3A_2822 : vector<16xf32>
    %add3A_2824 = arith.addf %add3A_2813, %mul3A_2823 : vector<16xf32>
    %get3A_2825 = arith.constant 28 : i32
    %get3A_2826 = arith.index_cast %get3A_2825 : i32 to index
    %get3A_2827 = arith.constant 32 : index
    %get3A_2828 = tpu.vector_load %arg5[%get3A_2826, %get3A_2827] {strides = array<i32>} : memref<32x128xf32, #tpu.memory_space<vmem>>, vector<16xf32>,
    %get3A_2829 = arith.constant 28 : i32
    %get3A_2830 = arith.index_cast %get3A_2829 : i32 to index
    %get3A_2831 = arith.constant 32 : index
    %get3A_2832 = tpu.vector_load %arg6[%get3A_2830, %get3A_2831] {strides = array<i32>} : memref<32x128xf32, #tpu.memory_space<vmem>>, vector<16xf32>,
    %sub3A_2833 = arith.subf %get3A_2828, %get3A_2832 : vector<16xf32>
    %mul3A_2834 = arith.mulf %sub3A_2833, %sub3A_2833 : vector<16xf32>
    %add3A_2835 = arith.addf %add3A_2824, %mul3A_2834 : vector<16xf32>
    %get3A_2836 = arith.constant 28 : i32
    %get3A_2837 = arith.index_cast %get3A_2836 : i32 to index
    %get3A_2838 = arith.constant 48 : index
    %get3A_2839 = tpu.vector_load %arg5[%get3A_2837, %get3A_2838] {strides = array<i32>} : memref<32x128xf32, #tpu.memory_space<vmem>>, vector<16xf32>,
    %get3A_2840 = arith.constant 28 : i32
    %get3A_2841 = arith.index_cast %get3A_2840 : i32 to index
    %get3A_2842 = arith.constant 48 : index
    %get3A_2843 = tpu.vector_load %arg6[%get3A_2841, %get3A_2842] {strides = array<i32>} : memref<32x128xf32, #tpu.memory_space<vmem>>, vector<16xf32>,
    %sub3A_2844 = arith.subf %get3A_2839, %get3A_2843 : vector<16xf32>
    %mul3A_2845 = arith.mulf %sub3A_2844, %sub3A_2844 : vector<16xf32>
    %add3A_2846 = arith.addf %add3A_2835, %mul3A_2845 : vector<16xf32>
    %get3A_2847 = arith.constant 28 : i32
    %get3A_2848 = arith.index_cast %get3A_2847 : i32 to index
    %get3A_2849 = arith.constant 64 : index
    %get3A_2850 = tpu.vector_load %arg5[%get3A_2848, %get3A_2849] {strides = array<i32>} : memref<32x128xf32, #tpu.memory_space<vmem>>, vector<16xf32>,
    %get3A_2851 = arith.constant 28 : i32
    %get3A_2852 = arith.index_cast %get3A_2851 : i32 to index
    %get3A_2853 = arith.constant 64 : index
    %get3A_2854 = tpu.vector_load %arg6[%get3A_2852, %get3A_2853] {strides = array<i32>} : memref<32x128xf32, #tpu.memory_space<vmem>>, vector<16xf32>,
    %sub3A_2855 = arith.subf %get3A_2850, %get3A_2854 : vector<16xf32>
    %mul3A_2856 = arith.mulf %sub3A_2855, %sub3A_2855 : vector<16xf32>
    %add3A_2857 = arith.addf %add3A_2846, %mul3A_2856 : vector<16xf32>
    %get3A_2858 = arith.constant 28 : i32
    %get3A_2859 = arith.index_cast %get3A_2858 : i32 to index
    %get3A_2860 = arith.constant 80 : index
    %get3A_2861 = tpu.vector_load %arg5[%get3A_2859, %get3A_2860] {strides = array<i32>} : memref<32x128xf32, #tpu.memory_space<vmem>>, vector<16xf32>,
    %get3A_2862 = arith.constant 28 : i32
    %get3A_2863 = arith.index_cast %get3A_2862 : i32 to index
    %get3A_2864 = arith.constant 80 : index
    %get3A_2865 = tpu.vector_load %arg6[%get3A_2863, %get3A_2864] {strides = array<i32>} : memref<32x128xf32, #tpu.memory_space<vmem>>, vector<16xf32>,
    %sub3A_2866 = arith.subf %get3A_2861, %get3A_2865 : vector<16xf32>
    %mul3A_2867 = arith.mulf %sub3A_2866, %sub3A_2866 : vector<16xf32>
    %add3A_2868 = arith.addf %add3A_2857, %mul3A_2867 : vector<16xf32>
    %get3A_2869 = arith.constant 28 : i32
    %get3A_2870 = arith.index_cast %get3A_2869 : i32 to index
    %get3A_2871 = arith.constant 96 : index
    %get3A_2872 = tpu.vector_load %arg5[%get3A_2870, %get3A_2871] {strides = array<i32>} : memref<32x128xf32, #tpu.memory_space<vmem>>, vector<16xf32>,
    %get3A_2873 = arith.constant 28 : i32
    %get3A_2874 = arith.index_cast %get3A_2873 : i32 to index
    %get3A_2875 = arith.constant 96 : index
    %get3A_2876 = tpu.vector_load %arg6[%get3A_2874, %get3A_2875] {strides = array<i32>} : memref<32x128xf32, #tpu.memory_space<vmem>>, vector<16xf32>,
    %sub3A_2877 = arith.subf %get3A_2872, %get3A_2876 : vector<16xf32>
    %mul3A_2878 = arith.mulf %sub3A_2877, %sub3A_2877 : vector<16xf32>
    %add3A_2879 = arith.addf %add3A_2868, %mul3A_2878 : vector<16xf32>
    %get3A_2880 = arith.constant 28 : i32
    %get3A_2881 = arith.index_cast %get3A_2880 : i32 to index
    %get3A_2882 = arith.constant 112 : index
    %get3A_2883 = tpu.vector_load %arg5[%get3A_2881, %get3A_2882] {strides = array<i32>} : memref<32x128xf32, #tpu.memory_space<vmem>>, vector<16xf32>,
    %get3A_2884 = arith.constant 28 : i32
    %get3A_2885 = arith.index_cast %get3A_2884 : i32 to index
    %get3A_2886 = arith.constant 112 : index
    %get3A_2887 = tpu.vector_load %arg6[%get3A_2885, %get3A_2886] {strides = array<i32>} : memref<32x128xf32, #tpu.memory_space<vmem>>, vector<16xf32>,
    %sub3A_2888 = arith.subf %get3A_2883, %get3A_2887 : vector<16xf32>
    %mul3A_2889 = arith.mulf %sub3A_2888, %sub3A_2888 : vector<16xf32>
    %add3A_2890 = arith.addf %add3A_2879, %mul3A_2889 : vector<16xf32>
    %reduce_sum3A_2891 = arith.constant true
    %reduce_sum3A_2892 = vector.broadcast %reduce_sum3A_2891 : i1 to vector<16xi1>
    %reduce_sum3A_2893 = tpu.scan <sum>, %add3A_2890 masked %reduce_sum3A_2892 : vector<16xf32>, vector<16xi1> -> vector<16xf32>
    %reduce_sum3A_2894 = vector.extract %reduce_sum3A_2893[15] : f32 from vector<16xf32>
    %broadcast_in_dim3A_2895 = vector.broadcast %reduce_sum3A_2894 : f32 to vector<16xf32>
    %broadcast_in_dim3A_2896 = arith.constant 12 : i32
    %broadcast_in_dim3A_2897 = vector.broadcast %broadcast_in_dim3A_2896 : i32 to vector<16xi32>
    %eq3A_2898 = arith.cmpi eq, %iota3A, %broadcast_in_dim3A_2897 : vector<16xi32>
    %select_n3A_2899 = arith.select %eq3A_2898, %broadcast_in_dim3A_2895, %select_n3A_2800 : vector<16xi1>, vector<16xf32>
    %broadcast_in_dim3A_2900 = arith.constant 0.000000e+00 : f32
    %broadcast_in_dim3A_2901 = vector.broadcast %broadcast_in_dim3A_2900 : f32 to vector<16xf32>
    %get3A_2902 = arith.constant 29 : i32
    %get3A_2903 = arith.index_cast %get3A_2902 : i32 to index
    %get3A_2904 = arith.constant 0 : index
    %get3A_2905 = tpu.vector_load %arg5[%get3A_2903, %get3A_2904] {strides = array<i32>} : memref<32x128xf32, #tpu.memory_space<vmem>>, vector<16xf32>,
    %get3A_2906 = arith.constant 29 : i32
    %get3A_2907 = arith.index_cast %get3A_2906 : i32 to index
    %get3A_2908 = arith.constant 0 : index
    %get3A_2909 = tpu.vector_load %arg6[%get3A_2907, %get3A_2908] {strides = array<i32>} : memref<32x128xf32, #tpu.memory_space<vmem>>, vector<16xf32>,
    %sub3A_2910 = arith.subf %get3A_2905, %get3A_2909 : vector<16xf32>
    %mul3A_2911 = arith.mulf %sub3A_2910, %sub3A_2910 : vector<16xf32>
    %add3A_2912 = arith.addf %broadcast_in_dim3A_2901, %mul3A_2911 : vector<16xf32>
    %get3A_2913 = arith.constant 29 : i32
    %get3A_2914 = arith.index_cast %get3A_2913 : i32 to index
    %get3A_2915 = arith.constant 16 : index
    %get3A_2916 = tpu.vector_load %arg5[%get3A_2914, %get3A_2915] {strides = array<i32>} : memref<32x128xf32, #tpu.memory_space<vmem>>, vector<16xf32>,
    %get3A_2917 = arith.constant 29 : i32
    %get3A_2918 = arith.index_cast %get3A_2917 : i32 to index
    %get3A_2919 = arith.constant 16 : index
    %get3A_2920 = tpu.vector_load %arg6[%get3A_2918, %get3A_2919] {strides = array<i32>} : memref<32x128xf32, #tpu.memory_space<vmem>>, vector<16xf32>,
    %sub3A_2921 = arith.subf %get3A_2916, %get3A_2920 : vector<16xf32>
    %mul3A_2922 = arith.mulf %sub3A_2921, %sub3A_2921 : vector<16xf32>
    %add3A_2923 = arith.addf %add3A_2912, %mul3A_2922 : vector<16xf32>
    %get3A_2924 = arith.constant 29 : i32
    %get3A_2925 = arith.index_cast %get3A_2924 : i32 to index
    %get3A_2926 = arith.constant 32 : index
    %get3A_2927 = tpu.vector_load %arg5[%get3A_2925, %get3A_2926] {strides = array<i32>} : memref<32x128xf32, #tpu.memory_space<vmem>>, vector<16xf32>,
    %get3A_2928 = arith.constant 29 : i32
    %get3A_2929 = arith.index_cast %get3A_2928 : i32 to index
    %get3A_2930 = arith.constant 32 : index
    %get3A_2931 = tpu.vector_load %arg6[%get3A_2929, %get3A_2930] {strides = array<i32>} : memref<32x128xf32, #tpu.memory_space<vmem>>, vector<16xf32>,
    %sub3A_2932 = arith.subf %get3A_2927, %get3A_2931 : vector<16xf32>
    %mul3A_2933 = arith.mulf %sub3A_2932, %sub3A_2932 : vector<16xf32>
    %add3A_2934 = arith.addf %add3A_2923, %mul3A_2933 : vector<16xf32>
    %get3A_2935 = arith.constant 29 : i32
    %get3A_2936 = arith.index_cast %get3A_2935 : i32 to index
    %get3A_2937 = arith.constant 48 : index
    %get3A_2938 = tpu.vector_load %arg5[%get3A_2936, %get3A_2937] {strides = array<i32>} : memref<32x128xf32, #tpu.memory_space<vmem>>, vector<16xf32>,
    %get3A_2939 = arith.constant 29 : i32
    %get3A_2940 = arith.index_cast %get3A_2939 : i32 to index
    %get3A_2941 = arith.constant 48 : index
    %get3A_2942 = tpu.vector_load %arg6[%get3A_2940, %get3A_2941] {strides = array<i32>} : memref<32x128xf32, #tpu.memory_space<vmem>>, vector<16xf32>,
    %sub3A_2943 = arith.subf %get3A_2938, %get3A_2942 : vector<16xf32>
    %mul3A_2944 = arith.mulf %sub3A_2943, %sub3A_2943 : vector<16xf32>
    %add3A_2945 = arith.addf %add3A_2934, %mul3A_2944 : vector<16xf32>
    %get3A_2946 = arith.constant 29 : i32
    %get3A_2947 = arith.index_cast %get3A_2946 : i32 to index
    %get3A_2948 = arith.constant 64 : index
    %get3A_2949 = tpu.vector_load %arg5[%get3A_2947, %get3A_2948] {strides = array<i32>} : memref<32x128xf32, #tpu.memory_space<vmem>>, vector<16xf32>,
    %get3A_2950 = arith.constant 29 : i32
    %get3A_2951 = arith.index_cast %get3A_2950 : i32 to index
    %get3A_2952 = arith.constant 64 : index
    %get3A_2953 = tpu.vector_load %arg6[%get3A_2951, %get3A_2952] {strides = array<i32>} : memref<32x128xf32, #tpu.memory_space<vmem>>, vector<16xf32>,
    %sub3A_2954 = arith.subf %get3A_2949, %get3A_2953 : vector<16xf32>
    %mul3A_2955 = arith.mulf %sub3A_2954, %sub3A_2954 : vector<16xf32>
    %add3A_2956 = arith.addf %add3A_2945, %mul3A_2955 : vector<16xf32>
    %get3A_2957 = arith.constant 29 : i32
    %get3A_2958 = arith.index_cast %get3A_2957 : i32 to index
    %get3A_2959 = arith.constant 80 : index
    %get3A_2960 = tpu.vector_load %arg5[%get3A_2958, %get3A_2959] {strides = array<i32>} : memref<32x128xf32, #tpu.memory_space<vmem>>, vector<16xf32>,
    %get3A_2961 = arith.constant 29 : i32
    %get3A_2962 = arith.index_cast %get3A_2961 : i32 to index
    %get3A_2963 = arith.constant 80 : index
    %get3A_2964 = tpu.vector_load %arg6[%get3A_2962, %get3A_2963] {strides = array<i32>} : memref<32x128xf32, #tpu.memory_space<vmem>>, vector<16xf32>,
    %sub3A_2965 = arith.subf %get3A_2960, %get3A_2964 : vector<16xf32>
    %mul3A_2966 = arith.mulf %sub3A_2965, %sub3A_2965 : vector<16xf32>
    %add3A_2967 = arith.addf %add3A_2956, %mul3A_2966 : vector<16xf32>
    %get3A_2968 = arith.constant 29 : i32
    %get3A_2969 = arith.index_cast %get3A_2968 : i32 to index
    %get3A_2970 = arith.constant 96 : index
    %get3A_2971 = tpu.vector_load %arg5[%get3A_2969, %get3A_2970] {strides = array<i32>} : memref<32x128xf32, #tpu.memory_space<vmem>>, vector<16xf32>,
    %get3A_2972 = arith.constant 29 : i32
    %get3A_2973 = arith.index_cast %get3A_2972 : i32 to index
    %get3A_2974 = arith.constant 96 : index
    %get3A_2975 = tpu.vector_load %arg6[%get3A_2973, %get3A_2974] {strides = array<i32>} : memref<32x128xf32, #tpu.memory_space<vmem>>, vector<16xf32>,
    %sub3A_2976 = arith.subf %get3A_2971, %get3A_2975 : vector<16xf32>
    %mul3A_2977 = arith.mulf %sub3A_2976, %sub3A_2976 : vector<16xf32>
    %add3A_2978 = arith.addf %add3A_2967, %mul3A_2977 : vector<16xf32>
    %get3A_2979 = arith.constant 29 : i32
    %get3A_2980 = arith.index_cast %get3A_2979 : i32 to index
    %get3A_2981 = arith.constant 112 : index
    %get3A_2982 = tpu.vector_load %arg5[%get3A_2980, %get3A_2981] {strides = array<i32>} : memref<32x128xf32, #tpu.memory_space<vmem>>, vector<16xf32>,
    %get3A_2983 = arith.constant 29 : i32
    %get3A_2984 = arith.index_cast %get3A_2983 : i32 to index
    %get3A_2985 = arith.constant 112 : index
    %get3A_2986 = tpu.vector_load %arg6[%get3A_2984, %get3A_2985] {strides = array<i32>} : memref<32x128xf32, #tpu.memory_space<vmem>>, vector<16xf32>,
    %sub3A_2987 = arith.subf %get3A_2982, %get3A_2986 : vector<16xf32>
    %mul3A_2988 = arith.mulf %sub3A_2987, %sub3A_2987 : vector<16xf32>
    %add3A_2989 = arith.addf %add3A_2978, %mul3A_2988 : vector<16xf32>
    %reduce_sum3A_2990 = arith.constant true
    %reduce_sum3A_2991 = vector.broadcast %reduce_sum3A_2990 : i1 to vector<16xi1>
    %reduce_sum3A_2992 = tpu.scan <sum>, %add3A_2989 masked %reduce_sum3A_2991 : vector<16xf32>, vector<16xi1> -> vector<16xf32>
    %reduce_sum3A_2993 = vector.extract %reduce_sum3A_2992[15] : f32 from vector<16xf32>
    %broadcast_in_dim3A_2994 = vector.broadcast %reduce_sum3A_2993 : f32 to vector<16xf32>
    %broadcast_in_dim3A_2995 = arith.constant 13 : i32
    %broadcast_in_dim3A_2996 = vector.broadcast %broadcast_in_dim3A_2995 : i32 to vector<16xi32>
    %eq3A_2997 = arith.cmpi eq, %iota3A, %broadcast_in_dim3A_2996 : vector<16xi32>
    %select_n3A_2998 = arith.select %eq3A_2997, %broadcast_in_dim3A_2994, %select_n3A_2899 : vector<16xi1>, vector<16xf32>
    %broadcast_in_dim3A_2999 = arith.constant 0.000000e+00 : f32
    %broadcast_in_dim3A_3000 = vector.broadcast %broadcast_in_dim3A_2999 : f32 to vector<16xf32>
    %get3A_3001 = arith.constant 30 : i32
    %get3A_3002 = arith.index_cast %get3A_3001 : i32 to index
    %get3A_3003 = arith.constant 0 : index
    %get3A_3004 = tpu.vector_load %arg5[%get3A_3002, %get3A_3003] {strides = array<i32>} : memref<32x128xf32, #tpu.memory_space<vmem>>, vector<16xf32>,
    %get3A_3005 = arith.constant 30 : i32
    %get3A_3006 = arith.index_cast %get3A_3005 : i32 to index
    %get3A_3007 = arith.constant 0 : index
    %get3A_3008 = tpu.vector_load %arg6[%get3A_3006, %get3A_3007] {strides = array<i32>} : memref<32x128xf32, #tpu.memory_space<vmem>>, vector<16xf32>,
    %sub3A_3009 = arith.subf %get3A_3004, %get3A_3008 : vector<16xf32>
    %mul3A_3010 = arith.mulf %sub3A_3009, %sub3A_3009 : vector<16xf32>
    %add3A_3011 = arith.addf %broadcast_in_dim3A_3000, %mul3A_3010 : vector<16xf32>
    %get3A_3012 = arith.constant 30 : i32
    %get3A_3013 = arith.index_cast %get3A_3012 : i32 to index
    %get3A_3014 = arith.constant 16 : index
    %get3A_3015 = tpu.vector_load %arg5[%get3A_3013, %get3A_3014] {strides = array<i32>} : memref<32x128xf32, #tpu.memory_space<vmem>>, vector<16xf32>,
    %get3A_3016 = arith.constant 30 : i32
    %get3A_3017 = arith.index_cast %get3A_3016 : i32 to index
    %get3A_3018 = arith.constant 16 : index
    %get3A_3019 = tpu.vector_load %arg6[%get3A_3017, %get3A_3018] {strides = array<i32>} : memref<32x128xf32, #tpu.memory_space<vmem>>, vector<16xf32>,
    %sub3A_3020 = arith.subf %get3A_3015, %get3A_3019 : vector<16xf32>
    %mul3A_3021 = arith.mulf %sub3A_3020, %sub3A_3020 : vector<16xf32>
    %add3A_3022 = arith.addf %add3A_3011, %mul3A_3021 : vector<16xf32>
    %get3A_3023 = arith.constant 30 : i32
    %get3A_3024 = arith.index_cast %get3A_3023 : i32 to index
    %get3A_3025 = arith.constant 32 : index
    %get3A_3026 = tpu.vector_load %arg5[%get3A_3024, %get3A_3025] {strides = array<i32>} : memref<32x128xf32, #tpu.memory_space<vmem>>, vector<16xf32>,
    %get3A_3027 = arith.constant 30 : i32
    %get3A_3028 = arith.index_cast %get3A_3027 : i32 to index
    %get3A_3029 = arith.constant 32 : index
    %get3A_3030 = tpu.vector_load %arg6[%get3A_3028, %get3A_3029] {strides = array<i32>} : memref<32x128xf32, #tpu.memory_space<vmem>>, vector<16xf32>,
    %sub3A_3031 = arith.subf %get3A_3026, %get3A_3030 : vector<16xf32>
    %mul3A_3032 = arith.mulf %sub3A_3031, %sub3A_3031 : vector<16xf32>
    %add3A_3033 = arith.addf %add3A_3022, %mul3A_3032 : vector<16xf32>
    %get3A_3034 = arith.constant 30 : i32
    %get3A_3035 = arith.index_cast %get3A_3034 : i32 to index
    %get3A_3036 = arith.constant 48 : index
    %get3A_3037 = tpu.vector_load %arg5[%get3A_3035, %get3A_3036] {strides = array<i32>} : memref<32x128xf32, #tpu.memory_space<vmem>>, vector<16xf32>,
    %get3A_3038 = arith.constant 30 : i32
    %get3A_3039 = arith.index_cast %get3A_3038 : i32 to index
    %get3A_3040 = arith.constant 48 : index
    %get3A_3041 = tpu.vector_load %arg6[%get3A_3039, %get3A_3040] {strides = array<i32>} : memref<32x128xf32, #tpu.memory_space<vmem>>, vector<16xf32>,
    %sub3A_3042 = arith.subf %get3A_3037, %get3A_3041 : vector<16xf32>
    %mul3A_3043 = arith.mulf %sub3A_3042, %sub3A_3042 : vector<16xf32>
    %add3A_3044 = arith.addf %add3A_3033, %mul3A_3043 : vector<16xf32>
    %get3A_3045 = arith.constant 30 : i32
    %get3A_3046 = arith.index_cast %get3A_3045 : i32 to index
    %get3A_3047 = arith.constant 64 : index
    %get3A_3048 = tpu.vector_load %arg5[%get3A_3046, %get3A_3047] {strides = array<i32>} : memref<32x128xf32, #tpu.memory_space<vmem>>, vector<16xf32>,
    %get3A_3049 = arith.constant 30 : i32
    %get3A_3050 = arith.index_cast %get3A_3049 : i32 to index
    %get3A_3051 = arith.constant 64 : index
    %get3A_3052 = tpu.vector_load %arg6[%get3A_3050, %get3A_3051] {strides = array<i32>} : memref<32x128xf32, #tpu.memory_space<vmem>>, vector<16xf32>,
    %sub3A_3053 = arith.subf %get3A_3048, %get3A_3052 : vector<16xf32>
    %mul3A_3054 = arith.mulf %sub3A_3053, %sub3A_3053 : vector<16xf32>
    %add3A_3055 = arith.addf %add3A_3044, %mul3A_3054 : vector<16xf32>
    %get3A_3056 = arith.constant 30 : i32
    %get3A_3057 = arith.index_cast %get3A_3056 : i32 to index
    %get3A_3058 = arith.constant 80 : index
    %get3A_3059 = tpu.vector_load %arg5[%get3A_3057, %get3A_3058] {strides = array<i32>} : memref<32x128xf32, #tpu.memory_space<vmem>>, vector<16xf32>,
    %get3A_3060 = arith.constant 30 : i32
    %get3A_3061 = arith.index_cast %get3A_3060 : i32 to index
    %get3A_3062 = arith.constant 80 : index
    %get3A_3063 = tpu.vector_load %arg6[%get3A_3061, %get3A_3062] {strides = array<i32>} : memref<32x128xf32, #tpu.memory_space<vmem>>, vector<16xf32>,
    %sub3A_3064 = arith.subf %get3A_3059, %get3A_3063 : vector<16xf32>
    %mul3A_3065 = arith.mulf %sub3A_3064, %sub3A_3064 : vector<16xf32>
    %add3A_3066 = arith.addf %add3A_3055, %mul3A_3065 : vector<16xf32>
    %get3A_3067 = arith.constant 30 : i32
    %get3A_3068 = arith.index_cast %get3A_3067 : i32 to index
    %get3A_3069 = arith.constant 96 : index
    %get3A_3070 = tpu.vector_load %arg5[%get3A_3068, %get3A_3069] {strides = array<i32>} : memref<32x128xf32, #tpu.memory_space<vmem>>, vector<16xf32>,
    %get3A_3071 = arith.constant 30 : i32
    %get3A_3072 = arith.index_cast %get3A_3071 : i32 to index
    %get3A_3073 = arith.constant 96 : index
    %get3A_3074 = tpu.vector_load %arg6[%get3A_3072, %get3A_3073] {strides = array<i32>} : memref<32x128xf32, #tpu.memory_space<vmem>>, vector<16xf32>,
    %sub3A_3075 = arith.subf %get3A_3070, %get3A_3074 : vector<16xf32>
    %mul3A_3076 = arith.mulf %sub3A_3075, %sub3A_3075 : vector<16xf32>
    %add3A_3077 = arith.addf %add3A_3066, %mul3A_3076 : vector<16xf32>
    %get3A_3078 = arith.constant 30 : i32
    %get3A_3079 = arith.index_cast %get3A_3078 : i32 to index
    %get3A_3080 = arith.constant 112 : index
    %get3A_3081 = tpu.vector_load %arg5[%get3A_3079, %get3A_3080] {strides = array<i32>} : memref<32x128xf32, #tpu.memory_space<vmem>>, vector<16xf32>,
    %get3A_3082 = arith.constant 30 : i32
    %get3A_3083 = arith.index_cast %get3A_3082 : i32 to index
    %get3A_3084 = arith.constant 112 : index
    %get3A_3085 = tpu.vector_load %arg6[%get3A_3083, %get3A_3084] {strides = array<i32>} : memref<32x128xf32, #tpu.memory_space<vmem>>, vector<16xf32>,
    %sub3A_3086 = arith.subf %get3A_3081, %get3A_3085 : vector<16xf32>
    %mul3A_3087 = arith.mulf %sub3A_3086, %sub3A_3086 : vector<16xf32>
    %add3A_3088 = arith.addf %add3A_3077, %mul3A_3087 : vector<16xf32>
    %reduce_sum3A_3089 = arith.constant true
    %reduce_sum3A_3090 = vector.broadcast %reduce_sum3A_3089 : i1 to vector<16xi1>
    %reduce_sum3A_3091 = tpu.scan <sum>, %add3A_3088 masked %reduce_sum3A_3090 : vector<16xf32>, vector<16xi1> -> vector<16xf32>
    %reduce_sum3A_3092 = vector.extract %reduce_sum3A_3091[15] : f32 from vector<16xf32>
    %broadcast_in_dim3A_3093 = vector.broadcast %reduce_sum3A_3092 : f32 to vector<16xf32>
    %broadcast_in_dim3A_3094 = arith.constant 14 : i32
    %broadcast_in_dim3A_3095 = vector.broadcast %broadcast_in_dim3A_3094 : i32 to vector<16xi32>
    %eq3A_3096 = arith.cmpi eq, %iota3A, %broadcast_in_dim3A_3095 : vector<16xi32>
    %select_n3A_3097 = arith.select %eq3A_3096, %broadcast_in_dim3A_3093, %select_n3A_2998 : vector<16xi1>, vector<16xf32>
    %broadcast_in_dim3A_3098 = arith.constant 0.000000e+00 : f32
    %broadcast_in_dim3A_3099 = vector.broadcast %broadcast_in_dim3A_3098 : f32 to vector<16xf32>
    %get3A_3100 = arith.constant 31 : i32
    %get3A_3101 = arith.index_cast %get3A_3100 : i32 to index
    %get3A_3102 = arith.constant 0 : index
    %get3A_3103 = tpu.vector_load %arg5[%get3A_3101, %get3A_3102] {strides = array<i32>} : memref<32x128xf32, #tpu.memory_space<vmem>>, vector<16xf32>,
    %get3A_3104 = arith.constant 31 : i32
    %get3A_3105 = arith.index_cast %get3A_3104 : i32 to index
    %get3A_3106 = arith.constant 0 : index
    %get3A_3107 = tpu.vector_load %arg6[%get3A_3105, %get3A_3106] {strides = array<i32>} : memref<32x128xf32, #tpu.memory_space<vmem>>, vector<16xf32>,
    %sub3A_3108 = arith.subf %get3A_3103, %get3A_3107 : vector<16xf32>
    %mul3A_3109 = arith.mulf %sub3A_3108, %sub3A_3108 : vector<16xf32>
    %add3A_3110 = arith.addf %broadcast_in_dim3A_3099, %mul3A_3109 : vector<16xf32>
    %get3A_3111 = arith.constant 31 : i32
    %get3A_3112 = arith.index_cast %get3A_3111 : i32 to index
    %get3A_3113 = arith.constant 16 : index
    %get3A_3114 = tpu.vector_load %arg5[%get3A_3112, %get3A_3113] {strides = array<i32>} : memref<32x128xf32, #tpu.memory_space<vmem>>, vector<16xf32>,
    %get3A_3115 = arith.constant 31 : i32
    %get3A_3116 = arith.index_cast %get3A_3115 : i32 to index
    %get3A_3117 = arith.constant 16 : index
    %get3A_3118 = tpu.vector_load %arg6[%get3A_3116, %get3A_3117] {strides = array<i32>} : memref<32x128xf32, #tpu.memory_space<vmem>>, vector<16xf32>,
    %sub3A_3119 = arith.subf %get3A_3114, %get3A_3118 : vector<16xf32>
    %mul3A_3120 = arith.mulf %sub3A_3119, %sub3A_3119 : vector<16xf32>
    %add3A_3121 = arith.addf %add3A_3110, %mul3A_3120 : vector<16xf32>
    %get3A_3122 = arith.constant 31 : i32
    %get3A_3123 = arith.index_cast %get3A_3122 : i32 to index
    %get3A_3124 = arith.constant 32 : index
    %get3A_3125 = tpu.vector_load %arg5[%get3A_3123, %get3A_3124] {strides = array<i32>} : memref<32x128xf32, #tpu.memory_space<vmem>>, vector<16xf32>,
    %get3A_3126 = arith.constant 31 : i32
    %get3A_3127 = arith.index_cast %get3A_3126 : i32 to index
    %get3A_3128 = arith.constant 32 : index
    %get3A_3129 = tpu.vector_load %arg6[%get3A_3127, %get3A_3128] {strides = array<i32>} : memref<32x128xf32, #tpu.memory_space<vmem>>, vector<16xf32>,
    %sub3A_3130 = arith.subf %get3A_3125, %get3A_3129 : vector<16xf32>
    %mul3A_3131 = arith.mulf %sub3A_3130, %sub3A_3130 : vector<16xf32>
    %add3A_3132 = arith.addf %add3A_3121, %mul3A_3131 : vector<16xf32>
    %get3A_3133 = arith.constant 31 : i32
    %get3A_3134 = arith.index_cast %get3A_3133 : i32 to index
    %get3A_3135 = arith.constant 48 : index
    %get3A_3136 = tpu.vector_load %arg5[%get3A_3134, %get3A_3135] {strides = array<i32>} : memref<32x128xf32, #tpu.memory_space<vmem>>, vector<16xf32>,
    %get3A_3137 = arith.constant 31 : i32
    %get3A_3138 = arith.index_cast %get3A_3137 : i32 to index
    %get3A_3139 = arith.constant 48 : index
    %get3A_3140 = tpu.vector_load %arg6[%get3A_3138, %get3A_3139] {strides = array<i32>} : memref<32x128xf32, #tpu.memory_space<vmem>>, vector<16xf32>,
    %sub3A_3141 = arith.subf %get3A_3136, %get3A_3140 : vector<16xf32>
    %mul3A_3142 = arith.mulf %sub3A_3141, %sub3A_3141 : vector<16xf32>
    %add3A_3143 = arith.addf %add3A_3132, %mul3A_3142 : vector<16xf32>
    %get3A_3144 = arith.constant 31 : i32
    %get3A_3145 = arith.index_cast %get3A_3144 : i32 to index
    %get3A_3146 = arith.constant 64 : index
    %get3A_3147 = tpu.vector_load %arg5[%get3A_3145, %get3A_3146] {strides = array<i32>} : memref<32x128xf32, #tpu.memory_space<vmem>>, vector<16xf32>,
    %get3A_3148 = arith.constant 31 : i32
    %get3A_3149 = arith.index_cast %get3A_3148 : i32 to index
    %get3A_3150 = arith.constant 64 : index
    %get3A_3151 = tpu.vector_load %arg6[%get3A_3149, %get3A_3150] {strides = array<i32>} : memref<32x128xf32, #tpu.memory_space<vmem>>, vector<16xf32>,
    %sub3A_3152 = arith.subf %get3A_3147, %get3A_3151 : vector<16xf32>
    %mul3A_3153 = arith.mulf %sub3A_3152, %sub3A_3152 : vector<16xf32>
    %add3A_3154 = arith.addf %add3A_3143, %mul3A_3153 : vector<16xf32>
    %get3A_3155 = arith.constant 31 : i32
    %get3A_3156 = arith.index_cast %get3A_3155 : i32 to index
    %get3A_3157 = arith.constant 80 : index
    %get3A_3158 = tpu.vector_load %arg5[%get3A_3156, %get3A_3157] {strides = array<i32>} : memref<32x128xf32, #tpu.memory_space<vmem>>, vector<16xf32>,
    %get3A_3159 = arith.constant 31 : i32
    %get3A_3160 = arith.index_cast %get3A_3159 : i32 to index
    %get3A_3161 = arith.constant 80 : index
    %get3A_3162 = tpu.vector_load %arg6[%get3A_3160, %get3A_3161] {strides = array<i32>} : memref<32x128xf32, #tpu.memory_space<vmem>>, vector<16xf32>,
    %sub3A_3163 = arith.subf %get3A_3158, %get3A_3162 : vector<16xf32>
    %mul3A_3164 = arith.mulf %sub3A_3163, %sub3A_3163 : vector<16xf32>
    %add3A_3165 = arith.addf %add3A_3154, %mul3A_3164 : vector<16xf32>
    %get3A_3166 = arith.constant 31 : i32
    %get3A_3167 = arith.index_cast %get3A_3166 : i32 to index
    %get3A_3168 = arith.constant 96 : index
    %get3A_3169 = tpu.vector_load %arg5[%get3A_3167, %get3A_3168] {strides = array<i32>} : memref<32x128xf32, #tpu.memory_space<vmem>>, vector<16xf32>,
    %get3A_3170 = arith.constant 31 : i32
    %get3A_3171 = arith.index_cast %get3A_3170 : i32 to index
    %get3A_3172 = arith.constant 96 : index
    %get3A_3173 = tpu.vector_load %arg6[%get3A_3171, %get3A_3172] {strides = array<i32>} : memref<32x128xf32, #tpu.memory_space<vmem>>, vector<16xf32>,
    %sub3A_3174 = arith.subf %get3A_3169, %get3A_3173 : vector<16xf32>
    %mul3A_3175 = arith.mulf %sub3A_3174, %sub3A_3174 : vector<16xf32>
    %add3A_3176 = arith.addf %add3A_3165, %mul3A_3175 : vector<16xf32>
    %get3A_3177 = arith.constant 31 : i32
    %get3A_3178 = arith.index_cast %get3A_3177 : i32 to index
    %get3A_3179 = arith.constant 112 : index
    %get3A_3180 = tpu.vector_load %arg5[%get3A_3178, %get3A_3179] {strides = array<i32>} : memref<32x128xf32, #tpu.memory_space<vmem>>, vector<16xf32>,
    %get3A_3181 = arith.constant 31 : i32
    %get3A_3182 = arith.index_cast %get3A_3181 : i32 to index
    %get3A_3183 = arith.constant 112 : index
    %get3A_3184 = tpu.vector_load %arg6[%get3A_3182, %get3A_3183] {strides = array<i32>} : memref<32x128xf32, #tpu.memory_space<vmem>>, vector<16xf32>,
    %sub3A_3185 = arith.subf %get3A_3180, %get3A_3184 : vector<16xf32>
    %mul3A_3186 = arith.mulf %sub3A_3185, %sub3A_3185 : vector<16xf32>
    %add3A_3187 = arith.addf %add3A_3176, %mul3A_3186 : vector<16xf32>
    %reduce_sum3A_3188 = arith.constant true
    %reduce_sum3A_3189 = vector.broadcast %reduce_sum3A_3188 : i1 to vector<16xi1>
    %reduce_sum3A_3190 = tpu.scan <sum>, %add3A_3187 masked %reduce_sum3A_3189 : vector<16xf32>, vector<16xi1> -> vector<16xf32>
    %reduce_sum3A_3191 = vector.extract %reduce_sum3A_3190[15] : f32 from vector<16xf32>
    %broadcast_in_dim3A_3192 = vector.broadcast %reduce_sum3A_3191 : f32 to vector<16xf32>
    %broadcast_in_dim3A_3193 = arith.constant 15 : i32
    %broadcast_in_dim3A_3194 = vector.broadcast %broadcast_in_dim3A_3193 : i32 to vector<16xi32>
    %eq3A_3195 = arith.cmpi eq, %iota3A, %broadcast_in_dim3A_3194 : vector<16xi32>
    %select_n3A_3196 = arith.select %eq3A_3195, %broadcast_in_dim3A_3192, %select_n3A_3097 : vector<16xi1>, vector<16xf32>
    %bitcast_convert_type3A = tpu.bitcast %select_n3A_1612 : vector<16xf32> -> vector<16xi32>
    %broadcast_in_dim3A_3197 = arith.constant 1597463007 : i32
    %broadcast_in_dim3A_3198 = vector.broadcast %broadcast_in_dim3A_3197 : i32 to vector<16xi32>
    %broadcast_in_dim3A_3199 = arith.constant 1 : i32
    %broadcast_in_dim3A_3200 = vector.broadcast %broadcast_in_dim3A_3199 : i32 to vector<16xi32>
    %shift_right_arithmetic3A = arith.shrsi %bitcast_convert_type3A, %broadcast_in_dim3A_3200 : vector<16xi32>
    %sub3A_3201 = arith.subi %broadcast_in_dim3A_3198, %shift_right_arithmetic3A : vector<16xi32>
    %bitcast_convert_type3A_3202 = tpu.bitcast %sub3A_3201 : vector<16xi32> -> vector<16xf32>
    %broadcast_in_dim3A_3203 = arith.constant 1.500000e+00 : f32
    %broadcast_in_dim3A_3204 = vector.broadcast %broadcast_in_dim3A_3203 : f32 to vector<16xf32>
    %broadcast_in_dim3A_3205 = arith.constant 5.000000e-01 : f32
    %broadcast_in_dim3A_3206 = vector.broadcast %broadcast_in_dim3A_3205 : f32 to vector<16xf32>
    %mul3A_3207 = arith.mulf %broadcast_in_dim3A_3206, %select_n3A_1612 : vector<16xf32>
    %mul3A_3208 = arith.mulf %mul3A_3207, %bitcast_convert_type3A_3202 : vector<16xf32>
    %mul3A_3209 = arith.mulf %mul3A_3208, %bitcast_convert_type3A_3202 : vector<16xf32>
    %sub3A_3210 = arith.subf %broadcast_in_dim3A_3204, %mul3A_3209 : vector<16xf32>
    %mul3A_3211 = arith.mulf %bitcast_convert_type3A_3202, %sub3A_3210 : vector<16xf32>
    %mul3A_3212 = arith.mulf %broadcast_in_dim3A_3206, %select_n3A_1612 : vector<16xf32>
    %mul3A_3213 = arith.mulf %mul3A_3212, %mul3A_3211 : vector<16xf32>
    %mul3A_3214 = arith.mulf %mul3A_3213, %mul3A_3211 : vector<16xf32>
    %sub3A_3215 = arith.subf %broadcast_in_dim3A_3204, %mul3A_3214 : vector<16xf32>
    %mul3A_3216 = arith.mulf %mul3A_3211, %sub3A_3215 : vector<16xf32>
    %mul3A_3217 = arith.mulf %broadcast_in_dim3A_3206, %select_n3A_1612 : vector<16xf32>
    %mul3A_3218 = arith.mulf %mul3A_3217, %mul3A_3216 : vector<16xf32>
    %mul3A_3219 = arith.mulf %mul3A_3218, %mul3A_3216 : vector<16xf32>
    %sub3A_3220 = arith.subf %broadcast_in_dim3A_3204, %mul3A_3219 : vector<16xf32>
    %mul3A_3221 = arith.mulf %mul3A_3216, %sub3A_3220 : vector<16xf32>
    %mul3A_3222 = arith.mulf %broadcast_in_dim3A_3206, %select_n3A_1612 : vector<16xf32>
    %mul3A_3223 = arith.mulf %mul3A_3222, %mul3A_3221 : vector<16xf32>
    %mul3A_3224 = arith.mulf %mul3A_3223, %mul3A_3221 : vector<16xf32>
    %sub3A_3225 = arith.subf %broadcast_in_dim3A_3204, %mul3A_3224 : vector<16xf32>
    %mul3A_3226 = arith.mulf %mul3A_3221, %sub3A_3225 : vector<16xf32>
    %mul3A_3227 = arith.mulf %select_n3A_1612, %mul3A_3226 : vector<16xf32>
    %swap3A = arith.constant 0 : index
    %swap3A_3228 = tpu.vector_load %arg7[%swap3A] {strides = array<i32>} : memref<32xf32, #tpu.memory_space<vmem>>, vector<16xf32>,
    tpu.vector_store %arg7[%swap3A], %mul3A_3227 {strides = array<i32>} : memref<32xf32, #tpu.memory_space<vmem>>, vector<16xf32>,
    %bitcast_convert_type3A_3229 = tpu.bitcast %select_n3A_3196 : vector<16xf32> -> vector<16xi32>
    %broadcast_in_dim3A_3230 = arith.constant 1597463007 : i32
    %broadcast_in_dim3A_3231 = vector.broadcast %broadcast_in_dim3A_3230 : i32 to vector<16xi32>
    %broadcast_in_dim3A_3232 = arith.constant 1 : i32
    %broadcast_in_dim3A_3233 = vector.broadcast %broadcast_in_dim3A_3232 : i32 to vector<16xi32>
    %shift_right_arithmetic3A_3234 = arith.shrsi %bitcast_convert_type3A_3229, %broadcast_in_dim3A_3233 : vector<16xi32>
    %sub3A_3235 = arith.subi %broadcast_in_dim3A_3231, %shift_right_arithmetic3A_3234 : vector<16xi32>
    %bitcast_convert_type3A_3236 = tpu.bitcast %sub3A_3235 : vector<16xi32> -> vector<16xf32>
    %broadcast_in_dim3A_3237 = arith.constant 1.500000e+00 : f32
    %broadcast_in_dim3A_3238 = vector.broadcast %broadcast_in_dim3A_3237 : f32 to vector<16xf32>
    %broadcast_in_dim3A_3239 = arith.constant 5.000000e-01 : f32
    %broadcast_in_dim3A_3240 = vector.broadcast %broadcast_in_dim3A_3239 : f32 to vector<16xf32>
    %mul3A_3241 = arith.mulf %broadcast_in_dim3A_3240, %select_n3A_3196 : vector<16xf32>
    %mul3A_3242 = arith.mulf %mul3A_3241, %bitcast_convert_type3A_3236 : vector<16xf32>
    %mul3A_3243 = arith.mulf %mul3A_3242, %bitcast_convert_type3A_3236 : vector<16xf32>
    %sub3A_3244 = arith.subf %broadcast_in_dim3A_3238, %mul3A_3243 : vector<16xf32>
    %mul3A_3245 = arith.mulf %bitcast_convert_type3A_3236, %sub3A_3244 : vector<16xf32>
    %mul3A_3246 = arith.mulf %broadcast_in_dim3A_3240, %select_n3A_3196 : vector<16xf32>
    %mul3A_3247 = arith.mulf %mul3A_3246, %mul3A_3245 : vector<16xf32>
    %mul3A_3248 = arith.mulf %mul3A_3247, %mul3A_3245 : vector<16xf32>
    %sub3A_3249 = arith.subf %broadcast_in_dim3A_3238, %mul3A_3248 : vector<16xf32>
    %mul3A_3250 = arith.mulf %mul3A_3245, %sub3A_3249 : vector<16xf32>
    %mul3A_3251 = arith.mulf %broadcast_in_dim3A_3240, %select_n3A_3196 : vector<16xf32>
    %mul3A_3252 = arith.mulf %mul3A_3251, %mul3A_3250 : vector<16xf32>
    %mul3A_3253 = arith.mulf %mul3A_3252, %mul3A_3250 : vector<16xf32>
    %sub3A_3254 = arith.subf %broadcast_in_dim3A_3238, %mul3A_3253 : vector<16xf32>
    %mul3A_3255 = arith.mulf %mul3A_3250, %sub3A_3254 : vector<16xf32>
    %mul3A_3256 = arith.mulf %broadcast_in_dim3A_3240, %select_n3A_3196 : vector<16xf32>
    %mul3A_3257 = arith.mulf %mul3A_3256, %mul3A_3255 : vector<16xf32>
    %mul3A_3258 = arith.mulf %mul3A_3257, %mul3A_3255 : vector<16xf32>
    %sub3A_3259 = arith.subf %broadcast_in_dim3A_3238, %mul3A_3258 : vector<16xf32>
    %mul3A_3260 = arith.mulf %mul3A_3255, %sub3A_3259 : vector<16xf32>
    %mul3A_3261 = arith.mulf %select_n3A_3196, %mul3A_3260 : vector<16xf32>
    %swap3A_3262 = arith.constant 16 : index
    %swap3A_3263 = tpu.vector_load %arg7[%swap3A_3262] {strides = array<i32>} : memref<32xf32, #tpu.memory_space<vmem>>, vector<16xf32>,
    tpu.vector_store %arg7[%swap3A_3262], %mul3A_3261 {strides = array<i32>} : memref<32xf32, #tpu.memory_space<vmem>>, vector<16xf32>,
    %dma_start3A_3264 = arith.constant 0 : i32
    %dma_start3A_3265 = tpu.memref_slice %arg4[%add3A, %dma_start3A_3264] : memref<32x32xf32, #tpu.memory_space<hbm>> -> memref<1x32xf32, #tpu.memory_space<hbm>>
    %dma_start3A_3266 = tpu.memref_squeeze %dma_start3A_3265 : memref<1x32xf32, #tpu.memory_space<hbm>> -> memref<32xf32, #tpu.memory_space<hbm>>
    %dma_start3A_3267 = arith.constant 0 : i32
    %dma_start3A_3268 = tpu.memref_slice %arg4[%add3A, %dma_start3A_3267] : memref<32x32xf32, #tpu.memory_space<hbm>> -> memref<1x32xf32, #tpu.memory_space<hbm>>
    %dma_start3A_3269 = tpu.memref_squeeze %dma_start3A_3268 : memref<1x32xf32, #tpu.memory_space<hbm>> -> memref<32xf32, #tpu.memory_space<hbm>>
    tpu.enqueue_dma source(%arg7 : memref<32xf32, #tpu.memory_space<vmem>>) target(%dma_start3A_3269 : memref<32xf32, #tpu.memory_space<hbm>>) target_semaphore(%arg8 : memref<!tpu.dma_semaphore, #tpu.memory_space<semaphore_mem>>)
    %dma_wait3A_3270 = arith.constant 0 : i32
    %dma_wait3A_3271 = tpu.memref_slice %arg4[%add3A, %dma_wait3A_3270] : memref<32x32xf32, #tpu.memory_space<hbm>> -> memref<1x32xf32, #tpu.memory_space<hbm>>
    %dma_wait3A_3272 = tpu.memref_squeeze %dma_wait3A_3271 : memref<1x32xf32, #tpu.memory_space<hbm>> -> memref<32xf32, #tpu.memory_space<hbm>>
    %dma_wait3A_3273 = arith.constant 0 : i32
    %dma_wait3A_3274 = tpu.memref_slice %arg4[%add3A, %dma_wait3A_3273] : memref<32x32xf32, #tpu.memory_space<hbm>> -> memref<1x32xf32, #tpu.memory_space<hbm>>
    %dma_wait3A_3275 = tpu.memref_squeeze %dma_wait3A_3274 : memref<1x32xf32, #tpu.memory_space<hbm>> -> memref<32xf32, #tpu.memory_space<hbm>>
    tpu.wait_dma2 semaphore(%arg8 : memref<!tpu.dma_semaphore, #tpu.memory_space<semaphore_mem>>) src(%arg7 : memref<32xf32, #tpu.memory_space<vmem>>) dst(%dma_wait3A_3275 : memref<32xf32, #tpu.memory_space<hbm>>)
    return
  }
}

module attributes {stable_mosaic.version = 14 : i64} {
  func.func @_merge_body(%arg0: i32, %arg1: memref<32x32x8192xf32, #tpu.memory_space<hbm>>, %arg2: memref<32x32xf32, #tpu.memory_space<vmem>>, %arg3: memref<32x32x8192xf32, #tpu.memory_space<hbm>>, %arg4: memref<32x32x128xf32, #tpu.memory_space<vmem>>, %arg5: memref<!tpu.dma_semaphore, #tpu.memory_space<semaphore_mem>>) attributes {dimension_semantics = [#tpu.dimension_semantics<arbitrary>], iteration_bounds = array<i64: 1>, scalar_prefetch = 0 : i64, scratch_operands = 2 : i64, tpu.core_type = #tpu.core_type<tc>, window_params = [{}, {pipeline_mode = #tpu.pipeline_mode<synchronous>, transform_indices = @transform_1, window_bounds = array<i64: 32, 32>}, {}]} {
    %iota3A = tpu.iota {dimensions = array<i32: 1>} : vector<32x32x128xi32>
    %iota3A_0 = tpu.iota {dimensions = array<i32: 2>} : vector<32x32x128xi32>
    %add3A = arith.constant 96 : i32
    %add3A_1 = vector.broadcast %add3A : i32 to vector<32x32x128xi32>
    %add3A_2 = arith.addi %iota3A, %add3A_1 : vector<32x32x128xi32>
    %eq3A = arith.cmpi eq, %iota3A_0, %add3A_2 : vector<32x32x128xi32>
    %get3A = arith.constant 0 : index
    %get3A_3 = arith.constant 0 : index
    %get3A_4 = vector.load %arg2[%get3A, %get3A_3] : memref<32x32xf32, #tpu.memory_space<vmem>>, vector<32x32xf32>
    %broadcast_in_dim3A = vector.shape_cast %get3A_4 : vector<32x32xf32> to vector<32x32x1xf32>
    %jit3A = arith.constant -1.000000e+09 : f32
    %broadcast_in_dim3A_5 = vector.shape_cast %broadcast_in_dim3A : vector<32x32x1xf32> to vector<32x32x1xf32>
    %broadcast_in_dim3A_6 = vector.broadcast %broadcast_in_dim3A_5 : vector<32x32x1xf32> to vector<32x32x128xf32>
    %broadcast_in_dim3A_7 = vector.broadcast %jit3A : f32 to vector<32x32x128xf32>
    %select_n3A = arith.select %eq3A, %broadcast_in_dim3A_6, %broadcast_in_dim3A_7 : vector<32x32x128xi1>, vector<32x32x128xf32>
    %swap3A = arith.constant 0 : index
    %swap3A_8 = arith.constant 0 : index
    %swap3A_9 = arith.constant 0 : index
    %swap3A_10 = vector.load %arg4[%swap3A, %swap3A_8, %swap3A_9] : memref<32x32x128xf32, #tpu.memory_space<vmem>>, vector<32x32x128xf32>
    tpu.vector_store %arg4[%swap3A, %swap3A_8, %swap3A_9], %select_n3A {strides = array<i32>} : memref<32x32x128xf32, #tpu.memory_space<vmem>>, vector<32x32x128xf32>,
    %dma_start3A = arith.constant 0 : i32
    %dma_start3A_11 = arith.constant 0 : i32
    %dma_start3A_12 = arith.constant 8064 : i32
    %dma_start3A_13 = tpu.memref_slice %arg3[%dma_start3A, %dma_start3A_11, %dma_start3A_12] : memref<32x32x8192xf32, #tpu.memory_space<hbm>> -> memref<32x32x128xf32, #tpu.memory_space<hbm>>
    tpu.enqueue_dma source(%arg4 : memref<32x32x128xf32, #tpu.memory_space<vmem>>) target(%dma_start3A_13 : memref<32x32x128xf32, #tpu.memory_space<hbm>>) target_semaphore(%arg5 : memref<!tpu.dma_semaphore, #tpu.memory_space<semaphore_mem>>)
    %dma_wait3A = arith.constant 0 : i32
    %dma_wait3A_14 = arith.constant 0 : i32
    %dma_wait3A_15 = arith.constant 8064 : i32
    %dma_wait3A_16 = tpu.memref_slice %arg3[%dma_wait3A, %dma_wait3A_14, %dma_wait3A_15] : memref<32x32x8192xf32, #tpu.memory_space<hbm>> -> memref<32x32x128xf32, #tpu.memory_space<hbm>>
    tpu.wait_dma2 semaphore(%arg5 : memref<!tpu.dma_semaphore, #tpu.memory_space<semaphore_mem>>) src(%arg4 : memref<32x32x128xf32, #tpu.memory_space<vmem>>) dst(%dma_wait3A_16 : memref<32x32x128xf32, #tpu.memory_space<hbm>>)
    return
  }
  func.func @transform_1(%arg0: i32) -> (i32, i32) {
    %c0_i32 = arith.constant 0 : i32
    %c0_i32_0 = arith.constant 0 : i32
    %c0_i32_1 = arith.constant 0 : i32
    return %c0_i32, %c0_i32_0 : i32, i32
  }
}

module attributes {stable_mosaic.version = 14 : i64} {
  func.func @_fill_body(%arg0: i32, %arg1: memref<32x32x8192xf32, #tpu.memory_space<hbm>>, %arg2: memref<2x32x8192xf32, #tpu.memory_space<vmem>>, %arg3: memref<!tpu.dma_semaphore, #tpu.memory_space<semaphore_mem>>) attributes {dimension_semantics = [#tpu.dimension_semantics<arbitrary>], iteration_bounds = array<i64: 1>, scalar_prefetch = 0 : i64, scratch_operands = 2 : i64, tpu.core_type = #tpu.core_type<tc>, window_params = [{}]} {
    %broadcast_in_dim3A = arith.constant -1.000000e+09 : f32
    %broadcast_in_dim3A_0 = vector.broadcast %broadcast_in_dim3A : f32 to vector<2x32x8192xf32>
    %swap3A = arith.constant 0 : index
    %swap3A_1 = arith.constant 0 : index
    %swap3A_2 = arith.constant 0 : index
    %swap3A_3 = vector.load %arg2[%swap3A, %swap3A_1, %swap3A_2] : memref<2x32x8192xf32, #tpu.memory_space<vmem>>, vector<2x32x8192xf32>
    tpu.vector_store %arg2[%swap3A, %swap3A_1, %swap3A_2], %broadcast_in_dim3A_0 {strides = array<i32>} : memref<2x32x8192xf32, #tpu.memory_space<vmem>>, vector<2x32x8192xf32>,
    %dma_start3A = arith.constant 0 : i32
    %dma_start3A_4 = arith.constant 0 : i32
    %dma_start3A_5 = arith.constant 0 : i32
    %dma_start3A_6 = tpu.memref_slice %arg1[%dma_start3A, %dma_start3A_4, %dma_start3A_5] : memref<32x32x8192xf32, #tpu.memory_space<hbm>> -> memref<2x32x8192xf32, #tpu.memory_space<hbm>>
    tpu.enqueue_dma source(%arg2 : memref<2x32x8192xf32, #tpu.memory_space<vmem>>) target(%dma_start3A_6 : memref<2x32x8192xf32, #tpu.memory_space<hbm>>) target_semaphore(%arg3 : memref<!tpu.dma_semaphore, #tpu.memory_space<semaphore_mem>>)
    %dma_start3A_7 = arith.constant 2 : i32
    %dma_start3A_8 = arith.constant 0 : i32
    %dma_start3A_9 = arith.constant 0 : i32
    %dma_start3A_10 = tpu.memref_slice %arg1[%dma_start3A_7, %dma_start3A_8, %dma_start3A_9] : memref<32x32x8192xf32, #tpu.memory_space<hbm>> -> memref<2x32x8192xf32, #tpu.memory_space<hbm>>
    tpu.enqueue_dma source(%arg2 : memref<2x32x8192xf32, #tpu.memory_space<vmem>>) target(%dma_start3A_10 : memref<2x32x8192xf32, #tpu.memory_space<hbm>>) target_semaphore(%arg3 : memref<!tpu.dma_semaphore, #tpu.memory_space<semaphore_mem>>)
    %dma_start3A_11 = arith.constant 4 : i32
    %dma_start3A_12 = arith.constant 0 : i32
    %dma_start3A_13 = arith.constant 0 : i32
    %dma_start3A_14 = tpu.memref_slice %arg1[%dma_start3A_11, %dma_start3A_12, %dma_start3A_13] : memref<32x32x8192xf32, #tpu.memory_space<hbm>> -> memref<2x32x8192xf32, #tpu.memory_space<hbm>>
    tpu.enqueue_dma source(%arg2 : memref<2x32x8192xf32, #tpu.memory_space<vmem>>) target(%dma_start3A_14 : memref<2x32x8192xf32, #tpu.memory_space<hbm>>) target_semaphore(%arg3 : memref<!tpu.dma_semaphore, #tpu.memory_space<semaphore_mem>>)
    %dma_start3A_15 = arith.constant 6 : i32
    %dma_start3A_16 = arith.constant 0 : i32
    %dma_start3A_17 = arith.constant 0 : i32
    %dma_start3A_18 = tpu.memref_slice %arg1[%dma_start3A_15, %dma_start3A_16, %dma_start3A_17] : memref<32x32x8192xf32, #tpu.memory_space<hbm>> -> memref<2x32x8192xf32, #tpu.memory_space<hbm>>
    tpu.enqueue_dma source(%arg2 : memref<2x32x8192xf32, #tpu.memory_space<vmem>>) target(%dma_start3A_18 : memref<2x32x8192xf32, #tpu.memory_space<hbm>>) target_semaphore(%arg3 : memref<!tpu.dma_semaphore, #tpu.memory_space<semaphore_mem>>)
    %dma_start3A_19 = arith.constant 8 : i32
    %dma_start3A_20 = arith.constant 0 : i32
    %dma_start3A_21 = arith.constant 0 : i32
    %dma_start3A_22 = tpu.memref_slice %arg1[%dma_start3A_19, %dma_start3A_20, %dma_start3A_21] : memref<32x32x8192xf32, #tpu.memory_space<hbm>> -> memref<2x32x8192xf32, #tpu.memory_space<hbm>>
    tpu.enqueue_dma source(%arg2 : memref<2x32x8192xf32, #tpu.memory_space<vmem>>) target(%dma_start3A_22 : memref<2x32x8192xf32, #tpu.memory_space<hbm>>) target_semaphore(%arg3 : memref<!tpu.dma_semaphore, #tpu.memory_space<semaphore_mem>>)
    %dma_start3A_23 = arith.constant 10 : i32
    %dma_start3A_24 = arith.constant 0 : i32
    %dma_start3A_25 = arith.constant 0 : i32
    %dma_start3A_26 = tpu.memref_slice %arg1[%dma_start3A_23, %dma_start3A_24, %dma_start3A_25] : memref<32x32x8192xf32, #tpu.memory_space<hbm>> -> memref<2x32x8192xf32, #tpu.memory_space<hbm>>
    tpu.enqueue_dma source(%arg2 : memref<2x32x8192xf32, #tpu.memory_space<vmem>>) target(%dma_start3A_26 : memref<2x32x8192xf32, #tpu.memory_space<hbm>>) target_semaphore(%arg3 : memref<!tpu.dma_semaphore, #tpu.memory_space<semaphore_mem>>)
    %dma_start3A_27 = arith.constant 12 : i32
    %dma_start3A_28 = arith.constant 0 : i32
    %dma_start3A_29 = arith.constant 0 : i32
    %dma_start3A_30 = tpu.memref_slice %arg1[%dma_start3A_27, %dma_start3A_28, %dma_start3A_29] : memref<32x32x8192xf32, #tpu.memory_space<hbm>> -> memref<2x32x8192xf32, #tpu.memory_space<hbm>>
    tpu.enqueue_dma source(%arg2 : memref<2x32x8192xf32, #tpu.memory_space<vmem>>) target(%dma_start3A_30 : memref<2x32x8192xf32, #tpu.memory_space<hbm>>) target_semaphore(%arg3 : memref<!tpu.dma_semaphore, #tpu.memory_space<semaphore_mem>>)
    %dma_start3A_31 = arith.constant 14 : i32
    %dma_start3A_32 = arith.constant 0 : i32
    %dma_start3A_33 = arith.constant 0 : i32
    %dma_start3A_34 = tpu.memref_slice %arg1[%dma_start3A_31, %dma_start3A_32, %dma_start3A_33] : memref<32x32x8192xf32, #tpu.memory_space<hbm>> -> memref<2x32x8192xf32, #tpu.memory_space<hbm>>
    tpu.enqueue_dma source(%arg2 : memref<2x32x8192xf32, #tpu.memory_space<vmem>>) target(%dma_start3A_34 : memref<2x32x8192xf32, #tpu.memory_space<hbm>>) target_semaphore(%arg3 : memref<!tpu.dma_semaphore, #tpu.memory_space<semaphore_mem>>)
    %dma_start3A_35 = arith.constant 16 : i32
    %dma_start3A_36 = arith.constant 0 : i32
    %dma_start3A_37 = arith.constant 0 : i32
    %dma_start3A_38 = tpu.memref_slice %arg1[%dma_start3A_35, %dma_start3A_36, %dma_start3A_37] : memref<32x32x8192xf32, #tpu.memory_space<hbm>> -> memref<2x32x8192xf32, #tpu.memory_space<hbm>>
    tpu.enqueue_dma source(%arg2 : memref<2x32x8192xf32, #tpu.memory_space<vmem>>) target(%dma_start3A_38 : memref<2x32x8192xf32, #tpu.memory_space<hbm>>) target_semaphore(%arg3 : memref<!tpu.dma_semaphore, #tpu.memory_space<semaphore_mem>>)
    %dma_start3A_39 = arith.constant 18 : i32
    %dma_start3A_40 = arith.constant 0 : i32
    %dma_start3A_41 = arith.constant 0 : i32
    %dma_start3A_42 = tpu.memref_slice %arg1[%dma_start3A_39, %dma_start3A_40, %dma_start3A_41] : memref<32x32x8192xf32, #tpu.memory_space<hbm>> -> memref<2x32x8192xf32, #tpu.memory_space<hbm>>
    tpu.enqueue_dma source(%arg2 : memref<2x32x8192xf32, #tpu.memory_space<vmem>>) target(%dma_start3A_42 : memref<2x32x8192xf32, #tpu.memory_space<hbm>>) target_semaphore(%arg3 : memref<!tpu.dma_semaphore, #tpu.memory_space<semaphore_mem>>)
    %dma_start3A_43 = arith.constant 20 : i32
    %dma_start3A_44 = arith.constant 0 : i32
    %dma_start3A_45 = arith.constant 0 : i32
    %dma_start3A_46 = tpu.memref_slice %arg1[%dma_start3A_43, %dma_start3A_44, %dma_start3A_45] : memref<32x32x8192xf32, #tpu.memory_space<hbm>> -> memref<2x32x8192xf32, #tpu.memory_space<hbm>>
    tpu.enqueue_dma source(%arg2 : memref<2x32x8192xf32, #tpu.memory_space<vmem>>) target(%dma_start3A_46 : memref<2x32x8192xf32, #tpu.memory_space<hbm>>) target_semaphore(%arg3 : memref<!tpu.dma_semaphore, #tpu.memory_space<semaphore_mem>>)
    %dma_start3A_47 = arith.constant 22 : i32
    %dma_start3A_48 = arith.constant 0 : i32
    %dma_start3A_49 = arith.constant 0 : i32
    %dma_start3A_50 = tpu.memref_slice %arg1[%dma_start3A_47, %dma_start3A_48, %dma_start3A_49] : memref<32x32x8192xf32, #tpu.memory_space<hbm>> -> memref<2x32x8192xf32, #tpu.memory_space<hbm>>
    tpu.enqueue_dma source(%arg2 : memref<2x32x8192xf32, #tpu.memory_space<vmem>>) target(%dma_start3A_50 : memref<2x32x8192xf32, #tpu.memory_space<hbm>>) target_semaphore(%arg3 : memref<!tpu.dma_semaphore, #tpu.memory_space<semaphore_mem>>)
    %dma_start3A_51 = arith.constant 24 : i32
    %dma_start3A_52 = arith.constant 0 : i32
    %dma_start3A_53 = arith.constant 0 : i32
    %dma_start3A_54 = tpu.memref_slice %arg1[%dma_start3A_51, %dma_start3A_52, %dma_start3A_53] : memref<32x32x8192xf32, #tpu.memory_space<hbm>> -> memref<2x32x8192xf32, #tpu.memory_space<hbm>>
    tpu.enqueue_dma source(%arg2 : memref<2x32x8192xf32, #tpu.memory_space<vmem>>) target(%dma_start3A_54 : memref<2x32x8192xf32, #tpu.memory_space<hbm>>) target_semaphore(%arg3 : memref<!tpu.dma_semaphore, #tpu.memory_space<semaphore_mem>>)
    %dma_start3A_55 = arith.constant 26 : i32
    %dma_start3A_56 = arith.constant 0 : i32
    %dma_start3A_57 = arith.constant 0 : i32
    %dma_start3A_58 = tpu.memref_slice %arg1[%dma_start3A_55, %dma_start3A_56, %dma_start3A_57] : memref<32x32x8192xf32, #tpu.memory_space<hbm>> -> memref<2x32x8192xf32, #tpu.memory_space<hbm>>
    tpu.enqueue_dma source(%arg2 : memref<2x32x8192xf32, #tpu.memory_space<vmem>>) target(%dma_start3A_58 : memref<2x32x8192xf32, #tpu.memory_space<hbm>>) target_semaphore(%arg3 : memref<!tpu.dma_semaphore, #tpu.memory_space<semaphore_mem>>)
    %dma_start3A_59 = arith.constant 28 : i32
    %dma_start3A_60 = arith.constant 0 : i32
    %dma_start3A_61 = arith.constant 0 : i32
    %dma_start3A_62 = tpu.memref_slice %arg1[%dma_start3A_59, %dma_start3A_60, %dma_start3A_61] : memref<32x32x8192xf32, #tpu.memory_space<hbm>> -> memref<2x32x8192xf32, #tpu.memory_space<hbm>>
    tpu.enqueue_dma source(%arg2 : memref<2x32x8192xf32, #tpu.memory_space<vmem>>) target(%dma_start3A_62 : memref<2x32x8192xf32, #tpu.memory_space<hbm>>) target_semaphore(%arg3 : memref<!tpu.dma_semaphore, #tpu.memory_space<semaphore_mem>>)
    %dma_start3A_63 = arith.constant 30 : i32
    %dma_start3A_64 = arith.constant 0 : i32
    %dma_start3A_65 = arith.constant 0 : i32
    %dma_start3A_66 = tpu.memref_slice %arg1[%dma_start3A_63, %dma_start3A_64, %dma_start3A_65] : memref<32x32x8192xf32, #tpu.memory_space<hbm>> -> memref<2x32x8192xf32, #tpu.memory_space<hbm>>
    tpu.enqueue_dma source(%arg2 : memref<2x32x8192xf32, #tpu.memory_space<vmem>>) target(%dma_start3A_66 : memref<2x32x8192xf32, #tpu.memory_space<hbm>>) target_semaphore(%arg3 : memref<!tpu.dma_semaphore, #tpu.memory_space<semaphore_mem>>)
    %dma_wait3A = arith.constant 0 : i32
    %dma_wait3A_67 = arith.constant 0 : i32
    %dma_wait3A_68 = arith.constant 0 : i32
    %dma_wait3A_69 = tpu.memref_slice %arg1[%dma_wait3A, %dma_wait3A_67, %dma_wait3A_68] : memref<32x32x8192xf32, #tpu.memory_space<hbm>> -> memref<2x32x8192xf32, #tpu.memory_space<hbm>>
    tpu.wait_dma2 semaphore(%arg3 : memref<!tpu.dma_semaphore, #tpu.memory_space<semaphore_mem>>) src(%arg2 : memref<2x32x8192xf32, #tpu.memory_space<vmem>>) dst(%dma_wait3A_69 : memref<2x32x8192xf32, #tpu.memory_space<hbm>>)
    %dma_wait3A_70 = arith.constant 2 : i32
    %dma_wait3A_71 = arith.constant 0 : i32
    %dma_wait3A_72 = arith.constant 0 : i32
    %dma_wait3A_73 = tpu.memref_slice %arg1[%dma_wait3A_70, %dma_wait3A_71, %dma_wait3A_72] : memref<32x32x8192xf32, #tpu.memory_space<hbm>> -> memref<2x32x8192xf32, #tpu.memory_space<hbm>>
    tpu.wait_dma2 semaphore(%arg3 : memref<!tpu.dma_semaphore, #tpu.memory_space<semaphore_mem>>) src(%arg2 : memref<2x32x8192xf32, #tpu.memory_space<vmem>>) dst(%dma_wait3A_73 : memref<2x32x8192xf32, #tpu.memory_space<hbm>>)
    %dma_wait3A_74 = arith.constant 4 : i32
    %dma_wait3A_75 = arith.constant 0 : i32
    %dma_wait3A_76 = arith.constant 0 : i32
    %dma_wait3A_77 = tpu.memref_slice %arg1[%dma_wait3A_74, %dma_wait3A_75, %dma_wait3A_76] : memref<32x32x8192xf32, #tpu.memory_space<hbm>> -> memref<2x32x8192xf32, #tpu.memory_space<hbm>>
    tpu.wait_dma2 semaphore(%arg3 : memref<!tpu.dma_semaphore, #tpu.memory_space<semaphore_mem>>) src(%arg2 : memref<2x32x8192xf32, #tpu.memory_space<vmem>>) dst(%dma_wait3A_77 : memref<2x32x8192xf32, #tpu.memory_space<hbm>>)
    %dma_wait3A_78 = arith.constant 6 : i32
    %dma_wait3A_79 = arith.constant 0 : i32
    %dma_wait3A_80 = arith.constant 0 : i32
    %dma_wait3A_81 = tpu.memref_slice %arg1[%dma_wait3A_78, %dma_wait3A_79, %dma_wait3A_80] : memref<32x32x8192xf32, #tpu.memory_space<hbm>> -> memref<2x32x8192xf32, #tpu.memory_space<hbm>>
    tpu.wait_dma2 semaphore(%arg3 : memref<!tpu.dma_semaphore, #tpu.memory_space<semaphore_mem>>) src(%arg2 : memref<2x32x8192xf32, #tpu.memory_space<vmem>>) dst(%dma_wait3A_81 : memref<2x32x8192xf32, #tpu.memory_space<hbm>>)
    %dma_wait3A_82 = arith.constant 8 : i32
    %dma_wait3A_83 = arith.constant 0 : i32
    %dma_wait3A_84 = arith.constant 0 : i32
    %dma_wait3A_85 = tpu.memref_slice %arg1[%dma_wait3A_82, %dma_wait3A_83, %dma_wait3A_84] : memref<32x32x8192xf32, #tpu.memory_space<hbm>> -> memref<2x32x8192xf32, #tpu.memory_space<hbm>>
    tpu.wait_dma2 semaphore(%arg3 : memref<!tpu.dma_semaphore, #tpu.memory_space<semaphore_mem>>) src(%arg2 : memref<2x32x8192xf32, #tpu.memory_space<vmem>>) dst(%dma_wait3A_85 : memref<2x32x8192xf32, #tpu.memory_space<hbm>>)
    %dma_wait3A_86 = arith.constant 10 : i32
    %dma_wait3A_87 = arith.constant 0 : i32
    %dma_wait3A_88 = arith.constant 0 : i32
    %dma_wait3A_89 = tpu.memref_slice %arg1[%dma_wait3A_86, %dma_wait3A_87, %dma_wait3A_88] : memref<32x32x8192xf32, #tpu.memory_space<hbm>> -> memref<2x32x8192xf32, #tpu.memory_space<hbm>>
    tpu.wait_dma2 semaphore(%arg3 : memref<!tpu.dma_semaphore, #tpu.memory_space<semaphore_mem>>) src(%arg2 : memref<2x32x8192xf32, #tpu.memory_space<vmem>>) dst(%dma_wait3A_89 : memref<2x32x8192xf32, #tpu.memory_space<hbm>>)
    %dma_wait3A_90 = arith.constant 12 : i32
    %dma_wait3A_91 = arith.constant 0 : i32
    %dma_wait3A_92 = arith.constant 0 : i32
    %dma_wait3A_93 = tpu.memref_slice %arg1[%dma_wait3A_90, %dma_wait3A_91, %dma_wait3A_92] : memref<32x32x8192xf32, #tpu.memory_space<hbm>> -> memref<2x32x8192xf32, #tpu.memory_space<hbm>>
    tpu.wait_dma2 semaphore(%arg3 : memref<!tpu.dma_semaphore, #tpu.memory_space<semaphore_mem>>) src(%arg2 : memref<2x32x8192xf32, #tpu.memory_space<vmem>>) dst(%dma_wait3A_93 : memref<2x32x8192xf32, #tpu.memory_space<hbm>>)
    %dma_wait3A_94 = arith.constant 14 : i32
    %dma_wait3A_95 = arith.constant 0 : i32
    %dma_wait3A_96 = arith.constant 0 : i32
    %dma_wait3A_97 = tpu.memref_slice %arg1[%dma_wait3A_94, %dma_wait3A_95, %dma_wait3A_96] : memref<32x32x8192xf32, #tpu.memory_space<hbm>> -> memref<2x32x8192xf32, #tpu.memory_space<hbm>>
    tpu.wait_dma2 semaphore(%arg3 : memref<!tpu.dma_semaphore, #tpu.memory_space<semaphore_mem>>) src(%arg2 : memref<2x32x8192xf32, #tpu.memory_space<vmem>>) dst(%dma_wait3A_97 : memref<2x32x8192xf32, #tpu.memory_space<hbm>>)
    %dma_wait3A_98 = arith.constant 16 : i32
    %dma_wait3A_99 = arith.constant 0 : i32
    %dma_wait3A_100 = arith.constant 0 : i32
    %dma_wait3A_101 = tpu.memref_slice %arg1[%dma_wait3A_98, %dma_wait3A_99, %dma_wait3A_100] : memref<32x32x8192xf32, #tpu.memory_space<hbm>> -> memref<2x32x8192xf32, #tpu.memory_space<hbm>>
    tpu.wait_dma2 semaphore(%arg3 : memref<!tpu.dma_semaphore, #tpu.memory_space<semaphore_mem>>) src(%arg2 : memref<2x32x8192xf32, #tpu.memory_space<vmem>>) dst(%dma_wait3A_101 : memref<2x32x8192xf32, #tpu.memory_space<hbm>>)
    %dma_wait3A_102 = arith.constant 18 : i32
    %dma_wait3A_103 = arith.constant 0 : i32
    %dma_wait3A_104 = arith.constant 0 : i32
    %dma_wait3A_105 = tpu.memref_slice %arg1[%dma_wait3A_102, %dma_wait3A_103, %dma_wait3A_104] : memref<32x32x8192xf32, #tpu.memory_space<hbm>> -> memref<2x32x8192xf32, #tpu.memory_space<hbm>>
    tpu.wait_dma2 semaphore(%arg3 : memref<!tpu.dma_semaphore, #tpu.memory_space<semaphore_mem>>) src(%arg2 : memref<2x32x8192xf32, #tpu.memory_space<vmem>>) dst(%dma_wait3A_105 : memref<2x32x8192xf32, #tpu.memory_space<hbm>>)
    %dma_wait3A_106 = arith.constant 20 : i32
    %dma_wait3A_107 = arith.constant 0 : i32
    %dma_wait3A_108 = arith.constant 0 : i32
    %dma_wait3A_109 = tpu.memref_slice %arg1[%dma_wait3A_106, %dma_wait3A_107, %dma_wait3A_108] : memref<32x32x8192xf32, #tpu.memory_space<hbm>> -> memref<2x32x8192xf32, #tpu.memory_space<hbm>>
    tpu.wait_dma2 semaphore(%arg3 : memref<!tpu.dma_semaphore, #tpu.memory_space<semaphore_mem>>) src(%arg2 : memref<2x32x8192xf32, #tpu.memory_space<vmem>>) dst(%dma_wait3A_109 : memref<2x32x8192xf32, #tpu.memory_space<hbm>>)
    %dma_wait3A_110 = arith.constant 22 : i32
    %dma_wait3A_111 = arith.constant 0 : i32
    %dma_wait3A_112 = arith.constant 0 : i32
    %dma_wait3A_113 = tpu.memref_slice %arg1[%dma_wait3A_110, %dma_wait3A_111, %dma_wait3A_112] : memref<32x32x8192xf32, #tpu.memory_space<hbm>> -> memref<2x32x8192xf32, #tpu.memory_space<hbm>>
    tpu.wait_dma2 semaphore(%arg3 : memref<!tpu.dma_semaphore, #tpu.memory_space<semaphore_mem>>) src(%arg2 : memref<2x32x8192xf32, #tpu.memory_space<vmem>>) dst(%dma_wait3A_113 : memref<2x32x8192xf32, #tpu.memory_space<hbm>>)
    %dma_wait3A_114 = arith.constant 24 : i32
    %dma_wait3A_115 = arith.constant 0 : i32
    %dma_wait3A_116 = arith.constant 0 : i32
    %dma_wait3A_117 = tpu.memref_slice %arg1[%dma_wait3A_114, %dma_wait3A_115, %dma_wait3A_116] : memref<32x32x8192xf32, #tpu.memory_space<hbm>> -> memref<2x32x8192xf32, #tpu.memory_space<hbm>>
    tpu.wait_dma2 semaphore(%arg3 : memref<!tpu.dma_semaphore, #tpu.memory_space<semaphore_mem>>) src(%arg2 : memref<2x32x8192xf32, #tpu.memory_space<vmem>>) dst(%dma_wait3A_117 : memref<2x32x8192xf32, #tpu.memory_space<hbm>>)
    %dma_wait3A_118 = arith.constant 26 : i32
    %dma_wait3A_119 = arith.constant 0 : i32
    %dma_wait3A_120 = arith.constant 0 : i32
    %dma_wait3A_121 = tpu.memref_slice %arg1[%dma_wait3A_118, %dma_wait3A_119, %dma_wait3A_120] : memref<32x32x8192xf32, #tpu.memory_space<hbm>> -> memref<2x32x8192xf32, #tpu.memory_space<hbm>>
    tpu.wait_dma2 semaphore(%arg3 : memref<!tpu.dma_semaphore, #tpu.memory_space<semaphore_mem>>) src(%arg2 : memref<2x32x8192xf32, #tpu.memory_space<vmem>>) dst(%dma_wait3A_121 : memref<2x32x8192xf32, #tpu.memory_space<hbm>>)
    %dma_wait3A_122 = arith.constant 28 : i32
    %dma_wait3A_123 = arith.constant 0 : i32
    %dma_wait3A_124 = arith.constant 0 : i32
    %dma_wait3A_125 = tpu.memref_slice %arg1[%dma_wait3A_122, %dma_wait3A_123, %dma_wait3A_124] : memref<32x32x8192xf32, #tpu.memory_space<hbm>> -> memref<2x32x8192xf32, #tpu.memory_space<hbm>>
    tpu.wait_dma2 semaphore(%arg3 : memref<!tpu.dma_semaphore, #tpu.memory_space<semaphore_mem>>) src(%arg2 : memref<2x32x8192xf32, #tpu.memory_space<vmem>>) dst(%dma_wait3A_125 : memref<2x32x8192xf32, #tpu.memory_space<hbm>>)
    %dma_wait3A_126 = arith.constant 30 : i32
    %dma_wait3A_127 = arith.constant 0 : i32
    %dma_wait3A_128 = arith.constant 0 : i32
    %dma_wait3A_129 = tpu.memref_slice %arg1[%dma_wait3A_126, %dma_wait3A_127, %dma_wait3A_128] : memref<32x32x8192xf32, #tpu.memory_space<hbm>> -> memref<2x32x8192xf32, #tpu.memory_space<hbm>>
    tpu.wait_dma2 semaphore(%arg3 : memref<!tpu.dma_semaphore, #tpu.memory_space<semaphore_mem>>) src(%arg2 : memref<2x32x8192xf32, #tpu.memory_space<vmem>>) dst(%dma_wait3A_129 : memref<2x32x8192xf32, #tpu.memory_space<hbm>>)
    return
  }
}

</mosaic_0001>

<sc_bundles>
// kernel: kernel.5.cloned.1.call-start
scs
__scs_entry_jumppad:
0x0: {  	(pc) =	sbr.rel $0x88, $3  }
0x1: {  	(tag) =	ssettag $0x0;
	lr =	simm.s32 $0x1  }
0x2: {  	[smem:$0x3F9F] =	sst lr;
	_ =	strace $0xD0000000  }
0x3: {  	_ = 	snop  }
0x4: {  	_ = 	snop  }
0x5: {  	_ = 	snop  }
0x6: {  	_ = 	snop  }
0x7: {  	_ = 	snop  }
__scs_overlays_trampoline_lowered:
0x8: {  	[smem:$0x3FAE] =	sst s0  }
0x9: {  	[smem:$0x3FAF] =	sst s1  }
0xa: {  	[smem:$0x3FB0] =	sst s2  }
0xb: {  	[smem:$0x3FB1] =	sst s3  }
0xc: {  	[smem:$0x3FB2] =	sst s4  }
0xd: {  	[smem:$0x3FB3] =	sst s5  }
0xe: {  	[smem:$0x3FB4] =	sst s6  }
0xf: {  	[smem:$0x3FB5] =	sst s7  }
0x10: {  	[smem:$0x3FB6] =	sst s8  }
0x11: {  	[smem:$0x3FB7] =	sst s9;
	s0 =	simm.s32 @!p0 $0x0  }
0x12: {  	s1 =	sld [smem:$0x3F9D];
	s0 =	simm.s32 @p0 $0x1  }
0x13: {  	[smem:$0x3FB8] =	sst s0;
	s0 =	simm.s32 @!p1 $0x0  }
0x14: {  	s2 =	sld [smem:$0x3F9C];
	s0 =	simm.s32 @p1 $0x1  }
0x15: {  	[smem:$0x3FB9] =	sst s0;
	s0 =	simm.s32 @!p2 $0x0  }
0x16: {  	s3 =	sld [smem:$0x3FDB];
	s0 =	simm.s32 @p2 $0x1  }
0x17: {  	s4 =	simm.s32 $0x1BF5;
	[smem:$0x3FBB] =	sst s0  }
0x18: {  	s0 =	sld [smem:$0x3F9E];
	_ =	swait.ge [sflag:s4], $0x0  }
0x19: {  	s7 =	sld [smem:$0x3F9F]  }
0x1a: {  	s8 =	sadd.s32 $0xFFFFE003, lr  }
0x1b: {  	s9 =	sadd.s32 $0xFFFFFEF7, lr;
	s5 =	simm.s32 $0xFFFFFFFF;
	p2 =	slt.u32 s8, $0xFFFFF086  }
0x1c: {  	p1 =	slt.u32 s9, $0xF7A;
	s5 =	simm.s32 @!p2 $0x0  }
0x1d: {  	s5 =	simm.s32 @p1 $0x1;
	p0 =	seq.s32 s7, s2  }
0x1e: {  	s7 =	smul.u32 @!p0 $0xF7A, s2;
	p2 =	seq.s32 @!p0 s5, $0x0  }
0x1f: {  	s9 =	smul.u32 $0xF7A, s1;
	s8 =	simm.s32 @!p0 $0x1BF5;
	p2 =	por !p2, p0  }
0x20: {  	[sflag:s8] =	ssyncset.s32 @!p0 $0xFFFFF086;
	s6 =	sadd.s32 @!p0 s3, s7;
	s7 =	simm.s32 @!p0 $0x108  }
0x21: {  	s3 =	sadd.s32 s3, s9;
	s6 =	sadd.s32 @!p0 $0x88, s6;
	s7 =	simm.s32 @p2 $0x1082  }
0x22: {  	[simem:s7], [sflag:s8] =	dma.local @!p0 [hbm:s6], $0xF7A  }
0x23: {  	s9 =	sor.u32 $0xD0000000, s2;
	s6 =	simm.s32 $0x108;
	_ =	swait.ge @!p0 [sflag:s8], $0x0  }
0x24: {  	s3 =	sadd.s32 $0x88, s3;
	s6 =	simm.s32 @!p1 $0x1082;
	[sflag:s4] =	ssyncset.s32 $0xFFFFF086  }
0x25: {  	[simem:s6], [sflag:s4] =	dma.local [hbm:s3], $0xF7A  }
0x26: {  	[smem:$0x3F9F] =	sst s1;
	(tag) =	ssettag s2;
	_ =	strace s9  }
0x27: {  	s1 =	sld [smem:$0x3FAF]  }
0x28: {  	s2 =	sld [smem:$0x3FB0]  }
0x29: {  	s4 =	sld [smem:$0x3FB2]  }
0x2a: {  	p0 =	seq.s32 s5, $0x0;
	s5 =	sld [smem:$0x3FB3]  }
0x2b: {  	s6 =	sld [smem:$0x3FB4]  }
0x2c: {  	s7 =	sld [smem:$0x3FB5]  }
0x2d: {  	s3 =	simm.s32 $0x108;
	s8 =	sld [smem:$0x3FB6]  }
0x2e: {  	s3 =	simm.s32 @!p0 $0x1082;
	s9 =	sld [smem:$0x3FB7]  }
0x2f: {  	lr =	sadd.s32 s0, s3;
	s0 =	sld [smem:$0x3FAE]  }
0x30: {  	s3 =	sld [smem:$0x3FB1]  }
0x31: {  	[smem:$0x3FBA] =	sst s10  }
0x32: {  	s10 =	sld [smem:$0x3FB8];
	_ =	sdelay $0x3  }
0x33: {  	p0 =	seq.s32 s10, $0x1;
	s10 =	sld [smem:$0x3FBA];
	_ =	sdelay $0x3  }
0x34: {  	[smem:$0x3FBA] =	sst s10  }
0x35: {  	s10 =	sld [smem:$0x3FB9];
	_ =	sdelay $0x3  }
0x36: {  	p1 =	seq.s32 s10, $0x1;
	s10 =	sld [smem:$0x3FBA];
	_ =	sdelay $0x3  }
0x37: {  	[smem:$0x3FBA] =	sst s10  }
0x38: {  	s10 =	sld [smem:$0x3FBB]  }
0x39: {  	_ = 	snop;
	(pc) =	sbr.ind lr, $3  }
0x3a: {  	_ = 	snop  }
0x3b: {  	_ = 	snop  }
0x3c: {  	p2 =	seq.s32 s10, $0x1;
	s10 =	sld [smem:$0x3FBA]  }
0x3d: {  	_ =	shalt  }
0x3e: {  	_ =	shalt  }
0x3f: {  	_ =	shalt  }
0x40: {  	_ =	shalt  }
0x41: {  	_ =	shalt  }
0x42: {  	_ =	shalt  }
0x43: {  	_ =	shalt  }
0x44: {  	_ =	shalt  }
0x45: {  	_ =	shalt  }
0x46: {  	_ =	shalt  }
0x47: {  	_ =	shalt  }
0x48: {  	_ =	shalt  }
0x49: {  	_ =	shalt  }
0x4a: {  	_ =	shalt  }
0x4b: {  	_ =	shalt  }
0x4c: {  	_ =	shalt  }
0x4d: {  	_ =	shalt  }
0x4e: {  	_ =	shalt  }
0x4f: {  	_ =	shalt  }
0x50: {  	_ =	shalt  }
0x51: {  	_ =	shalt  }
0x52: {  	_ =	shalt  }
0x53: {  	_ =	shalt  }
0x54: {  	_ =	shalt  }
0x55: {  	_ =	shalt  }
0x56: {  	_ =	shalt  }
0x57: {  	_ =	shalt  }
0x58: {  	_ =	shalt  }
0x59: {  	_ =	shalt  }
0x5a: {  	_ =	shalt  }
0x5b: {  	_ =	shalt  }
0x5c: {  	_ =	shalt  }
0x5d: {  	_ =	shalt  }
0x5e: {  	_ =	shalt  }
0x5f: {  	_ =	shalt  }
0x60: {  	_ =	shalt  }
0x61: {  	_ =	shalt  }
0x62: {  	_ =	shalt  }
0x63: {  	_ =	shalt  }
0x64: {  	_ =	shalt  }
0x65: {  	_ =	shalt  }
0x66: {  	_ =	shalt  }
0x67: {  	_ =	shalt  }
0x68: {  	_ =	shalt  }
0x69: {  	_ =	shalt  }
0x6a: {  	_ =	shalt  }
0x6b: {  	_ =	shalt  }
0x6c: {  	_ =	shalt  }
0x6d: {  	_ =	shalt  }
0x6e: {  	_ =	shalt  }
0x6f: {  	_ =	shalt  }
0x70: {  	_ =	shalt  }
0x71: {  	_ =	shalt  }
0x72: {  	_ =	shalt  }
0x73: {  	_ =	shalt  }
0x74: {  	_ =	shalt  }
0x75: {  	_ =	shalt  }
0x76: {  	_ =	shalt  }
0x77: {  	_ =	shalt  }
0x78: {  	_ =	shalt  }
0x79: {  	_ =	shalt  }
0x7a: {  	_ =	shalt  }
0x7b: {  	_ =	shalt  }
0x7c: {  	_ =	shalt  }
0x7d: {  	_ =	shalt  }
0x7e: {  	_ =	shalt  }
0x7f: {  	_ =	shalt  }
0x80: {  	_ =	shalt  }
0x81: {  	_ =	shalt  }
0x82: {  	_ =	shalt  }
0x83: {  	_ =	shalt  }
0x84: {  	_ =	shalt  }
0x85: {  	_ =	shalt  }
0x86: {  	_ =	shalt  }
0x87: {  	_ =	shalt  }
.Lfunc_end0:
.L_simem_size_0:
called_computation_lowered:
.L_overlay_start_0:
0x88: {  	s2 =	sld [smem:$0x3FD9]  }
0x89: {  	s3 =	sld [smem:$0x3FFE];
	_ =	sdelay $0x1  }
0x8a: {  	s1 =	srdreg.scid  }
0x8b: {  	s0 =	sand.u32 $0x1, s1  }
0x8c: {  	s17 =	sshll.u32 s0, $0xA;
	s2 =	sadd.s32 s3, s2  }
0x8d: {  	s2 =	sadd.s32 s2, s17  }
0x8e: {  	[smem:$0x3FC6] =	sst s2  }
0x8f: {  	_ = 	snop  }
0x90: {  	s2 =	sld [smem:$0x3FC9]  }
0x91: {  	s18 =	sld [smem:$0x3FC8];
	(tm) =	ssettm $0x1  }
0x92: {  	s4 =	sld [smem:$0x3FFB];
	_ =	sdelay $0x3  }
0x93: {  	_ =	strace s4  }
0x94: {  	s4 =	sld [smem:$0x3FFC];
	_ =	sdelay $0x3  }
0x95: {  	_ =	strace s4  }
0x96: {  	s4 =	sld [smem:$0x3FFD];
	_ =	sdelay $0x3  }
0x97: {  	_ =	strace s4  }
0x98: {  	_ =	strace $0x8FFFFFFF  }
0x99: {  	s19 =	sld [smem:$0x3FDB];
	_ =	sdelay $0x1  }
0x9a: {  	s5 =	simm.s32 $_scs_section_size  }
0x9b: {  	s6 =	simm.s32 $_size__tile_overlayer_lowered;
	s7 =	simm.s32 $_tile_overlayer_lowered  }
0x9c: {  	s22 =	simm.s32 $0x1BFF;
	s21 =	sshll.u32 s7, $0x1;
	s4 =	sadd.s32 s5, s19  }
0x9d: {  	s8 =	simm.s32 $0x0;
	s20 =	sshll.u32 s6, $0x1;
	s6 =	sadd.s32 s21, s4  }
0x9e: {  	[timem:s8], [sflag:s22] =	dma.local [hbm:s6], s20  }
0x9f: {  	_ =	swait.ge [sflag:s22], s20  }
0xa0: {  	s5 =	ssub.s32 $0x0, s20;
	[sflag:s22] =	ssyncset.done $0x0  }
0xa1: {  	[sflag:s22] =	ssyncadd.s32 s5;
	_ =	sdelay $0x1  }
0xa2: {  	s23 =	simm.s32 $0x1B8B  }
0xa3: {  	_ =	swait.ge [sflag:s23], $0x1  }
0xa4: {  	[sflag:s23] =	ssyncset.done $0x0  }
0xa5: {  	s25 =	simm.s32 $0x1B8E;
	s24 =	sld [smem:$0x3FFE];
	[sflag:s23] =	ssyncadd.s32 $0xFFFFFFFF  }
0xa6: {  	s26 =	simm.s32 $execute0_lowered;
	[smem:$0x3FD2] =	sst s25  }
0xa7: {  	s6 =	sshll.u32 s26, $0x1;
	_ =	strace $0x80000046;
	[dreg:$0x1] =	wrdreg $0xFFFFFFFF  }
0xa8: {  	s28 =	simm.s32 $_size_execute0_lowered;
	s4 =	sadd.s32 s4, s6;
	[dreg:$0x0] =	wrdreg $0x0  }
0xa9: {  	s6 =	sshll.u32 s28, $0x1;
	[dreg:$0x2] =	wrdreg s4  }
0xaa: {  	[dreg:$0x3] =	wrdreg s6  }
0xab: {  	[dreg:$0x4] =	wrdreg $0xC0  }
0xac: {  	_ =	task [dreg:s8], $0x5FFFF  }
0xad: {  	[dreg:$0x1] =	wrdreg $0xFFFFFFFF  }
0xae: {  	[dreg:$0x0] =	wrdreg $0x60  }
0xaf: {  	[dreg:$0x2] =	wrdreg s2  }
0xb0: {  	[dreg:$0x3] =	wrdreg s18  }
0xb1: {  	[dreg:$0x4] =	wrdreg s24  }
0xb2: {  	[dreg:$0x5] =	wrdreg $0x9  }
0xb3: {  	_ =	task.clear_ibuf [dreg:s8], $0x6FFFF;
	_ =	strace $0x90000046  }
0xb4: {  	s29 =	simm.s32 $0x9;
	_ =	strace $0x80000048  }
0xb5: {  	_ =	swait.ge [sflag:s29], $0x1  }
0xb6: {  	[sflag:s29] =	ssyncadd.s32 $0xFFFFFFFF  }
0xb7: {  	_ =	strace $0x90000048  }
0xb8: {  	_ =	sfence  }
0xb9: {  	s30 =	sld [smem:$0x0];
	_ =	sdelay $0x2  }
0xba: {  	s31 =	sshll.u32 s1, $0xD;
	s1 =	sshrl.u32 s1, $0x2  }
0xbb: {  	s3 =	sand.u32 $0x4000, s31;
	s1 =	sadd.s32 s1, s30  }
0xbc: {  	s0 =	sor.u32 s3, s0;
	s1 =	sshll.u32 s1, $0x11  }
0xbd: {  	s0 =	sor.u32 s1, s0  }
0xbe: {  	s0 =	sadd.s32 $0x8F2B, s0  }
0xbf: {  	[sflag:s0] =	ssyncadd.remote.s32 $0x1  }
0xc0: {  	_ =	sfence.sel $0xFFFF  }
0xc1: {  	[dreg:$0x0] =	wrdreg $0xFFFFFFFF;
	(pc) =	sbr.abs _section_cstart, $3  }
0xc2: {  	[dreg:$0x1] =	wrdreg $0xFFFFFFFF  }
0xc3: {  	_ =	task.clear_ibuf [dreg:s8], $0x2FFFF;
	_ =	strace $0x9FFFFFFF  }
0xc4: {  	(tm) =	ssettm $0x7FFFFFFF  }
0xc5: {  	_ =	shalt  }
tec
execute0_lowered:
.L_overlay_start_1:
0x0: {  	(tag) =	ssettag $0x1  }
0x1: {  	s3 =	rddreg [dreg:$0x0]  }
0x2: {  	s4 =	rddreg [dreg:$0x1]  }
0x3: {  	s5 =	rddreg [dreg:$0x2]  }
0x4: {  	s0 =	rddreg [dreg:$0x3]  }
0x5: {  	s2 =	simm.s32 $0x0;
	s6 =	srdreg.scid;
	s1 =	stileid.u32  }
0x6: {  	[smem:$0x7FF] =	sst s2;
	s6 =	sand.u32 $0x1, s6;
	s7 =	sshll.u32 s1, $0x4  }
0x7: {  	_ =	strace $0x80000047;
	s8 =	ssub.s32 $0x2, s6;
	s6 =	sshll.u32 s6, $0x4  }
0x8: {  	s7 =	sand.u32 $0x70, s7;
	s9 =	sshrl.u32 s8, $0x1;
	s6 =	sor.u32 s1, s6  }
0x9: {  	vm0 =	vmmov $0x1;
	vm1 =	vmmov $0x3;
	vm2 =	vmmov $0x7;
	s5 =	sadd.s32 s7, s5;
	s7 =	simm.s32 $0x1000;
	s29 =	ssub.s32 s8, s9  }
0xa: {  	vm3 =	vmmov $0xf;
	vm4 =	vmmov $0x1f;
	vm5 =	vmmov $0x3f;
	s30 =	sshll.u32 s6, $0x4;
	s31 =	sshll.u32 s6, $0x9;
	s6 =	sshll.u32 s6, $0x11  }
0xb: {  	vm6 =	vmmov $0x7f;
	vm7 =	vmmov $0xff;
	vm8 =	vmmov $0x1ff;
	s9 =	simm.s32 $0x2000;
	s8 =	sand.u32 $0x180, s30;
	s3 =	sadd.s32 s3, s31  }
0xc: {  	vm9 =	vmmov $0x3ff;
	vm10 =	vmmov $0x7ff;
	vm11 =	vmmov $0xfff;
	s4 =	sadd.s32 s6, s4;
	s6 =	smax.u32 s29, $0x1;
	s5 =	sadd.s32 s8, s5  }
0xd: {  	vm12 =	vmmov $0x1fff;
	vm13 =	vmmov $0x3fff;
	vm14 =	vmmov $0x7fff;
	s4 =	sadd.s32 $0x1FE00, s4;
	s8 =	simm.s32 $0x1;
	s5 =	sadd.s32 $0x600, s5  }
.LBB2_1:
0xe: {  	[tilespmem:s2], [sflag:$0x1] =	stream.linear.gather [hbm4b:s3+s2], $0x1000, $0x38;
	[tilespmem:$0x2080] =	vst v63  }
0xf: {  	_ = 	snop  }
0x10: {  	[tilespmem:s7], [sflag:$0x1] =	stream.linear.gather [hbm4b:s4+s2], $0x1000, $0x38;
	[tilespmem:$0x2080] =	vst v63  }
0x11: {  	_ =	swait.ge [sflag:s8], $0x1000  }
0x12: {  	[sflag:s8] =	ssyncset.done $0x0  }
0x13: {  	[sflag:s8] =	ssyncadd.s32 $0xFFFFF000  }
0x14: {  	_ =	swait.ge [sflag:s8], $0x1000  }
0x15: {  	[sflag:s8] =	ssyncset.done $0x0  }
0x16: {  	[sflag:s8] =	ssyncadd.s32 $0xFFFFF000  }
0x17: {  	v0 =	vld [tilespmem:$0x0]  }
0x18: {  	v1 =	vld [tilespmem:$0x1000]  }
0x19: {  	v2 =	vld [tilespmem:$0x10]  }
0x1a: {  	v3 =	vld [tilespmem:$0x1010]  }
0x1b: {  	v4 =	vld [tilespmem:$0x20]  }
0x1c: {  	v5 =	vld [tilespmem:$0x1020]  }
0x1d: {  	v6 =	vld [tilespmem:$0x30]  }
0x1e: {  	v7 =	vld [tilespmem:$0x1030]  }
0x1f: {  	v8 =	vld [tilespmem:$0x40]  }
0x20: {  	v9 =	vld [tilespmem:$0x1040]  }
0x21: {  	v10 =	vld [tilespmem:$0x50]  }
0x22: {  	v11 =	vld [tilespmem:$0x1050]  }
0x23: {  	v12 =	vld [tilespmem:$0x60]  }
0x24: {  	v13 =	vld [tilespmem:$0x1060]  }
0x25: {  	v14 =	vld [tilespmem:$0x70]  }
0x26: {  	v15 =	vld [tilespmem:$0x1070]  }
0x27: {  	v16 =	vld [tilespmem:$0x80]  }
0x28: {  	v17 =	vld [tilespmem:$0x1080]  }
0x29: {  	v18 =	vld [tilespmem:$0x90]  }
0x2a: {  	v19 =	vld [tilespmem:$0x1090]  }
0x2b: {  	v20 =	vld [tilespmem:$0xA0]  }
0x2c: {  	v21 =	vld [tilespmem:$0x10A0]  }
0x2d: {  	v22 =	vld [tilespmem:$0xB0]  }
0x2e: {  	v23 =	vld [tilespmem:$0x10B0]  }
0x2f: {  	v24 =	vld [tilespmem:$0xC0]  }
0x30: {  	v25 =	vld [tilespmem:$0x10C0]  }
0x31: {  	v26 =	vld [tilespmem:$0xD0]  }
0x32: {  	v27 =	vld [tilespmem:$0x10D0]  }
0x33: {  	v28 =	vld [tilespmem:$0xE0]  }
0x34: {  	v29 =	vld [tilespmem:$0x10E0]  }
0x35: {  	v30 =	vld [tilespmem:$0xF0]  }
0x36: {  	v31 =	vld [tilespmem:$0x10F0]  }
0x37: {  	v32 =	vld [tilespmem:$0x100]  }
0x38: {  	v33 =	vld [tilespmem:$0x1100]  }
0x39: {  	v34 =	vld [tilespmem:$0x110]  }
0x3a: {  	v35 =	vld [tilespmem:$0x1110]  }
0x3b: {  	v36 =	vld [tilespmem:$0x120]  }
0x3c: {  	v37 =	vld [tilespmem:$0x1120]  }
0x3d: {  	v38 =	vld [tilespmem:$0x130]  }
0x3e: {  	v49 =	vld [tilespmem:$0x180]  }
0x3f: {  	v52 =	vld [tilespmem:$0x1180]  }
0x40: {  	v55 =	vld [tilespmem:$0x190]  }
0x41: {  	v57 =	vld [tilespmem:$0x1190]  }
0x42: {  	v59 =	vsub.f32 v2, v3;
	v2 =	vld [tilespmem:$0x1130]  }
0x43: {  	v60 =	vsub.f32 v16, v17;
	v17 =	vld [tilespmem:$0x140]  }
0x44: {  	v4 =	vsub.f32 v4, v5;
	v5 =	vld [tilespmem:$0x1140]  }
0x45: {  	v61 =	vsub.f32 v18, v19;
	v19 =	vld [tilespmem:$0x150]  }
0x46: {  	v62 =	vsub.f32 v20, v21;
	v21 =	vsub.f32 v6, v7;
	v6 =	vld [tilespmem:$0x1150]  }
0x47: {  	v18 =	vld [tilespmem:$0x160]  }
0x48: {  	v42 =	vsub.f32 v8, v9;
	v8 =	vld [tilespmem:$0x1160]  }
0x49: {  	v46 =	vsub.f32 v10, v11;
	v10 =	vld [tilespmem:$0x1170]  }
0x4a: {  	v0 =	vsub.f32 v0, v1;
	v48 =	vsub.f32 v26, v27;
	v26 =	vld [tilespmem:$0x11B0]  }
0x4b: {  	v44 =	vsub.f32 v24, v25;
	v27 =	vld [tilespmem:$0x1C0]  }
0x4c: {  	v24 =	vsub.f32 v32, v33;
	v32 =	vld [tilespmem:$0x1D0];
	v0 =	vmul.f32 v0, v0;
	v1 =	vmul.f32 v59, v59  }
0x4d: {  	v25 =	vsub.f32 v34, v35;
	v34 =	vld [tilespmem:$0x11D0]  }
0x4e: {  	v63 =	vmul.f32 v4, v4;
	v59 =	vld [tilespmem:$0x1A0];
	v0 =	vadd.f32 v1, v0  }
0x4f: {  	v16 =	vmul.f32 v61, v61;
	v61 =	vld [tilespmem:$0x11A0]  }
0x50: {  	v0 =	vadd.f32 v63, v0;
	v63 =	vld [tilespmem:$0x1B0]  }
0x51: {  	v3 =	vmul.f32 v60, v60;
	v39 =	vmul.f32 v62, v62;
	v62 =	vsub.f32 v30, v31;
	v31 =	vld [tilespmem:$0x11C0]  }
0x52: {  	v30 =	vsub.f32 v36, v37;
	v36 =	vld [tilespmem:$0x1E0]  }
0x53: {  	v3 =	vadd.f32 v16, v3;
	v16 =	vld [tilespmem:$0x170]  }
0x54: {  	v37 =	vld [tilespmem:$0x11E0]  }
0x55: {  	v35 =	vsub.f32 v63, v26;
	v63 =	vld [tilespmem:$0x13D0];
	_ =	sdelay $0x4  }
0x56: {  	[tilespmem:$0x1F130] =	vst v63;
	v63 =	vld [tilespmem:$0x13F0];
	_ =	sdelay $0x4  }
0x57: {  	[tilespmem:$0x1F1A0] =	vst v63;
	v63 =	vld [tilespmem:$0x440];
	_ =	sdelay $0x4  }
0x58: {  	[tilespmem:$0x1F170] =	vst v63;
	v63 =	vld [tilespmem:$0x1440];
	_ =	sdelay $0x4  }
0x59: {  	[tilespmem:$0x1F180] =	vst v63;
	v63 =	vld [tilespmem:$0x450];
	_ =	sdelay $0x4  }
0x5a: {  	[tilespmem:$0x1F1B0] =	vst v63;
	v63 =	vld [tilespmem:$0x1450];
	_ =	sdelay $0x4  }
0x5b: {  	[tilespmem:$0x1F1C0] =	vst v63;
	v63 =	vld [tilespmem:$0x460];
	_ =	sdelay $0x4  }
0x5c: {  	[tilespmem:$0x1F210] =	vst v63;
	v63 =	vld [tilespmem:$0x1460];
	_ =	sdelay $0x4  }
0x5d: {  	[tilespmem:$0x1F220] =	vst v63;
	v63 =	vld [tilespmem:$0x470];
	_ =	sdelay $0x4  }
0x5e: {  	[tilespmem:$0x1F310] =	vst v63;
	v63 =	vld [tilespmem:$0x1470];
	_ =	sdelay $0x4  }
0x5f: {  	[tilespmem:$0x1F320] =	vst v63;
	v63 =	vld [tilespmem:$0x480];
	_ =	sdelay $0x4  }
0x60: {  	[tilespmem:$0x1F1D0] =	vst v63;
	v63 =	vld [tilespmem:$0x1480];
	_ =	sdelay $0x4  }
0x61: {  	[tilespmem:$0x1F1E0] =	vst v63;
	v63 =	vld [tilespmem:$0x490];
	_ =	sdelay $0x4  }
0x62: {  	[tilespmem:$0x1F1F0] =	vst v63;
	v63 =	vld [tilespmem:$0x1490];
	_ =	sdelay $0x4  }
0x63: {  	[tilespmem:$0x1F200] =	vst v63;
	v63 =	vld [tilespmem:$0x4A0];
	_ =	sdelay $0x4  }
0x64: {  	[tilespmem:$0x1F230] =	vst v63;
	v63 =	vld [tilespmem:$0x14A0];
	_ =	sdelay $0x4  }
0x65: {  	[tilespmem:$0x1F240] =	vst v63;
	v63 =	vld [tilespmem:$0x4B0];
	_ =	sdelay $0x4  }
0x66: {  	[tilespmem:$0x1F250] =	vst v63;
	v63 =	vld [tilespmem:$0x14B0];
	_ =	sdelay $0x4  }
0x67: {  	[tilespmem:$0x1F260] =	vst v63;
	v63 =	vld [tilespmem:$0x4C0];
	_ =	sdelay $0x4  }
0x68: {  	[tilespmem:$0x1F270] =	vst v63;
	v63 =	vld [tilespmem:$0x14C0];
	_ =	sdelay $0x4  }
0x69: {  	[tilespmem:$0x1F280] =	vst v63;
	v63 =	vld [tilespmem:$0x4D0];
	_ =	sdelay $0x4  }
0x6a: {  	[tilespmem:$0x1F2D0] =	vst v63;
	v63 =	vld [tilespmem:$0x14D0];
	_ =	sdelay $0x4  }
0x6b: {  	[tilespmem:$0x1F2E0] =	vst v63;
	v63 =	vld [tilespmem:$0x4E0];
	_ =	sdelay $0x4  }
0x6c: {  	[tilespmem:$0x1F330] =	vst v63;
	v63 =	vld [tilespmem:$0x14E0];
	_ =	sdelay $0x4  }
0x6d: {  	[tilespmem:$0x1F340] =	vst v63;
	v63 =	vld [tilespmem:$0x4F0];
	_ =	sdelay $0x4  }
0x6e: {  	[tilespmem:$0x1F3F0] =	vst v63;
	v63 =	vld [tilespmem:$0x14F0];
	_ =	sdelay $0x4  }
0x6f: {  	[tilespmem:$0x1F400] =	vst v63;
	v63 =	vld [tilespmem:$0x500];
	_ =	sdelay $0x4  }
0x70: {  	[tilespmem:$0x1F290] =	vst v63;
	v63 =	vld [tilespmem:$0x1500];
	_ =	sdelay $0x4  }
0x71: {  	[tilespmem:$0x1F2A0] =	vst v63;
	v63 =	vld [tilespmem:$0x510];
	_ =	sdelay $0x4  }
0x72: {  	[tilespmem:$0x1F2B0] =	vst v63;
	v63 =	vld [tilespmem:$0x1510];
	_ =	sdelay $0x4  }
0x73: {  	[tilespmem:$0x1F2C0] =	vst v63;
	v63 =	vld [tilespmem:$0x520];
	_ =	sdelay $0x4  }
0x74: {  	[tilespmem:$0x1F2F0] =	vst v63;
	v63 =	vld [tilespmem:$0x1520];
	_ =	sdelay $0x4  }
0x75: {  	[tilespmem:$0x1F300] =	vst v63;
	v63 =	vld [tilespmem:$0x530];
	_ =	sdelay $0x4  }
0x76: {  	[tilespmem:$0x1F350] =	vst v63;
	v63 =	vld [tilespmem:$0x1530];
	_ =	sdelay $0x4  }
0x77: {  	[tilespmem:$0x1F360] =	vst v63;
	v63 =	vld [tilespmem:$0x540];
	_ =	sdelay $0x4  }
0x78: {  	[tilespmem:$0x1F370] =	vst v63;
	v63 =	vld [tilespmem:$0x1540];
	_ =	sdelay $0x4  }
0x79: {  	[tilespmem:$0x1F380] =	vst v63;
	v63 =	vld [tilespmem:$0x550];
	_ =	sdelay $0x4  }
0x7a: {  	[tilespmem:$0x1F410] =	vst v63;
	v63 =	vld [tilespmem:$0x1550];
	_ =	sdelay $0x4  }
0x7b: {  	[tilespmem:$0x1F420] =	vst v63;
	v63 =	vld [tilespmem:$0x560];
	_ =	sdelay $0x4  }
0x7c: {  	[tilespmem:$0x1F430] =	vst v63;
	v63 =	vld [tilespmem:$0x1560];
	_ =	sdelay $0x4  }
0x7d: {  	[tilespmem:$0x1F440] =	vst v63;
	v63 =	vld [tilespmem:$0x570];
	_ =	sdelay $0x4  }
0x7e: {  	[tilespmem:$0x1F490] =	vst v63;
	v63 =	vld [tilespmem:$0x1570];
	_ =	sdelay $0x4  }
0x7f: {  	[tilespmem:$0x1F4A0] =	vst v63;
	v63 =	vld [tilespmem:$0x580];
	_ =	sdelay $0x4  }
0x80: {  	[tilespmem:$0x1F390] =	vst v63;
	v63 =	vld [tilespmem:$0x1580];
	_ =	sdelay $0x4  }
0x81: {  	[tilespmem:$0x1F3A0] =	vst v63;
	v63 =	vld [tilespmem:$0x590];
	_ =	sdelay $0x4  }
0x82: {  	[tilespmem:$0x1F3B0] =	vst v63;
	v63 =	vld [tilespmem:$0x1590];
	_ =	sdelay $0x4  }
0x83: {  	[tilespmem:$0x1F3C0] =	vst v63;
	v63 =	vld [tilespmem:$0x5A0];
	_ =	sdelay $0x4  }
0x84: {  	[tilespmem:$0x1F3D0] =	vst v63;
	v63 =	vld [tilespmem:$0x15A0];
	_ =	sdelay $0x4  }
0x85: {  	[tilespmem:$0x1F3E0] =	vst v63;
	v63 =	vld [tilespmem:$0x5B0];
	_ =	sdelay $0x4  }
0x86: {  	[tilespmem:$0x1F450] =	vst v63;
	v63 =	vld [tilespmem:$0x15B0];
	_ =	sdelay $0x4  }
0x87: {  	[tilespmem:$0x1F460] =	vst v63;
	v63 =	vld [tilespmem:$0x5C0];
	_ =	sdelay $0x4  }
0x88: {  	[tilespmem:$0x1F470] =	vst v63;
	v63 =	vld [tilespmem:$0x15C0];
	_ =	sdelay $0x4  }
0x89: {  	[tilespmem:$0x1F480] =	vst v63;
	v63 =	vld [tilespmem:$0x5D0];
	_ =	sdelay $0x4  }
0x8a: {  	[tilespmem:$0x1F4B0] =	vst v63;
	v63 =	vld [tilespmem:$0x15D0];
	_ =	sdelay $0x4  }
0x8b: {  	[tilespmem:$0x1F4C0] =	vst v63;
	v63 =	vld [tilespmem:$0x5E0];
	_ =	sdelay $0x4  }
0x8c: {  	[tilespmem:$0x1F510] =	vst v63;
	v63 =	vld [tilespmem:$0x15E0];
	_ =	sdelay $0x4  }
0x8d: {  	[tilespmem:$0x1F520] =	vst v63;
	v63 =	vld [tilespmem:$0x5F0];
	_ =	sdelay $0x4  }
0x8e: {  	[tilespmem:$0x1F570] =	vst v63;
	v63 =	vld [tilespmem:$0x15F0];
	_ =	sdelay $0x4  }
0x8f: {  	[tilespmem:$0x1F580] =	vst v63;
	v63 =	vld [tilespmem:$0x600];
	_ =	sdelay $0x4  }
0x90: {  	[tilespmem:$0x1F4D0] =	vst v63;
	v63 =	vld [tilespmem:$0x1600];
	_ =	sdelay $0x4  }
0x91: {  	[tilespmem:$0x1F4E0] =	vst v63;
	v63 =	vld [tilespmem:$0x610];
	_ =	sdelay $0x4  }
0x92: {  	[tilespmem:$0x1F4F0] =	vst v63;
	v63 =	vld [tilespmem:$0x1610];
	_ =	sdelay $0x4  }
0x93: {  	[tilespmem:$0x1F500] =	vst v63;
	v63 =	vld [tilespmem:$0x620];
	_ =	sdelay $0x4  }
0x94: {  	[tilespmem:$0x1F530] =	vst v63;
	v63 =	vld [tilespmem:$0x1620];
	_ =	sdelay $0x4  }
0x95: {  	[tilespmem:$0x1F540] =	vst v63;
	v63 =	vld [tilespmem:$0x630];
	_ =	sdelay $0x4  }
0x96: {  	[tilespmem:$0x1F550] =	vst v63;
	v63 =	vld [tilespmem:$0x1630];
	_ =	sdelay $0x4  }
0x97: {  	[tilespmem:$0x1F560] =	vst v63;
	v63 =	vld [tilespmem:$0x640];
	_ =	sdelay $0x4  }
0x98: {  	[tilespmem:$0x1F590] =	vst v63;
	v63 =	vld [tilespmem:$0x1640];
	_ =	sdelay $0x4  }
0x99: {  	[tilespmem:$0x1F5A0] =	vst v63;
	v63 =	vld [tilespmem:$0x650];
	_ =	sdelay $0x4  }
0x9a: {  	[tilespmem:$0x1F5F0] =	vst v63;
	v63 =	vld [tilespmem:$0x1650];
	_ =	sdelay $0x4  }
0x9b: {  	[tilespmem:$0x1F600] =	vst v63;
	v63 =	vld [tilespmem:$0x660];
	_ =	sdelay $0x4  }
0x9c: {  	[tilespmem:$0x1F630] =	vst v63;
	v63 =	vld [tilespmem:$0x1660];
	_ =	sdelay $0x4  }
0x9d: {  	[tilespmem:$0x1F640] =	vst v63;
	v63 =	vld [tilespmem:$0x670];
	_ =	sdelay $0x4  }
0x9e: {  	[tilespmem:$0x1F690] =	vst v63;
	v63 =	vld [tilespmem:$0x1670];
	_ =	sdelay $0x4  }
0x9f: {  	[tilespmem:$0x1F6A0] =	vst v63;
	v63 =	vld [tilespmem:$0x680];
	_ =	sdelay $0x4  }
0xa0: {  	[tilespmem:$0x1F5B0] =	vst v63;
	v63 =	vld [tilespmem:$0x1680];
	_ =	sdelay $0x4  }
0xa1: {  	[tilespmem:$0x1F5C0] =	vst v63;
	v63 =	vld [tilespmem:$0x690];
	_ =	sdelay $0x4  }
0xa2: {  	[tilespmem:$0x1F5D0] =	vst v63;
	v63 =	vld [tilespmem:$0x1690];
	_ =	sdelay $0x4  }
0xa3: {  	[tilespmem:$0x1F5E0] =	vst v63;
	v63 =	vld [tilespmem:$0x6A0];
	_ =	sdelay $0x4  }
0xa4: {  	[tilespmem:$0x1F610] =	vst v63;
	v63 =	vld [tilespmem:$0x16A0];
	_ =	sdelay $0x4  }
0xa5: {  	[tilespmem:$0x1F620] =	vst v63;
	v63 =	vld [tilespmem:$0x6B0];
	_ =	sdelay $0x4  }
0xa6: {  	[tilespmem:$0x1F650] =	vst v63;
	v63 =	vld [tilespmem:$0x16B0];
	_ =	sdelay $0x4  }
0xa7: {  	[tilespmem:$0x1F660] =	vst v63;
	v63 =	vld [tilespmem:$0x6C0];
	_ =	sdelay $0x4  }
0xa8: {  	[tilespmem:$0x1F670] =	vst v63;
	v63 =	vld [tilespmem:$0x16C0];
	_ =	sdelay $0x4  }
0xa9: {  	[tilespmem:$0x1F680] =	vst v63;
	v63 =	vld [tilespmem:$0x6D0];
	_ =	sdelay $0x4  }
0xaa: {  	[tilespmem:$0x1F6F0] =	vst v63;
	v63 =	vld [tilespmem:$0x16D0];
	_ =	sdelay $0x4  }
0xab: {  	[tilespmem:$0x1F700] =	vst v63;
	v63 =	vld [tilespmem:$0x6E0];
	_ =	sdelay $0x4  }
0xac: {  	[tilespmem:$0x1F730] =	vst v63;
	v63 =	vld [tilespmem:$0x16E0];
	_ =	sdelay $0x4  }
0xad: {  	[tilespmem:$0x1F740] =	vst v63;
	v63 =	vld [tilespmem:$0x6F0];
	_ =	sdelay $0x4  }
0xae: {  	[tilespmem:$0x1F790] =	vst v63;
	v63 =	vld [tilespmem:$0x16F0];
	_ =	sdelay $0x4  }
0xaf: {  	[tilespmem:$0x1F7A0] =	vst v63;
	v63 =	vld [tilespmem:$0x700];
	_ =	sdelay $0x4  }
0xb0: {  	[tilespmem:$0x1F6B0] =	vst v63;
	v63 =	vld [tilespmem:$0x1700];
	_ =	sdelay $0x4  }
0xb1: {  	[tilespmem:$0x1F6C0] =	vst v63;
	v63 =	vld [tilespmem:$0x710];
	_ =	sdelay $0x4  }
0xb2: {  	[tilespmem:$0x1F6D0] =	vst v63;
	v63 =	vld [tilespmem:$0x1710];
	_ =	sdelay $0x4  }
0xb3: {  	[tilespmem:$0x1F6E0] =	vst v63;
	v63 =	vld [tilespmem:$0x720];
	_ =	sdelay $0x4  }
0xb4: {  	[tilespmem:$0x1F710] =	vst v63;
	v63 =	vld [tilespmem:$0x1720];
	_ =	sdelay $0x4  }
0xb5: {  	[tilespmem:$0x1F720] =	vst v63;
	v63 =	vld [tilespmem:$0x730];
	_ =	sdelay $0x4  }
0xb6: {  	[tilespmem:$0x1F750] =	vst v63;
	v63 =	vld [tilespmem:$0x1730];
	_ =	sdelay $0x4  }
0xb7: {  	[tilespmem:$0x1F760] =	vst v63;
	v63 =	vld [tilespmem:$0x740];
	_ =	sdelay $0x4  }
0xb8: {  	[tilespmem:$0x1F770] =	vst v63;
	v63 =	vld [tilespmem:$0x1740];
	_ =	sdelay $0x4  }
0xb9: {  	[tilespmem:$0x1F780] =	vst v63;
	v63 =	vld [tilespmem:$0x750];
	_ =	sdelay $0x4  }
0xba: {  	[tilespmem:$0x1F7B0] =	vst v63;
	v63 =	vld [tilespmem:$0x1750];
	_ =	sdelay $0x4  }
0xbb: {  	[tilespmem:$0x1F7C0] =	vst v63;
	v63 =	vld [tilespmem:$0x760];
	_ =	sdelay $0x4  }
0xbc: {  	[tilespmem:$0x1F810] =	vst v63;
	v63 =	vld [tilespmem:$0x1760];
	_ =	sdelay $0x4  }
0xbd: {  	[tilespmem:$0x1F820] =	vst v63;
	v63 =	vld [tilespmem:$0x770];
	_ =	sdelay $0x4  }
0xbe: {  	[tilespmem:$0x1F910] =	vst v63;
	v63 =	vld [tilespmem:$0x1770];
	_ =	sdelay $0x4  }
0xbf: {  	[tilespmem:$0x1F920] =	vst v63;
	v63 =	vld [tilespmem:$0x780];
	_ =	sdelay $0x4  }
0xc0: {  	[tilespmem:$0x1F7D0] =	vst v63;
	v63 =	vld [tilespmem:$0x1780];
	_ =	sdelay $0x4  }
0xc1: {  	[tilespmem:$0x1F7E0] =	vst v63;
	v63 =	vld [tilespmem:$0x790];
	_ =	sdelay $0x4  }
0xc2: {  	[tilespmem:$0x1F7F0] =	vst v63;
	v63 =	vld [tilespmem:$0x1790];
	_ =	sdelay $0x4  }
0xc3: {  	[tilespmem:$0x1F800] =	vst v63;
	v63 =	vld [tilespmem:$0x7A0];
	_ =	sdelay $0x4  }
0xc4: {  	v40 =	vsub.f32 v22, v23;
	[tilespmem:$0x1F830] =	vst v63;
	v63 =	vld [tilespmem:$0x17A0];
	_ =	sdelay $0x1  }
0xc5: {  	v11 =	vsub.f32 v49, v52;
	v43 =	vmul.f32 v40, v40;
	v4 =	vsub.f32 v55, v57;
	v40 =	vld [tilespmem:$0x1F0]  }
0xc6: {  	v51 =	vsub.f32 v12, v13;
	v12 =	vld [tilespmem:$0x200]  }
0xc7: {  	v60 =	vsub.f32 v14, v15;
	v11 =	vmul.f32 v11, v11;
	v4 =	vmul.f32 v4, v4;
	v14 =	vld [tilespmem:$0x230]  }
0xc8: {  	[tilespmem:$0x1F840] =	vst v63;
	v63 =	vld [tilespmem:$0x7B0]  }
0xc9: {  	v4 =	vadd.f32 v4, v11;
	v11 =	vld [tilespmem:$0x1230]  }
0xca: {  	v5 =	vsub.f32 v17, v5;
	v17 =	vld [tilespmem:$0x240]  }
0xcb: {  	v41 =	vmul.f32 v21, v21;
	v21 =	vld [tilespmem:$0x250]  }
0xcc: {  	v20 =	vld [tilespmem:$0x1250]  }
0xcd: {  	v54 =	vsub.f32 v28, v29;
	v28 =	vmul.f32 v24, v24;
	v29 =	vmul.f32 v25, v25;
	[tilespmem:$0x1F850] =	vst v63;
	v63 =	vld [tilespmem:$0x17B0]  }
0xce: {  	v15 =	vld [tilespmem:$0x2B0]  }
0xcf: {  	v13 =	vadd.f32 v29, v28;
	v33 =	vmul.f32 v30, v30;
	v6 =	vsub.f32 v19, v6;
	v19 =	vld [tilespmem:$0x2C0]  }
0xd0: {  	v30 =	vld [tilespmem:$0x12D0]  }
0xd1: {  	v13 =	vadd.f32 v33, v13;
	v33 =	vld [tilespmem:$0x2E0]  }
0xd2: {  	[tilespmem:$0x1F860] =	vst v63;
	v63 =	vld [tilespmem:$0x7C0]  }
0xd3: {  	v25 =	vld [tilespmem:$0x300]  }
0xd4: {  	v24 =	vld [tilespmem:$0x1300]  }
0xd5: {  	v23 =	vld [tilespmem:$0x310]  }
0xd6: {  	v22 =	vld [tilespmem:$0x1310]  }
0xd7: {  	[tilespmem:$0x1F870] =	vst v63;
	v63 =	vld [tilespmem:$0x17C0]  }
0xd8: {  	v29 =	vld [tilespmem:$0x320]  }
0xd9: {  	v28 =	vld [tilespmem:$0x1320]  }
0xda: {  	v7 =	vmul.f32 v62, v62;
	v62 =	vld [tilespmem:$0x1370]  }
0xdb: {  	v47 =	vmul.f32 v44, v44;
	v44 =	vmul.f32 v6, v6;
	v6 =	vld [tilespmem:$0x1210]  }
0xdc: {  	[tilespmem:$0x1F880] =	vst v63;
	v63 =	vld [tilespmem:$0x7D0]  }
0xdd: {  	v3 =	vadd.f32 v39, v3;
	v39 =	vsub.f32 v27, v31;
	v27 =	vld [tilespmem:$0x260]  }
0xde: {  	v31 =	vld [tilespmem:$0x2D0]  }
0xdf: {  	v9 =	vsub.f32 v59, v61;
	v61 =	vld [tilespmem:$0x370]  }
0xe0: {  	v0 =	vadd.f32 v41, v0;
	v41 =	vld [tilespmem:$0x11F0]  }
0xe1: {  	[tilespmem:$0x1F8D0] =	vst v63;
	v63 =	vld [tilespmem:$0x17D0]  }
0xe2: {  	v3 =	vadd.f32 v43, v3;
	v43 =	vsub.f32 v32, v34;
	v32 =	vld [tilespmem:$0x12E0]  }
0xe3: {  	v2 =	vsub.f32 v38, v2;
	v34 =	vld [tilespmem:$0x1390]  }
0xe4: {  	v49 =	vsub.f32 v16, v10;
	v10 =	vld [tilespmem:$0x220]  }
0xe5: {  	v2 =	vmul.f32 v2, v2;
	v16 =	vld [tilespmem:$0x1240]  }
0xe6: {  	[tilespmem:$0x1F8E0] =	vst v63;
	v63 =	vld [tilespmem:$0x7E0]  }
0xe7: {  	v45 =	vmul.f32 v42, v42;
	v2 =	vadd.f32 v2, v13;
	v13 =	vld [tilespmem:$0x12B0]  }
0xe8: {  	v42 =	vmul.f32 v39, v39;
	v39 =	vld [tilespmem:$0x380]  }
0xe9: {  	v0 =	vadd.f32 v45, v0;
	v45 =	vsub.f32 v18, v8;
	v8 =	vld [tilespmem:$0x1200]  }
0xea: {  	v18 =	vld [tilespmem:$0x12C0]  }
0xeb: {  	v9 =	vmul.f32 v9, v9;
	[tilespmem:$0x1F930] =	vst v63;
	v63 =	vld [tilespmem:$0x17E0]  }
0xec: {  	v50 =	vmul.f32 v46, v46;
	v46 =	vmul.f32 v43, v43;
	v43 =	vld [tilespmem:$0x3A0]  }
0xed: {  	v5 =	vmul.f32 v5, v5;
	v4 =	vadd.f32 v9, v4;
	v9 =	vld [tilespmem:$0x210]  }
0xee: {  	v26 =	vld [tilespmem:$0x1260]  }
0xef: {  	v2 =	vadd.f32 v5, v2;
	v5 =	vld [tilespmem:$0x2A0]  }
0xf0: {  	[tilespmem:$0x1F940] =	vst v63;
	v63 =	vld [tilespmem:$0x7F0]  }
0xf1: {  	v3 =	vadd.f32 v47, v3;
	v47 =	vsub.f32 v36, v37;
	v36 =	vld [tilespmem:$0x1330]  }
0xf2: {  	v37 =	vld [tilespmem:$0x1380]  }
0xf3: {  	[tilespmem:$0x1F110] =	vst v62;
	v62 =	vld [tilespmem:$0x3F0]  }
0xf4: {  	v53 =	vmul.f32 v48, v48;
	v48 =	vmul.f32 v45, v45;
	v45 =	vld [tilespmem:$0x340]  }
0xf5: {  	[tilespmem:$0x1F9F0] =	vst v63;
	v63 =	vld [tilespmem:$0x17F0]  }
0xf6: {  	v3 =	vadd.f32 v53, v3;
	v53 =	vmul.f32 v49, v49;
	v49 =	vld [tilespmem:$0x3B0]  }
0xf7: {  	[tilespmem:$0x1F100] =	vst v61;
	v61 =	vld [tilespmem:$0x13E0]  }
0xf8: {  	v56 =	vmul.f32 v51, v51;
	v51 =	vsub.f32 v40, v41;
	v40 =	vld [tilespmem:$0x1270]  }
0xf9: {  	v2 =	vadd.f32 v44, v2;
	v44 =	vld [tilespmem:$0x1340]  }
0xfa: {  	[tilespmem:$0x1FA00] =	vst v63;
	v63 =	vld [tilespmem:$0x800]  }
0xfb: {  	v38 =	vmul.f32 v35, v35;
	v35 =	vld [tilespmem:$0x390]  }
0xfc: {  	v41 =	vld [tilespmem:$0x13A0]  }
0xfd: {  	v0 =	vadd.f32 v50, v0;
	v50 =	vmul.f32 v47, v47;
	v47 =	vld [tilespmem:$0x13B0]  }
0xfe: {  	v52 =	vadd.f32 v48, v2;
	v2 =	vld [tilespmem:$0x1280]  }
0xff: {  	[tilespmem:$0x1F890] =	vst v63;
	v63 =	vld [tilespmem:$0x1800]  }
0x100: {  	v58 =	vmul.f32 v54, v54;
	v54 =	vmul.f32 v51, v51;
	v51 =	vld [tilespmem:$0x2F0]  }
0x101: {  	v4 =	vadd.f32 v38, v4;
	v38 =	vld [tilespmem:$0x330]  }
0x102: {  	v48 =	vld [tilespmem:$0x350]  }
0x103: {  	v3 =	vadd.f32 v58, v3;
	v8 =	vsub.f32 v12, v8;
	v12 =	vld [tilespmem:$0x880]  }
0x104: {  	v1 =	vmul.f32 v60, v60;
	v0 =	vadd.f32 v56, v0;
	[tilespmem:$0x1F8A0] =	vst v63;
	v63 =	vld [tilespmem:$0x810]  }
0x105: {  	v3 =	vadd.f32 v7, v3;
	v7 =	vld [tilespmem:$0x1220]  }
0x106: {  	v0 =	vadd.f32 v1, v0;
	v1 =	vld [tilespmem:$0x290]  }
0x107: {  	[tilespmem:$0x1F190] =	vst v62;
	v62 =	vld [tilespmem:$0x430]  }
0x108: {  	v27 =	vsub.f32 v27, v26;
	v26 =	vsub.f32 v29, v28;
	v28 =	vld [tilespmem:$0x940]  }
0x109: {  	[tilespmem:$0x1F8B0] =	vst v63;
	v63 =	vld [tilespmem:$0x1810]  }
0x10a: {  	v29 =	vld [tilespmem:$0x1970]  }
0x10b: {  	v4 =	vadd.f32 v42, v4;
	v42 =	vld [tilespmem:$0x270]  }
0x10c: {  	v55 =	vadd.f32 v53, v52;
	v52 =	vld [tilespmem:$0x1360]  }
0x10d: {  	v53 =	vld [tilespmem:$0x13C0]  }
0x10e: {  	[tilespmem:$0x1F8C0] =	vst v63;
	v63 =	vld [tilespmem:$0x820]  }
0x10f: {  	[tilespmem:$0x1F150] =	vst v61;
	v61 =	vld [tilespmem:$0x420]  }
0x110: {  	(xrf2) =	vadd.scan.msk.f32 $0xffff, v0;
	v0 =	vld [tilespmem:$0x1290]  }
0x111: {  	(xrf2) =	vadd.scan.msk.f32 $0xffff, v3;
	v3 =	vld [tilespmem:$0x280]  }
0x112: {  	v4 =	vadd.f32 v46, v4;
	v46 =	vld [tilespmem:$0x1350]  }
0x113: {  	[tilespmem:$0x1F8F0] =	vst v63;
	v63 =	vld [tilespmem:$0x1820]  }
0x114: {  	(xrf2) =	vadd.scan.msk.f32 $0xffff, v55;
	v55 =	vld [tilespmem:$0x3C0]  }
0x115: {  	[tilespmem:$0x1F990] =	vst v12;
	v12 =	vld [tilespmem:$0x890]  }
0x116: {  	v4 =	vadd.f32 v50, v4;
	v50 =	vld [tilespmem:$0x12F0]  }
0x117: {  	[tilespmem:$0x1F160] =	vst v62;
	v62 =	vld [tilespmem:$0x1430]  }
0x118: {  	v7 =	vsub.f32 v10, v7;
	[tilespmem:$0x1F900] =	vst v63;
	v63 =	vld [tilespmem:$0x830]  }
0x119: {  	v10 =	vsub.f32 v17, v16;
	v16 =	vsub.f32 v21, v20;
	v20 =	vld [tilespmem:$0x8C0]  }
0x11a: {  	v21 =	vld [tilespmem:$0x18C0]  }
0x11b: {  	v17 =	vsub.f32 v15, v13;
	v15 =	vld [tilespmem:$0x8E0]  }
0x11c: {  	v13 =	vld [tilespmem:$0x18F0]  }
0x11d: {  	[tilespmem:$0x1F950] =	vst v63;
	v63 =	vld [tilespmem:$0x1830]  }
0x11e: {  	v56 =	vadd.f32 v54, v4;
	v4 =	vld [tilespmem:$0x12A0]  }
0x11f: {  	v6 =	vsub.f32 v9, v6;
	v54 =	vld [tilespmem:$0x360]  }
0x120: {  	v2 =	vsub.f32 v3, v2;
	v3 =	vmul.f32 v10, v10;
	v10 =	vsub.f32 v31, v30;
	v31 =	vld [tilespmem:$0x920]  }
0x121: {  	v30 =	vld [tilespmem:$0x950]  }
0x122: {  	v8 =	vmul.f32 v8, v8;
	v6 =	vmul.f32 v6, v6;
	[tilespmem:$0x1F960] =	vst v63;
	v63 =	vld [tilespmem:$0x840]  }
0x123: {  	v0 =	vsub.f32 v1, v0;
	(xrf2) =	vadd.scan.msk.f32 $0xffff, v56;
	v56 =	vld [tilespmem:$0x3D0];
	[tilespmem:$0x1F9B0] =	vst v12;
	v12 =	vsub.f32 v14, v11  }
0x124: {  	v7 =	vmul.f32 v7, v7;
	v14 =	vld [tilespmem:$0x8A0]  }
0x125: {  	v6 =	vadd.f32 v6, v8;
	v0 =	vmul.f32 v0, v0;
	v11 =	vmul.f32 v12, v12;
	v12 =	vld [tilespmem:$0x8B0]  }
0x126: {  	v2 =	vmul.f32 v2, v2;
	v4 =	vsub.f32 v5, v4;
	v5 =	vmul.f32 v16, v16;
	v16 =	vld [tilespmem:$0x18D0]  }
0x127: {  	v9 =	vadd.f32 v7, v6;
	[tilespmem:$0x1F970] =	vst v63;
	v63 =	vld [tilespmem:$0x1840]  }
0x128: {  	v57, _, _ =	vpop (xrf2);
	v0 =	vadd.f32 v0, v2;
	v2 =	vmul.f32 v17, v17;
	v17 =	vld [tilespmem:$0x18E0]  }
0x129: {  	[tilespmem:$0x1FEC0] =	vst v57;
	v57 =	vld [tilespmem:$0x410];
	v1 =	vadd.f32 v11, v9  }
0x12a: {  	v11 =	vsub.f32 v25, v24;
	v24 =	vsub.f32 v23, v22;
	v22 =	vld [tilespmem:$0x1900]  }
0x12b: {  	v23 =	vld [tilespmem:$0x910]  }
0x12c: {  	[tilespmem:$0x1F980] =	vst v63;
	v63 =	vld [tilespmem:$0x850]  }
0x12d: {  	v9 =	vsub.f32 v42, v40;
	v42 =	vld [tilespmem:$0x1910]  }
0x12e: {  	v40 =	vmul.f32 v26, v26;
	v26 =	vsub.f32 v35, v34;
	v34 =	vsub.f32 v43, v41;
	v41 =	vld [tilespmem:$0x1960]  }
0x12f: {  	v58, _, _ =	vpop (xrf2);
	v35 =	vsub.f32 v54, v52;
	v54 =	vld [tilespmem:$0x1980]  }
0x130: {  	[tilespmem:$0x1FED0] =	vst v58;
	v58 =	vld [tilespmem:$0x1400]  }
0x131: {  	[tilespmem:$0x1FA10] =	vst v63;
	v63 =	vld [tilespmem:$0x1850]  }
0x132: {  	[tilespmem:$0x1F120] =	vst v56;
	v56 =	vld [tilespmem:$0x1410]  }
0x133: {  	v25 =	vsub.f32 v33, v32;
	v59, _, _ =	vpop (xrf2);
	[tilespmem:$0x1F9D0] =	vst v14;
	v14 =	vld [tilespmem:$0x18B0]  }
0x134: {  	[tilespmem:$0x1FEE0] =	vst v59;
	v59 =	vld [tilespmem:$0x400]  }
0x135: {  	v1 =	vadd.f32 v3, v1;
	v3 =	vmul.f32 v27, v27;
	v27 =	vmul.f32 v25, v25;
	v25 =	vld [tilespmem:$0x930]  }
0x136: {  	[tilespmem:$0x1FA20] =	vst v63;
	v63 =	vld [tilespmem:$0x860]  }
0x137: {  	v6 =	vmul.f32 v26, v26;
	v26 =	vld [tilespmem:$0x970]  }
0x138: {  	v52 =	vld [tilespmem:$0x1F120]  }
0x139: {  	v7 =	vmul.f32 v34, v34;
	v34 =	vld [tilespmem:$0x19B0]  }
0x13a: {  	v4 =	vmul.f32 v4, v4;
	[tilespmem:$0x1FA50] =	vst v12;
	v12 =	vld [tilespmem:$0x8F0]  }
0x13b: {  	[tilespmem:$0x1FA30] =	vst v63;
	v63 =	vld [tilespmem:$0x1860]  }
0x13c: {  	v0 =	vadd.f32 v4, v0;
	v4 =	vmul.f32 v11, v11;
	v11 =	vld [tilespmem:$0x1920]  }
0x13d: {  	v1 =	vadd.f32 v5, v1;
	v5 =	vmul.f32 v24, v24;
	v24 =	vsub.f32 v39, v37;
	v37 =	vld [tilespmem:$0x1950]  }
0x13e: {  	v0 =	vadd.f32 v2, v0;
	v2 =	vmul.f32 v10, v10;
	v10 =	vld [tilespmem:$0x1F180]  }
0x13f: {  	[tilespmem:$0x1FA60] =	vst v14;
	v14 =	vld [tilespmem:$0x8D0]  }
0x140: {  	v38 =	vsub.f32 v38, v36;
	[tilespmem:$0x1FA40] =	vst v63;
	v63 =	vld [tilespmem:$0x870]  }
0x141: {  	v36 =	vsub.f32 v49, v47;
	v49 =	vsub.f32 v57, v56;
	v56 =	vld [tilespmem:$0x990]  }
0x142: {  	v1 =	vadd.f32 v3, v1;
	v3 =	vmul.f32 v9, v9;
	v9 =	vld [tilespmem:$0x1F170]  }
0x143: {  	v60, _, _ =	vpop (xrf2);
	v33 =	vadd.f32 v5, v4;
	v5 =	vmul.f32 v24, v24;
	v24 =	vld [tilespmem:$0x1F190]  }
0x144: {  	[tilespmem:$0x1FF00] =	vst v60;
	v60 =	vld [tilespmem:$0x3E0]  }
0x145: {  	[tilespmem:$0x1FA70] =	vst v63;
	v63 =	vld [tilespmem:$0x1870]  }
0x146: {  	v32 =	vsub.f32 v48, v46;
	v48 =	vsub.f32 v59, v58;
	v58 =	vld [tilespmem:$0x1F150]  }
0x147: {  	v59 =	vld [tilespmem:$0x1990]  }
0x148: {  	v1 =	vadd.f32 v3, v1;
	v3 =	vmul.f32 v38, v38;
	v38 =	vmul.f32 v35, v35;
	v35 =	vld [tilespmem:$0x1F1B0]  }
0x149: {  	v5 =	vadd.f32 v6, v5;
	[tilespmem:$0x1FAE0] =	vst v37;
	v37 =	vld [tilespmem:$0x9C0]  }
0x14a: {  	[tilespmem:$0x1FA80] =	vst v63;
	v63 =	vld [tilespmem:$0x1880]  }
0x14b: {  	v39 =	vadd.f32 v7, v5;
	v5 =	vmul.f32 v49, v49;
	v49 =	vld [tilespmem:$0x19D0];
	[tilespmem:$0x1F140] =	vst v60  }
0x14c: {  	v57 =	vld [tilespmem:$0x1F140]  }
0x14d: {  	[tilespmem:$0x1FAC0] =	vst v56;
	v56 =	vld [tilespmem:$0x19E0]  }
0x14e: {  	v60 =	vld [tilespmem:$0x1420]  }
0x14f: {  	[tilespmem:$0x1F9A0] =	vst v63;
	v63 =	vld [tilespmem:$0x1890]  }
0x150: {  	v6 =	vmul.f32 v36, v36;
	v36 =	vld [tilespmem:$0x1F1C0]  }
0x151: {  	v7 =	vsub.f32 v57, v58;
	v57 =	vld [tilespmem:$0x9F0]  }
0x152: {  	[tilespmem:$0x1FB40] =	vst v37;
	v37 =	vld [tilespmem:$0x1F310]  }
0x153: {  	v46 =	vadd.f32 v6, v39;
	v39 =	vld [tilespmem:$0x1F1E0]  }
0x154: {  	[tilespmem:$0x1F9C0] =	vst v63;
	v63 =	vld [tilespmem:$0x18A0]  }
0x155: {  	[tilespmem:$0x1FB10] =	vst v41;
	v41 =	vld [tilespmem:$0x1F200]  }
0x156: {  	[tilespmem:$0x1FAB0] =	vst v54;
	v54 =	vld [tilespmem:$0x1F260]  }
0x157: {  	[tilespmem:$0x1FAD0] =	vst v59;
	v59 =	vld [tilespmem:$0x1F270]  }
0x158: {  	[tilespmem:$0x1FB30] =	vst v34;
	v34 =	vld [tilespmem:$0x1F2F0]  }
0x159: {  	[tilespmem:$0x1F9E0] =	vst v63;
	v63 =	vsub.f32 v19, v18;
	v19 =	vld [tilespmem:$0x900]  }
0x15a: {  	v18 =	vsub.f32 v45, v44;
	v44 =	vld [tilespmem:$0x1F100]  }
0x15b: {  	v45 =	vld [tilespmem:$0x1F110]  }
0x15c: {  	v8 =	vmul.f32 v63, v63;
	v63 =	vsub.f32 v51, v50;
	v51 =	vld [tilespmem:$0x1940]  }
0x15d: {  	v50 =	vld [tilespmem:$0x980]  }
0x15e: {  	v4 =	vmul.f32 v18, v18;
	v18 =	vld [tilespmem:$0x9B0];
	v0 =	vadd.f32 v8, v0  }
0x15f: {  	[tilespmem:$0x1FEF0] =	vst v1;
	v1 =	vmul.f32 v63, v63;
	v63 =	vmul.f32 v7, v7;
	v7 =	vld [tilespmem:$0x19A0]  }
0x160: {  	v0 =	vadd.f32 v2, v0;
	v2 =	vadd.f32 v40, v33;
	v33 =	vld [tilespmem:$0x1930]  }
0x161: {  	v40 =	vsub.f32 v55, v53;
	v53 =	vld [tilespmem:$0x1F130]  }
0x162: {  	v55 =	vsub.f32 v61, v60;
	v60 =	vld [tilespmem:$0x1F160]  }
0x163: {  	v61 =	vld [tilespmem:$0x9A0]  }
0x164: {  	[tilespmem:$0x1FAA0] =	vst v50;
	v50 =	vld [tilespmem:$0x9E0]  }
0x165: {  	[tilespmem:$0x1FB20] =	vst v18;
	v18 =	vld [tilespmem:$0x1F2D0]  }
0x166: {  	v2 =	vadd.f32 v3, v2;
	v3 =	vmul.f32 v32, v32;
	v32 =	vld [tilespmem:$0x960]  }
0x167: {  	v0 =	vadd.f32 v27, v0;
	v27 =	vld [tilespmem:$0x1F1A0]  }
0x168: {  	v47 =	vmul.f32 v40, v40;
	v40 =	vld [tilespmem:$0x1F1F0]  }
0x169: {  	v0 =	vadd.f32 v1, v0;
	v1 =	vsub.f32 v44, v45;
	v44 =	vld [tilespmem:$0x1F210]  }
0x16a: {  	v2 =	vadd.f32 v4, v2;
	v45 =	vld [tilespmem:$0x1F220]  }
0x16b: {  	v4 =	vmul.f32 v48, v48;
	v48 =	vld [tilespmem:$0x1F240]  }
0x16c: {  	v2 =	vadd.f32 v3, v2;
	v3 =	vsub.f32 v52, v53;
	v53 =	vld [tilespmem:$0x1F250]  }
0x16d: {  	v4 =	vadd.f32 v5, v4;
	v5 =	vsub.f32 v60, v62;
	v60 =	vld [tilespmem:$0x1F280]  }
0x16e: {  	v43 =	vadd.f32 v38, v2;
	v38 =	vld [tilespmem:$0x1F1D0]  }
0x16f: {  	v6 =	vmul.f32 v55, v55;
	v2 =	vadd.f32 v47, v46;
	v46 =	vld [tilespmem:$0x9D0]  }
0x170: {  	v47 =	vld [tilespmem:$0x1F230]  }
0x171: {  	v8 =	vadd.f32 v6, v4;
	v4 =	vsub.f32 v35, v36;
	v35 =	vld [tilespmem:$0x1F300]  }
0x172: {  	v1 =	vmul.f32 v1, v1;
	v36 =	vld [tilespmem:$0xA10]  }
0x173: {  	[tilespmem:$0x1FA90] =	vst v11;
	v3 =	vmul.f32 v3, v3;
	v11 =	vmul.f32 v5, v5;
	v6 =	vsub.f32 v40, v41;
	v41 =	vld [tilespmem:$0xA20]  }
0x174: {  	[tilespmem:$0x1FF10] =	vst v0;
	v0 =	vadd.f32 v1, v43;
	v43 =	vld [tilespmem:$0x19C0]  }
0x175: {  	[tilespmem:$0x1FBB0] =	vst v49;
	v62 =	vadd.f32 v3, v2;
	v2 =	vadd.f32 v11, v8;
	v8 =	vld [tilespmem:$0x1F2A0]  }
0x176: {  	[tilespmem:$0x1FBE0] =	vst v56;
	v3 =	vsub.f32 v9, v10;
	v9 =	vld [tilespmem:$0x1F2B0]  }
0x177: {  	[tilespmem:$0x1FC20] =	vst v57;
	v10 =	vld [tilespmem:$0x1F2C0]  }
0x178: {  	[tilespmem:$0x1FB00] =	vst v7;
	v11 =	vld [tilespmem:$0xA00]  }
0x179: {  	[tilespmem:$0x1FAF0] =	vst v61;
	v1 =	vsub.f32 v24, v27;
	v24 =	vld [tilespmem:$0x1F2E0]  }
0x17a: {  	[tilespmem:$0x1FBD0] =	vst v50;
	v27 =	vld [tilespmem:$0x1A00]  }
0x17b: {  	[tilespmem:$0x1FF20] =	vst v0;
	v0 =	vadd.f32 v63, v62;
	v62 =	vld [tilespmem:$0x19F0];
	v5 =	vsub.f32 v38, v39  }
0x17c: {  	v63 =	vld [tilespmem:$0x1F290];
	[tilespmem:$0x1FBA0] =	vst v46  }
0x17d: {  	v6 =	vmul.f32 v6, v6;
	v7 =	vsub.f32 v47, v48;
	[tilespmem:$0x1FB80] =	vst v36;
	v38 =	vld [tilespmem:$0x1F320];
	v5 =	vmul.f32 v5, v5  }
0x17e: {  	v1 =	vmul.f32 v1, v1;
	v39 =	vld [tilespmem:$0x1A10];
	[tilespmem:$0x1FBC0] =	vst v41  }
0x17f: {  	v46 =	vld [tilespmem:$0x1F360];
	[tilespmem:$0x1FB50] =	vst v43;
	v55 =	vmul.f32 v7, v7;
	v52 =	vadd.f32 v6, v5;
	v5 =	vsub.f32 v53, v54  }
0x180: {  	v3 =	vmul.f32 v3, v3;
	v47 =	vld [tilespmem:$0xA30];
	v0 =	vadd.f32 v1, v0;
	[tilespmem:$0x1FB60] =	vst v11  }
0x181: {  	v48 =	vld [tilespmem:$0x1F370];
	v1 =	vsub.f32 v59, v60;
	[tilespmem:$0x1FB70] =	vst v27;
	v58 =	vadd.f32 v55, v52;
	v61 =	vmul.f32 v5, v5  }
0x182: {  	v2 =	vadd.f32 v3, v2;
	v3 =	vsub.f32 v44, v45;
	v44 =	vld [tilespmem:$0x1F340];
	[tilespmem:$0x1FF30] =	vst v0  }
0x183: {  	v45 =	vld [tilespmem:$0x1F350];
	v1 =	vmul.f32 v1, v1;
	[tilespmem:$0x1FC30] =	vst v62;
	v0 =	vadd.f32 v61, v58  }
0x184: {  	v43 =	vld [tilespmem:$0x1F330];
	[tilespmem:$0x1FB90] =	vst v39  }
0x185: {  	[tilespmem:$0x1FBF0] =	vst v47;
	v1 =	vadd.f32 v1, v0;
	v0 =	vld [tilespmem:$0x1A20]  }
0x186: {  	v49 =	vld [tilespmem:$0x1F380]  }
0x187: {  	v50 =	vld [tilespmem:$0x1F390]  }
0x188: {  	v52 =	vld [tilespmem:$0x1F3A0]  }
0x189: {  	v53 =	vld [tilespmem:$0x1F3B0]  }
0x18a: {  	v54 =	vld [tilespmem:$0x1F3C0]  }
0x18b: {  	v55 =	vld [tilespmem:$0xA40]  }
0x18c: {  	v56 =	vld [tilespmem:$0x1A40]  }
0x18d: {  	v57 =	vld [tilespmem:$0x1F3D0]  }
0x18e: {  	v4 =	vmul.f32 v4, v4;
	v58 =	vld [tilespmem:$0x1F3E0]  }
0x18f: {  	v61 =	vld [tilespmem:$0xA50]  }
0x190: {  	v2 =	vadd.f32 v4, v2;
	v3 =	vmul.f32 v3, v3;
	v62 =	vld [tilespmem:$0x1F3F0]  }
0x191: {  	v4 =	vsub.f32 v63, v8;
	v63 =	vld [tilespmem:$0x1F400]  }
0x192: {  	v2 =	vadd.f32 v3, v2;
	v3 =	vsub.f32 v18, v24;
	v18 =	vld [tilespmem:$0x1A50]  }
0x193: {  	v24 =	vld [tilespmem:$0x1F410]  }
0x194: {  	v27 =	vld [tilespmem:$0x1F420]  }
0x195: {  	v6 =	vsub.f32 v34, v35;
	v34 =	vld [tilespmem:$0xA60]  }
0x196: {  	v35 =	vld [tilespmem:$0x1F430]  }
0x197: {  	v36 =	vld [tilespmem:$0x1F440]  }
0x198: {  	v7 =	vsub.f32 v37, v38;
	v37 =	vld [tilespmem:$0x1F450]  }
0x199: {  	v38 =	vld [tilespmem:$0x1F460]  }
0x19a: {  	v39 =	vld [tilespmem:$0x1A60]  }
0x19b: {  	v41 =	vld [tilespmem:$0x1F470]  }
0x19c: {  	v40 =	vmul.f32 v6, v6;
	v6 =	vsub.f32 v43, v44;
	v43 =	vld [tilespmem:$0x1F480]  }
0x19d: {  	v5 =	vsub.f32 v9, v10;
	v44 =	vld [tilespmem:$0x1A70]  }
0x19e: {  	v16 =	vsub.f32 v14, v16;
	v47 =	vld [tilespmem:$0xA80]  }
0x19f: {  	v14 =	vsub.f32 v28, v51;
	v4 =	vmul.f32 v4, v4;
	v5 =	vmul.f32 v5, v5;
	v28 =	vld [tilespmem:$0x1C80]  }
0x1a0: {  	v33 =	vsub.f32 v25, v33;
	v3 =	vmul.f32 v3, v3;
	v25 =	vld [tilespmem:$0x1FB10]  }
0x1a1: {  	v13 =	vsub.f32 v12, v13;
	v4 =	vadd.f32 v5, v4;
	v12 =	vld [tilespmem:$0x1FB40]  }
0x1a2: {  	v3 =	vadd.f32 v3, v1;
	v1 =	vld [tilespmem:$0x1A30]  }
0x1a3: {  	v4 =	vadd.f32 v40, v4;
	v40 =	vld [tilespmem:$0xA70]  }
0x1a4: {  	v9 =	vsub.f32 v50, v52;
	v50 =	vld [tilespmem:$0x1A80]  }
0x1a5: {  	v52 =	vld [tilespmem:$0x1F490]  }
0x1a6: {  	v10 =	vsub.f32 v53, v54;
	v53 =	vld [tilespmem:$0x1F4A0]  }
0x1a7: {  	v54 =	vld [tilespmem:$0xA90]  }
0x1a8: {  	v6 =	vmul.f32 v6, v6;
	[tilespmem:$0x1FC00] =	vst v55;
	v55 =	vld [tilespmem:$0x1F4B0]  }
0x1a9: {  	[tilespmem:$0x1FC10] =	vst v56;
	v56 =	vld [tilespmem:$0x1F4C0]  }
0x1aa: {  	v3 =	vadd.f32 v6, v3;
	v6 =	vsub.f32 v57, v58;
	v57 =	vld [tilespmem:$0x1A90]  }
0x1ab: {  	v58 =	vld [tilespmem:$0x1F4D0]  }
0x1ac: {  	[tilespmem:$0x1FC40] =	vst v61;
	v61 =	vld [tilespmem:$0x1F500]  }
0x1ad: {  	[tilespmem:$0x1FC50] =	vst v18;
	v18 =	vld [tilespmem:$0x1F520]  }
0x1ae: {  	[tilespmem:$0x1FCA0] =	vst v34;
	v34 =	vld [tilespmem:$0x1F540]  }
0x1af: {  	v11 =	vsub.f32 v37, v38;
	v38 =	vld [tilespmem:$0x1AB0]  }
0x1b0: {  	[tilespmem:$0x1FD50] =	vst v44;
	v44 =	vld [tilespmem:$0xAC0]  }
0x1b1: {  	v8 =	vsub.f32 v45, v46;
	[tilespmem:$0x1FC60] =	vst v47;
	v47 =	vld [tilespmem:$0x1AC0]  }
0x1b2: {  	v60 =	vmul.f32 v10, v10;
	v10 =	vsub.f32 v62, v63;
	v62 =	vld [tilespmem:$0xAA0]  }
0x1b3: {  	v8 =	vmul.f32 v8, v8;
	v63 =	vld [tilespmem:$0x1F510]  }
0x1b4: {  	v5 =	vsub.f32 v48, v49;
	v59 =	vmul.f32 v9, v9;
	v9 =	vsub.f32 v35, v36;
	v35 =	vld [tilespmem:$0xAB0]  }
0x1b5: {  	[tilespmem:$0x1FD40] =	vst v40;
	v40 =	vld [tilespmem:$0x1F550]  }
0x1b6: {  	v4 =	vadd.f32 v8, v4;
	v5 =	vmul.f32 v5, v5;
	v8 =	vadd.f32 v60, v59;
	v59 =	vld [tilespmem:$0x1F4E0]  }
0x1b7: {  	v60 =	vld [tilespmem:$0x1F4F0]  }
0x1b8: {  	v4 =	vadd.f32 v5, v4;
	v5 =	vsub.f32 v24, v27;
	v24 =	vld [tilespmem:$0x1AA0]  }
0x1b9: {  	v27 =	vld [tilespmem:$0x1F530]  }
0x1ba: {  	[tilespmem:$0x1FC70] =	vst v50;
	v50 =	vld [tilespmem:$0xAD0]  }
0x1bb: {  	[tilespmem:$0x1FC80] =	vst v54;
	v54 =	vld [tilespmem:$0x1F5D0]  }
0x1bc: {  	[tilespmem:$0x1FC90] =	vst v57;
	v57 =	vld [tilespmem:$0x1F5F0]  }
0x1bd: {  	[tilespmem:$0x1FCF0] =	vst v38;
	v38 =	vld [tilespmem:$0x1F670]  }
0x1be: {  	v6 =	vmul.f32 v6, v6;
	[tilespmem:$0x1FD00] =	vst v44;
	v44 =	vld [tilespmem:$0x1B00]  }
0x1bf: {  	v10 =	vmul.f32 v10, v10;
	[tilespmem:$0x1FD10] =	vst v47;
	v47 =	vld [tilespmem:$0xB10]  }
0x1c0: {  	v6 =	vadd.f32 v6, v8;
	v8 =	vsub.f32 v41, v43;
	v41 =	vld [tilespmem:$0x1F560]  }
0x1c1: {  	v3 =	vadd.f32 v10, v3;
	v10 =	vld [tilespmem:$0x1F890]  }
0x1c2: {  	v5 =	vmul.f32 v5, v5;
	[tilespmem:$0x1FCC0] =	vst v62;
	v62 =	vld [tilespmem:$0x1AE0]  }
0x1c3: {  	[tilespmem:$0x1FCE0] =	vst v35;
	v35 =	vld [tilespmem:$0x1AF0]  }
0x1c4: {  	v45 =	vadd.f32 v5, v4;
	v4 =	vsub.f32 v52, v53;
	v52 =	vld [tilespmem:$0x1F5B0]  }
0x1c5: {  	v53 =	vld [tilespmem:$0x1F5C0]  }
0x1c6: {  	v5 =	vsub.f32 v55, v56;
	v55 =	vld [tilespmem:$0x1F5E0]  }
0x1c7: {  	v56 =	vld [tilespmem:$0x1AD0]  }
0x1c8: {  	v11 =	vmul.f32 v11, v11;
	v49 =	vmul.f32 v8, v8;
	v8 =	vsub.f32 v63, v18;
	v63 =	vld [tilespmem:$0x1F630]  }
0x1c9: {  	v18 =	vld [tilespmem:$0x1F640]  }
0x1ca: {  	v48 =	vadd.f32 v11, v6;
	v11 =	vld [tilespmem:$0x1F8A0]  }
0x1cb: {  	v7 =	vmul.f32 v7, v7;
	v6 =	vsub.f32 v58, v59;
	v58 =	vld [tilespmem:$0x1F600]  }
0x1cc: {  	v59 =	vld [tilespmem:$0xAE0]  }
0x1cd: {  	v2 =	vadd.f32 v7, v2;
	v7 =	vsub.f32 v60, v61;
	v60 =	vld [tilespmem:$0x1F610]  }
0x1ce: {  	v61 =	vld [tilespmem:$0x1F620]  }
0x1cf: {  	[tilespmem:$0x1FCD0] =	vst v24;
	v24 =	vld [tilespmem:$0xAF0]  }
0x1d0: {  	v46 =	vmul.f32 v9, v9;
	v9 =	vsub.f32 v27, v34;
	v27 =	vld [tilespmem:$0x1F650]  }
0x1d1: {  	v34 =	vld [tilespmem:$0x1F660]  }
0x1d2: {  	[tilespmem:$0x1FF40] =	vst v2;
	v2 =	vadd.f32 v46, v45;
	v45 =	vld [tilespmem:$0x1F570]  }
0x1d3: {  	v46 =	vld [tilespmem:$0x1F580]  }
0x1d4: {  	[tilespmem:$0x1FF50] =	vst v3;
	v3 =	vadd.f32 v49, v48;
	v48 =	vld [tilespmem:$0x1F590]  }
0x1d5: {  	v5 =	vmul.f32 v5, v5;
	v49 =	vld [tilespmem:$0x1F5A0]  }
0x1d6: {  	[tilespmem:$0x1FD20] =	vst v50;
	v50 =	vld [tilespmem:$0xB20]  }
0x1d7: {  	v36 =	vadd.f32 v5, v3;
	v5 =	vsub.f32 v40, v41;
	v41 =	vld [tilespmem:$0xB00]  }
0x1d8: {  	v6 =	vmul.f32 v6, v6;
	v7 =	vmul.f32 v7, v7;
	[tilespmem:$0x1FD70] =	vst v62;
	v62 =	vld [tilespmem:$0x1F700]  }
0x1d9: {  	[tilespmem:$0x1FDB0] =	vst v35;
	v35 =	vld [tilespmem:$0x1F750]  }
0x1da: {  	[tilespmem:$0x1FCB0] =	vst v39;
	v39 =	vadd.f32 v7, v6;
	v7 =	vsub.f32 v52, v53;
	v52 =	vld [tilespmem:$0x1B10]  }
0x1db: {  	v37 =	vmul.f32 v8, v8;
	v8 =	vsub.f32 v54, v55;
	v54 =	vld [tilespmem:$0x1B20]  }
0x1dc: {  	v53 =	vld [tilespmem:$0xB50]  }
0x1dd: {  	v55 =	vld [tilespmem:$0x1F790]  }
0x1de: {  	[tilespmem:$0x1FD60] =	vst v59;
	v59 =	vld [tilespmem:$0x1F6D0]  }
0x1df: {  	v43 =	vmul.f32 v9, v9;
	v9 =	vsub.f32 v60, v61;
	v60 =	vld [tilespmem:$0x1F6E0]  }
0x1e0: {  	v4 =	vmul.f32 v4, v4;
	v61 =	vld [tilespmem:$0x1F6F0]  }
0x1e1: {  	[tilespmem:$0x1FDA0] =	vst v24;
	v24 =	vld [tilespmem:$0xB30]  }
0x1e2: {  	v2 =	vadd.f32 v4, v2;
	v4 =	vadd.f32 v43, v39;
	v39 =	vld [tilespmem:$0x1F680]  }
0x1e3: {  	v43 =	vld [tilespmem:$0x1F690]  }
0x1e4: {  	v5 =	vmul.f32 v5, v5;
	v3 =	vsub.f32 v45, v46;
	v45 =	vld [tilespmem:$0x1F6A0]  }
0x1e5: {  	v6 =	vsub.f32 v48, v49;
	v7 =	vmul.f32 v7, v7;
	v48 =	vld [tilespmem:$0x1B30]  }
0x1e6: {  	v8 =	vmul.f32 v8, v8;
	v4 =	vadd.f32 v5, v4;
	v5 =	vsub.f32 v57, v58;
	v57 =	vld [tilespmem:$0x1F6B0]  }
0x1e7: {  	v58 =	vld [tilespmem:$0x1F6C0]  }
0x1e8: {  	v7 =	vadd.f32 v8, v7;
	v8 =	vsub.f32 v27, v34;
	v27 =	vld [tilespmem:$0x1F730]  }
0x1e9: {  	v6 =	vmul.f32 v6, v6;
	v34 =	vld [tilespmem:$0x1F740]  }
0x1ea: {  	[tilespmem:$0x1FDC0] =	vst v53;
	v53 =	vld [tilespmem:$0x1B90]  }
0x1eb: {  	v9 =	vmul.f32 v9, v9;
	v4 =	vadd.f32 v6, v4;
	v6 =	vsub.f32 v63, v18;
	v63 =	vld [tilespmem:$0x1F710]  }
0x1ec: {  	[tilespmem:$0x1FF60] =	vst v2;
	v2 =	vadd.f32 v37, v36;
	v3 =	vmul.f32 v3, v3;
	v18 =	vld [tilespmem:$0x1F720]  }
0x1ed: {  	v37 =	vadd.f32 v9, v7;
	[tilespmem:$0x1FD80] =	vst v24;
	v24 =	vld [tilespmem:$0x1B60]  }
0x1ee: {  	v8 =	vmul.f32 v8, v8;
	v2 =	vadd.f32 v3, v2;
	v3 =	vsub.f32 v43, v45;
	v43 =	vld [tilespmem:$0x1B40]  }
0x1ef: {  	v5 =	vmul.f32 v5, v5;
	v45 =	vld [tilespmem:$0x1F770]  }
0x1f0: {  	v46 =	vadd.f32 v8, v37;
	v37 =	vld [tilespmem:$0xB40]  }
0x1f1: {  	v4 =	vadd.f32 v5, v4;
	v5 =	vsub.f32 v61, v62;
	v61 =	vld [tilespmem:$0x1F7D0]  }
0x1f2: {  	v62 =	vld [tilespmem:$0x1F7E0]  }
0x1f3: {  	v7 =	vsub.f32 v38, v39;
	v36 =	vmul.f32 v6, v6;
	v6 =	vsub.f32 v57, v58;
	v57 =	vld [tilespmem:$0x1B50]  }
0x1f4: {  	v58 =	vld [tilespmem:$0x1F7B0]  }
0x1f5: {  	[tilespmem:$0x1FD30] =	vst v56;
	v56 =	vmul.f32 v7, v7;
	v7 =	vsub.f32 v59, v60;
	v59 =	vld [tilespmem:$0x1F7C0]  }
0x1f6: {  	v60 =	vld [tilespmem:$0xB60]  }
0x1f7: {  	v9 =	vsub.f32 v27, v34;
	v27 =	vld [tilespmem:$0x1F810]  }
0x1f8: {  	v34 =	vld [tilespmem:$0x1F820]  }
0x1f9: {  	v40 =	vadd.f32 v36, v4;
	v36 =	vld [tilespmem:$0x1F760]  }
0x1fa: {  	v4 =	vadd.f32 v56, v46;
	v46 =	vld [tilespmem:$0x1F780]  }
0x1fb: {  	v56 =	vld [tilespmem:$0x1F7A0]  }
0x1fc: {  	v8 =	vsub.f32 v63, v18;
	v63 =	vld [tilespmem:$0x1F7F0]  }
0x1fd: {  	[tilespmem:$0x1FF70] =	vst v2;
	v18 =	vld [tilespmem:$0x1F800]  }
0x1fe: {  	v3 =	vmul.f32 v3, v3;
	[tilespmem:$0x1FDF0] =	vst v24;
	v24 =	vld [tilespmem:$0x1F8C0]  }
0x1ff: {  	v6 =	vmul.f32 v6, v6;
	v7 =	vmul.f32 v7, v7;
	[tilespmem:$0x1FD90] =	vst v37;
	v37 =	vld [tilespmem:$0x1F840]  }
0x200: {  	v5 =	vmul.f32 v5, v5;
	[tilespmem:$0x1FDE0] =	vst v60;
	v60 =	vld [tilespmem:$0x1B80]  }
0x201: {  	v2 =	vadd.f32 v3, v40;
	v6 =	vadd.f32 v7, v6;
	[tilespmem:$0x1FDD0] =	vst v57;
	v57 =	vld [tilespmem:$0x1F960]  }
0x202: {  	v39 =	vmul.f32 v9, v9;
	v38 =	vadd.f32 v5, v4;
	v7 =	vsub.f32 v35, v36;
	v35 =	vld [tilespmem:$0xB70]  }
0x203: {  	v8 =	vmul.f32 v8, v8;
	v36 =	vld [tilespmem:$0x1F830]  }
0x204: {  	[tilespmem:$0x1FF80] =	vst v2;
	v2 =	vadd.f32 v39, v38;
	v38 =	vld [tilespmem:$0x1B70]  }
0x205: {  	v40 =	vadd.f32 v8, v6;
	v6 =	vsub.f32 v58, v59;
	v58 =	vld [tilespmem:$0xB90]  }
0x206: {  	v59 =	vld [tilespmem:$0x1F870]  }
0x207: {  	v5 =	vsub.f32 v45, v46;
	v45 =	vld [tilespmem:$0x1F860]  }
0x208: {  	v8 =	vsub.f32 v63, v18;
	v18 =	vld [tilespmem:$0x1F8B0]  }
0x209: {  	v3 =	vsub.f32 v55, v56;
	v56 =	vld [tilespmem:$0xBA0]  }
0x20a: {  	v55 =	vld [tilespmem:$0x1F950]  }
0x20b: {  	v49 =	vmul.f32 v7, v7;
	v7 =	vsub.f32 v61, v62;
	v62 =	vld [tilespmem:$0xB80]  }
0x20c: {  	v61 =	vld [tilespmem:$0x1F880]  }
0x20d: {  	v4 =	vadd.f32 v49, v40;
	v40 =	vld [tilespmem:$0x1F850]  }
0x20e: {  	[tilespmem:$0x1FE00] =	vst v35;
	v35 =	vld [tilespmem:$0x1F8F0]  }
0x20f: {  	v9 =	vsub.f32 v36, v37;
	v36 =	vld [tilespmem:$0x1F900]  }
0x210: {  	v37 =	vld [tilespmem:$0x1F910]  }
0x211: {  	v5 =	vmul.f32 v5, v5;
	[tilespmem:$0x1FE10] =	vst v38;
	v38 =	vld [tilespmem:$0x1F920]  }
0x212: {  	v8 =	vmul.f32 v8, v8;
	v53 =	vsub.f32 v58, v53;
	v58 =	vld [tilespmem:$0xD80]  }
0x213: {  	v7 =	vmul.f32 v7, v7;
	v4 =	vadd.f32 v5, v4;
	v5 =	vsub.f32 v27, v34;
	v27 =	vld [tilespmem:$0x1F8D0]  }
0x214: {  	v6 =	vmul.f32 v6, v6;
	v34 =	vld [tilespmem:$0x1F8E0]  }
0x215: {  	v3 =	vmul.f32 v3, v3;
	v39 =	vadd.f32 v8, v7;
	v60 =	vsub.f32 v62, v60;
	v62 =	vld [tilespmem:$0x1FDB0]  }
0x216: {  	v46 =	vmul.f32 v9, v9;
	v4 =	vadd.f32 v6, v4;
	v6 =	vsub.f32 v10, v11;
	v11 =	vld [tilespmem:$0x1F9E0]  }
0x217: {  	v2 =	vadd.f32 v3, v2;
	v5 =	vmul.f32 v5, v5;
	v7 =	vsub.f32 v40, v45;
	v45 =	vld [tilespmem:$0x1F930]  }
0x218: {  	v49 =	vadd.f32 v46, v39;
	v46 =	vld [tilespmem:$0x1F940]  }
0x219: {  	[tilespmem:$0x1FF90] =	vst v2;
	v2 =	vadd.f32 v5, v4;
	v4 =	vsub.f32 v59, v61;
	v59 =	vld [tilespmem:$0x1BB0]  }
0x21a: {  	v61 =	vld [tilespmem:$0xBC0]  }
0x21b: {  	v8 =	vsub.f32 v35, v36;
	v36 =	vld [tilespmem:$0x1BD0]  }
0x21c: {  	v9 =	vsub.f32 v37, v38;
	v37 =	vld [tilespmem:$0x1F990]  }
0x21d: {  	v38 =	vld [tilespmem:$0x1F9A0]  }
0x21e: {  	v63 =	vmul.f32 v7, v7;
	v7 =	vsub.f32 v18, v24;
	v18 =	vld [tilespmem:$0xBD0]  }
0x21f: {  	v24 =	vld [tilespmem:$0x1F970]  }
0x220: {  	v5 =	vsub.f32 v27, v34;
	v27 =	vld [tilespmem:$0x1F980]  }
0x221: {  	v40 =	vmul.f32 v8, v8;
	v8 =	vsub.f32 v55, v57;
	v57 =	vld [tilespmem:$0x1BC0]  }
0x222: {  	v55 =	vld [tilespmem:$0x1F9D0]  }
0x223: {  	v6 =	vmul.f32 v6, v6;
	v3 =	vadd.f32 v63, v49;
	v49 =	vld [tilespmem:$0x1BA0];
	v7 =	vmul.f32 v7, v7  }
0x224: {  	v63 =	vld [tilespmem:$0xBB0]  }
0x225: {  	v39 =	vadd.f32 v7, v6;
	v7 =	vsub.f32 v45, v46;
	v45 =	vld [tilespmem:$0xBE0]  }
0x226: {  	v46 =	vld [tilespmem:$0x1BE0]  }
0x227: {  	[tilespmem:$0x1FE30] =	vst v36;
	v36 =	vld [tilespmem:$0x1BF0]  }
0x228: {  	v4 =	vmul.f32 v4, v4;
	v35 =	vmul.f32 v8, v8;
	v8 =	vsub.f32 v37, v38;
	v37 =	vld [tilespmem:$0x1FA10]  }
0x229: {  	v38 =	vld [tilespmem:$0x1FA20]  }
0x22a: {  	v5 =	vmul.f32 v5, v5;
	v3 =	vadd.f32 v4, v3;
	v4 =	vadd.f32 v40, v39;
	v39 =	vld [tilespmem:$0x1F9B0]  }
0x22b: {  	v40 =	vld [tilespmem:$0x1F9C0]  }
0x22c: {  	v3 =	vadd.f32 v5, v3;
	v5 =	vsub.f32 v24, v27;
	v27 =	vld [tilespmem:$0xBF0]  }
0x22d: {  	v34 =	vmul.f32 v7, v7;
	v6 =	vsub.f32 v55, v11;
	v55 =	vld [tilespmem:$0x1FA60]  }
0x22e: {  	v59 =	vsub.f32 v63, v59;
	v63 =	vld [tilespmem:$0x1DA0]  }
0x22f: {  	v3 =	vadd.f32 v34, v3;
	v34 =	vld [tilespmem:$0x1F9F0]  }
0x230: {  	v4 =	vadd.f32 v35, v4;
	v35 =	vld [tilespmem:$0x1FA00]  }
0x231: {  	[tilespmem:$0x1FE40] =	vst v45;
	v45 =	vld [tilespmem:$0xC00]  }
0x232: {  	v5 =	vmul.f32 v5, v5;
	[tilespmem:$0x1FE50] =	vst v46;
	v46 =	vld [tilespmem:$0x1FA50]  }
0x233: {  	[tilespmem:$0x1FE70] =	vst v36;
	v36 =	vld [tilespmem:$0xC10]  }
0x234: {  	v4 =	vadd.f32 v5, v4;
	v5 =	vsub.f32 v37, v38;
	v37 =	vld [tilespmem:$0xC20]  }
0x235: {  	v38 =	vld [tilespmem:$0x1C40]  }
0x236: {  	v10 =	vsub.f32 v39, v40;
	v39 =	vld [tilespmem:$0x1FA30]  }
0x237: {  	v40 =	vld [tilespmem:$0x1FA40]  }
0x238: {  	[tilespmem:$0x1FE60] =	vst v27;
	v27 =	vld [tilespmem:$0x1C10]  }
0x239: {  	v24 =	vmul.f32 v10, v10;
	v10 =	vsub.f32 v34, v35;
	v34 =	vsub.f32 v20, v21;
	v21 =	vld [tilespmem:$0x1FA90]  }
0x23a: {  	v5 =	vmul.f32 v5, v5;
	v20 =	vsub.f32 v15, v17;
	v15 =	vld [tilespmem:$0xC70]  }
0x23b: {  	[tilespmem:$0x1FE20] =	vst v18;
	v18 =	vmul.f32 v8, v8;
	v17 =	vld [tilespmem:$0x1FAB0]  }
0x23c: {  	v35 =	vadd.f32 v5, v4;
	v5 =	vmul.f32 v16, v16;
	v16 =	vld [tilespmem:$0x1FAA0]  }
0x23d: {  	v7 =	vadd.f32 v24, v18;
	v24 =	vld [tilespmem:$0x1C20]  }
0x23e: {  	v18 =	vmul.f32 v9, v9;
	v9 =	vmul.f32 v34, v34;
	v34 =	vld [tilespmem:$0x1C50]  }
0x23f: {  	v6 =	vmul.f32 v6, v6;
	v8 =	vsub.f32 v39, v40;
	v40 =	vld [tilespmem:$0x1C00]  }
0x240: {  	v11 =	vsub.f32 v46, v55;
	v10 =	vmul.f32 v10, v10;
	v39 =	vld [tilespmem:$0xC30]  }
0x241: {  	v27 =	vsub.f32 v36, v27;
	v36 =	vld [tilespmem:$0xDE0];
	v6 =	vadd.f32 v6, v7  }
0x242: {  	v2 =	vadd.f32 v18, v2;
	v3 =	vadd.f32 v10, v3;
	v10 =	vld [tilespmem:$0x1FA70]  }
0x243: {  	v11 =	vmul.f32 v11, v11;
	v18 =	vsub.f32 v19, v22;
	v19 =	vsub.f32 v23, v42;
	v42 =	vld [tilespmem:$0xC50]  }
0x244: {  	v23 =	vmul.f32 v20, v20;
	v20 =	vld [tilespmem:$0x1C70]  }
0x245: {  	v55 =	vadd.f32 v11, v6;
	v11 =	vld [tilespmem:$0x1FA80]  }
0x246: {  	v46 =	vmul.f32 v8, v8;
	v6 =	vmul.f32 v18, v18;
	v18 =	vld [tilespmem:$0x1FAC0]  }
0x247: {  	v7 =	vmul.f32 v19, v19;
	v19 =	vld [tilespmem:$0x1FAD0]  }
0x248: {  	[tilespmem:$0x1FFA0] =	vst v2;
	v2 =	vadd.f32 v46, v35;
	v35 =	vld [tilespmem:$0x1C30]  }
0x249: {  	v46 =	vld [tilespmem:$0xC40]  }
0x24a: {  	v37 =	vsub.f32 v37, v24;
	v24 =	vld [tilespmem:$0xDF0]  }
0x24b: {  	[tilespmem:$0x1FFB0] =	vst v3;
	v3 =	vadd.f32 v9, v55;
	v55 =	vld [tilespmem:$0x1C60]  }
0x24c: {  	v9 =	vsub.f32 v31, v21;
	v21 =	vld [tilespmem:$0x1FAE0]  }
0x24d: {  	v31 =	vadd.f32 v7, v6;
	v7 =	vsub.f32 v16, v17;
	v17 =	vld [tilespmem:$0x1FB60]  }
0x24e: {  	v40 =	vsub.f32 v45, v40;
	v45 =	vld [tilespmem:$0x1FE50]  }
0x24f: {  	[tilespmem:$0x1FEA0] =	vst v20;
	v20 =	vld [tilespmem:$0x1FB70]  }
0x250: {  	v22 =	vadd.f32 v5, v3;
	v3 =	vmul.f32 v13, v13;
	v13 =	vld [tilespmem:$0x1FB50];
	v4 =	vsub.f32 v10, v11  }
0x251: {  	v11 =	vld [tilespmem:$0xC60]  }
0x252: {  	v10 =	vmul.f32 v9, v9;
	v8 =	vsub.f32 v18, v19;
	v19 =	vld [tilespmem:$0x1C90];
	v4 =	vmul.f32 v4, v4  }
0x253: {  	v18 =	vld [tilespmem:$0x1CA0]  }
0x254: {  	v2 =	vadd.f32 v4, v2;
	v4 =	vadd.f32 v10, v31;
	v31 =	vld [tilespmem:$0xC80]  }
0x255: {  	v10 =	vld [tilespmem:$0x1FC20]  }
0x256: {  	[tilespmem:$0x1FE80] =	vst v11;
	v11 =	vld [tilespmem:$0x1FC30]  }
0x257: {  	v5 =	vmul.f32 v33, v33;
	[tilespmem:$0x1FFC0] =	vst v2;
	v2 =	vadd.f32 v23, v22;
	v22 =	vld [tilespmem:$0x1FAF0]  }
0x258: {  	v23 =	vld [tilespmem:$0x1FB00]  }
0x259: {  	v6 =	vmul.f32 v14, v14;
	v4 =	vadd.f32 v5, v4;
	v5 =	vsub.f32 v30, v21;
	v30 =	vld [tilespmem:$0x1FB20]  }
0x25a: {  	v21 =	vld [tilespmem:$0x1CB0]  }
0x25b: {  	v4 =	vadd.f32 v6, v4;
	v6 =	vsub.f32 v32, v25;
	v32 =	vld [tilespmem:$0x1FB30]  }
0x25c: {  	v25 =	vld [tilespmem:$0xCB0]  }
0x25d: {  	v2 =	vadd.f32 v3, v2;
	v3 =	vsub.f32 v26, v29;
	v26 =	vld [tilespmem:$0x1FB80]  }
0x25e: {  	v29 =	vld [tilespmem:$0x1FB90]  }
0x25f: {  	v28 =	vsub.f32 v31, v28;
	v31 =	vld [tilespmem:$0xE20]  }
0x260: {  	v5 =	vmul.f32 v5, v5;
	v33 =	vmul.f32 v6, v6;
	v6 =	vsub.f32 v17, v20;
	v20 =	vld [tilespmem:$0x1CE0]  }
0x261: {  	v9 =	vsub.f32 v22, v23;
	v23 =	vld [tilespmem:$0xC90]  }
0x262: {  	v7 =	vmul.f32 v7, v7;
	v8 =	vmul.f32 v8, v8;
	v4 =	vadd.f32 v5, v4;
	v22 =	vld [tilespmem:$0xCA0]  }
0x263: {  	v46 =	vsub.f32 v46, v38;
	v38 =	vmul.f32 v28, v28;
	v28 =	vld [tilespmem:$0x1E20]  }
0x264: {  	v7 =	vadd.f32 v8, v7;
	[tilespmem:$0x1FFD0] =	vst v2;
	v2 =	vadd.f32 v33, v4;
	v33 =	vld [tilespmem:$0x1FBB0];
	v9 =	vmul.f32 v9, v9  }
0x265: {  	v8 =	vsub.f32 v30, v32;
	v30 =	vld [tilespmem:$0x1FBA0]  }
0x266: {  	v51 =	vadd.f32 v9, v7;
	v7 =	vsub.f32 v12, v13;
	v12 =	vld [tilespmem:$0x1FBD0]  }
0x267: {  	v14 =	vmul.f32 v8, v8;
	v13 =	vld [tilespmem:$0x1FBE0]  }
0x268: {  	v8 =	vld [tilespmem:$0x1FC10]  }
0x269: {  	[tilespmem:$0x1FE90] =	vst v15;
	v15 =	vadd.f32 v14, v51;
	v16 =	vmul.f32 v7, v7;
	v51 =	vld [tilespmem:$0x1FBC0]  }
0x26a: {  	v9 =	vld [tilespmem:$0xCF0]  }
0x26b: {  	v4 =	vadd.f32 v16, v15;
	v15 =	vld [tilespmem:$0x1FBF0]  }
0x26c: {  	v7 =	vsub.f32 v26, v29;
	v14 =	vsub.f32 v12, v13;
	v12 =	vld [tilespmem:$0x1FC40]  }
0x26d: {  	v5 =	vsub.f32 v30, v33;
	v13 =	vld [tilespmem:$0x1FC50]  }
0x26e: {  	v6 =	vmul.f32 v6, v6;
	v7 =	vmul.f32 v7, v7;
	v0 =	vsub.f32 v51, v0;
	v51 =	vld [tilespmem:$0x1FC00]  }
0x26f: {  	v5 =	vmul.f32 v5, v5;
	[tilespmem:$0x1FEB0] =	vst v9;
	v9 =	vld [tilespmem:$0x1FC90]  }
0x270: {  	v6 =	vadd.f32 v7, v6;
	v17 =	vmul.f32 v14, v14;
	v14 =	vld [tilespmem:$0x1FC60];
	v0 =	vmul.f32 v0, v0  }
0x271: {  	v16 =	vadd.f32 v5, v4;
	v1 =	vsub.f32 v15, v1;
	v15 =	vld [tilespmem:$0x1FC70]  }
0x272: {  	v3 =	vmul.f32 v3, v3;
	v7 =	vsub.f32 v10, v11;
	v10 =	vld [tilespmem:$0x1FCA0];
	v0 =	vadd.f32 v0, v6  }
0x273: {  	v1 =	vmul.f32 v1, v1;
	v4 =	vsub.f32 v51, v8;
	v8 =	vadd.f32 v17, v16;
	v17 =	vld [tilespmem:$0x1FC80]  }
0x274: {  	v2 =	vadd.f32 v3, v2;
	v11 =	vld [tilespmem:$0x1FCB0]  }
0x275: {  	v0 =	vadd.f32 v1, v0;
	v1 =	vsub.f32 v12, v13;
	v12 =	vld [tilespmem:$0x1FCC0]  }
0x276: {  	[tilespmem:$0x1FFE0] =	vst v2;
	v2 =	vsub.f32 v14, v15;
	v14 =	vld [tilespmem:$0x1FCD0]  }
0x277: {  	v34 =	vsub.f32 v42, v34;
	v32 =	vld [tilespmem:$0xCC0]  }
0x278: {  	v42 =	vsub.f32 v25, v21;
	v25 =	vld [tilespmem:$0xE40];
	v3 =	vsub.f32 v17, v9  }
0x279: {  	v21 =	vld [tilespmem:$0xE90];
	v5 =	vsub.f32 v10, v11;
	v4 =	vmul.f32 v4, v4  }
0x27a: {  	v19 =	vsub.f32 v23, v19;
	v23 =	vld [tilespmem:$0x1E10];
	v17 =	vmul.f32 v2, v2;
	v3 =	vmul.f32 v3, v3  }
0x27b: {  	v1 =	vmul.f32 v1, v1;
	v6 =	vsub.f32 v12, v14;
	v14 =	vmul.f32 v5, v5;
	v5 =	vld [tilespmem:$0x1FCF0]  }
0x27c: {  	v4 =	vadd.f32 v4, v0;
	v12 =	vmul.f32 v7, v7;
	v3 =	vadd.f32 v3, v17;
	v17 =	vld [tilespmem:$0x1FCE0]  }
0x27d: {  	v18 =	vsub.f32 v22, v18;
	v22 =	vld [tilespmem:$0x1E30];
	v28 =	vsub.f32 v31, v28  }
0x27e: {  	v31 =	vld [tilespmem:$0xF20];
	v2 =	vadd.f32 v1, v4;
	v4 =	vadd.f32 v12, v8  }
0x27f: {  	v29 =	vld [tilespmem:$0x1CC0]  }
0x280: {  	[tilespmem:$0x1FFF0] =	vst v4;
	v4 =	vadd.f32 v14, v2;
	v14 =	vld [tilespmem:$0x1FD00]  }
0x281: {  	v1 =	vsub.f32 v17, v5;
	v17 =	vld [tilespmem:$0x1FD10]  }
0x282: {  	v26 =	vld [tilespmem:$0x1CD0]  }
0x283: {  	v30 =	vld [tilespmem:$0xCD0];
	v9 =	vmul.f32 v6, v6  }
0x284: {  	v33 =	vld [tilespmem:$0xCE0]  }
0x285: {  	v10 =	vld [tilespmem:$0x1D10];
	v0 =	vadd.f32 v9, v3  }
0x286: {  	v11 =	vld [tilespmem:$0xD20];
	v3 =	vsub.f32 v14, v17;
	v14 =	vsub.f32 v41, v44  }
0x287: {  	v51 =	vld [tilespmem:$0x1CF0];
	v17 =	vsub.f32 v47, v52  }
0x288: {  	v8 =	vmul.f32 v14, v14;
	v14 =	vld [tilespmem:$0x1FD40]  }
0x289: {  	v2 =	vmul.f32 v1, v1;
	v44 =	vmul.f32 v17, v17;
	v17 =	vld [tilespmem:$0x1FD50]  }
0x28a: {  	v16 =	vld [tilespmem:$0xD00]  }
0x28b: {  	v13 =	vld [tilespmem:$0xD10];
	v0 =	vadd.f32 v2, v0;
	v47 =	vsub.f32 v50, v54;
	v3 =	vmul.f32 v3, v3  }
0x28c: {  	v15 =	vld [tilespmem:$0x1D00]  }
0x28d: {  	v2 =	vadd.f32 v3, v0;
	v0 =	vmul.f32 v47, v47;
	v47 =	vld [tilespmem:$0x1FD60]  }
0x28e: {  	v54 =	vsub.f32 v14, v17;
	v17 =	vld [tilespmem:$0x1FD70]  }
0x28f: {  	v7 =	vld [tilespmem:$0x1FD30]  }
0x290: {  	v5 =	vld [tilespmem:$0x1FD20]  }
0x291: {  	v10 =	vsub.f32 v13, v10;
	v13 =	vld [tilespmem:$0xE50]  }
0x292: {  	v6 =	vld [tilespmem:$0x1D20]  }
0x293: {  	v8 =	vadd.f32 v44, v8;
	v1 =	vsub.f32 v47, v17;
	v47 =	vld [tilespmem:$0x1FD80]  }
0x294: {  	v12 =	vld [tilespmem:$0xD30]  }
0x295: {  	v7 =	vsub.f32 v5, v7;
	v0 =	vadd.f32 v0, v8;
	v8 =	vld [tilespmem:$0x1FD90]  }
0x296: {  	v9 =	vld [tilespmem:$0x1D30]  }
0x297: {  	v52 =	vld [tilespmem:$0xD40];
	v7 =	vmul.f32 v7, v7  }
0x298: {  	v41 =	vld [tilespmem:$0x1D40];
	v48 =	vsub.f32 v47, v48  }
0x299: {  	v11 =	vsub.f32 v11, v6;
	v6 =	vld [tilespmem:$0x1E60];
	v7 =	vadd.f32 v7, v2  }
0x29a: {  	v50 =	vld [tilespmem:$0xD50];
	v5 =	vsub.f32 v8, v43;
	v1 =	vmul.f32 v1, v1;
	v48 =	vmul.f32 v48, v48  }
0x29b: {  	v44 =	vld [tilespmem:$0xD60]  }
0x29c: {  	v3 =	vld [tilespmem:$0x1FDF0];
	v2 =	vadd.f32 v1, v7;
	v7 =	vmul.f32 v5, v5;
	v0 =	vadd.f32 v48, v0  }
0x29d: {  	v52 =	vsub.f32 v52, v41;
	v41 =	vld [tilespmem:$0xEC0]  }
0x29e: {  	v1 =	vadd.f32 v7, v0;
	v0 =	vld [tilespmem:$0x1FDC0]  }
0x29f: {  	v7 =	vld [tilespmem:$0x1FDD0]  }
0x2a0: {  	v14 =	vld [tilespmem:$0x1D50]  }
0x2a1: {  	v8 =	vsub.f32 v56, v49;
	v49 =	vmul.f32 v60, v60;
	v60 =	vld [tilespmem:$0x1FDA0]  }
0x2a2: {  	v43 =	vld [tilespmem:$0x1D70]  }
0x2a3: {  	v17 =	vld [tilespmem:$0xD70]  }
0x2a4: {  	v53 =	vmul.f32 v53, v53;
	v7 =	vsub.f32 v0, v7;
	v0 =	vld [tilespmem:$0x1FDE0]  }
0x2a5: {  	v56 =	vld [tilespmem:$0xD90]  }
0x2a6: {  	v49 =	vadd.f32 v53, v49;
	v8 =	vmul.f32 v8, v8;
	v53 =	vld [tilespmem:$0xDA0];
	v60 =	vsub.f32 v60, v62  }
0x2a7: {  	v61 =	vsub.f32 v61, v57;
	v62 =	vld [tilespmem:$0x1D90]  }
0x2a8: {  	v59 =	vmul.f32 v59, v59;
	v8 =	vadd.f32 v8, v49;
	v5 =	vld [tilespmem:$0x1FE10];
	v57 =	vmul.f32 v60, v60  }
0x2a9: {  	v47 =	vld [tilespmem:$0x1D60];
	v17 =	vsub.f32 v17, v43;
	v7 =	vmul.f32 v7, v7;
	v0 =	vsub.f32 v0, v3  }
0x2aa: {  	v43 =	vld [tilespmem:$0x1EE0];
	v57 =	vadd.f32 v57, v2;
	v2 =	vadd.f32 v59, v8;
	v8 =	vmul.f32 v61, v61  }
0x2ab: {  	v60 =	vld [tilespmem:$0x1DB0];
	v1 =	vadd.f32 v7, v1;
	v3 =	vmul.f32 v54, v54;
	v0 =	vmul.f32 v0, v0  }
0x2ac: {  	v2 =	vadd.f32 v8, v2;
	v8 =	vld [tilespmem:$0x1FE30]  }
0x2ad: {  	v49 =	vadd.f32 v3, v4;
	v3 =	vadd.f32 v0, v1;
	v0 =	vld [tilespmem:$0x1FE20]  }
0x2ae: {  	v59 =	vld [tilespmem:$0x1DC0]  }
0x2af: {  	v61 =	vld [tilespmem:$0x1FE00]  }
0x2b0: {  	v48 =	vld [tilespmem:$0x1D80]  }
0x2b1: {  	v54 =	vld [tilespmem:$0xDB0]  }
0x2b2: {  	v4 =	vsub.f32 v0, v8;
	v0 =	vld [tilespmem:$0x1FE40]  }
0x2b3: {  	v7 =	vld [tilespmem:$0xDC0]  }
0x2b4: {  	v1 =	vsub.f32 v61, v5;
	v61 =	vld [tilespmem:$0xDD0]  }
0x2b5: {  	v14 =	vsub.f32 v50, v14;
	v5 =	vld [tilespmem:$0x1DE0]  }
0x2b6: {  	v50 =	vsub.f32 v54, v60;
	v54 =	vld [tilespmem:$0x1FEB0];
	v1 =	vmul.f32 v1, v1;
	v4 =	vmul.f32 v4, v4  }
0x2b7: {  	v8 =	vld [tilespmem:$0x1DD0];
	v45 =	vsub.f32 v0, v45;
	v0 =	vmul.f32 v40, v40  }
0x2b8: {  	v40 =	vadd.f32 v1, v3;
	v1 =	vadd.f32 v4, v2;
	v4 =	vmul.f32 v37, v37;
	v37 =	vld [tilespmem:$0x1FE60]  }
0x2b9: {  	v3 =	vsub.f32 v39, v35;
	v39 =	vld [tilespmem:$0x1FE70]  }
0x2ba: {  	v5 =	vsub.f32 v36, v5;
	v36 =	vld [tilespmem:$0x1EF0]  }
0x2bb: {  	v27 =	vmul.f32 v27, v27;
	v35 =	vld [tilespmem:$0x1E00]  }
0x2bc: {  	v2 =	vmul.f32 v45, v45;
	v45 =	vld [tilespmem:$0x1DF0]  }
0x2bd: {  	v19 =	vmul.f32 v19, v19;
	v0 =	vadd.f32 v27, v0;
	v27 =	vld [tilespmem:$0xE00]  }
0x2be: {  	v1 =	vadd.f32 v2, v1;
	v2 =	vsub.f32 v37, v39;
	v37 =	vld [tilespmem:$0xE10]  }
0x2bf: {  	v3 =	vmul.f32 v3, v3;
	v0 =	vadd.f32 v4, v0;
	v39 =	vadd.f32 v19, v38;
	v38 =	vld [tilespmem:$0x1FE80]  }
0x2c0: {  	v4 =	vmul.f32 v46, v46;
	v46 =	vmul.f32 v18, v18;
	v19 =	vld [tilespmem:$0x1E40]  }
0x2c1: {  	v42 =	vmul.f32 v42, v42;
	v0 =	vadd.f32 v3, v0;
	v3 =	vmul.f32 v34, v34;
	v34 =	vld [tilespmem:$0xE30]  }
0x2c2: {  	v2 =	vmul.f32 v2, v2;
	v39 =	vadd.f32 v46, v39;
	v46 =	vsub.f32 v16, v15;
	v15 =	vld [tilespmem:$0x1E50]  }
0x2c3: {  	v24 =	vsub.f32 v24, v45;
	v45 =	vld [tilespmem:$0x1FF70]  }
0x2c4: {  	v18 =	vadd.f32 v2, v1;
	v2 =	vadd.f32 v42, v39;
	v39 =	vld [tilespmem:$0x1FE90]  }
0x2c5: {  	v0 =	vadd.f32 v4, v0;
	v42 =	vld [tilespmem:$0x1FEA0]  }
0x2c6: {  	v4 =	vmul.f32 v46, v46;
	v46 =	vsub.f32 v33, v20;
	v20 =	vld [tilespmem:$0x1E80]  }
0x2c7: {  	v30 =	vsub.f32 v30, v26;
	v33 =	vld [tilespmem:$0x1FF40];
	v1 =	vadd.f32 v3, v0  }
0x2c8: {  	v0 =	vsub.f32 v38, v55;
	v55 =	vsub.f32 v32, v29;
	v29 =	vmul.f32 v10, v10;
	v10 =	vld [tilespmem:$0xE60]  }
0x2c9: {  	v38 =	vmul.f32 v30, v30;
	v30 =	vld [tilespmem:$0x1E90]  }
0x2ca: {  	v19 =	vsub.f32 v25, v19;
	v25 =	vld [tilespmem:$0x1F40]  }
0x2cb: {  	v23 =	vsub.f32 v37, v23;
	v37 =	vld [tilespmem:$0x1FF50]  }
0x2cc: {  	v56 =	vsub.f32 v56, v62;
	v32 =	vmul.f32 v0, v0;
	v0 =	vld [tilespmem:$0xE70]  }
0x2cd: {  	v16 =	vadd.f32 v29, v4;
	v4 =	vld [tilespmem:$0x1E70]  }
0x2ce: {  	v29 =	vmul.f32 v56, v56;
	v56 =	vld [tilespmem:$0x1FED0]  }
0x2cf: {  	v3 =	vmul.f32 v55, v55;
	v55 =	vsub.f32 v58, v48;
	v48 =	vsub.f32 v44, v47;
	v47 =	vld [tilespmem:$0x1ED0]  }
0x2d0: {  	v11 =	vmul.f32 v11, v11;
	v58 =	vsub.f32 v53, v63;
	v53 =	vmul.f32 v50, v50;
	v50 =	vld [tilespmem:$0x1FF00]  }
0x2d1: {  	v13 =	vsub.f32 v13, v15;
	v15 =	vld [tilespmem:$0xF50]  }
0x2d2: {  	v11 =	vadd.f32 v11, v16;
	v16 =	vld [tilespmem:$0xE80]  }
0x2d3: {  	v1 =	vadd.f32 v32, v1;
	v32 =	vld [tilespmem:$0xEA0]  }
0x2d4: {  	v9 =	vsub.f32 v12, v9;
	v12 =	vsub.f32 v39, v42;
	v39 =	vld [tilespmem:$0xED0]  }
0x2d5: {  	v26 =	vmul.f32 v55, v55;
	v55 =	vld [tilespmem:$0x1FEC0]  }
0x2d6: {  	v2 =	vadd.f32 v3, v2;
	v42 =	vsub.f32 v54, v51;
	v54 =	vld [tilespmem:$0x1FF10]  }
0x2d7: {  	v6 =	vsub.f32 v10, v6;
	v10 =	vld [tilespmem:$0xF70]  }
0x2d8: {  	v9 =	vmul.f32 v9, v9;
	v2 =	vadd.f32 v38, v2;
	v38 =	vld [tilespmem:$0x1EA0]  }
0x2d9: {  	v63 =	vadd.f32 v29, v26;
	v29 =	vld [tilespmem:$0x1EB0]  }
0x2da: {  	v8 =	vsub.f32 v61, v8;
	v9 =	vadd.f32 v9, v11;
	v61 =	vmul.f32 v42, v42;
	v42 =	vld [tilespmem:$0xEF0]  }
0x2db: {  	v11 =	vmul.f32 v52, v52;
	v52 =	vmul.f32 v48, v48;
	v48 =	vsub.f32 v27, v35;
	v27 =	vld [tilespmem:$0x1F10]  }
0x2dc: {  	v22 =	vsub.f32 v34, v22;
	v3 =	vmul.f32 v46, v46;
	v46 =	vmul.f32 v58, v58;
	v35 =	vld [tilespmem:$0x1F80]  }
0x2dd: {  	v14 =	vmul.f32 v14, v14;
	v62 =	vadd.f32 v11, v9;
	v9 =	vld [tilespmem:$0xEB0]  }
0x2de: {  	v11 =	vadd.f32 v46, v63;
	v46 =	vbroadcast v56, $0xF;
	v56 =	vmul.f32 v22, v22;
	v22 =	vld [tilespmem:$0xF40]  }
0x2df: {  	v51 =	vsub.f32 v16, v20;
	v20 =	vld [tilespmem:$0x1F20]  }
0x2e0: {  	v2 =	vadd.f32 v3, v2;
	v3 =	vadd.f32 v14, v62;
	v14 =	vld [tilespmem:$0x1EC0]  }
0x2e1: {  	v58 =	vadd.f32 v53, v11;
	v11 =	vld [tilespmem:$0xEE0]  }
0x2e2: {  	v44 =	vbroadcast v55, $0xF;
	v62 =	vld [tilespmem:$0x1FEE0]  }
0x2e3: {  	v53 =	vmul.f32 v28, v28;
	v28 =	vld [tilespmem:$0x1F60]  }
0x2e4: {  	v7 =	vsub.f32 v7, v59;
	v59 =	vsel vm0, v44, v46;
	v44 =	vld [tilespmem:$0xF00]  }
0x2e5: {  	v46 =	vld [tilespmem:$0x1FEF0]  }
0x2e6: {  	v7 =	vmul.f32 v7, v7;
	v55 =	vsub.f32 v32, v38;
	v32 =	vld [tilespmem:$0xF80]  }
0x2e7: {  	v26 =	vadd.f32 v52, v3;
	v52 =	vsub.f32 v21, v30;
	v30 =	vld [tilespmem:$0x1F30]  }
0x2e8: {  	v8 =	vmul.f32 v8, v8;
	v60 =	vmul.f32 v12, v12;
	v7 =	vadd.f32 v7, v58;
	v21 =	vld [tilespmem:$0x1F50]  }
0x2e9: {  	v17 =	vmul.f32 v17, v17;
	v58 =	vmul.f32 v55, v55;
	v55 =	vld [tilespmem:$0xFB0]  }
0x2ea: {  	v3 =	vadd.f32 v60, v1;
	v7 =	vadd.f32 v8, v7;
	v8 =	vld [tilespmem:$0x1F00]  }
0x2eb: {  	v5 =	vmul.f32 v5, v5;
	v1 =	vadd.f32 v61, v2;
	v2 =	vadd.f32 v17, v26;
	v26 =	vld [tilespmem:$0xF10]  }
0x2ec: {  	v17 =	vmul.f32 v48, v48;
	v48 =	vld [tilespmem:$0x1FF80];
	v63 =	vbroadcast v62, $0xF  }
0x2ed: {  	v16 =	vmul.f32 v52, v52;
	v52 =	vld [tilespmem:$0x1FA0]  }
0x2ee: {  	v5 =	vadd.f32 v5, v7;
	v7 =	vbroadcast v50, $0xF;
	v12 =	vsel vm1, v59, v63;
	v59 =	vld [tilespmem:$0x1FF20]  }
0x2ef: {  	v14 =	vsub.f32 v41, v14;
	v62 =	vsub.f32 v39, v47;
	v41 =	vld [tilespmem:$0xF90]  }
0x2f0: {  	v39 =	vsub.f32 v42, v36;
	v42 =	vld [tilespmem:$0x1FF60];
	v7 =	vsel vm2, v12, v7;
	v12 =	vmul.f32 v51, v51  }
0x2f1: {  	v34 =	vmul.f32 v24, v24;
	v23 =	vmul.f32 v23, v23;
	v11 =	vsub.f32 v11, v43;
	v43 =	vld [tilespmem:$0x1F90];
	(xrf2) =	vadd.scan.msk.f32 $0xffff, v46  }
0x2f2: {  	v19 =	vmul.f32 v19, v19;
	v9 =	vsub.f32 v9, v29;
	(xrf2) =	vadd.scan.msk.f32 $0xffff, v54;
	v63 =	vld [tilespmem:$0x1FF30];
	v12 =	vadd.f32 v16, v12  }
0x2f3: {  	v13 =	vmul.f32 v13, v13;
	v6 =	vmul.f32 v6, v6;
	v47 =	vld [tilespmem:$0xFA0];
	v17 =	vadd.f32 v23, v17;
	(xrf2) =	vadd.scan.msk.f32 $0xffff, v59  }
0x2f4: {  	v0 =	vsub.f32 v0, v4;
	v9 =	vmul.f32 v9, v9;
	v36 =	vld [tilespmem:$0x1FFD0];
	v12 =	vadd.f32 v58, v12  }
0x2f5: {  	v23 =	vld [tilespmem:$0xF30];
	v4 =	vsub.f32 v32, v35;
	v61 =	vmul.f32 v14, v14;
	v17 =	vadd.f32 v53, v17  }
0x2f6: {  	v46 =	vmul.f32 v39, v39;
	v39 =	vld [tilespmem:$0x1FFE0];
	v5 =	vadd.f32 v34, v5;
	v9 =	vadd.f32 v9, v12  }
0x2f7: {  	v0 =	vmul.f32 v0, v0;
	v53 =	vld [tilespmem:$0x1FF90];
	v8 =	vsub.f32 v44, v8;
	v17 =	vadd.f32 v56, v17;
	(xrf2) =	vadd.scan.msk.f32 $0xffff, v63  }
0x2f8: {  	v29 =	vmul.f32 v62, v62;
	v34 =	vld [tilespmem:$0x1FC0];
	v51 =	vsub.f32 v26, v27;
	(xrf2) =	vadd.scan.msk.f32 $0xffff, v33;
	v9 =	vadd.f32 v61, v9  }
0x2f9: {  	v11 =	vmul.f32 v11, v11;
	v56 =	vld [tilespmem:$0x1FFA0];
	v8 =	vmul.f32 v8, v8;
	v17 =	vadd.f32 v19, v17;
	(xrf2) =	vadd.scan.msk.f32 $0xffff, v37  }
0x2fa: {  	v58 =	vmul.f32 v51, v51;
	v59 =	vsub.f32 v31, v20;
	(xrf2) =	vadd.scan.msk.f32 $0xffff, v42;
	v61 =	vld [tilespmem:$0x1FFB0];
	v9 =	vadd.f32 v29, v9  }
0x2fb: {  	v4 =	vmul.f32 v4, v4;
	v62 =	vsub.f32 v41, v43;
	v31 =	vld [tilespmem:$0x1FFC0];
	v13 =	vadd.f32 v13, v17;
	v60, _, _ =	vpop (xrf2);
	(xrf2) =	vadd.scan.msk.f32 $0xffff, v45  }
0x2fc: {  	v43 =	vld [tilespmem:$0x1FD0];
	v8 =	vadd.f32 v58, v8;
	v32 =	vmul.f32 v59, v59;
	v38, _, _ =	vpop (xrf2);
	(xrf2) =	vadd.scan.msk.f32 $0xffff, v48;
	v9 =	vadd.f32 v11, v9  }
0x2fd: {  	v33 =	vsub.f32 v23, v30;
	v6 =	vadd.f32 v6, v13;
	v16 =	vbroadcast v60, $0xF;
	v60 =	vld [tilespmem:$0x1FB0];
	v50, _, _ =	vpop (xrf2);
	(xrf2) =	vadd.scan.msk.f32 $0xffff, v53  }
0x2fe: {  	v8 =	vadd.f32 v32, v8;
	v12 =	vbroadcast v38, $0xF;
	v9 =	vadd.f32 v46, v9;
	v46 =	vld [tilespmem:$0x1FFF0];
	(xrf2) =	vadd.scan.msk.f32 $0xffff, v56  }
0x2ff: {  	v19 =	vld [tilespmem:$0xF60];
	v41 =	vmul.f32 v33, v33;
	v7 =	vsel vm3, v7, v16;
	v54 =	vbroadcast v50, $0xF;
	(xrf2) =	vadd.scan.msk.f32 $0xffff, v61  }
0x300: {  	v63 =	vld [tilespmem:$0xFC0];
	v42 =	vsub.f32 v22, v25;
	v0 =	vadd.f32 v0, v6;
	v7 =	vsel vm4, v7, v12;
	(xrf2) =	vadd.scan.msk.f32 $0xffff, v31  }
0x301: {  	v37 =	vld [tilespmem:$0xFD0];
	v16 =	vsub.f32 v47, v52;
	v35, _, _ =	vpop (xrf2);
	v6 =	vsel vm5, v7, v54;
	v7 =	vmul.f32 v62, v62;
	(xrf2) =	vadd.scan.msk.f32 $0xffff, v36  }
0x302: {  	v15 =	vsub.f32 v15, v21;
	v45 =	vld [tilespmem:$0x1F70];
	v8 =	vadd.f32 v41, v8;
	v14 =	vmul.f32 v42, v42;
	v38, _, _ =	vpop (xrf2);
	(xrf2) =	vadd.scan.msk.f32 $0xffff, v39  }
0x303: {  	v51 =	vld [tilespmem:$0x1FE0];
	v16 =	vmul.f32 v16, v16;
	v11 =	vsub.f32 v55, v60;
	v44, _, _ =	vpop (xrf2);
	v4 =	vadd.f32 v7, v4;
	(xrf2) =	vadd.scan.msk.f32 $0xffff, v46  }
0x304: {  	v15 =	vmul.f32 v15, v15;
	v19 =	vsub.f32 v19, v28;
	v48 =	vld [tilespmem:$0xFE0];
	v8 =	vadd.f32 v14, v8;
	v47, _, _ =	vpop (xrf2);
	(xrf2) =	vadd.scan.msk.f32 $0xffff, v49  }
0x305: {  	v13 =	vsub.f32 v63, v34;
	v53 =	vld [tilespmem:$0xFF0];
	v11 =	vmul.f32 v11, v11;
	v50, _, _ =	vpop (xrf2);
	v4 =	vadd.f32 v16, v4;
	(xrf2) =	vadd.scan.msk.f32 $0xffff, v57  }
0x306: {  	v19 =	vmul.f32 v19, v19;
	v22 =	vsub.f32 v37, v43;
	v55 =	vld [tilespmem:$0x1FF0];
	v8 =	vadd.f32 v15, v8;
	v52, _, _ =	vpop (xrf2);
	(xrf2) =	vadd.scan.msk.f32 $0xffff, v40  }
0x307: {  	v13 =	vmul.f32 v13, v13;
	v58 =	vsub.f32 v10, v45;
	v4 =	vadd.f32 v11, v4;
	v54, _, _ =	vpop (xrf2);
	(xrf2) =	vadd.scan.msk.f32 $0xffff, v18  }
0x308: {  	v60 =	vmul.f32 v22, v22;
	v56 =	vbroadcast v35, $0xF;
	v61 =	vadd.f32 v19, v8;
	v57, _, _ =	vpop (xrf2);
	(xrf2) =	vadd.scan.msk.f32 $0xffff, v3  }
0x309: {  	v62 =	vsub.f32 v48, v51;
	v27 =	vbroadcast v38, $0xF;
	v4 =	vadd.f32 v13, v4;
	v59, _, _ =	vpop (xrf2);
	(xrf2) =	vadd.scan.msk.f32 $0xffff, v1  }
0x30a: {  	v6 =	vsel vm6, v6, v56;
	v34 =	vbroadcast v44, $0xF;
	v3 =	vmul.f32 v58, v58;
	v63, _, _ =	vpop (xrf2);
	(xrf2) =	vadd.scan.msk.f32 $0xffff, v2  }
0x30b: {  	v23 =	vsub.f32 v53, v55;
	v8 =	vmul.f32 v62, v62;
	v4 =	vadd.f32 v60, v4;
	v21, _, _ =	vpop (xrf2);
	(xrf2) =	vadd.scan.msk.f32 $0xffff, v5  }
0x30c: {  	v25 =	vadd.f32 v3, v61;
	v20 =	vbroadcast v63, $0xF;
	v22 =	vbroadcast v21, $0xF;
	v24, _, _ =	vpop (xrf2);
	(xrf2) =	vadd.scan.msk.f32 $0xffff, v0  }
0x30d: {  	v30 =	vmul.f32 v23, v23;
	v4 =	vadd.f32 v8, v4;
	v28 =	vbroadcast v24, $0xF;
	v29, _, _ =	vpop (xrf2);
	(xrf2) =	vadd.scan.msk.f32 $0xffff, v9  }
0x30e: {  	v36 =	vbroadcast v47, $0xF;
	v2 =	vsel vm0, v20, v22;
	v31 =	vbroadcast v29, $0xF;
	v32, _, _ =	vpop (xrf2);
	(xrf2) =	vadd.scan.msk.f32 $0xffff, v25  }
0x30f: {  	v4 =	vadd.f32 v30, v4;
	v2 =	vsel vm1, v2, v28;
	v33, _, _ =	vpop (xrf2);
	v5 =	vbroadcast v32, $0xF  }
0x310: {  	v42 =	vbroadcast v50, $0xF;
	v35, _, _ =	vpop (xrf2);
	v2 =	vsel vm2, v2, v31;
	v0 =	vbroadcast v33, $0xF  }
0x311: {  	v44 =	vbroadcast v52, $0xF;
	v2 =	vsel vm3, v2, v5;
	v37 =	vbroadcast v35, $0xF;
	v38, _, _ =	vpop (xrf2);
	(xrf2) =	vadd.scan.msk.f32 $0xffff, v4  }
0x312: {  	v51 =	vbroadcast v54, $0xF;
	v39, _, _ =	vpop (xrf2);
	v0 =	vsel vm4, v2, v0;
	v40 =	vbroadcast v38, $0xF  }
0x313: {  	v1 =	vsel vm7, v6, v27;
	v41, _, _ =	vpop (xrf2);
	v0 =	vsel vm5, v0, v37;
	v4 =	vbroadcast v39, $0xF  }
0x314: {  	v54 =	vbroadcast v57, $0xF;
	v43, _, _ =	vpop (xrf2);
	v0 =	vsel vm6, v0, v40;
	v45 =	vbroadcast v41, $0xF  }
0x315: {  	v1 =	vsel vm8, v1, v34;
	v46, _, _ =	vpop (xrf2);
	v0 =	vsel vm7, v0, v4;
	v47 =	vbroadcast v43, $0xF  }
0x316: {  	v1 =	vsel vm9, v1, v36;
	v48, _, _ =	vpop (xrf2);
	v0 =	vsel vm8, v0, v45;
	v49 =	vbroadcast v46, $0xF  }
0x317: {  	v1 =	vsel vm10, v1, v42;
	v50, _, _ =	vpop (xrf2);
	v0 =	vsel vm9, v0, v47;
	v52 =	vbroadcast v48, $0xF  }
0x318: {  	v1 =	vsel vm11, v1, v44;
	v53, _, _ =	vpop (xrf2);
	v0 =	vsel vm10, v0, v49;
	v3 =	vbroadcast v50, $0xF  }
0x319: {  	v1 =	vsel vm12, v1, v51;
	v0 =	vsel vm11, v0, v52;
	v55 =	vbroadcast v53, $0xF  }
0x31a: {  	v1 =	vsel vm13, v1, v54;
	v0 =	vsel vm12, v0, v3  }
0x31b: {  	v1 =	vsel vm14, v1, v59;
	v0 =	vsel vm13, v0, v55;
	v56, _, _ =	vpop (xrf2)  }
0x31c: {  	v57 =	vshra.s32 v1, $0x1;
	v58 =	vmul.f32 $5.000000000e-01, v1;
	v0 =	vsel vm14, v0, v56  }
0x31d: {  	v2 =	vsub.s32 $0x5F3759DF, v57;
	v59 =	vshra.s32 v0, $0x1;
	v60 =	vmul.f32 $5.000000000e-01, v0  }
0x31e: {  	v61 =	vmul.f32 v2, v58;
	v4 =	vsub.s32 $0x5F3759DF, v59  }
0x31f: {  	v62 =	vmul.f32 v4, v60  }
0x320: {  	v6 =	vmul.f32 v2, v61  }
0x321: {  	v7 =	vmul.f32 v4, v62  }
0x322: {  	v6 =	vsub.f32 $1.500000000e+00, v6  }
0x323: {  	v7 =	vsub.f32 $1.500000000e+00, v7  }
0x324: {  	v2 =	vmul.f32 v2, v6  }
0x325: {  	v4 =	vmul.f32 v4, v7  }
0x326: {  	v6 =	vmul.f32 v2, v58  }
0x327: {  	v7 =	vmul.f32 v4, v60  }
0x328: {  	v6 =	vmul.f32 v6, v2  }
0x329: {  	v7 =	vmul.f32 v7, v4  }
0x32a: {  	v6 =	vsub.f32 $1.500000000e+00, v6  }
0x32b: {  	v7 =	vsub.f32 $1.500000000e+00, v7  }
0x32c: {  	v2 =	vmul.f32 v6, v2  }
0x32d: {  	v4 =	vmul.f32 v7, v4  }
0x32e: {  	v6 =	vmul.f32 v2, v58  }
0x32f: {  	v7 =	vmul.f32 v4, v60  }
0x330: {  	v6 =	vmul.f32 v6, v2  }
0x331: {  	v7 =	vmul.f32 v7, v4  }
0x332: {  	v6 =	vsub.f32 $1.500000000e+00, v6  }
0x333: {  	v7 =	vsub.f32 $1.500000000e+00, v7  }
0x334: {  	v2 =	vmul.f32 v6, v2  }
0x335: {  	v4 =	vmul.f32 v7, v4  }
0x336: {  	v3 =	vmul.f32 v2, v58  }
0x337: {  	v5 =	vmul.f32 v4, v60  }
0x338: {  	v3 =	vmul.f32 v3, v2  }
0x339: {  	v5 =	vmul.f32 v5, v4  }
0x33a: {  	v3 =	vsub.f32 $1.500000000e+00, v3  }
0x33b: {  	v5 =	vsub.f32 $1.500000000e+00, v5  }
0x33c: {  	v2 =	vmul.f32 v3, v2  }
0x33d: {  	v63 =	vmul.f32 v5, v4  }
0x33e: {  	v1 =	vmul.f32 v2, v1  }
0x33f: {  	v0 =	vmul.f32 v63, v0  }
0x340: {  	p0 =	sne.s32 s6, $0x1;
	[tilespmem:$0x2000] =	vst v1  }
.Ltmp0:
0x341: {  	[tilespmem:$0x2010] =	vst v0;
	(pc) =	sbr.rel @p0 .LBB2_1-.Ltmp0, $4  }
0x342: {  	[hbm4b:s5+s2] =	stream.linear.scatter [tilespmem:s9], [sflag:$0x1], $0x80, $0x38;
	[tilespmem:$0x2080] =	vst v63  }
0x343: {  	_ =	swait.ge [sflag:s8], $0x80  }
0x344: {  	[sflag:s8] =	ssyncset.done $0x0  }
0x345: {  	s6 =	sadd.s32 $0xFFFFFFFF, s6;
	[sflag:s8] =	ssyncadd.s32 $0xFFFFFF80  }
0x346: {  	_ =	sfence.sel $0x180000  }
0x347: {  	[bflag:$0x0] =	sbarrier.arrive $0xFFFF  }
0x348: {  	p0 =	sne.s32 s1, $0x0;
	_ =	strace $0x90000047  }
0x349: {  	s0 =	sadd.s32 @!p0 $0x100000, s0;
	[bflag:$0x2] =	sbarrier.arrive $0xFFFF  }
0x34a: {  	[sflag:s0] =	ssyncadd.tile.s32 @!p0 $0x1;
	_ =	shalt  }
.Lfunc_end2:
_tile_overlayer_lowered:
.L_overlay_start_2:
0x34b: {  	(tag) =	ssettag $0x2  }
0x34c: {  	s0 =	rddreg [dreg:$0x0];
	s2 =	stileid.u32  }
0x34d: {  	s1 =	rddreg [dreg:$0x1];
	p0 =	sne.s32 s2, $0x0  }
0x34e: {  	s3 =	rddreg [dreg:$0x2];
	[bflag:$0x3] =	sbarrier.arrive $0xFFFF;
	s2 =	simm.s32 @!p0 $0x1C02  }
0x34f: {  	[timem:s3], [sflag:s2] =	dma.local @!p0 [hbm:s0], s1  }
0x350: {  	s0 =	simm.s32 @!p0 $0x2  }
0x351: {  	_ =	swait.ge @!p0 [sflag:s0], s1  }
0x352: {  	s1 =	ssub.s32 @!p0 $0x0, s1;
	[sflag:s0] =	ssyncset.done @!p0 $0x0  }
0x353: {  	[sflag:s0] =	ssyncadd.s32 @!p0 s1  }
0x354: {  	[bflag:$0x3] =	sbarrier.arrive $0xFFFF  }
0x355: {  	_ =	shalt  }

</sc_bundles>
